<compile_context>
chip_gen: v7x
topology: tpu7x:2x2x1
jax: 0.10.2.dev20260603
libtpu: 0.0.44.dev20260713+nightly
codegen_flags: <defaults>
</compile_context>

<pallas_src>
import functools
import math

import jax
import jax.numpy as jnp
from jax import lax
from jax.experimental import pallas as pl
from jax.experimental.pallas import tpu as pltpu
from jax.experimental.pallas import tpu_sc as plsc

D_MODEL = 64
SCALE = math.sqrt(D_MODEL)

NC = 2
NS = 16
NW = NC * NS

XROWS = 4096
XCOLS = 200
ROWS_W = XROWS // NW
CH = (128, 72)
CHOFF = (0, 128)
NCHUNK = ROWS_W * 2
GRP = 4
NGRP = NCHUNK // GRP
NPAIR = NGRP // 2

_mesh = plsc.VectorSubcoreMesh(core_axis_name="c", subcore_axis_name="s")


@functools.partial(
    pl.kernel,
    mesh=_mesh,
    compiler_params=pltpu.CompilerParams(use_tc_tiling_on_sc=False),
    out_type=jax.ShapeDtypeStruct((XROWS, XCOLS, D_MODEL), jnp.float32),
    scratch_types=[
        pltpu.VMEM((ROWS_W, XCOLS), jnp.int32),
        pltpu.VMEM((2, GRP, 128, D_MODEL), jnp.float32),
        pltpu.SemaphoreType.DMA,
        pltpu.SemaphoreType.DMA,
        pltpu.SemaphoreType.DMA,
        pltpu.SemaphoreType.DMA,
    ],
)
def _emb_lookup(idx_hbm, table_hbm, out_hbm, idx_v, rows_v,
                sem_g0, sem_g1, sem_s0, sem_s1):
    w = lax.axis_index("s") * NC + lax.axis_index("c")
    row0_w = w * ROWS_W
    pltpu.sync_copy(idx_hbm.at[pl.ds(row0_w, ROWS_W)], idx_v)

    sems_g = (sem_g0, sem_g1)
    sems_s = (sem_s0, sem_s1)

    def gather_desc(g, p, i):
        rl = g * 2 + i // 2
        n, h = CH[i % 2], CHOFF[i % 2]
        return pltpu.make_async_copy(
            table_hbm.at[idx_v.at[rl, pl.ds(h, n)]],
            rows_v.at[p, i, pl.ds(0, n)], sems_g[p])

    def scatter_desc(g, p, i):
        rl = g * 2 + i // 2
        n, h = CH[i % 2], CHOFF[i % 2]
        return pltpu.make_async_copy(
            rows_v.at[p, i, pl.ds(0, n)],
            out_hbm.at[row0_w + rl, pl.ds(h, n)], sems_s[p])

    for i in range(GRP):
        gather_desc(0, 0, i).start()

    def process(g, p, guard_prev, guard_next):
        def drain_prev():
            for i in range(GRP):
                scatter_desc(g - 1, 1 - p, i).wait()

        if guard_prev:
            pl.when(g >= 1)(drain_prev)
        else:
            drain_prev()

        def fire_next():
            for i in range(GRP):
                gather_desc(g + 1, 1 - p, i).start()

        if guard_next:
            pl.when(g <= NGRP - 2)(fire_next)
        else:
            fire_next()

        for i in range(GRP):
            gather_desc(g, p, i).wait()
        for i in range(GRP):
            def row_body(r, c2):
                for q in range(D_MODEL // 16):
                    sl = pl.ds(q * 16, 16)
                    rows_v[p, i, r, sl] = rows_v[p, i, r, sl] * SCALE
                return c2

            lax.fori_loop(0, CH[i % 2], row_body, 0, unroll=4)
            scatter_desc(g, p, i).start()

    def pair_body(gp, carry):
        process(gp * 2, 0, guard_prev=True, guard_next=False)
        process(gp * 2 + 1, 1, guard_prev=False, guard_next=True)
        return carry

    lax.fori_loop(0, NPAIR, pair_body, 0)

    for i in range(GRP):
        scatter_desc(NGRP - 1, 1, i).wait()


def kernel(x, table):
    return _emb_lookup(x.astype(jnp.int32), table)

# --- scband reference (transcript-rebuilt; emitter-appended) ---
"""Pipeline reference for scband-token-embeddings-19267223290369 (READ-ONLY COPY).

The authoritative reference and input builder live on the scoring server;
editing this copy changes nothing except your own understanding.
"""

import jax, jax.numpy as jnp
import numpy as np
import math

D_MODEL = 64
VOCAB_SIZE = 1000000

def setup_inputs(seed: int = 0) -> dict:
    key = jax.random.key(seed)
    k1, k2 = jax.random.split(key)
    x = jax.random.randint(k1, (4096, 200), 0, VOCAB_SIZE, dtype=jnp.int64 if jax.config.jax_enable_x64 else jnp.int32)
    table = jax.random.normal(k2, (VOCAB_SIZE, D_MODEL), dtype=jnp.float32)
    return {"x": x, "table": table}

def reference(x, table):
    # nn.Embedding lookup followed by scaling by sqrt(d_model)
    emb = jnp.take(table, x, axis=0)
    return emb * math.sqrt(D_MODEL)

if __name__ == "__main__":
    import jax
    _d = setup_inputs()
    print(jax.jit(kernel)(*tuple(_d.values())))

</pallas_src>

<mosaic_0001>
#map = affine_map<(d0, d1) -> (0, 0)>
#map1 = affine_map<(d0, d1) -> (0, 0, 0)>
module attributes {stable_mosaic.version = 14 : i64} {
  func.func @_emb_lookup(%arg0: i32, %arg1: i32, %arg2: memref<4096x200xi32, #tpu.memory_space<hbm>>, %arg3: memref<1000000x64xf32, #tpu.memory_space<hbm>>, %arg4: memref<4096x200x64xf32, #tpu.memory_space<hbm>>, %arg5: memref<128x200xi32, #tpu.memory_space<vmem>>, %arg6: memref<2x4x128x64xf32, #tpu.memory_space<vmem>>, %arg7: memref<!tpu.dma_semaphore, #tpu.memory_space<semaphore_mem>>, %arg8: memref<!tpu.dma_semaphore, #tpu.memory_space<semaphore_mem>>, %arg9: memref<!tpu.dma_semaphore, #tpu.memory_space<semaphore_mem>>, %arg10: memref<!tpu.dma_semaphore, #tpu.memory_space<semaphore_mem>>) attributes {dimension_semantics = [#tpu.dimension_semantics<core_parallel>, #tpu.dimension_semantics<subcore_parallel>], iteration_bounds = array<i64: 2, 16>, scalar_prefetch = 0 : i64, scratch_operands = 6 : i64, tpu.core_type = #tpu.core_type<sc_vector_subcore>, window_params = [{transform_indices = #map}, {transform_indices = #map}, {transform_indices = #map1}]} {
    %mul3A = arith.constant 2 : i32
    %mul3A_0 = arith.muli %arg1, %mul3A : i32
    %add3A = arith.addi %mul3A_0, %arg0 : i32
    %mul3A_1 = arith.constant 128 : i32
    %mul3A_2 = arith.muli %add3A, %mul3A_1 : i32
    "tpu.region"() ({
      %run_scoped3A = tpu.sem_alloc : memref<!tpu.dma_semaphore, #tpu.memory_space<semaphore_mem>>
      %dma_start3A_138 = arith.constant 0 : i32
      %dma_start3A_139 = tpu.memref_slice %arg2[%mul3A_2, %dma_start3A_138] : memref<4096x200xi32, #tpu.memory_space<hbm>> -> memref<128x200xi32, #tpu.memory_space<hbm>>
      %dma_start3A_140 = arith.constant 0 : i32
      %dma_start3A_141 = tpu.memref_slice %arg2[%mul3A_2, %dma_start3A_140] : memref<4096x200xi32, #tpu.memory_space<hbm>> -> memref<128x200xi32, #tpu.memory_space<hbm>>
      tpu.enqueue_dma source(%dma_start3A_141 : memref<128x200xi32, #tpu.memory_space<hbm>>) target(%arg5 : memref<128x200xi32, #tpu.memory_space<vmem>>) target_semaphore(%run_scoped3A : memref<!tpu.dma_semaphore, #tpu.memory_space<semaphore_mem>>)
      %dma_wait3A_142 = arith.constant 0 : i32
      %dma_wait3A_143 = tpu.memref_slice %arg2[%mul3A_2, %dma_wait3A_142] : memref<4096x200xi32, #tpu.memory_space<hbm>> -> memref<128x200xi32, #tpu.memory_space<hbm>>
      %dma_wait3A_144 = arith.constant 0 : i32
      %dma_wait3A_145 = tpu.memref_slice %arg2[%mul3A_2, %dma_wait3A_144] : memref<4096x200xi32, #tpu.memory_space<hbm>> -> memref<128x200xi32, #tpu.memory_space<hbm>>
      tpu.wait_dma2 semaphore(%run_scoped3A : memref<!tpu.dma_semaphore, #tpu.memory_space<semaphore_mem>>) src(%dma_wait3A_145 : memref<128x200xi32, #tpu.memory_space<hbm>>) dst(%arg5 : memref<128x200xi32, #tpu.memory_space<vmem>>)
      tpu.yield
    }) : () -> ()
    %dma_start3A = arith.constant 0 : i32
    %dma_start3A_3 = arith.constant 0 : i32
    %dma_start3A_4 = arith.constant 0 : i32
    %dma_start3A_5 = arith.constant 0 : i32
    %dma_start3A_6 = arith.constant 0 : i32
    %dma_start3A_7 = tpu.memref_slice %arg6[%dma_start3A_3, %dma_start3A_4, %dma_start3A_5, %dma_start3A_6] : memref<2x4x128x64xf32, #tpu.memory_space<vmem>> -> memref<1x1x128x64xf32, #tpu.memory_space<vmem>>
    %dma_start3A_8 = tpu.memref_squeeze %dma_start3A_7 : memref<1x1x128x64xf32, #tpu.memory_space<vmem>> -> memref<128x64xf32, #tpu.memory_space<vmem>>
    %dma_start3A_9 = arith.constant 0 : i32
    %dma_start3A_10 = tpu.memref_slice %arg5[%dma_start3A, %dma_start3A_9] : memref<128x200xi32, #tpu.memory_space<vmem>> -> memref<1x128xi32, #tpu.memory_space<vmem>>
    %dma_start3A_11 = tpu.memref_squeeze %dma_start3A_10 : memref<1x128xi32, #tpu.memory_space<vmem>> -> memref<128xi32, #tpu.memory_space<vmem>>
    %dma_start3A_12 = arith.constant 0 : i32
    %dma_start3A_13 = arith.constant 0 : i32
    %dma_start3A_14 = tpu.memref_slice %arg3[%dma_start3A_12, %dma_start3A_13] : memref<1000000x64xf32, #tpu.memory_space<hbm>> -> memref<1000000x64xf32, #tpu.memory_space<hbm>>
    tpu.enqueue_indirect_dma source(%dma_start3A_14 : memref<1000000x64xf32, #tpu.memory_space<hbm>>) target(%dma_start3A_8 : memref<128x64xf32, #tpu.memory_space<vmem>>) offsets(%dma_start3A_11 : memref<128xi32, #tpu.memory_space<vmem>>) semaphore(%arg7 : memref<!tpu.dma_semaphore, #tpu.memory_space<semaphore_mem>>)
    %dma_start3A_15 = arith.constant 0 : i32
    %dma_start3A_16 = arith.constant 0 : i32
    %dma_start3A_17 = arith.constant 1 : i32
    %dma_start3A_18 = arith.constant 0 : i32
    %dma_start3A_19 = arith.constant 0 : i32
    %dma_start3A_20 = tpu.memref_slice %arg6[%dma_start3A_16, %dma_start3A_17, %dma_start3A_18, %dma_start3A_19] : memref<2x4x128x64xf32, #tpu.memory_space<vmem>> -> memref<1x1x72x64xf32, #tpu.memory_space<vmem>>
    %dma_start3A_21 = tpu.memref_squeeze %dma_start3A_20 : memref<1x1x72x64xf32, #tpu.memory_space<vmem>> -> memref<72x64xf32, #tpu.memory_space<vmem>>
    %dma_start3A_22 = arith.constant 128 : i32
    %dma_start3A_23 = tpu.memref_slice %arg5[%dma_start3A_15, %dma_start3A_22] : memref<128x200xi32, #tpu.memory_space<vmem>> -> memref<1x72xi32, #tpu.memory_space<vmem>>
    %dma_start3A_24 = tpu.memref_squeeze %dma_start3A_23 : memref<1x72xi32, #tpu.memory_space<vmem>> -> memref<72xi32, #tpu.memory_space<vmem>>
    %dma_start3A_25 = arith.constant 0 : i32
    %dma_start3A_26 = arith.constant 0 : i32
    %dma_start3A_27 = tpu.memref_slice %arg3[%dma_start3A_25, %dma_start3A_26] : memref<1000000x64xf32, #tpu.memory_space<hbm>> -> memref<1000000x64xf32, #tpu.memory_space<hbm>>
    tpu.enqueue_indirect_dma source(%dma_start3A_27 : memref<1000000x64xf32, #tpu.memory_space<hbm>>) target(%dma_start3A_21 : memref<72x64xf32, #tpu.memory_space<vmem>>) offsets(%dma_start3A_24 : memref<72xi32, #tpu.memory_space<vmem>>) semaphore(%arg7 : memref<!tpu.dma_semaphore, #tpu.memory_space<semaphore_mem>>)
    %dma_start3A_28 = arith.constant 1 : i32
    %dma_start3A_29 = arith.constant 0 : i32
    %dma_start3A_30 = arith.constant 2 : i32
    %dma_start3A_31 = arith.constant 0 : i32
    %dma_start3A_32 = arith.constant 0 : i32
    %dma_start3A_33 = tpu.memref_slice %arg6[%dma_start3A_29, %dma_start3A_30, %dma_start3A_31, %dma_start3A_32] : memref<2x4x128x64xf32, #tpu.memory_space<vmem>> -> memref<1x1x128x64xf32, #tpu.memory_space<vmem>>
    %dma_start3A_34 = tpu.memref_squeeze %dma_start3A_33 : memref<1x1x128x64xf32, #tpu.memory_space<vmem>> -> memref<128x64xf32, #tpu.memory_space<vmem>>
    %dma_start3A_35 = arith.constant 0 : i32
    %dma_start3A_36 = tpu.memref_slice %arg5[%dma_start3A_28, %dma_start3A_35] : memref<128x200xi32, #tpu.memory_space<vmem>> -> memref<1x128xi32, #tpu.memory_space<vmem>>
    %dma_start3A_37 = tpu.memref_squeeze %dma_start3A_36 : memref<1x128xi32, #tpu.memory_space<vmem>> -> memref<128xi32, #tpu.memory_space<vmem>>
    %dma_start3A_38 = arith.constant 0 : i32
    %dma_start3A_39 = arith.constant 0 : i32
    %dma_start3A_40 = tpu.memref_slice %arg3[%dma_start3A_38, %dma_start3A_39] : memref<1000000x64xf32, #tpu.memory_space<hbm>> -> memref<1000000x64xf32, #tpu.memory_space<hbm>>
    tpu.enqueue_indirect_dma source(%dma_start3A_40 : memref<1000000x64xf32, #tpu.memory_space<hbm>>) target(%dma_start3A_34 : memref<128x64xf32, #tpu.memory_space<vmem>>) offsets(%dma_start3A_37 : memref<128xi32, #tpu.memory_space<vmem>>) semaphore(%arg7 : memref<!tpu.dma_semaphore, #tpu.memory_space<semaphore_mem>>)
    %dma_start3A_41 = arith.constant 1 : i32
    %dma_start3A_42 = arith.constant 0 : i32
    %dma_start3A_43 = arith.constant 3 : i32
    %dma_start3A_44 = arith.constant 0 : i32
    %dma_start3A_45 = arith.constant 0 : i32
    %dma_start3A_46 = tpu.memref_slice %arg6[%dma_start3A_42, %dma_start3A_43, %dma_start3A_44, %dma_start3A_45] : memref<2x4x128x64xf32, #tpu.memory_space<vmem>> -> memref<1x1x72x64xf32, #tpu.memory_space<vmem>>
    %dma_start3A_47 = tpu.memref_squeeze %dma_start3A_46 : memref<1x1x72x64xf32, #tpu.memory_space<vmem>> -> memref<72x64xf32, #tpu.memory_space<vmem>>
    %dma_start3A_48 = arith.constant 128 : i32
    %dma_start3A_49 = tpu.memref_slice %arg5[%dma_start3A_41, %dma_start3A_48] : memref<128x200xi32, #tpu.memory_space<vmem>> -> memref<1x72xi32, #tpu.memory_space<vmem>>
    %dma_start3A_50 = tpu.memref_squeeze %dma_start3A_49 : memref<1x72xi32, #tpu.memory_space<vmem>> -> memref<72xi32, #tpu.memory_space<vmem>>
    %dma_start3A_51 = arith.constant 0 : i32
    %dma_start3A_52 = arith.constant 0 : i32
    %dma_start3A_53 = tpu.memref_slice %arg3[%dma_start3A_51, %dma_start3A_52] : memref<1000000x64xf32, #tpu.memory_space<hbm>> -> memref<1000000x64xf32, #tpu.memory_space<hbm>>
    tpu.enqueue_indirect_dma source(%dma_start3A_53 : memref<1000000x64xf32, #tpu.memory_space<hbm>>) target(%dma_start3A_47 : memref<72x64xf32, #tpu.memory_space<vmem>>) offsets(%dma_start3A_50 : memref<72xi32, #tpu.memory_space<vmem>>) semaphore(%arg7 : memref<!tpu.dma_semaphore, #tpu.memory_space<semaphore_mem>>)
    %scan3A = arith.constant 0 : i32
    %scan3A_54 = arith.constant 0 : i32
    %scan3A_55 = arith.constant 32 : i32
    %scan3A_56 = arith.addi %scan3A_54, %scan3A_55 : i32
    %scan3A_57 = arith.constant 1 : i32
    scf.for %scan3A_138 = %scan3A_54 to %scan3A_56 step %scan3A_57  : i32 {
      %mul3A_139 = arith.constant 2 : i32
      %mul3A_140 = arith.muli %scan3A_138, %mul3A_139 : i32
      %ge3A = arith.constant 1 : i32
      %ge3A_141 = arith.cmpi sge, %mul3A_140, %ge3A : i32
      %convert_element_type3A = arith.extui %ge3A_141 : i1 to i32
      %cond3A = arith.constant 0 : i32
      %cond3A_142 = arith.cmpi ne, %convert_element_type3A, %cond3A : i32
      scf.if %cond3A_142 {
        %sub3A_682 = arith.constant 1 : i32
        %sub3A_683 = arith.subi %mul3A_140, %sub3A_682 : i32
        %mul3A_684 = arith.constant 2 : i32
        %mul3A_685 = arith.muli %sub3A_683, %mul3A_684 : i32
        %add3A_686 = arith.constant 0 : i32
        %add3A_687 = arith.addi %mul3A_685, %add3A_686 : i32
        %add3A_688 = arith.addi %mul3A_2, %add3A_687 : i32
        %dma_wait3A_689 = arith.constant 1 : i32
        %dma_wait3A_690 = arith.constant 0 : i32
        %dma_wait3A_691 = arith.constant 0 : i32
        %dma_wait3A_692 = arith.constant 0 : i32
        %dma_wait3A_693 = tpu.memref_slice %arg6[%dma_wait3A_689, %dma_wait3A_690, %dma_wait3A_691, %dma_wait3A_692] : memref<2x4x128x64xf32, #tpu.memory_space<vmem>> -> memref<1x1x128x64xf32, #tpu.memory_space<vmem>>
        %dma_wait3A_694 = tpu.memref_squeeze %dma_wait3A_693 : memref<1x1x128x64xf32, #tpu.memory_space<vmem>> -> memref<128x64xf32, #tpu.memory_space<vmem>>
        %dma_wait3A_695 = arith.constant 0 : i32
        %dma_wait3A_696 = arith.constant 0 : i32
        %dma_wait3A_697 = tpu.memref_slice %arg4[%add3A_688, %dma_wait3A_695, %dma_wait3A_696] : memref<4096x200x64xf32, #tpu.memory_space<hbm>> -> memref<1x128x64xf32, #tpu.memory_space<hbm>>
        %dma_wait3A_698 = tpu.memref_squeeze %dma_wait3A_697 : memref<1x128x64xf32, #tpu.memory_space<hbm>> -> memref<128x64xf32, #tpu.memory_space<hbm>>
        %dma_wait3A_699 = arith.constant 0 : i32
        %dma_wait3A_700 = arith.constant 0 : i32
        %dma_wait3A_701 = tpu.memref_slice %arg4[%add3A_688, %dma_wait3A_699, %dma_wait3A_700] : memref<4096x200x64xf32, #tpu.memory_space<hbm>> -> memref<1x128x64xf32, #tpu.memory_space<hbm>>
        %dma_wait3A_702 = tpu.memref_squeeze %dma_wait3A_701 : memref<1x128x64xf32, #tpu.memory_space<hbm>> -> memref<128x64xf32, #tpu.memory_space<hbm>>
        %dma_wait3A_703 = arith.constant 0 : i32
        %dma_wait3A_704 = arith.constant 0 : i32
        %dma_wait3A_705 = tpu.memref_slice %arg6[%dma_wait3A_689, %dma_wait3A_690, %dma_wait3A_703, %dma_wait3A_704] : memref<2x4x128x64xf32, #tpu.memory_space<vmem>> -> memref<1x1x128x64xf32, #tpu.memory_space<vmem>>
        %dma_wait3A_706 = tpu.memref_squeeze %dma_wait3A_705 : memref<1x1x128x64xf32, #tpu.memory_space<vmem>> -> memref<128x64xf32, #tpu.memory_space<vmem>>
        tpu.wait_dma2 semaphore(%arg10 : memref<!tpu.dma_semaphore, #tpu.memory_space<semaphore_mem>>) src(%dma_wait3A_706 : memref<128x64xf32, #tpu.memory_space<vmem>>) dst(%dma_wait3A_702 : memref<128x64xf32, #tpu.memory_space<hbm>>)
        %sub3A_707 = arith.constant 1 : i32
        %sub3A_708 = arith.subi %mul3A_140, %sub3A_707 : i32
        %mul3A_709 = arith.constant 2 : i32
        %mul3A_710 = arith.muli %sub3A_708, %mul3A_709 : i32
        %add3A_711 = arith.constant 0 : i32
        %add3A_712 = arith.addi %mul3A_710, %add3A_711 : i32
        %add3A_713 = arith.addi %mul3A_2, %add3A_712 : i32
        %dma_wait3A_714 = arith.constant 1 : i32
        %dma_wait3A_715 = arith.constant 1 : i32
        %dma_wait3A_716 = arith.constant 0 : i32
        %dma_wait3A_717 = arith.constant 0 : i32
        %dma_wait3A_718 = tpu.memref_slice %arg6[%dma_wait3A_714, %dma_wait3A_715, %dma_wait3A_716, %dma_wait3A_717] : memref<2x4x128x64xf32, #tpu.memory_space<vmem>> -> memref<1x1x72x64xf32, #tpu.memory_space<vmem>>
        %dma_wait3A_719 = tpu.memref_squeeze %dma_wait3A_718 : memref<1x1x72x64xf32, #tpu.memory_space<vmem>> -> memref<72x64xf32, #tpu.memory_space<vmem>>
        %dma_wait3A_720 = arith.constant 128 : i32
        %dma_wait3A_721 = arith.constant 0 : i32
        %dma_wait3A_722 = tpu.memref_slice %arg4[%add3A_713, %dma_wait3A_720, %dma_wait3A_721] : memref<4096x200x64xf32, #tpu.memory_space<hbm>> -> memref<1x72x64xf32, #tpu.memory_space<hbm>>
        %dma_wait3A_723 = tpu.memref_squeeze %dma_wait3A_722 : memref<1x72x64xf32, #tpu.memory_space<hbm>> -> memref<72x64xf32, #tpu.memory_space<hbm>>
        %dma_wait3A_724 = arith.constant 128 : i32
        %dma_wait3A_725 = arith.constant 0 : i32
        %dma_wait3A_726 = tpu.memref_slice %arg4[%add3A_713, %dma_wait3A_724, %dma_wait3A_725] : memref<4096x200x64xf32, #tpu.memory_space<hbm>> -> memref<1x72x64xf32, #tpu.memory_space<hbm>>
        %dma_wait3A_727 = tpu.memref_squeeze %dma_wait3A_726 : memref<1x72x64xf32, #tpu.memory_space<hbm>> -> memref<72x64xf32, #tpu.memory_space<hbm>>
        %dma_wait3A_728 = arith.constant 0 : i32
        %dma_wait3A_729 = arith.constant 0 : i32
        %dma_wait3A_730 = tpu.memref_slice %arg6[%dma_wait3A_714, %dma_wait3A_715, %dma_wait3A_728, %dma_wait3A_729] : memref<2x4x128x64xf32, #tpu.memory_space<vmem>> -> memref<1x1x72x64xf32, #tpu.memory_space<vmem>>
        %dma_wait3A_731 = tpu.memref_squeeze %dma_wait3A_730 : memref<1x1x72x64xf32, #tpu.memory_space<vmem>> -> memref<72x64xf32, #tpu.memory_space<vmem>>
        tpu.wait_dma2 semaphore(%arg10 : memref<!tpu.dma_semaphore, #tpu.memory_space<semaphore_mem>>) src(%dma_wait3A_731 : memref<72x64xf32, #tpu.memory_space<vmem>>) dst(%dma_wait3A_727 : memref<72x64xf32, #tpu.memory_space<hbm>>)
        %sub3A_732 = arith.constant 1 : i32
        %sub3A_733 = arith.subi %mul3A_140, %sub3A_732 : i32
        %mul3A_734 = arith.constant 2 : i32
        %mul3A_735 = arith.muli %sub3A_733, %mul3A_734 : i32
        %add3A_736 = arith.constant 1 : i32
        %add3A_737 = arith.addi %mul3A_735, %add3A_736 : i32
        %add3A_738 = arith.addi %mul3A_2, %add3A_737 : i32
        %dma_wait3A_739 = arith.constant 1 : i32
        %dma_wait3A_740 = arith.constant 2 : i32
        %dma_wait3A_741 = arith.constant 0 : i32
        %dma_wait3A_742 = arith.constant 0 : i32
        %dma_wait3A_743 = tpu.memref_slice %arg6[%dma_wait3A_739, %dma_wait3A_740, %dma_wait3A_741, %dma_wait3A_742] : memref<2x4x128x64xf32, #tpu.memory_space<vmem>> -> memref<1x1x128x64xf32, #tpu.memory_space<vmem>>
        %dma_wait3A_744 = tpu.memref_squeeze %dma_wait3A_743 : memref<1x1x128x64xf32, #tpu.memory_space<vmem>> -> memref<128x64xf32, #tpu.memory_space<vmem>>
        %dma_wait3A_745 = arith.constant 0 : i32
        %dma_wait3A_746 = arith.constant 0 : i32
        %dma_wait3A_747 = tpu.memref_slice %arg4[%add3A_738, %dma_wait3A_745, %dma_wait3A_746] : memref<4096x200x64xf32, #tpu.memory_space<hbm>> -> memref<1x128x64xf32, #tpu.memory_space<hbm>>
        %dma_wait3A_748 = tpu.memref_squeeze %dma_wait3A_747 : memref<1x128x64xf32, #tpu.memory_space<hbm>> -> memref<128x64xf32, #tpu.memory_space<hbm>>
        %dma_wait3A_749 = arith.constant 0 : i32
        %dma_wait3A_750 = arith.constant 0 : i32
        %dma_wait3A_751 = tpu.memref_slice %arg4[%add3A_738, %dma_wait3A_749, %dma_wait3A_750] : memref<4096x200x64xf32, #tpu.memory_space<hbm>> -> memref<1x128x64xf32, #tpu.memory_space<hbm>>
        %dma_wait3A_752 = tpu.memref_squeeze %dma_wait3A_751 : memref<1x128x64xf32, #tpu.memory_space<hbm>> -> memref<128x64xf32, #tpu.memory_space<hbm>>
        %dma_wait3A_753 = arith.constant 0 : i32
        %dma_wait3A_754 = arith.constant 0 : i32
        %dma_wait3A_755 = tpu.memref_slice %arg6[%dma_wait3A_739, %dma_wait3A_740, %dma_wait3A_753, %dma_wait3A_754] : memref<2x4x128x64xf32, #tpu.memory_space<vmem>> -> memref<1x1x128x64xf32, #tpu.memory_space<vmem>>
        %dma_wait3A_756 = tpu.memref_squeeze %dma_wait3A_755 : memref<1x1x128x64xf32, #tpu.memory_space<vmem>> -> memref<128x64xf32, #tpu.memory_space<vmem>>
        tpu.wait_dma2 semaphore(%arg10 : memref<!tpu.dma_semaphore, #tpu.memory_space<semaphore_mem>>) src(%dma_wait3A_756 : memref<128x64xf32, #tpu.memory_space<vmem>>) dst(%dma_wait3A_752 : memref<128x64xf32, #tpu.memory_space<hbm>>)
        %sub3A_757 = arith.constant 1 : i32
        %sub3A_758 = arith.subi %mul3A_140, %sub3A_757 : i32
        %mul3A_759 = arith.constant 2 : i32
        %mul3A_760 = arith.muli %sub3A_758, %mul3A_759 : i32
        %add3A_761 = arith.constant 1 : i32
        %add3A_762 = arith.addi %mul3A_760, %add3A_761 : i32
        %add3A_763 = arith.addi %mul3A_2, %add3A_762 : i32
        %dma_wait3A_764 = arith.constant 1 : i32
        %dma_wait3A_765 = arith.constant 3 : i32
        %dma_wait3A_766 = arith.constant 0 : i32
        %dma_wait3A_767 = arith.constant 0 : i32
        %dma_wait3A_768 = tpu.memref_slice %arg6[%dma_wait3A_764, %dma_wait3A_765, %dma_wait3A_766, %dma_wait3A_767] : memref<2x4x128x64xf32, #tpu.memory_space<vmem>> -> memref<1x1x72x64xf32, #tpu.memory_space<vmem>>
        %dma_wait3A_769 = tpu.memref_squeeze %dma_wait3A_768 : memref<1x1x72x64xf32, #tpu.memory_space<vmem>> -> memref<72x64xf32, #tpu.memory_space<vmem>>
        %dma_wait3A_770 = arith.constant 128 : i32
        %dma_wait3A_771 = arith.constant 0 : i32
        %dma_wait3A_772 = tpu.memref_slice %arg4[%add3A_763, %dma_wait3A_770, %dma_wait3A_771] : memref<4096x200x64xf32, #tpu.memory_space<hbm>> -> memref<1x72x64xf32, #tpu.memory_space<hbm>>
        %dma_wait3A_773 = tpu.memref_squeeze %dma_wait3A_772 : memref<1x72x64xf32, #tpu.memory_space<hbm>> -> memref<72x64xf32, #tpu.memory_space<hbm>>
        %dma_wait3A_774 = arith.constant 128 : i32
        %dma_wait3A_775 = arith.constant 0 : i32
        %dma_wait3A_776 = tpu.memref_slice %arg4[%add3A_763, %dma_wait3A_774, %dma_wait3A_775] : memref<4096x200x64xf32, #tpu.memory_space<hbm>> -> memref<1x72x64xf32, #tpu.memory_space<hbm>>
        %dma_wait3A_777 = tpu.memref_squeeze %dma_wait3A_776 : memref<1x72x64xf32, #tpu.memory_space<hbm>> -> memref<72x64xf32, #tpu.memory_space<hbm>>
        %dma_wait3A_778 = arith.constant 0 : i32
        %dma_wait3A_779 = arith.constant 0 : i32
        %dma_wait3A_780 = tpu.memref_slice %arg6[%dma_wait3A_764, %dma_wait3A_765, %dma_wait3A_778, %dma_wait3A_779] : memref<2x4x128x64xf32, #tpu.memory_space<vmem>> -> memref<1x1x72x64xf32, #tpu.memory_space<vmem>>
        %dma_wait3A_781 = tpu.memref_squeeze %dma_wait3A_780 : memref<1x1x72x64xf32, #tpu.memory_space<vmem>> -> memref<72x64xf32, #tpu.memory_space<vmem>>
        tpu.wait_dma2 semaphore(%arg10 : memref<!tpu.dma_semaphore, #tpu.memory_space<semaphore_mem>>) src(%dma_wait3A_781 : memref<72x64xf32, #tpu.memory_space<vmem>>) dst(%dma_wait3A_777 : memref<72x64xf32, #tpu.memory_space<hbm>>)
      } else {
      }
      %add3A_143 = arith.constant 1 : i32
      %add3A_144 = arith.addi %mul3A_140, %add3A_143 : i32
      %mul3A_145 = arith.constant 2 : i32
      %mul3A_146 = arith.muli %add3A_144, %mul3A_145 : i32
      %add3A_147 = arith.constant 0 : i32
      %add3A_148 = arith.addi %mul3A_146, %add3A_147 : i32
      %dma_start3A_149 = arith.constant 1 : i32
      %dma_start3A_150 = arith.constant 0 : i32
      %dma_start3A_151 = arith.constant 0 : i32
      %dma_start3A_152 = arith.constant 0 : i32
      %dma_start3A_153 = tpu.memref_slice %arg6[%dma_start3A_149, %dma_start3A_150, %dma_start3A_151, %dma_start3A_152] : memref<2x4x128x64xf32, #tpu.memory_space<vmem>> -> memref<1x1x128x64xf32, #tpu.memory_space<vmem>>
      %dma_start3A_154 = tpu.memref_squeeze %dma_start3A_153 : memref<1x1x128x64xf32, #tpu.memory_space<vmem>> -> memref<128x64xf32, #tpu.memory_space<vmem>>
      %dma_start3A_155 = arith.constant 0 : i32
      %dma_start3A_156 = tpu.memref_slice %arg5[%add3A_148, %dma_start3A_155] : memref<128x200xi32, #tpu.memory_space<vmem>> -> memref<1x128xi32, #tpu.memory_space<vmem>>
      %dma_start3A_157 = tpu.memref_squeeze %dma_start3A_156 : memref<1x128xi32, #tpu.memory_space<vmem>> -> memref<128xi32, #tpu.memory_space<vmem>>
      %dma_start3A_158 = arith.constant 0 : i32
      %dma_start3A_159 = arith.constant 0 : i32
      %dma_start3A_160 = tpu.memref_slice %arg3[%dma_start3A_158, %dma_start3A_159] : memref<1000000x64xf32, #tpu.memory_space<hbm>> -> memref<1000000x64xf32, #tpu.memory_space<hbm>>
      tpu.enqueue_indirect_dma source(%dma_start3A_160 : memref<1000000x64xf32, #tpu.memory_space<hbm>>) target(%dma_start3A_154 : memref<128x64xf32, #tpu.memory_space<vmem>>) offsets(%dma_start3A_157 : memref<128xi32, #tpu.memory_space<vmem>>) semaphore(%arg8 : memref<!tpu.dma_semaphore, #tpu.memory_space<semaphore_mem>>)
      %add3A_161 = arith.constant 1 : i32
      %add3A_162 = arith.addi %mul3A_140, %add3A_161 : i32
      %mul3A_163 = arith.constant 2 : i32
      %mul3A_164 = arith.muli %add3A_162, %mul3A_163 : i32
      %add3A_165 = arith.constant 0 : i32
      %add3A_166 = arith.addi %mul3A_164, %add3A_165 : i32
      %dma_start3A_167 = arith.constant 1 : i32
      %dma_start3A_168 = arith.constant 1 : i32
      %dma_start3A_169 = arith.constant 0 : i32
      %dma_start3A_170 = arith.constant 0 : i32
      %dma_start3A_171 = tpu.memref_slice %arg6[%dma_start3A_167, %dma_start3A_168, %dma_start3A_169, %dma_start3A_170] : memref<2x4x128x64xf32, #tpu.memory_space<vmem>> -> memref<1x1x72x64xf32, #tpu.memory_space<vmem>>
      %dma_start3A_172 = tpu.memref_squeeze %dma_start3A_171 : memref<1x1x72x64xf32, #tpu.memory_space<vmem>> -> memref<72x64xf32, #tpu.memory_space<vmem>>
      %dma_start3A_173 = arith.constant 128 : i32
      %dma_start3A_174 = tpu.memref_slice %arg5[%add3A_166, %dma_start3A_173] : memref<128x200xi32, #tpu.memory_space<vmem>> -> memref<1x72xi32, #tpu.memory_space<vmem>>
      %dma_start3A_175 = tpu.memref_squeeze %dma_start3A_174 : memref<1x72xi32, #tpu.memory_space<vmem>> -> memref<72xi32, #tpu.memory_space<vmem>>
      %dma_start3A_176 = arith.constant 0 : i32
      %dma_start3A_177 = arith.constant 0 : i32
      %dma_start3A_178 = tpu.memref_slice %arg3[%dma_start3A_176, %dma_start3A_177] : memref<1000000x64xf32, #tpu.memory_space<hbm>> -> memref<1000000x64xf32, #tpu.memory_space<hbm>>
      tpu.enqueue_indirect_dma source(%dma_start3A_178 : memref<1000000x64xf32, #tpu.memory_space<hbm>>) target(%dma_start3A_172 : memref<72x64xf32, #tpu.memory_space<vmem>>) offsets(%dma_start3A_175 : memref<72xi32, #tpu.memory_space<vmem>>) semaphore(%arg8 : memref<!tpu.dma_semaphore, #tpu.memory_space<semaphore_mem>>)
      %add3A_179 = arith.constant 1 : i32
      %add3A_180 = arith.addi %mul3A_140, %add3A_179 : i32
      %mul3A_181 = arith.constant 2 : i32
      %mul3A_182 = arith.muli %add3A_180, %mul3A_181 : i32
      %add3A_183 = arith.constant 1 : i32
      %add3A_184 = arith.addi %mul3A_182, %add3A_183 : i32
      %dma_start3A_185 = arith.constant 1 : i32
      %dma_start3A_186 = arith.constant 2 : i32
      %dma_start3A_187 = arith.constant 0 : i32
      %dma_start3A_188 = arith.constant 0 : i32
      %dma_start3A_189 = tpu.memref_slice %arg6[%dma_start3A_185, %dma_start3A_186, %dma_start3A_187, %dma_start3A_188] : memref<2x4x128x64xf32, #tpu.memory_space<vmem>> -> memref<1x1x128x64xf32, #tpu.memory_space<vmem>>
      %dma_start3A_190 = tpu.memref_squeeze %dma_start3A_189 : memref<1x1x128x64xf32, #tpu.memory_space<vmem>> -> memref<128x64xf32, #tpu.memory_space<vmem>>
      %dma_start3A_191 = arith.constant 0 : i32
      %dma_start3A_192 = tpu.memref_slice %arg5[%add3A_184, %dma_start3A_191] : memref<128x200xi32, #tpu.memory_space<vmem>> -> memref<1x128xi32, #tpu.memory_space<vmem>>
      %dma_start3A_193 = tpu.memref_squeeze %dma_start3A_192 : memref<1x128xi32, #tpu.memory_space<vmem>> -> memref<128xi32, #tpu.memory_space<vmem>>
      %dma_start3A_194 = arith.constant 0 : i32
      %dma_start3A_195 = arith.constant 0 : i32
      %dma_start3A_196 = tpu.memref_slice %arg3[%dma_start3A_194, %dma_start3A_195] : memref<1000000x64xf32, #tpu.memory_space<hbm>> -> memref<1000000x64xf32, #tpu.memory_space<hbm>>
      tpu.enqueue_indirect_dma source(%dma_start3A_196 : memref<1000000x64xf32, #tpu.memory_space<hbm>>) target(%dma_start3A_190 : memref<128x64xf32, #tpu.memory_space<vmem>>) offsets(%dma_start3A_193 : memref<128xi32, #tpu.memory_space<vmem>>) semaphore(%arg8 : memref<!tpu.dma_semaphore, #tpu.memory_space<semaphore_mem>>)
      %add3A_197 = arith.constant 1 : i32
      %add3A_198 = arith.addi %mul3A_140, %add3A_197 : i32
      %mul3A_199 = arith.constant 2 : i32
      %mul3A_200 = arith.muli %add3A_198, %mul3A_199 : i32
      %add3A_201 = arith.constant 1 : i32
      %add3A_202 = arith.addi %mul3A_200, %add3A_201 : i32
      %dma_start3A_203 = arith.constant 1 : i32
      %dma_start3A_204 = arith.constant 3 : i32
      %dma_start3A_205 = arith.constant 0 : i32
      %dma_start3A_206 = arith.constant 0 : i32
      %dma_start3A_207 = tpu.memref_slice %arg6[%dma_start3A_203, %dma_start3A_204, %dma_start3A_205, %dma_start3A_206] : memref<2x4x128x64xf32, #tpu.memory_space<vmem>> -> memref<1x1x72x64xf32, #tpu.memory_space<vmem>>
      %dma_start3A_208 = tpu.memref_squeeze %dma_start3A_207 : memref<1x1x72x64xf32, #tpu.memory_space<vmem>> -> memref<72x64xf32, #tpu.memory_space<vmem>>
      %dma_start3A_209 = arith.constant 128 : i32
      %dma_start3A_210 = tpu.memref_slice %arg5[%add3A_202, %dma_start3A_209] : memref<128x200xi32, #tpu.memory_space<vmem>> -> memref<1x72xi32, #tpu.memory_space<vmem>>
      %dma_start3A_211 = tpu.memref_squeeze %dma_start3A_210 : memref<1x72xi32, #tpu.memory_space<vmem>> -> memref<72xi32, #tpu.memory_space<vmem>>
      %dma_start3A_212 = arith.constant 0 : i32
      %dma_start3A_213 = arith.constant 0 : i32
      %dma_start3A_214 = tpu.memref_slice %arg3[%dma_start3A_212, %dma_start3A_213] : memref<1000000x64xf32, #tpu.memory_space<hbm>> -> memref<1000000x64xf32, #tpu.memory_space<hbm>>
      tpu.enqueue_indirect_dma source(%dma_start3A_214 : memref<1000000x64xf32, #tpu.memory_space<hbm>>) target(%dma_start3A_208 : memref<72x64xf32, #tpu.memory_space<vmem>>) offsets(%dma_start3A_211 : memref<72xi32, #tpu.memory_space<vmem>>) semaphore(%arg8 : memref<!tpu.dma_semaphore, #tpu.memory_space<semaphore_mem>>)
      %mul3A_215 = arith.constant 2 : i32
      %mul3A_216 = arith.muli %mul3A_140, %mul3A_215 : i32
      %add3A_217 = arith.constant 0 : i32
      %add3A_218 = arith.addi %mul3A_216, %add3A_217 : i32
      %dma_wait3A_219 = arith.constant 0 : i32
      %dma_wait3A_220 = arith.constant 0 : i32
      %dma_wait3A_221 = arith.constant 0 : i32
      %dma_wait3A_222 = arith.constant 0 : i32
      %dma_wait3A_223 = tpu.memref_slice %arg6[%dma_wait3A_219, %dma_wait3A_220, %dma_wait3A_221, %dma_wait3A_222] : memref<2x4x128x64xf32, #tpu.memory_space<vmem>> -> memref<1x1x128x64xf32, #tpu.memory_space<vmem>>
      %dma_wait3A_224 = tpu.memref_squeeze %dma_wait3A_223 : memref<1x1x128x64xf32, #tpu.memory_space<vmem>> -> memref<128x64xf32, #tpu.memory_space<vmem>>
      %dma_wait3A_225 = arith.constant 0 : i32
      %dma_wait3A_226 = tpu.memref_slice %arg5[%add3A_218, %dma_wait3A_225] : memref<128x200xi32, #tpu.memory_space<vmem>> -> memref<1x128xi32, #tpu.memory_space<vmem>>
      %dma_wait3A_227 = tpu.memref_squeeze %dma_wait3A_226 : memref<1x128xi32, #tpu.memory_space<vmem>> -> memref<128xi32, #tpu.memory_space<vmem>>
      %dma_wait3A_228 = arith.constant 0 : i32
      %dma_wait3A_229 = arith.constant 0 : i32
      %dma_wait3A_230 = tpu.memref_slice %arg3[%dma_wait3A_228, %dma_wait3A_229] : memref<1000000x64xf32, #tpu.memory_space<hbm>> -> memref<1000000x64xf32, #tpu.memory_space<hbm>>
      tpu.wait_indirect_dma semaphore(%arg7 : memref<!tpu.dma_semaphore, #tpu.memory_space<semaphore_mem>>) src(%dma_wait3A_230 : memref<1000000x64xf32, #tpu.memory_space<hbm>>) dst(%dma_wait3A_224 : memref<128x64xf32, #tpu.memory_space<vmem>>)
      %mul3A_231 = arith.constant 2 : i32
      %mul3A_232 = arith.muli %mul3A_140, %mul3A_231 : i32
      %add3A_233 = arith.constant 0 : i32
      %add3A_234 = arith.addi %mul3A_232, %add3A_233 : i32
      %dma_wait3A_235 = arith.constant 0 : i32
      %dma_wait3A_236 = arith.constant 1 : i32
      %dma_wait3A_237 = arith.constant 0 : i32
      %dma_wait3A_238 = arith.constant 0 : i32
      %dma_wait3A_239 = tpu.memref_slice %arg6[%dma_wait3A_235, %dma_wait3A_236, %dma_wait3A_237, %dma_wait3A_238] : memref<2x4x128x64xf32, #tpu.memory_space<vmem>> -> memref<1x1x72x64xf32, #tpu.memory_space<vmem>>
      %dma_wait3A_240 = tpu.memref_squeeze %dma_wait3A_239 : memref<1x1x72x64xf32, #tpu.memory_space<vmem>> -> memref<72x64xf32, #tpu.memory_space<vmem>>
      %dma_wait3A_241 = arith.constant 128 : i32
      %dma_wait3A_242 = tpu.memref_slice %arg5[%add3A_234, %dma_wait3A_241] : memref<128x200xi32, #tpu.memory_space<vmem>> -> memref<1x72xi32, #tpu.memory_space<vmem>>
      %dma_wait3A_243 = tpu.memref_squeeze %dma_wait3A_242 : memref<1x72xi32, #tpu.memory_space<vmem>> -> memref<72xi32, #tpu.memory_space<vmem>>
      %dma_wait3A_244 = arith.constant 0 : i32
      %dma_wait3A_245 = arith.constant 0 : i32
      %dma_wait3A_246 = tpu.memref_slice %arg3[%dma_wait3A_244, %dma_wait3A_245] : memref<1000000x64xf32, #tpu.memory_space<hbm>> -> memref<1000000x64xf32, #tpu.memory_space<hbm>>
      tpu.wait_indirect_dma semaphore(%arg7 : memref<!tpu.dma_semaphore, #tpu.memory_space<semaphore_mem>>) src(%dma_wait3A_246 : memref<1000000x64xf32, #tpu.memory_space<hbm>>) dst(%dma_wait3A_240 : memref<72x64xf32, #tpu.memory_space<vmem>>)
      %mul3A_247 = arith.constant 2 : i32
      %mul3A_248 = arith.muli %mul3A_140, %mul3A_247 : i32
      %add3A_249 = arith.constant 1 : i32
      %add3A_250 = arith.addi %mul3A_248, %add3A_249 : i32
      %dma_wait3A_251 = arith.constant 0 : i32
      %dma_wait3A_252 = arith.constant 2 : i32
      %dma_wait3A_253 = arith.constant 0 : i32
      %dma_wait3A_254 = arith.constant 0 : i32
      %dma_wait3A_255 = tpu.memref_slice %arg6[%dma_wait3A_251, %dma_wait3A_252, %dma_wait3A_253, %dma_wait3A_254] : memref<2x4x128x64xf32, #tpu.memory_space<vmem>> -> memref<1x1x128x64xf32, #tpu.memory_space<vmem>>
      %dma_wait3A_256 = tpu.memref_squeeze %dma_wait3A_255 : memref<1x1x128x64xf32, #tpu.memory_space<vmem>> -> memref<128x64xf32, #tpu.memory_space<vmem>>
      %dma_wait3A_257 = arith.constant 0 : i32
      %dma_wait3A_258 = tpu.memref_slice %arg5[%add3A_250, %dma_wait3A_257] : memref<128x200xi32, #tpu.memory_space<vmem>> -> memref<1x128xi32, #tpu.memory_space<vmem>>
      %dma_wait3A_259 = tpu.memref_squeeze %dma_wait3A_258 : memref<1x128xi32, #tpu.memory_space<vmem>> -> memref<128xi32, #tpu.memory_space<vmem>>
      %dma_wait3A_260 = arith.constant 0 : i32
      %dma_wait3A_261 = arith.constant 0 : i32
      %dma_wait3A_262 = tpu.memref_slice %arg3[%dma_wait3A_260, %dma_wait3A_261] : memref<1000000x64xf32, #tpu.memory_space<hbm>> -> memref<1000000x64xf32, #tpu.memory_space<hbm>>
      tpu.wait_indirect_dma semaphore(%arg7 : memref<!tpu.dma_semaphore, #tpu.memory_space<semaphore_mem>>) src(%dma_wait3A_262 : memref<1000000x64xf32, #tpu.memory_space<hbm>>) dst(%dma_wait3A_256 : memref<128x64xf32, #tpu.memory_space<vmem>>)
      %mul3A_263 = arith.constant 2 : i32
      %mul3A_264 = arith.muli %mul3A_140, %mul3A_263 : i32
      %add3A_265 = arith.constant 1 : i32
      %add3A_266 = arith.addi %mul3A_264, %add3A_265 : i32
      %dma_wait3A_267 = arith.constant 0 : i32
      %dma_wait3A_268 = arith.constant 3 : i32
      %dma_wait3A_269 = arith.constant 0 : i32
      %dma_wait3A_270 = arith.constant 0 : i32
      %dma_wait3A_271 = tpu.memref_slice %arg6[%dma_wait3A_267, %dma_wait3A_268, %dma_wait3A_269, %dma_wait3A_270] : memref<2x4x128x64xf32, #tpu.memory_space<vmem>> -> memref<1x1x72x64xf32, #tpu.memory_space<vmem>>
      %dma_wait3A_272 = tpu.memref_squeeze %dma_wait3A_271 : memref<1x1x72x64xf32, #tpu.memory_space<vmem>> -> memref<72x64xf32, #tpu.memory_space<vmem>>
      %dma_wait3A_273 = arith.constant 128 : i32
      %dma_wait3A_274 = tpu.memref_slice %arg5[%add3A_266, %dma_wait3A_273] : memref<128x200xi32, #tpu.memory_space<vmem>> -> memref<1x72xi32, #tpu.memory_space<vmem>>
      %dma_wait3A_275 = tpu.memref_squeeze %dma_wait3A_274 : memref<1x72xi32, #tpu.memory_space<vmem>> -> memref<72xi32, #tpu.memory_space<vmem>>
      %dma_wait3A_276 = arith.constant 0 : i32
      %dma_wait3A_277 = arith.constant 0 : i32
      %dma_wait3A_278 = tpu.memref_slice %arg3[%dma_wait3A_276, %dma_wait3A_277] : memref<1000000x64xf32, #tpu.memory_space<hbm>> -> memref<1000000x64xf32, #tpu.memory_space<hbm>>
      tpu.wait_indirect_dma semaphore(%arg7 : memref<!tpu.dma_semaphore, #tpu.memory_space<semaphore_mem>>) src(%dma_wait3A_278 : memref<1000000x64xf32, #tpu.memory_space<hbm>>) dst(%dma_wait3A_272 : memref<72x64xf32, #tpu.memory_space<vmem>>)
      %scan3A_279 = arith.constant 0 : i32
      %scan3A_280 = arith.constant 0 : i32
      %scan3A_281 = arith.constant 128 : i32
      %scan3A_282 = arith.addi %scan3A_280, %scan3A_281 : i32
      %scan3A_283 = arith.constant 4 : i32
      scf.for %scan3A_682 = %scan3A_280 to %scan3A_282 step %scan3A_283  : i32 {
        %get3A = arith.constant 0 : i32
        %get3A_683 = arith.constant 0 : i32
        %get3A_684 = arith.index_cast %get3A : i32 to index
        %get3A_685 = arith.index_cast %get3A_683 : i32 to index
        %get3A_686 = arith.index_cast %scan3A_682 : i32 to index
        %get3A_687 = arith.constant 0 : index
        %get3A_688 = tpu.vector_load %arg6[%get3A_684, %get3A_685, %get3A_686, %get3A_687] {strides = array<i32>} : memref<2x4x128x64xf32, #tpu.memory_space<vmem>>, vector<1x1x1x16xf32>,
        %get3A_689 = vector.shape_cast %get3A_688 : vector<1x1x1x16xf32> to vector<16xf32>
        %mul3A_690 = arith.constant 8.000000e+00 : f32
        %mul3A_691 = vector.broadcast %mul3A_690 : f32 to vector<16xf32>
        %mul3A_692 = arith.mulf %get3A_689, %mul3A_691 : vector<16xf32>
        %swap3A = arith.constant 0 : i32
        %swap3A_693 = arith.constant 0 : i32
        %swap3A_694 = arith.index_cast %swap3A : i32 to index
        %swap3A_695 = arith.index_cast %swap3A_693 : i32 to index
        %swap3A_696 = arith.index_cast %scan3A_682 : i32 to index
        %swap3A_697 = arith.constant 0 : index
        %swap3A_698 = tpu.vector_load %arg6[%swap3A_694, %swap3A_695, %swap3A_696, %swap3A_697] {strides = array<i32>} : memref<2x4x128x64xf32, #tpu.memory_space<vmem>>, vector<1x1x1x16xf32>,
        %swap3A_699 = vector.shape_cast %swap3A_698 : vector<1x1x1x16xf32> to vector<16xf32>
        %swap3A_700 = vector.shape_cast %mul3A_692 : vector<16xf32> to vector<1x1x1x16xf32>
        tpu.vector_store %arg6[%swap3A_694, %swap3A_695, %swap3A_696, %swap3A_697], %swap3A_700 {strides = array<i32>} : memref<2x4x128x64xf32, #tpu.memory_space<vmem>>, vector<1x1x1x16xf32>,
        %get3A_701 = arith.constant 0 : i32
        %get3A_702 = arith.constant 0 : i32
        %get3A_703 = arith.index_cast %get3A_701 : i32 to index
        %get3A_704 = arith.index_cast %get3A_702 : i32 to index
        %get3A_705 = arith.index_cast %scan3A_682 : i32 to index
        %get3A_706 = arith.constant 16 : index
        %get3A_707 = tpu.vector_load %arg6[%get3A_703, %get3A_704, %get3A_705, %get3A_706] {strides = array<i32>} : memref<2x4x128x64xf32, #tpu.memory_space<vmem>>, vector<1x1x1x16xf32>,
        %get3A_708 = vector.shape_cast %get3A_707 : vector<1x1x1x16xf32> to vector<16xf32>
        %mul3A_709 = arith.constant 8.000000e+00 : f32
        %mul3A_710 = vector.broadcast %mul3A_709 : f32 to vector<16xf32>
        %mul3A_711 = arith.mulf %get3A_708, %mul3A_710 : vector<16xf32>
        %swap3A_712 = arith.constant 0 : i32
        %swap3A_713 = arith.constant 0 : i32
        %swap3A_714 = arith.index_cast %swap3A_712 : i32 to index
        %swap3A_715 = arith.index_cast %swap3A_713 : i32 to index
        %swap3A_716 = arith.index_cast %scan3A_682 : i32 to index
        %swap3A_717 = arith.constant 16 : index
        %swap3A_718 = tpu.vector_load %arg6[%swap3A_714, %swap3A_715, %swap3A_716, %swap3A_717] {strides = array<i32>} : memref<2x4x128x64xf32, #tpu.memory_space<vmem>>, vector<1x1x1x16xf32>,
        %swap3A_719 = vector.shape_cast %swap3A_718 : vector<1x1x1x16xf32> to vector<16xf32>
        %swap3A_720 = vector.shape_cast %mul3A_711 : vector<16xf32> to vector<1x1x1x16xf32>
        tpu.vector_store %arg6[%swap3A_714, %swap3A_715, %swap3A_716, %swap3A_717], %swap3A_720 {strides = array<i32>} : memref<2x4x128x64xf32, #tpu.memory_space<vmem>>, vector<1x1x1x16xf32>,
        %get3A_721 = arith.constant 0 : i32
        %get3A_722 = arith.constant 0 : i32
        %get3A_723 = arith.index_cast %get3A_721 : i32 to index
        %get3A_724 = arith.index_cast %get3A_722 : i32 to index
        %get3A_725 = arith.index_cast %scan3A_682 : i32 to index
        %get3A_726 = arith.constant 32 : index
        %get3A_727 = tpu.vector_load %arg6[%get3A_723, %get3A_724, %get3A_725, %get3A_726] {strides = array<i32>} : memref<2x4x128x64xf32, #tpu.memory_space<vmem>>, vector<1x1x1x16xf32>,
        %get3A_728 = vector.shape_cast %get3A_727 : vector<1x1x1x16xf32> to vector<16xf32>
        %mul3A_729 = arith.constant 8.000000e+00 : f32
        %mul3A_730 = vector.broadcast %mul3A_729 : f32 to vector<16xf32>
        %mul3A_731 = arith.mulf %get3A_728, %mul3A_730 : vector<16xf32>
        %swap3A_732 = arith.constant 0 : i32
        %swap3A_733 = arith.constant 0 : i32
        %swap3A_734 = arith.index_cast %swap3A_732 : i32 to index
        %swap3A_735 = arith.index_cast %swap3A_733 : i32 to index
        %swap3A_736 = arith.index_cast %scan3A_682 : i32 to index
        %swap3A_737 = arith.constant 32 : index
        %swap3A_738 = tpu.vector_load %arg6[%swap3A_734, %swap3A_735, %swap3A_736, %swap3A_737] {strides = array<i32>} : memref<2x4x128x64xf32, #tpu.memory_space<vmem>>, vector<1x1x1x16xf32>,
        %swap3A_739 = vector.shape_cast %swap3A_738 : vector<1x1x1x16xf32> to vector<16xf32>
        %swap3A_740 = vector.shape_cast %mul3A_731 : vector<16xf32> to vector<1x1x1x16xf32>
        tpu.vector_store %arg6[%swap3A_734, %swap3A_735, %swap3A_736, %swap3A_737], %swap3A_740 {strides = array<i32>} : memref<2x4x128x64xf32, #tpu.memory_space<vmem>>, vector<1x1x1x16xf32>,
        %get3A_741 = arith.constant 0 : i32
        %get3A_742 = arith.constant 0 : i32
        %get3A_743 = arith.index_cast %get3A_741 : i32 to index
        %get3A_744 = arith.index_cast %get3A_742 : i32 to index
        %get3A_745 = arith.index_cast %scan3A_682 : i32 to index
        %get3A_746 = arith.constant 48 : index
        %get3A_747 = tpu.vector_load %arg6[%get3A_743, %get3A_744, %get3A_745, %get3A_746] {strides = array<i32>} : memref<2x4x128x64xf32, #tpu.memory_space<vmem>>, vector<1x1x1x16xf32>,
        %get3A_748 = vector.shape_cast %get3A_747 : vector<1x1x1x16xf32> to vector<16xf32>
        %mul3A_749 = arith.constant 8.000000e+00 : f32
        %mul3A_750 = vector.broadcast %mul3A_749 : f32 to vector<16xf32>
        %mul3A_751 = arith.mulf %get3A_748, %mul3A_750 : vector<16xf32>
        %swap3A_752 = arith.constant 0 : i32
        %swap3A_753 = arith.constant 0 : i32
        %swap3A_754 = arith.index_cast %swap3A_752 : i32 to index
        %swap3A_755 = arith.index_cast %swap3A_753 : i32 to index
        %swap3A_756 = arith.index_cast %scan3A_682 : i32 to index
        %swap3A_757 = arith.constant 48 : index
        %swap3A_758 = tpu.vector_load %arg6[%swap3A_754, %swap3A_755, %swap3A_756, %swap3A_757] {strides = array<i32>} : memref<2x4x128x64xf32, #tpu.memory_space<vmem>>, vector<1x1x1x16xf32>,
        %swap3A_759 = vector.shape_cast %swap3A_758 : vector<1x1x1x16xf32> to vector<16xf32>
        %swap3A_760 = vector.shape_cast %mul3A_751 : vector<16xf32> to vector<1x1x1x16xf32>
        tpu.vector_store %arg6[%swap3A_754, %swap3A_755, %swap3A_756, %swap3A_757], %swap3A_760 {strides = array<i32>} : memref<2x4x128x64xf32, #tpu.memory_space<vmem>>, vector<1x1x1x16xf32>,
        %scan3A_761 = arith.constant 1 : i32
        %scan3A_762 = arith.addi %scan3A_682, %scan3A_761 : i32
        %get3A_763 = arith.constant 0 : i32
        %get3A_764 = arith.constant 0 : i32
        %get3A_765 = arith.index_cast %get3A_763 : i32 to index
        %get3A_766 = arith.index_cast %get3A_764 : i32 to index
        %get3A_767 = arith.index_cast %scan3A_762 : i32 to index
        %get3A_768 = arith.constant 0 : index
        %get3A_769 = tpu.vector_load %arg6[%get3A_765, %get3A_766, %get3A_767, %get3A_768] {strides = array<i32>} : memref<2x4x128x64xf32, #tpu.memory_space<vmem>>, vector<1x1x1x16xf32>,
        %get3A_770 = vector.shape_cast %get3A_769 : vector<1x1x1x16xf32> to vector<16xf32>
        %mul3A_771 = arith.constant 8.000000e+00 : f32
        %mul3A_772 = vector.broadcast %mul3A_771 : f32 to vector<16xf32>
        %mul3A_773 = arith.mulf %get3A_770, %mul3A_772 : vector<16xf32>
        %swap3A_774 = arith.constant 0 : i32
        %swap3A_775 = arith.constant 0 : i32
        %swap3A_776 = arith.index_cast %swap3A_774 : i32 to index
        %swap3A_777 = arith.index_cast %swap3A_775 : i32 to index
        %swap3A_778 = arith.index_cast %scan3A_762 : i32 to index
        %swap3A_779 = arith.constant 0 : index
        %swap3A_780 = tpu.vector_load %arg6[%swap3A_776, %swap3A_777, %swap3A_778, %swap3A_779] {strides = array<i32>} : memref<2x4x128x64xf32, #tpu.memory_space<vmem>>, vector<1x1x1x16xf32>,
        %swap3A_781 = vector.shape_cast %swap3A_780 : vector<1x1x1x16xf32> to vector<16xf32>
        %swap3A_782 = vector.shape_cast %mul3A_773 : vector<16xf32> to vector<1x1x1x16xf32>
        tpu.vector_store %arg6[%swap3A_776, %swap3A_777, %swap3A_778, %swap3A_779], %swap3A_782 {strides = array<i32>} : memref<2x4x128x64xf32, #tpu.memory_space<vmem>>, vector<1x1x1x16xf32>,
        %get3A_783 = arith.constant 0 : i32
        %get3A_784 = arith.constant 0 : i32
        %get3A_785 = arith.index_cast %get3A_783 : i32 to index
        %get3A_786 = arith.index_cast %get3A_784 : i32 to index
        %get3A_787 = arith.index_cast %scan3A_762 : i32 to index
        %get3A_788 = arith.constant 16 : index
        %get3A_789 = tpu.vector_load %arg6[%get3A_785, %get3A_786, %get3A_787, %get3A_788] {strides = array<i32>} : memref<2x4x128x64xf32, #tpu.memory_space<vmem>>, vector<1x1x1x16xf32>,
        %get3A_790 = vector.shape_cast %get3A_789 : vector<1x1x1x16xf32> to vector<16xf32>
        %mul3A_791 = arith.constant 8.000000e+00 : f32
        %mul3A_792 = vector.broadcast %mul3A_791 : f32 to vector<16xf32>
        %mul3A_793 = arith.mulf %get3A_790, %mul3A_792 : vector<16xf32>
        %swap3A_794 = arith.constant 0 : i32
        %swap3A_795 = arith.constant 0 : i32
        %swap3A_796 = arith.index_cast %swap3A_794 : i32 to index
        %swap3A_797 = arith.index_cast %swap3A_795 : i32 to index
        %swap3A_798 = arith.index_cast %scan3A_762 : i32 to index
        %swap3A_799 = arith.constant 16 : index
        %swap3A_800 = tpu.vector_load %arg6[%swap3A_796, %swap3A_797, %swap3A_798, %swap3A_799] {strides = array<i32>} : memref<2x4x128x64xf32, #tpu.memory_space<vmem>>, vector<1x1x1x16xf32>,
        %swap3A_801 = vector.shape_cast %swap3A_800 : vector<1x1x1x16xf32> to vector<16xf32>
        %swap3A_802 = vector.shape_cast %mul3A_793 : vector<16xf32> to vector<1x1x1x16xf32>
        tpu.vector_store %arg6[%swap3A_796, %swap3A_797, %swap3A_798, %swap3A_799], %swap3A_802 {strides = array<i32>} : memref<2x4x128x64xf32, #tpu.memory_space<vmem>>, vector<1x1x1x16xf32>,
        %get3A_803 = arith.constant 0 : i32
        %get3A_804 = arith.constant 0 : i32
        %get3A_805 = arith.index_cast %get3A_803 : i32 to index
        %get3A_806 = arith.index_cast %get3A_804 : i32 to index
        %get3A_807 = arith.index_cast %scan3A_762 : i32 to index
        %get3A_808 = arith.constant 32 : index
        %get3A_809 = tpu.vector_load %arg6[%get3A_805, %get3A_806, %get3A_807, %get3A_808] {strides = array<i32>} : memref<2x4x128x64xf32, #tpu.memory_space<vmem>>, vector<1x1x1x16xf32>,
        %get3A_810 = vector.shape_cast %get3A_809 : vector<1x1x1x16xf32> to vector<16xf32>
        %mul3A_811 = arith.constant 8.000000e+00 : f32
        %mul3A_812 = vector.broadcast %mul3A_811 : f32 to vector<16xf32>
        %mul3A_813 = arith.mulf %get3A_810, %mul3A_812 : vector<16xf32>
        %swap3A_814 = arith.constant 0 : i32
        %swap3A_815 = arith.constant 0 : i32
        %swap3A_816 = arith.index_cast %swap3A_814 : i32 to index
        %swap3A_817 = arith.index_cast %swap3A_815 : i32 to index
        %swap3A_818 = arith.index_cast %scan3A_762 : i32 to index
        %swap3A_819 = arith.constant 32 : index
        %swap3A_820 = tpu.vector_load %arg6[%swap3A_816, %swap3A_817, %swap3A_818, %swap3A_819] {strides = array<i32>} : memref<2x4x128x64xf32, #tpu.memory_space<vmem>>, vector<1x1x1x16xf32>,
        %swap3A_821 = vector.shape_cast %swap3A_820 : vector<1x1x1x16xf32> to vector<16xf32>
        %swap3A_822 = vector.shape_cast %mul3A_813 : vector<16xf32> to vector<1x1x1x16xf32>
        tpu.vector_store %arg6[%swap3A_816, %swap3A_817, %swap3A_818, %swap3A_819], %swap3A_822 {strides = array<i32>} : memref<2x4x128x64xf32, #tpu.memory_space<vmem>>, vector<1x1x1x16xf32>,
        %get3A_823 = arith.constant 0 : i32
        %get3A_824 = arith.constant 0 : i32
        %get3A_825 = arith.index_cast %get3A_823 : i32 to index
        %get3A_826 = arith.index_cast %get3A_824 : i32 to index
        %get3A_827 = arith.index_cast %scan3A_762 : i32 to index
        %get3A_828 = arith.constant 48 : index
        %get3A_829 = tpu.vector_load %arg6[%get3A_825, %get3A_826, %get3A_827, %get3A_828] {strides = array<i32>} : memref<2x4x128x64xf32, #tpu.memory_space<vmem>>, vector<1x1x1x16xf32>,
        %get3A_830 = vector.shape_cast %get3A_829 : vector<1x1x1x16xf32> to vector<16xf32>
        %mul3A_831 = arith.constant 8.000000e+00 : f32
        %mul3A_832 = vector.broadcast %mul3A_831 : f32 to vector<16xf32>
        %mul3A_833 = arith.mulf %get3A_830, %mul3A_832 : vector<16xf32>
        %swap3A_834 = arith.constant 0 : i32
        %swap3A_835 = arith.constant 0 : i32
        %swap3A_836 = arith.index_cast %swap3A_834 : i32 to index
        %swap3A_837 = arith.index_cast %swap3A_835 : i32 to index
        %swap3A_838 = arith.index_cast %scan3A_762 : i32 to index
        %swap3A_839 = arith.constant 48 : index
        %swap3A_840 = tpu.vector_load %arg6[%swap3A_836, %swap3A_837, %swap3A_838, %swap3A_839] {strides = array<i32>} : memref<2x4x128x64xf32, #tpu.memory_space<vmem>>, vector<1x1x1x16xf32>,
        %swap3A_841 = vector.shape_cast %swap3A_840 : vector<1x1x1x16xf32> to vector<16xf32>
        %swap3A_842 = vector.shape_cast %mul3A_833 : vector<16xf32> to vector<1x1x1x16xf32>
        tpu.vector_store %arg6[%swap3A_836, %swap3A_837, %swap3A_838, %swap3A_839], %swap3A_842 {strides = array<i32>} : memref<2x4x128x64xf32, #tpu.memory_space<vmem>>, vector<1x1x1x16xf32>,
        %scan3A_843 = arith.constant 2 : i32
        %scan3A_844 = arith.addi %scan3A_682, %scan3A_843 : i32
        %get3A_845 = arith.constant 0 : i32
        %get3A_846 = arith.constant 0 : i32
        %get3A_847 = arith.index_cast %get3A_845 : i32 to index
        %get3A_848 = arith.index_cast %get3A_846 : i32 to index
        %get3A_849 = arith.index_cast %scan3A_844 : i32 to index
        %get3A_850 = arith.constant 0 : index
        %get3A_851 = tpu.vector_load %arg6[%get3A_847, %get3A_848, %get3A_849, %get3A_850] {strides = array<i32>} : memref<2x4x128x64xf32, #tpu.memory_space<vmem>>, vector<1x1x1x16xf32>,
        %get3A_852 = vector.shape_cast %get3A_851 : vector<1x1x1x16xf32> to vector<16xf32>
        %mul3A_853 = arith.constant 8.000000e+00 : f32
        %mul3A_854 = vector.broadcast %mul3A_853 : f32 to vector<16xf32>
        %mul3A_855 = arith.mulf %get3A_852, %mul3A_854 : vector<16xf32>
        %swap3A_856 = arith.constant 0 : i32
        %swap3A_857 = arith.constant 0 : i32
        %swap3A_858 = arith.index_cast %swap3A_856 : i32 to index
        %swap3A_859 = arith.index_cast %swap3A_857 : i32 to index
        %swap3A_860 = arith.index_cast %scan3A_844 : i32 to index
        %swap3A_861 = arith.constant 0 : index
        %swap3A_862 = tpu.vector_load %arg6[%swap3A_858, %swap3A_859, %swap3A_860, %swap3A_861] {strides = array<i32>} : memref<2x4x128x64xf32, #tpu.memory_space<vmem>>, vector<1x1x1x16xf32>,
        %swap3A_863 = vector.shape_cast %swap3A_862 : vector<1x1x1x16xf32> to vector<16xf32>
        %swap3A_864 = vector.shape_cast %mul3A_855 : vector<16xf32> to vector<1x1x1x16xf32>
        tpu.vector_store %arg6[%swap3A_858, %swap3A_859, %swap3A_860, %swap3A_861], %swap3A_864 {strides = array<i32>} : memref<2x4x128x64xf32, #tpu.memory_space<vmem>>, vector<1x1x1x16xf32>,
        %get3A_865 = arith.constant 0 : i32
        %get3A_866 = arith.constant 0 : i32
        %get3A_867 = arith.index_cast %get3A_865 : i32 to index
        %get3A_868 = arith.index_cast %get3A_866 : i32 to index
        %get3A_869 = arith.index_cast %scan3A_844 : i32 to index
        %get3A_870 = arith.constant 16 : index
        %get3A_871 = tpu.vector_load %arg6[%get3A_867, %get3A_868, %get3A_869, %get3A_870] {strides = array<i32>} : memref<2x4x128x64xf32, #tpu.memory_space<vmem>>, vector<1x1x1x16xf32>,
        %get3A_872 = vector.shape_cast %get3A_871 : vector<1x1x1x16xf32> to vector<16xf32>
        %mul3A_873 = arith.constant 8.000000e+00 : f32
        %mul3A_874 = vector.broadcast %mul3A_873 : f32 to vector<16xf32>
        %mul3A_875 = arith.mulf %get3A_872, %mul3A_874 : vector<16xf32>
        %swap3A_876 = arith.constant 0 : i32
        %swap3A_877 = arith.constant 0 : i32
        %swap3A_878 = arith.index_cast %swap3A_876 : i32 to index
        %swap3A_879 = arith.index_cast %swap3A_877 : i32 to index
        %swap3A_880 = arith.index_cast %scan3A_844 : i32 to index
        %swap3A_881 = arith.constant 16 : index
        %swap3A_882 = tpu.vector_load %arg6[%swap3A_878, %swap3A_879, %swap3A_880, %swap3A_881] {strides = array<i32>} : memref<2x4x128x64xf32, #tpu.memory_space<vmem>>, vector<1x1x1x16xf32>,
        %swap3A_883 = vector.shape_cast %swap3A_882 : vector<1x1x1x16xf32> to vector<16xf32>
        %swap3A_884 = vector.shape_cast %mul3A_875 : vector<16xf32> to vector<1x1x1x16xf32>
        tpu.vector_store %arg6[%swap3A_878, %swap3A_879, %swap3A_880, %swap3A_881], %swap3A_884 {strides = array<i32>} : memref<2x4x128x64xf32, #tpu.memory_space<vmem>>, vector<1x1x1x16xf32>,
        %get3A_885 = arith.constant 0 : i32
        %get3A_886 = arith.constant 0 : i32
        %get3A_887 = arith.index_cast %get3A_885 : i32 to index
        %get3A_888 = arith.index_cast %get3A_886 : i32 to index
        %get3A_889 = arith.index_cast %scan3A_844 : i32 to index
        %get3A_890 = arith.constant 32 : index
        %get3A_891 = tpu.vector_load %arg6[%get3A_887, %get3A_888, %get3A_889, %get3A_890] {strides = array<i32>} : memref<2x4x128x64xf32, #tpu.memory_space<vmem>>, vector<1x1x1x16xf32>,
        %get3A_892 = vector.shape_cast %get3A_891 : vector<1x1x1x16xf32> to vector<16xf32>
        %mul3A_893 = arith.constant 8.000000e+00 : f32
        %mul3A_894 = vector.broadcast %mul3A_893 : f32 to vector<16xf32>
        %mul3A_895 = arith.mulf %get3A_892, %mul3A_894 : vector<16xf32>
        %swap3A_896 = arith.constant 0 : i32
        %swap3A_897 = arith.constant 0 : i32
        %swap3A_898 = arith.index_cast %swap3A_896 : i32 to index
        %swap3A_899 = arith.index_cast %swap3A_897 : i32 to index
        %swap3A_900 = arith.index_cast %scan3A_844 : i32 to index
        %swap3A_901 = arith.constant 32 : index
        %swap3A_902 = tpu.vector_load %arg6[%swap3A_898, %swap3A_899, %swap3A_900, %swap3A_901] {strides = array<i32>} : memref<2x4x128x64xf32, #tpu.memory_space<vmem>>, vector<1x1x1x16xf32>,
        %swap3A_903 = vector.shape_cast %swap3A_902 : vector<1x1x1x16xf32> to vector<16xf32>
        %swap3A_904 = vector.shape_cast %mul3A_895 : vector<16xf32> to vector<1x1x1x16xf32>
        tpu.vector_store %arg6[%swap3A_898, %swap3A_899, %swap3A_900, %swap3A_901], %swap3A_904 {strides = array<i32>} : memref<2x4x128x64xf32, #tpu.memory_space<vmem>>, vector<1x1x1x16xf32>,
        %get3A_905 = arith.constant 0 : i32
        %get3A_906 = arith.constant 0 : i32
        %get3A_907 = arith.index_cast %get3A_905 : i32 to index
        %get3A_908 = arith.index_cast %get3A_906 : i32 to index
        %get3A_909 = arith.index_cast %scan3A_844 : i32 to index
        %get3A_910 = arith.constant 48 : index
        %get3A_911 = tpu.vector_load %arg6[%get3A_907, %get3A_908, %get3A_909, %get3A_910] {strides = array<i32>} : memref<2x4x128x64xf32, #tpu.memory_space<vmem>>, vector<1x1x1x16xf32>,
        %get3A_912 = vector.shape_cast %get3A_911 : vector<1x1x1x16xf32> to vector<16xf32>
        %mul3A_913 = arith.constant 8.000000e+00 : f32
        %mul3A_914 = vector.broadcast %mul3A_913 : f32 to vector<16xf32>
        %mul3A_915 = arith.mulf %get3A_912, %mul3A_914 : vector<16xf32>
        %swap3A_916 = arith.constant 0 : i32
        %swap3A_917 = arith.constant 0 : i32
        %swap3A_918 = arith.index_cast %swap3A_916 : i32 to index
        %swap3A_919 = arith.index_cast %swap3A_917 : i32 to index
        %swap3A_920 = arith.index_cast %scan3A_844 : i32 to index
        %swap3A_921 = arith.constant 48 : index
        %swap3A_922 = tpu.vector_load %arg6[%swap3A_918, %swap3A_919, %swap3A_920, %swap3A_921] {strides = array<i32>} : memref<2x4x128x64xf32, #tpu.memory_space<vmem>>, vector<1x1x1x16xf32>,
        %swap3A_923 = vector.shape_cast %swap3A_922 : vector<1x1x1x16xf32> to vector<16xf32>
        %swap3A_924 = vector.shape_cast %mul3A_915 : vector<16xf32> to vector<1x1x1x16xf32>
        tpu.vector_store %arg6[%swap3A_918, %swap3A_919, %swap3A_920, %swap3A_921], %swap3A_924 {strides = array<i32>} : memref<2x4x128x64xf32, #tpu.memory_space<vmem>>, vector<1x1x1x16xf32>,
        %scan3A_925 = arith.constant 3 : i32
        %scan3A_926 = arith.addi %scan3A_682, %scan3A_925 : i32
        %get3A_927 = arith.constant 0 : i32
        %get3A_928 = arith.constant 0 : i32
        %get3A_929 = arith.index_cast %get3A_927 : i32 to index
        %get3A_930 = arith.index_cast %get3A_928 : i32 to index
        %get3A_931 = arith.index_cast %scan3A_926 : i32 to index
        %get3A_932 = arith.constant 0 : index
        %get3A_933 = tpu.vector_load %arg6[%get3A_929, %get3A_930, %get3A_931, %get3A_932] {strides = array<i32>} : memref<2x4x128x64xf32, #tpu.memory_space<vmem>>, vector<1x1x1x16xf32>,
        %get3A_934 = vector.shape_cast %get3A_933 : vector<1x1x1x16xf32> to vector<16xf32>
        %mul3A_935 = arith.constant 8.000000e+00 : f32
        %mul3A_936 = vector.broadcast %mul3A_935 : f32 to vector<16xf32>
        %mul3A_937 = arith.mulf %get3A_934, %mul3A_936 : vector<16xf32>
        %swap3A_938 = arith.constant 0 : i32
        %swap3A_939 = arith.constant 0 : i32
        %swap3A_940 = arith.index_cast %swap3A_938 : i32 to index
        %swap3A_941 = arith.index_cast %swap3A_939 : i32 to index
        %swap3A_942 = arith.index_cast %scan3A_926 : i32 to index
        %swap3A_943 = arith.constant 0 : index
        %swap3A_944 = tpu.vector_load %arg6[%swap3A_940, %swap3A_941, %swap3A_942, %swap3A_943] {strides = array<i32>} : memref<2x4x128x64xf32, #tpu.memory_space<vmem>>, vector<1x1x1x16xf32>,
        %swap3A_945 = vector.shape_cast %swap3A_944 : vector<1x1x1x16xf32> to vector<16xf32>
        %swap3A_946 = vector.shape_cast %mul3A_937 : vector<16xf32> to vector<1x1x1x16xf32>
        tpu.vector_store %arg6[%swap3A_940, %swap3A_941, %swap3A_942, %swap3A_943], %swap3A_946 {strides = array<i32>} : memref<2x4x128x64xf32, #tpu.memory_space<vmem>>, vector<1x1x1x16xf32>,
        %get3A_947 = arith.constant 0 : i32
        %get3A_948 = arith.constant 0 : i32
        %get3A_949 = arith.index_cast %get3A_947 : i32 to index
        %get3A_950 = arith.index_cast %get3A_948 : i32 to index
        %get3A_951 = arith.index_cast %scan3A_926 : i32 to index
        %get3A_952 = arith.constant 16 : index
        %get3A_953 = tpu.vector_load %arg6[%get3A_949, %get3A_950, %get3A_951, %get3A_952] {strides = array<i32>} : memref<2x4x128x64xf32, #tpu.memory_space<vmem>>, vector<1x1x1x16xf32>,
        %get3A_954 = vector.shape_cast %get3A_953 : vector<1x1x1x16xf32> to vector<16xf32>
        %mul3A_955 = arith.constant 8.000000e+00 : f32
        %mul3A_956 = vector.broadcast %mul3A_955 : f32 to vector<16xf32>
        %mul3A_957 = arith.mulf %get3A_954, %mul3A_956 : vector<16xf32>
        %swap3A_958 = arith.constant 0 : i32
        %swap3A_959 = arith.constant 0 : i32
        %swap3A_960 = arith.index_cast %swap3A_958 : i32 to index
        %swap3A_961 = arith.index_cast %swap3A_959 : i32 to index
        %swap3A_962 = arith.index_cast %scan3A_926 : i32 to index
        %swap3A_963 = arith.constant 16 : index
        %swap3A_964 = tpu.vector_load %arg6[%swap3A_960, %swap3A_961, %swap3A_962, %swap3A_963] {strides = array<i32>} : memref<2x4x128x64xf32, #tpu.memory_space<vmem>>, vector<1x1x1x16xf32>,
        %swap3A_965 = vector.shape_cast %swap3A_964 : vector<1x1x1x16xf32> to vector<16xf32>
        %swap3A_966 = vector.shape_cast %mul3A_957 : vector<16xf32> to vector<1x1x1x16xf32>
        tpu.vector_store %arg6[%swap3A_960, %swap3A_961, %swap3A_962, %swap3A_963], %swap3A_966 {strides = array<i32>} : memref<2x4x128x64xf32, #tpu.memory_space<vmem>>, vector<1x1x1x16xf32>,
        %get3A_967 = arith.constant 0 : i32
        %get3A_968 = arith.constant 0 : i32
        %get3A_969 = arith.index_cast %get3A_967 : i32 to index
        %get3A_970 = arith.index_cast %get3A_968 : i32 to index
        %get3A_971 = arith.index_cast %scan3A_926 : i32 to index
        %get3A_972 = arith.constant 32 : index
        %get3A_973 = tpu.vector_load %arg6[%get3A_969, %get3A_970, %get3A_971, %get3A_972] {strides = array<i32>} : memref<2x4x128x64xf32, #tpu.memory_space<vmem>>, vector<1x1x1x16xf32>,
        %get3A_974 = vector.shape_cast %get3A_973 : vector<1x1x1x16xf32> to vector<16xf32>
        %mul3A_975 = arith.constant 8.000000e+00 : f32
        %mul3A_976 = vector.broadcast %mul3A_975 : f32 to vector<16xf32>
        %mul3A_977 = arith.mulf %get3A_974, %mul3A_976 : vector<16xf32>
        %swap3A_978 = arith.constant 0 : i32
        %swap3A_979 = arith.constant 0 : i32
        %swap3A_980 = arith.index_cast %swap3A_978 : i32 to index
        %swap3A_981 = arith.index_cast %swap3A_979 : i32 to index
        %swap3A_982 = arith.index_cast %scan3A_926 : i32 to index
        %swap3A_983 = arith.constant 32 : index
        %swap3A_984 = tpu.vector_load %arg6[%swap3A_980, %swap3A_981, %swap3A_982, %swap3A_983] {strides = array<i32>} : memref<2x4x128x64xf32, #tpu.memory_space<vmem>>, vector<1x1x1x16xf32>,
        %swap3A_985 = vector.shape_cast %swap3A_984 : vector<1x1x1x16xf32> to vector<16xf32>
        %swap3A_986 = vector.shape_cast %mul3A_977 : vector<16xf32> to vector<1x1x1x16xf32>
        tpu.vector_store %arg6[%swap3A_980, %swap3A_981, %swap3A_982, %swap3A_983], %swap3A_986 {strides = array<i32>} : memref<2x4x128x64xf32, #tpu.memory_space<vmem>>, vector<1x1x1x16xf32>,
        %get3A_987 = arith.constant 0 : i32
        %get3A_988 = arith.constant 0 : i32
        %get3A_989 = arith.index_cast %get3A_987 : i32 to index
        %get3A_990 = arith.index_cast %get3A_988 : i32 to index
        %get3A_991 = arith.index_cast %scan3A_926 : i32 to index
        %get3A_992 = arith.constant 48 : index
        %get3A_993 = tpu.vector_load %arg6[%get3A_989, %get3A_990, %get3A_991, %get3A_992] {strides = array<i32>} : memref<2x4x128x64xf32, #tpu.memory_space<vmem>>, vector<1x1x1x16xf32>,
        %get3A_994 = vector.shape_cast %get3A_993 : vector<1x1x1x16xf32> to vector<16xf32>
        %mul3A_995 = arith.constant 8.000000e+00 : f32
        %mul3A_996 = vector.broadcast %mul3A_995 : f32 to vector<16xf32>
        %mul3A_997 = arith.mulf %get3A_994, %mul3A_996 : vector<16xf32>
        %swap3A_998 = arith.constant 0 : i32
        %swap3A_999 = arith.constant 0 : i32
        %swap3A_1000 = arith.index_cast %swap3A_998 : i32 to index
        %swap3A_1001 = arith.index_cast %swap3A_999 : i32 to index
        %swap3A_1002 = arith.index_cast %scan3A_926 : i32 to index
        %swap3A_1003 = arith.constant 48 : index
        %swap3A_1004 = tpu.vector_load %arg6[%swap3A_1000, %swap3A_1001, %swap3A_1002, %swap3A_1003] {strides = array<i32>} : memref<2x4x128x64xf32, #tpu.memory_space<vmem>>, vector<1x1x1x16xf32>,
        %swap3A_1005 = vector.shape_cast %swap3A_1004 : vector<1x1x1x16xf32> to vector<16xf32>
        %swap3A_1006 = vector.shape_cast %mul3A_997 : vector<16xf32> to vector<1x1x1x16xf32>
        tpu.vector_store %arg6[%swap3A_1000, %swap3A_1001, %swap3A_1002, %swap3A_1003], %swap3A_1006 {strides = array<i32>} : memref<2x4x128x64xf32, #tpu.memory_space<vmem>>, vector<1x1x1x16xf32>,
      }
      %scan3A_284 = arith.constant 128 : i32
      %mul3A_285 = arith.constant 2 : i32
      %mul3A_286 = arith.muli %mul3A_140, %mul3A_285 : i32
      %add3A_287 = arith.constant 0 : i32
      %add3A_288 = arith.addi %mul3A_286, %add3A_287 : i32
      %add3A_289 = arith.addi %mul3A_2, %add3A_288 : i32
      %dma_start3A_290 = arith.constant 0 : i32
      %dma_start3A_291 = arith.constant 0 : i32
      %dma_start3A_292 = arith.constant 0 : i32
      %dma_start3A_293 = arith.constant 0 : i32
      %dma_start3A_294 = tpu.memref_slice %arg6[%dma_start3A_290, %dma_start3A_291, %dma_start3A_292, %dma_start3A_293] : memref<2x4x128x64xf32, #tpu.memory_space<vmem>> -> memref<1x1x128x64xf32, #tpu.memory_space<vmem>>
      %dma_start3A_295 = tpu.memref_squeeze %dma_start3A_294 : memref<1x1x128x64xf32, #tpu.memory_space<vmem>> -> memref<128x64xf32, #tpu.memory_space<vmem>>
      %dma_start3A_296 = arith.constant 0 : i32
      %dma_start3A_297 = arith.constant 0 : i32
      %dma_start3A_298 = tpu.memref_slice %arg4[%add3A_289, %dma_start3A_296, %dma_start3A_297] : memref<4096x200x64xf32, #tpu.memory_space<hbm>> -> memref<1x128x64xf32, #tpu.memory_space<hbm>>
      %dma_start3A_299 = tpu.memref_squeeze %dma_start3A_298 : memref<1x128x64xf32, #tpu.memory_space<hbm>> -> memref<128x64xf32, #tpu.memory_space<hbm>>
      %dma_start3A_300 = arith.constant 0 : i32
      %dma_start3A_301 = arith.constant 0 : i32
      %dma_start3A_302 = tpu.memref_slice %arg4[%add3A_289, %dma_start3A_300, %dma_start3A_301] : memref<4096x200x64xf32, #tpu.memory_space<hbm>> -> memref<1x128x64xf32, #tpu.memory_space<hbm>>
      %dma_start3A_303 = tpu.memref_squeeze %dma_start3A_302 : memref<1x128x64xf32, #tpu.memory_space<hbm>> -> memref<128x64xf32, #tpu.memory_space<hbm>>
      %dma_start3A_304 = arith.constant 0 : i32
      %dma_start3A_305 = arith.constant 0 : i32
      %dma_start3A_306 = tpu.memref_slice %arg6[%dma_start3A_290, %dma_start3A_291, %dma_start3A_304, %dma_start3A_305] : memref<2x4x128x64xf32, #tpu.memory_space<vmem>> -> memref<1x1x128x64xf32, #tpu.memory_space<vmem>>
      %dma_start3A_307 = tpu.memref_squeeze %dma_start3A_306 : memref<1x1x128x64xf32, #tpu.memory_space<vmem>> -> memref<128x64xf32, #tpu.memory_space<vmem>>
      tpu.enqueue_dma source(%dma_start3A_307 : memref<128x64xf32, #tpu.memory_space<vmem>>) target(%dma_start3A_303 : memref<128x64xf32, #tpu.memory_space<hbm>>) target_semaphore(%arg9 : memref<!tpu.dma_semaphore, #tpu.memory_space<semaphore_mem>>)
      %scan3A_308 = arith.constant 0 : i32
      %scan3A_309 = arith.constant 0 : i32
      %scan3A_310 = arith.constant 72 : i32
      %scan3A_311 = arith.addi %scan3A_309, %scan3A_310 : i32
      %scan3A_312 = arith.constant 4 : i32
      scf.for %scan3A_682 = %scan3A_309 to %scan3A_311 step %scan3A_312  : i32 {
        %get3A = arith.constant 0 : i32
        %get3A_683 = arith.constant 1 : i32
        %get3A_684 = arith.index_cast %get3A : i32 to index
        %get3A_685 = arith.index_cast %get3A_683 : i32 to index
        %get3A_686 = arith.index_cast %scan3A_682 : i32 to index
        %get3A_687 = arith.constant 0 : index
        %get3A_688 = tpu.vector_load %arg6[%get3A_684, %get3A_685, %get3A_686, %get3A_687] {strides = array<i32>} : memref<2x4x128x64xf32, #tpu.memory_space<vmem>>, vector<1x1x1x16xf32>,
        %get3A_689 = vector.shape_cast %get3A_688 : vector<1x1x1x16xf32> to vector<16xf32>
        %mul3A_690 = arith.constant 8.000000e+00 : f32
        %mul3A_691 = vector.broadcast %mul3A_690 : f32 to vector<16xf32>
        %mul3A_692 = arith.mulf %get3A_689, %mul3A_691 : vector<16xf32>
        %swap3A = arith.constant 0 : i32
        %swap3A_693 = arith.constant 1 : i32
        %swap3A_694 = arith.index_cast %swap3A : i32 to index
        %swap3A_695 = arith.index_cast %swap3A_693 : i32 to index
        %swap3A_696 = arith.index_cast %scan3A_682 : i32 to index
        %swap3A_697 = arith.constant 0 : index
        %swap3A_698 = tpu.vector_load %arg6[%swap3A_694, %swap3A_695, %swap3A_696, %swap3A_697] {strides = array<i32>} : memref<2x4x128x64xf32, #tpu.memory_space<vmem>>, vector<1x1x1x16xf32>,
        %swap3A_699 = vector.shape_cast %swap3A_698 : vector<1x1x1x16xf32> to vector<16xf32>
        %swap3A_700 = vector.shape_cast %mul3A_692 : vector<16xf32> to vector<1x1x1x16xf32>
        tpu.vector_store %arg6[%swap3A_694, %swap3A_695, %swap3A_696, %swap3A_697], %swap3A_700 {strides = array<i32>} : memref<2x4x128x64xf32, #tpu.memory_space<vmem>>, vector<1x1x1x16xf32>,
        %get3A_701 = arith.constant 0 : i32
        %get3A_702 = arith.constant 1 : i32
        %get3A_703 = arith.index_cast %get3A_701 : i32 to index
        %get3A_704 = arith.index_cast %get3A_702 : i32 to index
        %get3A_705 = arith.index_cast %scan3A_682 : i32 to index
        %get3A_706 = arith.constant 16 : index
        %get3A_707 = tpu.vector_load %arg6[%get3A_703, %get3A_704, %get3A_705, %get3A_706] {strides = array<i32>} : memref<2x4x128x64xf32, #tpu.memory_space<vmem>>, vector<1x1x1x16xf32>,
        %get3A_708 = vector.shape_cast %get3A_707 : vector<1x1x1x16xf32> to vector<16xf32>
        %mul3A_709 = arith.constant 8.000000e+00 : f32
        %mul3A_710 = vector.broadcast %mul3A_709 : f32 to vector<16xf32>
        %mul3A_711 = arith.mulf %get3A_708, %mul3A_710 : vector<16xf32>
        %swap3A_712 = arith.constant 0 : i32
        %swap3A_713 = arith.constant 1 : i32
        %swap3A_714 = arith.index_cast %swap3A_712 : i32 to index
        %swap3A_715 = arith.index_cast %swap3A_713 : i32 to index
        %swap3A_716 = arith.index_cast %scan3A_682 : i32 to index
        %swap3A_717 = arith.constant 16 : index
        %swap3A_718 = tpu.vector_load %arg6[%swap3A_714, %swap3A_715, %swap3A_716, %swap3A_717] {strides = array<i32>} : memref<2x4x128x64xf32, #tpu.memory_space<vmem>>, vector<1x1x1x16xf32>,
        %swap3A_719 = vector.shape_cast %swap3A_718 : vector<1x1x1x16xf32> to vector<16xf32>
        %swap3A_720 = vector.shape_cast %mul3A_711 : vector<16xf32> to vector<1x1x1x16xf32>
        tpu.vector_store %arg6[%swap3A_714, %swap3A_715, %swap3A_716, %swap3A_717], %swap3A_720 {strides = array<i32>} : memref<2x4x128x64xf32, #tpu.memory_space<vmem>>, vector<1x1x1x16xf32>,
        %get3A_721 = arith.constant 0 : i32
        %get3A_722 = arith.constant 1 : i32
        %get3A_723 = arith.index_cast %get3A_721 : i32 to index
        %get3A_724 = arith.index_cast %get3A_722 : i32 to index
        %get3A_725 = arith.index_cast %scan3A_682 : i32 to index
        %get3A_726 = arith.constant 32 : index
        %get3A_727 = tpu.vector_load %arg6[%get3A_723, %get3A_724, %get3A_725, %get3A_726] {strides = array<i32>} : memref<2x4x128x64xf32, #tpu.memory_space<vmem>>, vector<1x1x1x16xf32>,
        %get3A_728 = vector.shape_cast %get3A_727 : vector<1x1x1x16xf32> to vector<16xf32>
        %mul3A_729 = arith.constant 8.000000e+00 : f32
        %mul3A_730 = vector.broadcast %mul3A_729 : f32 to vector<16xf32>
        %mul3A_731 = arith.mulf %get3A_728, %mul3A_730 : vector<16xf32>
        %swap3A_732 = arith.constant 0 : i32
        %swap3A_733 = arith.constant 1 : i32
        %swap3A_734 = arith.index_cast %swap3A_732 : i32 to index
        %swap3A_735 = arith.index_cast %swap3A_733 : i32 to index
        %swap3A_736 = arith.index_cast %scan3A_682 : i32 to index
        %swap3A_737 = arith.constant 32 : index
        %swap3A_738 = tpu.vector_load %arg6[%swap3A_734, %swap3A_735, %swap3A_736, %swap3A_737] {strides = array<i32>} : memref<2x4x128x64xf32, #tpu.memory_space<vmem>>, vector<1x1x1x16xf32>,
        %swap3A_739 = vector.shape_cast %swap3A_738 : vector<1x1x1x16xf32> to vector<16xf32>
        %swap3A_740 = vector.shape_cast %mul3A_731 : vector<16xf32> to vector<1x1x1x16xf32>
        tpu.vector_store %arg6[%swap3A_734, %swap3A_735, %swap3A_736, %swap3A_737], %swap3A_740 {strides = array<i32>} : memref<2x4x128x64xf32, #tpu.memory_space<vmem>>, vector<1x1x1x16xf32>,
        %get3A_741 = arith.constant 0 : i32
        %get3A_742 = arith.constant 1 : i32
        %get3A_743 = arith.index_cast %get3A_741 : i32 to index
        %get3A_744 = arith.index_cast %get3A_742 : i32 to index
        %get3A_745 = arith.index_cast %scan3A_682 : i32 to index
        %get3A_746 = arith.constant 48 : index
        %get3A_747 = tpu.vector_load %arg6[%get3A_743, %get3A_744, %get3A_745, %get3A_746] {strides = array<i32>} : memref<2x4x128x64xf32, #tpu.memory_space<vmem>>, vector<1x1x1x16xf32>,
        %get3A_748 = vector.shape_cast %get3A_747 : vector<1x1x1x16xf32> to vector<16xf32>
        %mul3A_749 = arith.constant 8.000000e+00 : f32
        %mul3A_750 = vector.broadcast %mul3A_749 : f32 to vector<16xf32>
        %mul3A_751 = arith.mulf %get3A_748, %mul3A_750 : vector<16xf32>
        %swap3A_752 = arith.constant 0 : i32
        %swap3A_753 = arith.constant 1 : i32
        %swap3A_754 = arith.index_cast %swap3A_752 : i32 to index
        %swap3A_755 = arith.index_cast %swap3A_753 : i32 to index
        %swap3A_756 = arith.index_cast %scan3A_682 : i32 to index
        %swap3A_757 = arith.constant 48 : index
        %swap3A_758 = tpu.vector_load %arg6[%swap3A_754, %swap3A_755, %swap3A_756, %swap3A_757] {strides = array<i32>} : memref<2x4x128x64xf32, #tpu.memory_space<vmem>>, vector<1x1x1x16xf32>,
        %swap3A_759 = vector.shape_cast %swap3A_758 : vector<1x1x1x16xf32> to vector<16xf32>
        %swap3A_760 = vector.shape_cast %mul3A_751 : vector<16xf32> to vector<1x1x1x16xf32>
        tpu.vector_store %arg6[%swap3A_754, %swap3A_755, %swap3A_756, %swap3A_757], %swap3A_760 {strides = array<i32>} : memref<2x4x128x64xf32, #tpu.memory_space<vmem>>, vector<1x1x1x16xf32>,
        %scan3A_761 = arith.constant 1 : i32
        %scan3A_762 = arith.addi %scan3A_682, %scan3A_761 : i32
        %get3A_763 = arith.constant 0 : i32
        %get3A_764 = arith.constant 1 : i32
        %get3A_765 = arith.index_cast %get3A_763 : i32 to index
        %get3A_766 = arith.index_cast %get3A_764 : i32 to index
        %get3A_767 = arith.index_cast %scan3A_762 : i32 to index
        %get3A_768 = arith.constant 0 : index
        %get3A_769 = tpu.vector_load %arg6[%get3A_765, %get3A_766, %get3A_767, %get3A_768] {strides = array<i32>} : memref<2x4x128x64xf32, #tpu.memory_space<vmem>>, vector<1x1x1x16xf32>,
        %get3A_770 = vector.shape_cast %get3A_769 : vector<1x1x1x16xf32> to vector<16xf32>
        %mul3A_771 = arith.constant 8.000000e+00 : f32
        %mul3A_772 = vector.broadcast %mul3A_771 : f32 to vector<16xf32>
        %mul3A_773 = arith.mulf %get3A_770, %mul3A_772 : vector<16xf32>
        %swap3A_774 = arith.constant 0 : i32
        %swap3A_775 = arith.constant 1 : i32
        %swap3A_776 = arith.index_cast %swap3A_774 : i32 to index
        %swap3A_777 = arith.index_cast %swap3A_775 : i32 to index
        %swap3A_778 = arith.index_cast %scan3A_762 : i32 to index
        %swap3A_779 = arith.constant 0 : index
        %swap3A_780 = tpu.vector_load %arg6[%swap3A_776, %swap3A_777, %swap3A_778, %swap3A_779] {strides = array<i32>} : memref<2x4x128x64xf32, #tpu.memory_space<vmem>>, vector<1x1x1x16xf32>,
        %swap3A_781 = vector.shape_cast %swap3A_780 : vector<1x1x1x16xf32> to vector<16xf32>
        %swap3A_782 = vector.shape_cast %mul3A_773 : vector<16xf32> to vector<1x1x1x16xf32>
        tpu.vector_store %arg6[%swap3A_776, %swap3A_777, %swap3A_778, %swap3A_779], %swap3A_782 {strides = array<i32>} : memref<2x4x128x64xf32, #tpu.memory_space<vmem>>, vector<1x1x1x16xf32>,
        %get3A_783 = arith.constant 0 : i32
        %get3A_784 = arith.constant 1 : i32
        %get3A_785 = arith.index_cast %get3A_783 : i32 to index
        %get3A_786 = arith.index_cast %get3A_784 : i32 to index
        %get3A_787 = arith.index_cast %scan3A_762 : i32 to index
        %get3A_788 = arith.constant 16 : index
        %get3A_789 = tpu.vector_load %arg6[%get3A_785, %get3A_786, %get3A_787, %get3A_788] {strides = array<i32>} : memref<2x4x128x64xf32, #tpu.memory_space<vmem>>, vector<1x1x1x16xf32>,
        %get3A_790 = vector.shape_cast %get3A_789 : vector<1x1x1x16xf32> to vector<16xf32>
        %mul3A_791 = arith.constant 8.000000e+00 : f32
        %mul3A_792 = vector.broadcast %mul3A_791 : f32 to vector<16xf32>
        %mul3A_793 = arith.mulf %get3A_790, %mul3A_792 : vector<16xf32>
        %swap3A_794 = arith.constant 0 : i32
        %swap3A_795 = arith.constant 1 : i32
        %swap3A_796 = arith.index_cast %swap3A_794 : i32 to index
        %swap3A_797 = arith.index_cast %swap3A_795 : i32 to index
        %swap3A_798 = arith.index_cast %scan3A_762 : i32 to index
        %swap3A_799 = arith.constant 16 : index
        %swap3A_800 = tpu.vector_load %arg6[%swap3A_796, %swap3A_797, %swap3A_798, %swap3A_799] {strides = array<i32>} : memref<2x4x128x64xf32, #tpu.memory_space<vmem>>, vector<1x1x1x16xf32>,
        %swap3A_801 = vector.shape_cast %swap3A_800 : vector<1x1x1x16xf32> to vector<16xf32>
        %swap3A_802 = vector.shape_cast %mul3A_793 : vector<16xf32> to vector<1x1x1x16xf32>
        tpu.vector_store %arg6[%swap3A_796, %swap3A_797, %swap3A_798, %swap3A_799], %swap3A_802 {strides = array<i32>} : memref<2x4x128x64xf32, #tpu.memory_space<vmem>>, vector<1x1x1x16xf32>,
        %get3A_803 = arith.constant 0 : i32
        %get3A_804 = arith.constant 1 : i32
        %get3A_805 = arith.index_cast %get3A_803 : i32 to index
        %get3A_806 = arith.index_cast %get3A_804 : i32 to index
        %get3A_807 = arith.index_cast %scan3A_762 : i32 to index
        %get3A_808 = arith.constant 32 : index
        %get3A_809 = tpu.vector_load %arg6[%get3A_805, %get3A_806, %get3A_807, %get3A_808] {strides = array<i32>} : memref<2x4x128x64xf32, #tpu.memory_space<vmem>>, vector<1x1x1x16xf32>,
        %get3A_810 = vector.shape_cast %get3A_809 : vector<1x1x1x16xf32> to vector<16xf32>
        %mul3A_811 = arith.constant 8.000000e+00 : f32
        %mul3A_812 = vector.broadcast %mul3A_811 : f32 to vector<16xf32>
        %mul3A_813 = arith.mulf %get3A_810, %mul3A_812 : vector<16xf32>
        %swap3A_814 = arith.constant 0 : i32
        %swap3A_815 = arith.constant 1 : i32
        %swap3A_816 = arith.index_cast %swap3A_814 : i32 to index
        %swap3A_817 = arith.index_cast %swap3A_815 : i32 to index
        %swap3A_818 = arith.index_cast %scan3A_762 : i32 to index
        %swap3A_819 = arith.constant 32 : index
        %swap3A_820 = tpu.vector_load %arg6[%swap3A_816, %swap3A_817, %swap3A_818, %swap3A_819] {strides = array<i32>} : memref<2x4x128x64xf32, #tpu.memory_space<vmem>>, vector<1x1x1x16xf32>,
        %swap3A_821 = vector.shape_cast %swap3A_820 : vector<1x1x1x16xf32> to vector<16xf32>
        %swap3A_822 = vector.shape_cast %mul3A_813 : vector<16xf32> to vector<1x1x1x16xf32>
        tpu.vector_store %arg6[%swap3A_816, %swap3A_817, %swap3A_818, %swap3A_819], %swap3A_822 {strides = array<i32>} : memref<2x4x128x64xf32, #tpu.memory_space<vmem>>, vector<1x1x1x16xf32>,
        %get3A_823 = arith.constant 0 : i32
        %get3A_824 = arith.constant 1 : i32
        %get3A_825 = arith.index_cast %get3A_823 : i32 to index
        %get3A_826 = arith.index_cast %get3A_824 : i32 to index
        %get3A_827 = arith.index_cast %scan3A_762 : i32 to index
        %get3A_828 = arith.constant 48 : index
        %get3A_829 = tpu.vector_load %arg6[%get3A_825, %get3A_826, %get3A_827, %get3A_828] {strides = array<i32>} : memref<2x4x128x64xf32, #tpu.memory_space<vmem>>, vector<1x1x1x16xf32>,
        %get3A_830 = vector.shape_cast %get3A_829 : vector<1x1x1x16xf32> to vector<16xf32>
        %mul3A_831 = arith.constant 8.000000e+00 : f32
        %mul3A_832 = vector.broadcast %mul3A_831 : f32 to vector<16xf32>
        %mul3A_833 = arith.mulf %get3A_830, %mul3A_832 : vector<16xf32>
        %swap3A_834 = arith.constant 0 : i32
        %swap3A_835 = arith.constant 1 : i32
        %swap3A_836 = arith.index_cast %swap3A_834 : i32 to index
        %swap3A_837 = arith.index_cast %swap3A_835 : i32 to index
        %swap3A_838 = arith.index_cast %scan3A_762 : i32 to index
        %swap3A_839 = arith.constant 48 : index
        %swap3A_840 = tpu.vector_load %arg6[%swap3A_836, %swap3A_837, %swap3A_838, %swap3A_839] {strides = array<i32>} : memref<2x4x128x64xf32, #tpu.memory_space<vmem>>, vector<1x1x1x16xf32>,
        %swap3A_841 = vector.shape_cast %swap3A_840 : vector<1x1x1x16xf32> to vector<16xf32>
        %swap3A_842 = vector.shape_cast %mul3A_833 : vector<16xf32> to vector<1x1x1x16xf32>
        tpu.vector_store %arg6[%swap3A_836, %swap3A_837, %swap3A_838, %swap3A_839], %swap3A_842 {strides = array<i32>} : memref<2x4x128x64xf32, #tpu.memory_space<vmem>>, vector<1x1x1x16xf32>,
        %scan3A_843 = arith.constant 2 : i32
        %scan3A_844 = arith.addi %scan3A_682, %scan3A_843 : i32
        %get3A_845 = arith.constant 0 : i32
        %get3A_846 = arith.constant 1 : i32
        %get3A_847 = arith.index_cast %get3A_845 : i32 to index
        %get3A_848 = arith.index_cast %get3A_846 : i32 to index
        %get3A_849 = arith.index_cast %scan3A_844 : i32 to index
        %get3A_850 = arith.constant 0 : index
        %get3A_851 = tpu.vector_load %arg6[%get3A_847, %get3A_848, %get3A_849, %get3A_850] {strides = array<i32>} : memref<2x4x128x64xf32, #tpu.memory_space<vmem>>, vector<1x1x1x16xf32>,
        %get3A_852 = vector.shape_cast %get3A_851 : vector<1x1x1x16xf32> to vector<16xf32>
        %mul3A_853 = arith.constant 8.000000e+00 : f32
        %mul3A_854 = vector.broadcast %mul3A_853 : f32 to vector<16xf32>
        %mul3A_855 = arith.mulf %get3A_852, %mul3A_854 : vector<16xf32>
        %swap3A_856 = arith.constant 0 : i32
        %swap3A_857 = arith.constant 1 : i32
        %swap3A_858 = arith.index_cast %swap3A_856 : i32 to index
        %swap3A_859 = arith.index_cast %swap3A_857 : i32 to index
        %swap3A_860 = arith.index_cast %scan3A_844 : i32 to index
        %swap3A_861 = arith.constant 0 : index
        %swap3A_862 = tpu.vector_load %arg6[%swap3A_858, %swap3A_859, %swap3A_860, %swap3A_861] {strides = array<i32>} : memref<2x4x128x64xf32, #tpu.memory_space<vmem>>, vector<1x1x1x16xf32>,
        %swap3A_863 = vector.shape_cast %swap3A_862 : vector<1x1x1x16xf32> to vector<16xf32>
        %swap3A_864 = vector.shape_cast %mul3A_855 : vector<16xf32> to vector<1x1x1x16xf32>
        tpu.vector_store %arg6[%swap3A_858, %swap3A_859, %swap3A_860, %swap3A_861], %swap3A_864 {strides = array<i32>} : memref<2x4x128x64xf32, #tpu.memory_space<vmem>>, vector<1x1x1x16xf32>,
        %get3A_865 = arith.constant 0 : i32
        %get3A_866 = arith.constant 1 : i32
        %get3A_867 = arith.index_cast %get3A_865 : i32 to index
        %get3A_868 = arith.index_cast %get3A_866 : i32 to index
        %get3A_869 = arith.index_cast %scan3A_844 : i32 to index
        %get3A_870 = arith.constant 16 : index
        %get3A_871 = tpu.vector_load %arg6[%get3A_867, %get3A_868, %get3A_869, %get3A_870] {strides = array<i32>} : memref<2x4x128x64xf32, #tpu.memory_space<vmem>>, vector<1x1x1x16xf32>,
        %get3A_872 = vector.shape_cast %get3A_871 : vector<1x1x1x16xf32> to vector<16xf32>
        %mul3A_873 = arith.constant 8.000000e+00 : f32
        %mul3A_874 = vector.broadcast %mul3A_873 : f32 to vector<16xf32>
        %mul3A_875 = arith.mulf %get3A_872, %mul3A_874 : vector<16xf32>
        %swap3A_876 = arith.constant 0 : i32
        %swap3A_877 = arith.constant 1 : i32
        %swap3A_878 = arith.index_cast %swap3A_876 : i32 to index
        %swap3A_879 = arith.index_cast %swap3A_877 : i32 to index
        %swap3A_880 = arith.index_cast %scan3A_844 : i32 to index
        %swap3A_881 = arith.constant 16 : index
        %swap3A_882 = tpu.vector_load %arg6[%swap3A_878, %swap3A_879, %swap3A_880, %swap3A_881] {strides = array<i32>} : memref<2x4x128x64xf32, #tpu.memory_space<vmem>>, vector<1x1x1x16xf32>,
        %swap3A_883 = vector.shape_cast %swap3A_882 : vector<1x1x1x16xf32> to vector<16xf32>
        %swap3A_884 = vector.shape_cast %mul3A_875 : vector<16xf32> to vector<1x1x1x16xf32>
        tpu.vector_store %arg6[%swap3A_878, %swap3A_879, %swap3A_880, %swap3A_881], %swap3A_884 {strides = array<i32>} : memref<2x4x128x64xf32, #tpu.memory_space<vmem>>, vector<1x1x1x16xf32>,
        %get3A_885 = arith.constant 0 : i32
        %get3A_886 = arith.constant 1 : i32
        %get3A_887 = arith.index_cast %get3A_885 : i32 to index
        %get3A_888 = arith.index_cast %get3A_886 : i32 to index
        %get3A_889 = arith.index_cast %scan3A_844 : i32 to index
        %get3A_890 = arith.constant 32 : index
        %get3A_891 = tpu.vector_load %arg6[%get3A_887, %get3A_888, %get3A_889, %get3A_890] {strides = array<i32>} : memref<2x4x128x64xf32, #tpu.memory_space<vmem>>, vector<1x1x1x16xf32>,
        %get3A_892 = vector.shape_cast %get3A_891 : vector<1x1x1x16xf32> to vector<16xf32>
        %mul3A_893 = arith.constant 8.000000e+00 : f32
        %mul3A_894 = vector.broadcast %mul3A_893 : f32 to vector<16xf32>
        %mul3A_895 = arith.mulf %get3A_892, %mul3A_894 : vector<16xf32>
        %swap3A_896 = arith.constant 0 : i32
        %swap3A_897 = arith.constant 1 : i32
        %swap3A_898 = arith.index_cast %swap3A_896 : i32 to index
        %swap3A_899 = arith.index_cast %swap3A_897 : i32 to index
        %swap3A_900 = arith.index_cast %scan3A_844 : i32 to index
        %swap3A_901 = arith.constant 32 : index
        %swap3A_902 = tpu.vector_load %arg6[%swap3A_898, %swap3A_899, %swap3A_900, %swap3A_901] {strides = array<i32>} : memref<2x4x128x64xf32, #tpu.memory_space<vmem>>, vector<1x1x1x16xf32>,
        %swap3A_903 = vector.shape_cast %swap3A_902 : vector<1x1x1x16xf32> to vector<16xf32>
        %swap3A_904 = vector.shape_cast %mul3A_895 : vector<16xf32> to vector<1x1x1x16xf32>
        tpu.vector_store %arg6[%swap3A_898, %swap3A_899, %swap3A_900, %swap3A_901], %swap3A_904 {strides = array<i32>} : memref<2x4x128x64xf32, #tpu.memory_space<vmem>>, vector<1x1x1x16xf32>,
        %get3A_905 = arith.constant 0 : i32
        %get3A_906 = arith.constant 1 : i32
        %get3A_907 = arith.index_cast %get3A_905 : i32 to index
        %get3A_908 = arith.index_cast %get3A_906 : i32 to index
        %get3A_909 = arith.index_cast %scan3A_844 : i32 to index
        %get3A_910 = arith.constant 48 : index
        %get3A_911 = tpu.vector_load %arg6[%get3A_907, %get3A_908, %get3A_909, %get3A_910] {strides = array<i32>} : memref<2x4x128x64xf32, #tpu.memory_space<vmem>>, vector<1x1x1x16xf32>,
        %get3A_912 = vector.shape_cast %get3A_911 : vector<1x1x1x16xf32> to vector<16xf32>
        %mul3A_913 = arith.constant 8.000000e+00 : f32
        %mul3A_914 = vector.broadcast %mul3A_913 : f32 to vector<16xf32>
        %mul3A_915 = arith.mulf %get3A_912, %mul3A_914 : vector<16xf32>
        %swap3A_916 = arith.constant 0 : i32
        %swap3A_917 = arith.constant 1 : i32
        %swap3A_918 = arith.index_cast %swap3A_916 : i32 to index
        %swap3A_919 = arith.index_cast %swap3A_917 : i32 to index
        %swap3A_920 = arith.index_cast %scan3A_844 : i32 to index
        %swap3A_921 = arith.constant 48 : index
        %swap3A_922 = tpu.vector_load %arg6[%swap3A_918, %swap3A_919, %swap3A_920, %swap3A_921] {strides = array<i32>} : memref<2x4x128x64xf32, #tpu.memory_space<vmem>>, vector<1x1x1x16xf32>,
        %swap3A_923 = vector.shape_cast %swap3A_922 : vector<1x1x1x16xf32> to vector<16xf32>
        %swap3A_924 = vector.shape_cast %mul3A_915 : vector<16xf32> to vector<1x1x1x16xf32>
        tpu.vector_store %arg6[%swap3A_918, %swap3A_919, %swap3A_920, %swap3A_921], %swap3A_924 {strides = array<i32>} : memref<2x4x128x64xf32, #tpu.memory_space<vmem>>, vector<1x1x1x16xf32>,
        %scan3A_925 = arith.constant 3 : i32
        %scan3A_926 = arith.addi %scan3A_682, %scan3A_925 : i32
        %get3A_927 = arith.constant 0 : i32
        %get3A_928 = arith.constant 1 : i32
        %get3A_929 = arith.index_cast %get3A_927 : i32 to index
        %get3A_930 = arith.index_cast %get3A_928 : i32 to index
        %get3A_931 = arith.index_cast %scan3A_926 : i32 to index
        %get3A_932 = arith.constant 0 : index
        %get3A_933 = tpu.vector_load %arg6[%get3A_929, %get3A_930, %get3A_931, %get3A_932] {strides = array<i32>} : memref<2x4x128x64xf32, #tpu.memory_space<vmem>>, vector<1x1x1x16xf32>,
        %get3A_934 = vector.shape_cast %get3A_933 : vector<1x1x1x16xf32> to vector<16xf32>
        %mul3A_935 = arith.constant 8.000000e+00 : f32
        %mul3A_936 = vector.broadcast %mul3A_935 : f32 to vector<16xf32>
        %mul3A_937 = arith.mulf %get3A_934, %mul3A_936 : vector<16xf32>
        %swap3A_938 = arith.constant 0 : i32
        %swap3A_939 = arith.constant 1 : i32
        %swap3A_940 = arith.index_cast %swap3A_938 : i32 to index
        %swap3A_941 = arith.index_cast %swap3A_939 : i32 to index
        %swap3A_942 = arith.index_cast %scan3A_926 : i32 to index
        %swap3A_943 = arith.constant 0 : index
        %swap3A_944 = tpu.vector_load %arg6[%swap3A_940, %swap3A_941, %swap3A_942, %swap3A_943] {strides = array<i32>} : memref<2x4x128x64xf32, #tpu.memory_space<vmem>>, vector<1x1x1x16xf32>,
        %swap3A_945 = vector.shape_cast %swap3A_944 : vector<1x1x1x16xf32> to vector<16xf32>
        %swap3A_946 = vector.shape_cast %mul3A_937 : vector<16xf32> to vector<1x1x1x16xf32>
        tpu.vector_store %arg6[%swap3A_940, %swap3A_941, %swap3A_942, %swap3A_943], %swap3A_946 {strides = array<i32>} : memref<2x4x128x64xf32, #tpu.memory_space<vmem>>, vector<1x1x1x16xf32>,
        %get3A_947 = arith.constant 0 : i32
        %get3A_948 = arith.constant 1 : i32
        %get3A_949 = arith.index_cast %get3A_947 : i32 to index
        %get3A_950 = arith.index_cast %get3A_948 : i32 to index
        %get3A_951 = arith.index_cast %scan3A_926 : i32 to index
        %get3A_952 = arith.constant 16 : index
        %get3A_953 = tpu.vector_load %arg6[%get3A_949, %get3A_950, %get3A_951, %get3A_952] {strides = array<i32>} : memref<2x4x128x64xf32, #tpu.memory_space<vmem>>, vector<1x1x1x16xf32>,
        %get3A_954 = vector.shape_cast %get3A_953 : vector<1x1x1x16xf32> to vector<16xf32>
        %mul3A_955 = arith.constant 8.000000e+00 : f32
        %mul3A_956 = vector.broadcast %mul3A_955 : f32 to vector<16xf32>
        %mul3A_957 = arith.mulf %get3A_954, %mul3A_956 : vector<16xf32>
        %swap3A_958 = arith.constant 0 : i32
        %swap3A_959 = arith.constant 1 : i32
        %swap3A_960 = arith.index_cast %swap3A_958 : i32 to index
        %swap3A_961 = arith.index_cast %swap3A_959 : i32 to index
        %swap3A_962 = arith.index_cast %scan3A_926 : i32 to index
        %swap3A_963 = arith.constant 16 : index
        %swap3A_964 = tpu.vector_load %arg6[%swap3A_960, %swap3A_961, %swap3A_962, %swap3A_963] {strides = array<i32>} : memref<2x4x128x64xf32, #tpu.memory_space<vmem>>, vector<1x1x1x16xf32>,
        %swap3A_965 = vector.shape_cast %swap3A_964 : vector<1x1x1x16xf32> to vector<16xf32>
        %swap3A_966 = vector.shape_cast %mul3A_957 : vector<16xf32> to vector<1x1x1x16xf32>
        tpu.vector_store %arg6[%swap3A_960, %swap3A_961, %swap3A_962, %swap3A_963], %swap3A_966 {strides = array<i32>} : memref<2x4x128x64xf32, #tpu.memory_space<vmem>>, vector<1x1x1x16xf32>,
        %get3A_967 = arith.constant 0 : i32
        %get3A_968 = arith.constant 1 : i32
        %get3A_969 = arith.index_cast %get3A_967 : i32 to index
        %get3A_970 = arith.index_cast %get3A_968 : i32 to index
        %get3A_971 = arith.index_cast %scan3A_926 : i32 to index
        %get3A_972 = arith.constant 32 : index
        %get3A_973 = tpu.vector_load %arg6[%get3A_969, %get3A_970, %get3A_971, %get3A_972] {strides = array<i32>} : memref<2x4x128x64xf32, #tpu.memory_space<vmem>>, vector<1x1x1x16xf32>,
        %get3A_974 = vector.shape_cast %get3A_973 : vector<1x1x1x16xf32> to vector<16xf32>
        %mul3A_975 = arith.constant 8.000000e+00 : f32
        %mul3A_976 = vector.broadcast %mul3A_975 : f32 to vector<16xf32>
        %mul3A_977 = arith.mulf %get3A_974, %mul3A_976 : vector<16xf32>
        %swap3A_978 = arith.constant 0 : i32
        %swap3A_979 = arith.constant 1 : i32
        %swap3A_980 = arith.index_cast %swap3A_978 : i32 to index
        %swap3A_981 = arith.index_cast %swap3A_979 : i32 to index
        %swap3A_982 = arith.index_cast %scan3A_926 : i32 to index
        %swap3A_983 = arith.constant 32 : index
        %swap3A_984 = tpu.vector_load %arg6[%swap3A_980, %swap3A_981, %swap3A_982, %swap3A_983] {strides = array<i32>} : memref<2x4x128x64xf32, #tpu.memory_space<vmem>>, vector<1x1x1x16xf32>,
        %swap3A_985 = vector.shape_cast %swap3A_984 : vector<1x1x1x16xf32> to vector<16xf32>
        %swap3A_986 = vector.shape_cast %mul3A_977 : vector<16xf32> to vector<1x1x1x16xf32>
        tpu.vector_store %arg6[%swap3A_980, %swap3A_981, %swap3A_982, %swap3A_983], %swap3A_986 {strides = array<i32>} : memref<2x4x128x64xf32, #tpu.memory_space<vmem>>, vector<1x1x1x16xf32>,
        %get3A_987 = arith.constant 0 : i32
        %get3A_988 = arith.constant 1 : i32
        %get3A_989 = arith.index_cast %get3A_987 : i32 to index
        %get3A_990 = arith.index_cast %get3A_988 : i32 to index
        %get3A_991 = arith.index_cast %scan3A_926 : i32 to index
        %get3A_992 = arith.constant 48 : index
        %get3A_993 = tpu.vector_load %arg6[%get3A_989, %get3A_990, %get3A_991, %get3A_992] {strides = array<i32>} : memref<2x4x128x64xf32, #tpu.memory_space<vmem>>, vector<1x1x1x16xf32>,
        %get3A_994 = vector.shape_cast %get3A_993 : vector<1x1x1x16xf32> to vector<16xf32>
        %mul3A_995 = arith.constant 8.000000e+00 : f32
        %mul3A_996 = vector.broadcast %mul3A_995 : f32 to vector<16xf32>
        %mul3A_997 = arith.mulf %get3A_994, %mul3A_996 : vector<16xf32>
        %swap3A_998 = arith.constant 0 : i32
        %swap3A_999 = arith.constant 1 : i32
        %swap3A_1000 = arith.index_cast %swap3A_998 : i32 to index
        %swap3A_1001 = arith.index_cast %swap3A_999 : i32 to index
        %swap3A_1002 = arith.index_cast %scan3A_926 : i32 to index
        %swap3A_1003 = arith.constant 48 : index
        %swap3A_1004 = tpu.vector_load %arg6[%swap3A_1000, %swap3A_1001, %swap3A_1002, %swap3A_1003] {strides = array<i32>} : memref<2x4x128x64xf32, #tpu.memory_space<vmem>>, vector<1x1x1x16xf32>,
        %swap3A_1005 = vector.shape_cast %swap3A_1004 : vector<1x1x1x16xf32> to vector<16xf32>
        %swap3A_1006 = vector.shape_cast %mul3A_997 : vector<16xf32> to vector<1x1x1x16xf32>
        tpu.vector_store %arg6[%swap3A_1000, %swap3A_1001, %swap3A_1002, %swap3A_1003], %swap3A_1006 {strides = array<i32>} : memref<2x4x128x64xf32, #tpu.memory_space<vmem>>, vector<1x1x1x16xf32>,
      }
      %scan3A_313 = arith.constant 72 : i32
      %mul3A_314 = arith.constant 2 : i32
      %mul3A_315 = arith.muli %mul3A_140, %mul3A_314 : i32
      %add3A_316 = arith.constant 0 : i32
      %add3A_317 = arith.addi %mul3A_315, %add3A_316 : i32
      %add3A_318 = arith.addi %mul3A_2, %add3A_317 : i32
      %dma_start3A_319 = arith.constant 0 : i32
      %dma_start3A_320 = arith.constant 1 : i32
      %dma_start3A_321 = arith.constant 0 : i32
      %dma_start3A_322 = arith.constant 0 : i32
      %dma_start3A_323 = tpu.memref_slice %arg6[%dma_start3A_319, %dma_start3A_320, %dma_start3A_321, %dma_start3A_322] : memref<2x4x128x64xf32, #tpu.memory_space<vmem>> -> memref<1x1x72x64xf32, #tpu.memory_space<vmem>>
      %dma_start3A_324 = tpu.memref_squeeze %dma_start3A_323 : memref<1x1x72x64xf32, #tpu.memory_space<vmem>> -> memref<72x64xf32, #tpu.memory_space<vmem>>
      %dma_start3A_325 = arith.constant 128 : i32
      %dma_start3A_326 = arith.constant 0 : i32
      %dma_start3A_327 = tpu.memref_slice %arg4[%add3A_318, %dma_start3A_325, %dma_start3A_326] : memref<4096x200x64xf32, #tpu.memory_space<hbm>> -> memref<1x72x64xf32, #tpu.memory_space<hbm>>
      %dma_start3A_328 = tpu.memref_squeeze %dma_start3A_327 : memref<1x72x64xf32, #tpu.memory_space<hbm>> -> memref<72x64xf32, #tpu.memory_space<hbm>>
      %dma_start3A_329 = arith.constant 128 : i32
      %dma_start3A_330 = arith.constant 0 : i32
      %dma_start3A_331 = tpu.memref_slice %arg4[%add3A_318, %dma_start3A_329, %dma_start3A_330] : memref<4096x200x64xf32, #tpu.memory_space<hbm>> -> memref<1x72x64xf32, #tpu.memory_space<hbm>>
      %dma_start3A_332 = tpu.memref_squeeze %dma_start3A_331 : memref<1x72x64xf32, #tpu.memory_space<hbm>> -> memref<72x64xf32, #tpu.memory_space<hbm>>
      %dma_start3A_333 = arith.constant 0 : i32
      %dma_start3A_334 = arith.constant 0 : i32
      %dma_start3A_335 = tpu.memref_slice %arg6[%dma_start3A_319, %dma_start3A_320, %dma_start3A_333, %dma_start3A_334] : memref<2x4x128x64xf32, #tpu.memory_space<vmem>> -> memref<1x1x72x64xf32, #tpu.memory_space<vmem>>
      %dma_start3A_336 = tpu.memref_squeeze %dma_start3A_335 : memref<1x1x72x64xf32, #tpu.memory_space<vmem>> -> memref<72x64xf32, #tpu.memory_space<vmem>>
      tpu.enqueue_dma source(%dma_start3A_336 : memref<72x64xf32, #tpu.memory_space<vmem>>) target(%dma_start3A_332 : memref<72x64xf32, #tpu.memory_space<hbm>>) target_semaphore(%arg9 : memref<!tpu.dma_semaphore, #tpu.memory_space<semaphore_mem>>)
      %scan3A_337 = arith.constant 0 : i32
      %scan3A_338 = arith.constant 0 : i32
      %scan3A_339 = arith.constant 128 : i32
      %scan3A_340 = arith.addi %scan3A_338, %scan3A_339 : i32
      %scan3A_341 = arith.constant 4 : i32
      scf.for %scan3A_682 = %scan3A_338 to %scan3A_340 step %scan3A_341  : i32 {
        %get3A = arith.constant 0 : i32
        %get3A_683 = arith.constant 2 : i32
        %get3A_684 = arith.index_cast %get3A : i32 to index
        %get3A_685 = arith.index_cast %get3A_683 : i32 to index
        %get3A_686 = arith.index_cast %scan3A_682 : i32 to index
        %get3A_687 = arith.constant 0 : index
        %get3A_688 = tpu.vector_load %arg6[%get3A_684, %get3A_685, %get3A_686, %get3A_687] {strides = array<i32>} : memref<2x4x128x64xf32, #tpu.memory_space<vmem>>, vector<1x1x1x16xf32>,
        %get3A_689 = vector.shape_cast %get3A_688 : vector<1x1x1x16xf32> to vector<16xf32>
        %mul3A_690 = arith.constant 8.000000e+00 : f32
        %mul3A_691 = vector.broadcast %mul3A_690 : f32 to vector<16xf32>
        %mul3A_692 = arith.mulf %get3A_689, %mul3A_691 : vector<16xf32>
        %swap3A = arith.constant 0 : i32
        %swap3A_693 = arith.constant 2 : i32
        %swap3A_694 = arith.index_cast %swap3A : i32 to index
        %swap3A_695 = arith.index_cast %swap3A_693 : i32 to index
        %swap3A_696 = arith.index_cast %scan3A_682 : i32 to index
        %swap3A_697 = arith.constant 0 : index
        %swap3A_698 = tpu.vector_load %arg6[%swap3A_694, %swap3A_695, %swap3A_696, %swap3A_697] {strides = array<i32>} : memref<2x4x128x64xf32, #tpu.memory_space<vmem>>, vector<1x1x1x16xf32>,
        %swap3A_699 = vector.shape_cast %swap3A_698 : vector<1x1x1x16xf32> to vector<16xf32>
        %swap3A_700 = vector.shape_cast %mul3A_692 : vector<16xf32> to vector<1x1x1x16xf32>
        tpu.vector_store %arg6[%swap3A_694, %swap3A_695, %swap3A_696, %swap3A_697], %swap3A_700 {strides = array<i32>} : memref<2x4x128x64xf32, #tpu.memory_space<vmem>>, vector<1x1x1x16xf32>,
        %get3A_701 = arith.constant 0 : i32
        %get3A_702 = arith.constant 2 : i32
        %get3A_703 = arith.index_cast %get3A_701 : i32 to index
        %get3A_704 = arith.index_cast %get3A_702 : i32 to index
        %get3A_705 = arith.index_cast %scan3A_682 : i32 to index
        %get3A_706 = arith.constant 16 : index
        %get3A_707 = tpu.vector_load %arg6[%get3A_703, %get3A_704, %get3A_705, %get3A_706] {strides = array<i32>} : memref<2x4x128x64xf32, #tpu.memory_space<vmem>>, vector<1x1x1x16xf32>,
        %get3A_708 = vector.shape_cast %get3A_707 : vector<1x1x1x16xf32> to vector<16xf32>
        %mul3A_709 = arith.constant 8.000000e+00 : f32
        %mul3A_710 = vector.broadcast %mul3A_709 : f32 to vector<16xf32>
        %mul3A_711 = arith.mulf %get3A_708, %mul3A_710 : vector<16xf32>
        %swap3A_712 = arith.constant 0 : i32
        %swap3A_713 = arith.constant 2 : i32
        %swap3A_714 = arith.index_cast %swap3A_712 : i32 to index
        %swap3A_715 = arith.index_cast %swap3A_713 : i32 to index
        %swap3A_716 = arith.index_cast %scan3A_682 : i32 to index
        %swap3A_717 = arith.constant 16 : index
        %swap3A_718 = tpu.vector_load %arg6[%swap3A_714, %swap3A_715, %swap3A_716, %swap3A_717] {strides = array<i32>} : memref<2x4x128x64xf32, #tpu.memory_space<vmem>>, vector<1x1x1x16xf32>,
        %swap3A_719 = vector.shape_cast %swap3A_718 : vector<1x1x1x16xf32> to vector<16xf32>
        %swap3A_720 = vector.shape_cast %mul3A_711 : vector<16xf32> to vector<1x1x1x16xf32>
        tpu.vector_store %arg6[%swap3A_714, %swap3A_715, %swap3A_716, %swap3A_717], %swap3A_720 {strides = array<i32>} : memref<2x4x128x64xf32, #tpu.memory_space<vmem>>, vector<1x1x1x16xf32>,
        %get3A_721 = arith.constant 0 : i32
        %get3A_722 = arith.constant 2 : i32
        %get3A_723 = arith.index_cast %get3A_721 : i32 to index
        %get3A_724 = arith.index_cast %get3A_722 : i32 to index
        %get3A_725 = arith.index_cast %scan3A_682 : i32 to index
        %get3A_726 = arith.constant 32 : index
        %get3A_727 = tpu.vector_load %arg6[%get3A_723, %get3A_724, %get3A_725, %get3A_726] {strides = array<i32>} : memref<2x4x128x64xf32, #tpu.memory_space<vmem>>, vector<1x1x1x16xf32>,
        %get3A_728 = vector.shape_cast %get3A_727 : vector<1x1x1x16xf32> to vector<16xf32>
        %mul3A_729 = arith.constant 8.000000e+00 : f32
        %mul3A_730 = vector.broadcast %mul3A_729 : f32 to vector<16xf32>
        %mul3A_731 = arith.mulf %get3A_728, %mul3A_730 : vector<16xf32>
        %swap3A_732 = arith.constant 0 : i32
        %swap3A_733 = arith.constant 2 : i32
        %swap3A_734 = arith.index_cast %swap3A_732 : i32 to index
        %swap3A_735 = arith.index_cast %swap3A_733 : i32 to index
        %swap3A_736 = arith.index_cast %scan3A_682 : i32 to index
        %swap3A_737 = arith.constant 32 : index
        %swap3A_738 = tpu.vector_load %arg6[%swap3A_734, %swap3A_735, %swap3A_736, %swap3A_737] {strides = array<i32>} : memref<2x4x128x64xf32, #tpu.memory_space<vmem>>, vector<1x1x1x16xf32>,
        %swap3A_739 = vector.shape_cast %swap3A_738 : vector<1x1x1x16xf32> to vector<16xf32>
        %swap3A_740 = vector.shape_cast %mul3A_731 : vector<16xf32> to vector<1x1x1x16xf32>
        tpu.vector_store %arg6[%swap3A_734, %swap3A_735, %swap3A_736, %swap3A_737], %swap3A_740 {strides = array<i32>} : memref<2x4x128x64xf32, #tpu.memory_space<vmem>>, vector<1x1x1x16xf32>,
        %get3A_741 = arith.constant 0 : i32
        %get3A_742 = arith.constant 2 : i32
        %get3A_743 = arith.index_cast %get3A_741 : i32 to index
        %get3A_744 = arith.index_cast %get3A_742 : i32 to index
        %get3A_745 = arith.index_cast %scan3A_682 : i32 to index
        %get3A_746 = arith.constant 48 : index
        %get3A_747 = tpu.vector_load %arg6[%get3A_743, %get3A_744, %get3A_745, %get3A_746] {strides = array<i32>} : memref<2x4x128x64xf32, #tpu.memory_space<vmem>>, vector<1x1x1x16xf32>,
        %get3A_748 = vector.shape_cast %get3A_747 : vector<1x1x1x16xf32> to vector<16xf32>
        %mul3A_749 = arith.constant 8.000000e+00 : f32
        %mul3A_750 = vector.broadcast %mul3A_749 : f32 to vector<16xf32>
        %mul3A_751 = arith.mulf %get3A_748, %mul3A_750 : vector<16xf32>
        %swap3A_752 = arith.constant 0 : i32
        %swap3A_753 = arith.constant 2 : i32
        %swap3A_754 = arith.index_cast %swap3A_752 : i32 to index
        %swap3A_755 = arith.index_cast %swap3A_753 : i32 to index
        %swap3A_756 = arith.index_cast %scan3A_682 : i32 to index
        %swap3A_757 = arith.constant 48 : index
        %swap3A_758 = tpu.vector_load %arg6[%swap3A_754, %swap3A_755, %swap3A_756, %swap3A_757] {strides = array<i32>} : memref<2x4x128x64xf32, #tpu.memory_space<vmem>>, vector<1x1x1x16xf32>,
        %swap3A_759 = vector.shape_cast %swap3A_758 : vector<1x1x1x16xf32> to vector<16xf32>
        %swap3A_760 = vector.shape_cast %mul3A_751 : vector<16xf32> to vector<1x1x1x16xf32>
        tpu.vector_store %arg6[%swap3A_754, %swap3A_755, %swap3A_756, %swap3A_757], %swap3A_760 {strides = array<i32>} : memref<2x4x128x64xf32, #tpu.memory_space<vmem>>, vector<1x1x1x16xf32>,
        %scan3A_761 = arith.constant 1 : i32
        %scan3A_762 = arith.addi %scan3A_682, %scan3A_761 : i32
        %get3A_763 = arith.constant 0 : i32
        %get3A_764 = arith.constant 2 : i32
        %get3A_765 = arith.index_cast %get3A_763 : i32 to index
        %get3A_766 = arith.index_cast %get3A_764 : i32 to index
        %get3A_767 = arith.index_cast %scan3A_762 : i32 to index
        %get3A_768 = arith.constant 0 : index
        %get3A_769 = tpu.vector_load %arg6[%get3A_765, %get3A_766, %get3A_767, %get3A_768] {strides = array<i32>} : memref<2x4x128x64xf32, #tpu.memory_space<vmem>>, vector<1x1x1x16xf32>,
        %get3A_770 = vector.shape_cast %get3A_769 : vector<1x1x1x16xf32> to vector<16xf32>
        %mul3A_771 = arith.constant 8.000000e+00 : f32
        %mul3A_772 = vector.broadcast %mul3A_771 : f32 to vector<16xf32>
        %mul3A_773 = arith.mulf %get3A_770, %mul3A_772 : vector<16xf32>
        %swap3A_774 = arith.constant 0 : i32
        %swap3A_775 = arith.constant 2 : i32
        %swap3A_776 = arith.index_cast %swap3A_774 : i32 to index
        %swap3A_777 = arith.index_cast %swap3A_775 : i32 to index
        %swap3A_778 = arith.index_cast %scan3A_762 : i32 to index
        %swap3A_779 = arith.constant 0 : index
        %swap3A_780 = tpu.vector_load %arg6[%swap3A_776, %swap3A_777, %swap3A_778, %swap3A_779] {strides = array<i32>} : memref<2x4x128x64xf32, #tpu.memory_space<vmem>>, vector<1x1x1x16xf32>,
        %swap3A_781 = vector.shape_cast %swap3A_780 : vector<1x1x1x16xf32> to vector<16xf32>
        %swap3A_782 = vector.shape_cast %mul3A_773 : vector<16xf32> to vector<1x1x1x16xf32>
        tpu.vector_store %arg6[%swap3A_776, %swap3A_777, %swap3A_778, %swap3A_779], %swap3A_782 {strides = array<i32>} : memref<2x4x128x64xf32, #tpu.memory_space<vmem>>, vector<1x1x1x16xf32>,
        %get3A_783 = arith.constant 0 : i32
        %get3A_784 = arith.constant 2 : i32
        %get3A_785 = arith.index_cast %get3A_783 : i32 to index
        %get3A_786 = arith.index_cast %get3A_784 : i32 to index
        %get3A_787 = arith.index_cast %scan3A_762 : i32 to index
        %get3A_788 = arith.constant 16 : index
        %get3A_789 = tpu.vector_load %arg6[%get3A_785, %get3A_786, %get3A_787, %get3A_788] {strides = array<i32>} : memref<2x4x128x64xf32, #tpu.memory_space<vmem>>, vector<1x1x1x16xf32>,
        %get3A_790 = vector.shape_cast %get3A_789 : vector<1x1x1x16xf32> to vector<16xf32>
        %mul3A_791 = arith.constant 8.000000e+00 : f32
        %mul3A_792 = vector.broadcast %mul3A_791 : f32 to vector<16xf32>
        %mul3A_793 = arith.mulf %get3A_790, %mul3A_792 : vector<16xf32>
        %swap3A_794 = arith.constant 0 : i32
        %swap3A_795 = arith.constant 2 : i32
        %swap3A_796 = arith.index_cast %swap3A_794 : i32 to index
        %swap3A_797 = arith.index_cast %swap3A_795 : i32 to index
        %swap3A_798 = arith.index_cast %scan3A_762 : i32 to index
        %swap3A_799 = arith.constant 16 : index
        %swap3A_800 = tpu.vector_load %arg6[%swap3A_796, %swap3A_797, %swap3A_798, %swap3A_799] {strides = array<i32>} : memref<2x4x128x64xf32, #tpu.memory_space<vmem>>, vector<1x1x1x16xf32>,
        %swap3A_801 = vector.shape_cast %swap3A_800 : vector<1x1x1x16xf32> to vector<16xf32>
        %swap3A_802 = vector.shape_cast %mul3A_793 : vector<16xf32> to vector<1x1x1x16xf32>
        tpu.vector_store %arg6[%swap3A_796, %swap3A_797, %swap3A_798, %swap3A_799], %swap3A_802 {strides = array<i32>} : memref<2x4x128x64xf32, #tpu.memory_space<vmem>>, vector<1x1x1x16xf32>,
        %get3A_803 = arith.constant 0 : i32
        %get3A_804 = arith.constant 2 : i32
        %get3A_805 = arith.index_cast %get3A_803 : i32 to index
        %get3A_806 = arith.index_cast %get3A_804 : i32 to index
        %get3A_807 = arith.index_cast %scan3A_762 : i32 to index
        %get3A_808 = arith.constant 32 : index
        %get3A_809 = tpu.vector_load %arg6[%get3A_805, %get3A_806, %get3A_807, %get3A_808] {strides = array<i32>} : memref<2x4x128x64xf32, #tpu.memory_space<vmem>>, vector<1x1x1x16xf32>,
        %get3A_810 = vector.shape_cast %get3A_809 : vector<1x1x1x16xf32> to vector<16xf32>
        %mul3A_811 = arith.constant 8.000000e+00 : f32
        %mul3A_812 = vector.broadcast %mul3A_811 : f32 to vector<16xf32>
        %mul3A_813 = arith.mulf %get3A_810, %mul3A_812 : vector<16xf32>
        %swap3A_814 = arith.constant 0 : i32
        %swap3A_815 = arith.constant 2 : i32
        %swap3A_816 = arith.index_cast %swap3A_814 : i32 to index
        %swap3A_817 = arith.index_cast %swap3A_815 : i32 to index
        %swap3A_818 = arith.index_cast %scan3A_762 : i32 to index
        %swap3A_819 = arith.constant 32 : index
        %swap3A_820 = tpu.vector_load %arg6[%swap3A_816, %swap3A_817, %swap3A_818, %swap3A_819] {strides = array<i32>} : memref<2x4x128x64xf32, #tpu.memory_space<vmem>>, vector<1x1x1x16xf32>,
        %swap3A_821 = vector.shape_cast %swap3A_820 : vector<1x1x1x16xf32> to vector<16xf32>
        %swap3A_822 = vector.shape_cast %mul3A_813 : vector<16xf32> to vector<1x1x1x16xf32>
        tpu.vector_store %arg6[%swap3A_816, %swap3A_817, %swap3A_818, %swap3A_819], %swap3A_822 {strides = array<i32>} : memref<2x4x128x64xf32, #tpu.memory_space<vmem>>, vector<1x1x1x16xf32>,
        %get3A_823 = arith.constant 0 : i32
        %get3A_824 = arith.constant 2 : i32
        %get3A_825 = arith.index_cast %get3A_823 : i32 to index
        %get3A_826 = arith.index_cast %get3A_824 : i32 to index
        %get3A_827 = arith.index_cast %scan3A_762 : i32 to index
        %get3A_828 = arith.constant 48 : index
        %get3A_829 = tpu.vector_load %arg6[%get3A_825, %get3A_826, %get3A_827, %get3A_828] {strides = array<i32>} : memref<2x4x128x64xf32, #tpu.memory_space<vmem>>, vector<1x1x1x16xf32>,
        %get3A_830 = vector.shape_cast %get3A_829 : vector<1x1x1x16xf32> to vector<16xf32>
        %mul3A_831 = arith.constant 8.000000e+00 : f32
        %mul3A_832 = vector.broadcast %mul3A_831 : f32 to vector<16xf32>
        %mul3A_833 = arith.mulf %get3A_830, %mul3A_832 : vector<16xf32>
        %swap3A_834 = arith.constant 0 : i32
        %swap3A_835 = arith.constant 2 : i32
        %swap3A_836 = arith.index_cast %swap3A_834 : i32 to index
        %swap3A_837 = arith.index_cast %swap3A_835 : i32 to index
        %swap3A_838 = arith.index_cast %scan3A_762 : i32 to index
        %swap3A_839 = arith.constant 48 : index
        %swap3A_840 = tpu.vector_load %arg6[%swap3A_836, %swap3A_837, %swap3A_838, %swap3A_839] {strides = array<i32>} : memref<2x4x128x64xf32, #tpu.memory_space<vmem>>, vector<1x1x1x16xf32>,
        %swap3A_841 = vector.shape_cast %swap3A_840 : vector<1x1x1x16xf32> to vector<16xf32>
        %swap3A_842 = vector.shape_cast %mul3A_833 : vector<16xf32> to vector<1x1x1x16xf32>
        tpu.vector_store %arg6[%swap3A_836, %swap3A_837, %swap3A_838, %swap3A_839], %swap3A_842 {strides = array<i32>} : memref<2x4x128x64xf32, #tpu.memory_space<vmem>>, vector<1x1x1x16xf32>,
        %scan3A_843 = arith.constant 2 : i32
        %scan3A_844 = arith.addi %scan3A_682, %scan3A_843 : i32
        %get3A_845 = arith.constant 0 : i32
        %get3A_846 = arith.constant 2 : i32
        %get3A_847 = arith.index_cast %get3A_845 : i32 to index
        %get3A_848 = arith.index_cast %get3A_846 : i32 to index
        %get3A_849 = arith.index_cast %scan3A_844 : i32 to index
        %get3A_850 = arith.constant 0 : index
        %get3A_851 = tpu.vector_load %arg6[%get3A_847, %get3A_848, %get3A_849, %get3A_850] {strides = array<i32>} : memref<2x4x128x64xf32, #tpu.memory_space<vmem>>, vector<1x1x1x16xf32>,
        %get3A_852 = vector.shape_cast %get3A_851 : vector<1x1x1x16xf32> to vector<16xf32>
        %mul3A_853 = arith.constant 8.000000e+00 : f32
        %mul3A_854 = vector.broadcast %mul3A_853 : f32 to vector<16xf32>
        %mul3A_855 = arith.mulf %get3A_852, %mul3A_854 : vector<16xf32>
        %swap3A_856 = arith.constant 0 : i32
        %swap3A_857 = arith.constant 2 : i32
        %swap3A_858 = arith.index_cast %swap3A_856 : i32 to index
        %swap3A_859 = arith.index_cast %swap3A_857 : i32 to index
        %swap3A_860 = arith.index_cast %scan3A_844 : i32 to index
        %swap3A_861 = arith.constant 0 : index
        %swap3A_862 = tpu.vector_load %arg6[%swap3A_858, %swap3A_859, %swap3A_860, %swap3A_861] {strides = array<i32>} : memref<2x4x128x64xf32, #tpu.memory_space<vmem>>, vector<1x1x1x16xf32>,
        %swap3A_863 = vector.shape_cast %swap3A_862 : vector<1x1x1x16xf32> to vector<16xf32>
        %swap3A_864 = vector.shape_cast %mul3A_855 : vector<16xf32> to vector<1x1x1x16xf32>
        tpu.vector_store %arg6[%swap3A_858, %swap3A_859, %swap3A_860, %swap3A_861], %swap3A_864 {strides = array<i32>} : memref<2x4x128x64xf32, #tpu.memory_space<vmem>>, vector<1x1x1x16xf32>,
        %get3A_865 = arith.constant 0 : i32
        %get3A_866 = arith.constant 2 : i32
        %get3A_867 = arith.index_cast %get3A_865 : i32 to index
        %get3A_868 = arith.index_cast %get3A_866 : i32 to index
        %get3A_869 = arith.index_cast %scan3A_844 : i32 to index
        %get3A_870 = arith.constant 16 : index
        %get3A_871 = tpu.vector_load %arg6[%get3A_867, %get3A_868, %get3A_869, %get3A_870] {strides = array<i32>} : memref<2x4x128x64xf32, #tpu.memory_space<vmem>>, vector<1x1x1x16xf32>,
        %get3A_872 = vector.shape_cast %get3A_871 : vector<1x1x1x16xf32> to vector<16xf32>
        %mul3A_873 = arith.constant 8.000000e+00 : f32
        %mul3A_874 = vector.broadcast %mul3A_873 : f32 to vector<16xf32>
        %mul3A_875 = arith.mulf %get3A_872, %mul3A_874 : vector<16xf32>
        %swap3A_876 = arith.constant 0 : i32
        %swap3A_877 = arith.constant 2 : i32
        %swap3A_878 = arith.index_cast %swap3A_876 : i32 to index
        %swap3A_879 = arith.index_cast %swap3A_877 : i32 to index
        %swap3A_880 = arith.index_cast %scan3A_844 : i32 to index
        %swap3A_881 = arith.constant 16 : index
        %swap3A_882 = tpu.vector_load %arg6[%swap3A_878, %swap3A_879, %swap3A_880, %swap3A_881] {strides = array<i32>} : memref<2x4x128x64xf32, #tpu.memory_space<vmem>>, vector<1x1x1x16xf32>,
        %swap3A_883 = vector.shape_cast %swap3A_882 : vector<1x1x1x16xf32> to vector<16xf32>
        %swap3A_884 = vector.shape_cast %mul3A_875 : vector<16xf32> to vector<1x1x1x16xf32>
        tpu.vector_store %arg6[%swap3A_878, %swap3A_879, %swap3A_880, %swap3A_881], %swap3A_884 {strides = array<i32>} : memref<2x4x128x64xf32, #tpu.memory_space<vmem>>, vector<1x1x1x16xf32>,
        %get3A_885 = arith.constant 0 : i32
        %get3A_886 = arith.constant 2 : i32
        %get3A_887 = arith.index_cast %get3A_885 : i32 to index
        %get3A_888 = arith.index_cast %get3A_886 : i32 to index
        %get3A_889 = arith.index_cast %scan3A_844 : i32 to index
        %get3A_890 = arith.constant 32 : index
        %get3A_891 = tpu.vector_load %arg6[%get3A_887, %get3A_888, %get3A_889, %get3A_890] {strides = array<i32>} : memref<2x4x128x64xf32, #tpu.memory_space<vmem>>, vector<1x1x1x16xf32>,
        %get3A_892 = vector.shape_cast %get3A_891 : vector<1x1x1x16xf32> to vector<16xf32>
        %mul3A_893 = arith.constant 8.000000e+00 : f32
        %mul3A_894 = vector.broadcast %mul3A_893 : f32 to vector<16xf32>
        %mul3A_895 = arith.mulf %get3A_892, %mul3A_894 : vector<16xf32>
        %swap3A_896 = arith.constant 0 : i32
        %swap3A_897 = arith.constant 2 : i32
        %swap3A_898 = arith.index_cast %swap3A_896 : i32 to index
        %swap3A_899 = arith.index_cast %swap3A_897 : i32 to index
        %swap3A_900 = arith.index_cast %scan3A_844 : i32 to index
        %swap3A_901 = arith.constant 32 : index
        %swap3A_902 = tpu.vector_load %arg6[%swap3A_898, %swap3A_899, %swap3A_900, %swap3A_901] {strides = array<i32>} : memref<2x4x128x64xf32, #tpu.memory_space<vmem>>, vector<1x1x1x16xf32>,
        %swap3A_903 = vector.shape_cast %swap3A_902 : vector<1x1x1x16xf32> to vector<16xf32>
        %swap3A_904 = vector.shape_cast %mul3A_895 : vector<16xf32> to vector<1x1x1x16xf32>
        tpu.vector_store %arg6[%swap3A_898, %swap3A_899, %swap3A_900, %swap3A_901], %swap3A_904 {strides = array<i32>} : memref<2x4x128x64xf32, #tpu.memory_space<vmem>>, vector<1x1x1x16xf32>,
        %get3A_905 = arith.constant 0 : i32
        %get3A_906 = arith.constant 2 : i32
        %get3A_907 = arith.index_cast %get3A_905 : i32 to index
        %get3A_908 = arith.index_cast %get3A_906 : i32 to index
        %get3A_909 = arith.index_cast %scan3A_844 : i32 to index
        %get3A_910 = arith.constant 48 : index
        %get3A_911 = tpu.vector_load %arg6[%get3A_907, %get3A_908, %get3A_909, %get3A_910] {strides = array<i32>} : memref<2x4x128x64xf32, #tpu.memory_space<vmem>>, vector<1x1x1x16xf32>,
        %get3A_912 = vector.shape_cast %get3A_911 : vector<1x1x1x16xf32> to vector<16xf32>
        %mul3A_913 = arith.constant 8.000000e+00 : f32
        %mul3A_914 = vector.broadcast %mul3A_913 : f32 to vector<16xf32>
        %mul3A_915 = arith.mulf %get3A_912, %mul3A_914 : vector<16xf32>
        %swap3A_916 = arith.constant 0 : i32
        %swap3A_917 = arith.constant 2 : i32
        %swap3A_918 = arith.index_cast %swap3A_916 : i32 to index
        %swap3A_919 = arith.index_cast %swap3A_917 : i32 to index
        %swap3A_920 = arith.index_cast %scan3A_844 : i32 to index
        %swap3A_921 = arith.constant 48 : index
        %swap3A_922 = tpu.vector_load %arg6[%swap3A_918, %swap3A_919, %swap3A_920, %swap3A_921] {strides = array<i32>} : memref<2x4x128x64xf32, #tpu.memory_space<vmem>>, vector<1x1x1x16xf32>,
        %swap3A_923 = vector.shape_cast %swap3A_922 : vector<1x1x1x16xf32> to vector<16xf32>
        %swap3A_924 = vector.shape_cast %mul3A_915 : vector<16xf32> to vector<1x1x1x16xf32>
        tpu.vector_store %arg6[%swap3A_918, %swap3A_919, %swap3A_920, %swap3A_921], %swap3A_924 {strides = array<i32>} : memref<2x4x128x64xf32, #tpu.memory_space<vmem>>, vector<1x1x1x16xf32>,
        %scan3A_925 = arith.constant 3 : i32
        %scan3A_926 = arith.addi %scan3A_682, %scan3A_925 : i32
        %get3A_927 = arith.constant 0 : i32
        %get3A_928 = arith.constant 2 : i32
        %get3A_929 = arith.index_cast %get3A_927 : i32 to index
        %get3A_930 = arith.index_cast %get3A_928 : i32 to index
        %get3A_931 = arith.index_cast %scan3A_926 : i32 to index
        %get3A_932 = arith.constant 0 : index
        %get3A_933 = tpu.vector_load %arg6[%get3A_929, %get3A_930, %get3A_931, %get3A_932] {strides = array<i32>} : memref<2x4x128x64xf32, #tpu.memory_space<vmem>>, vector<1x1x1x16xf32>,
        %get3A_934 = vector.shape_cast %get3A_933 : vector<1x1x1x16xf32> to vector<16xf32>
        %mul3A_935 = arith.constant 8.000000e+00 : f32
        %mul3A_936 = vector.broadcast %mul3A_935 : f32 to vector<16xf32>
        %mul3A_937 = arith.mulf %get3A_934, %mul3A_936 : vector<16xf32>
        %swap3A_938 = arith.constant 0 : i32
        %swap3A_939 = arith.constant 2 : i32
        %swap3A_940 = arith.index_cast %swap3A_938 : i32 to index
        %swap3A_941 = arith.index_cast %swap3A_939 : i32 to index
        %swap3A_942 = arith.index_cast %scan3A_926 : i32 to index
        %swap3A_943 = arith.constant 0 : index
        %swap3A_944 = tpu.vector_load %arg6[%swap3A_940, %swap3A_941, %swap3A_942, %swap3A_943] {strides = array<i32>} : memref<2x4x128x64xf32, #tpu.memory_space<vmem>>, vector<1x1x1x16xf32>,
        %swap3A_945 = vector.shape_cast %swap3A_944 : vector<1x1x1x16xf32> to vector<16xf32>
        %swap3A_946 = vector.shape_cast %mul3A_937 : vector<16xf32> to vector<1x1x1x16xf32>
        tpu.vector_store %arg6[%swap3A_940, %swap3A_941, %swap3A_942, %swap3A_943], %swap3A_946 {strides = array<i32>} : memref<2x4x128x64xf32, #tpu.memory_space<vmem>>, vector<1x1x1x16xf32>,
        %get3A_947 = arith.constant 0 : i32
        %get3A_948 = arith.constant 2 : i32
        %get3A_949 = arith.index_cast %get3A_947 : i32 to index
        %get3A_950 = arith.index_cast %get3A_948 : i32 to index
        %get3A_951 = arith.index_cast %scan3A_926 : i32 to index
        %get3A_952 = arith.constant 16 : index
        %get3A_953 = tpu.vector_load %arg6[%get3A_949, %get3A_950, %get3A_951, %get3A_952] {strides = array<i32>} : memref<2x4x128x64xf32, #tpu.memory_space<vmem>>, vector<1x1x1x16xf32>,
        %get3A_954 = vector.shape_cast %get3A_953 : vector<1x1x1x16xf32> to vector<16xf32>
        %mul3A_955 = arith.constant 8.000000e+00 : f32
        %mul3A_956 = vector.broadcast %mul3A_955 : f32 to vector<16xf32>
        %mul3A_957 = arith.mulf %get3A_954, %mul3A_956 : vector<16xf32>
        %swap3A_958 = arith.constant 0 : i32
        %swap3A_959 = arith.constant 2 : i32
        %swap3A_960 = arith.index_cast %swap3A_958 : i32 to index
        %swap3A_961 = arith.index_cast %swap3A_959 : i32 to index
        %swap3A_962 = arith.index_cast %scan3A_926 : i32 to index
        %swap3A_963 = arith.constant 16 : index
        %swap3A_964 = tpu.vector_load %arg6[%swap3A_960, %swap3A_961, %swap3A_962, %swap3A_963] {strides = array<i32>} : memref<2x4x128x64xf32, #tpu.memory_space<vmem>>, vector<1x1x1x16xf32>,
        %swap3A_965 = vector.shape_cast %swap3A_964 : vector<1x1x1x16xf32> to vector<16xf32>
        %swap3A_966 = vector.shape_cast %mul3A_957 : vector<16xf32> to vector<1x1x1x16xf32>
        tpu.vector_store %arg6[%swap3A_960, %swap3A_961, %swap3A_962, %swap3A_963], %swap3A_966 {strides = array<i32>} : memref<2x4x128x64xf32, #tpu.memory_space<vmem>>, vector<1x1x1x16xf32>,
        %get3A_967 = arith.constant 0 : i32
        %get3A_968 = arith.constant 2 : i32
        %get3A_969 = arith.index_cast %get3A_967 : i32 to index
        %get3A_970 = arith.index_cast %get3A_968 : i32 to index
        %get3A_971 = arith.index_cast %scan3A_926 : i32 to index
        %get3A_972 = arith.constant 32 : index
        %get3A_973 = tpu.vector_load %arg6[%get3A_969, %get3A_970, %get3A_971, %get3A_972] {strides = array<i32>} : memref<2x4x128x64xf32, #tpu.memory_space<vmem>>, vector<1x1x1x16xf32>,
        %get3A_974 = vector.shape_cast %get3A_973 : vector<1x1x1x16xf32> to vector<16xf32>
        %mul3A_975 = arith.constant 8.000000e+00 : f32
        %mul3A_976 = vector.broadcast %mul3A_975 : f32 to vector<16xf32>
        %mul3A_977 = arith.mulf %get3A_974, %mul3A_976 : vector<16xf32>
        %swap3A_978 = arith.constant 0 : i32
        %swap3A_979 = arith.constant 2 : i32
        %swap3A_980 = arith.index_cast %swap3A_978 : i32 to index
        %swap3A_981 = arith.index_cast %swap3A_979 : i32 to index
        %swap3A_982 = arith.index_cast %scan3A_926 : i32 to index
        %swap3A_983 = arith.constant 32 : index
        %swap3A_984 = tpu.vector_load %arg6[%swap3A_980, %swap3A_981, %swap3A_982, %swap3A_983] {strides = array<i32>} : memref<2x4x128x64xf32, #tpu.memory_space<vmem>>, vector<1x1x1x16xf32>,
        %swap3A_985 = vector.shape_cast %swap3A_984 : vector<1x1x1x16xf32> to vector<16xf32>
        %swap3A_986 = vector.shape_cast %mul3A_977 : vector<16xf32> to vector<1x1x1x16xf32>
        tpu.vector_store %arg6[%swap3A_980, %swap3A_981, %swap3A_982, %swap3A_983], %swap3A_986 {strides = array<i32>} : memref<2x4x128x64xf32, #tpu.memory_space<vmem>>, vector<1x1x1x16xf32>,
        %get3A_987 = arith.constant 0 : i32
        %get3A_988 = arith.constant 2 : i32
        %get3A_989 = arith.index_cast %get3A_987 : i32 to index
        %get3A_990 = arith.index_cast %get3A_988 : i32 to index
        %get3A_991 = arith.index_cast %scan3A_926 : i32 to index
        %get3A_992 = arith.constant 48 : index
        %get3A_993 = tpu.vector_load %arg6[%get3A_989, %get3A_990, %get3A_991, %get3A_992] {strides = array<i32>} : memref<2x4x128x64xf32, #tpu.memory_space<vmem>>, vector<1x1x1x16xf32>,
        %get3A_994 = vector.shape_cast %get3A_993 : vector<1x1x1x16xf32> to vector<16xf32>
        %mul3A_995 = arith.constant 8.000000e+00 : f32
        %mul3A_996 = vector.broadcast %mul3A_995 : f32 to vector<16xf32>
        %mul3A_997 = arith.mulf %get3A_994, %mul3A_996 : vector<16xf32>
        %swap3A_998 = arith.constant 0 : i32
        %swap3A_999 = arith.constant 2 : i32
        %swap3A_1000 = arith.index_cast %swap3A_998 : i32 to index
        %swap3A_1001 = arith.index_cast %swap3A_999 : i32 to index
        %swap3A_1002 = arith.index_cast %scan3A_926 : i32 to index
        %swap3A_1003 = arith.constant 48 : index
        %swap3A_1004 = tpu.vector_load %arg6[%swap3A_1000, %swap3A_1001, %swap3A_1002, %swap3A_1003] {strides = array<i32>} : memref<2x4x128x64xf32, #tpu.memory_space<vmem>>, vector<1x1x1x16xf32>,
        %swap3A_1005 = vector.shape_cast %swap3A_1004 : vector<1x1x1x16xf32> to vector<16xf32>
        %swap3A_1006 = vector.shape_cast %mul3A_997 : vector<16xf32> to vector<1x1x1x16xf32>
        tpu.vector_store %arg6[%swap3A_1000, %swap3A_1001, %swap3A_1002, %swap3A_1003], %swap3A_1006 {strides = array<i32>} : memref<2x4x128x64xf32, #tpu.memory_space<vmem>>, vector<1x1x1x16xf32>,
      }
      %scan3A_342 = arith.constant 128 : i32
      %mul3A_343 = arith.constant 2 : i32
      %mul3A_344 = arith.muli %mul3A_140, %mul3A_343 : i32
      %add3A_345 = arith.constant 1 : i32
      %add3A_346 = arith.addi %mul3A_344, %add3A_345 : i32
      %add3A_347 = arith.addi %mul3A_2, %add3A_346 : i32
      %dma_start3A_348 = arith.constant 0 : i32
      %dma_start3A_349 = arith.constant 2 : i32
      %dma_start3A_350 = arith.constant 0 : i32
      %dma_start3A_351 = arith.constant 0 : i32
      %dma_start3A_352 = tpu.memref_slice %arg6[%dma_start3A_348, %dma_start3A_349, %dma_start3A_350, %dma_start3A_351] : memref<2x4x128x64xf32, #tpu.memory_space<vmem>> -> memref<1x1x128x64xf32, #tpu.memory_space<vmem>>
      %dma_start3A_353 = tpu.memref_squeeze %dma_start3A_352 : memref<1x1x128x64xf32, #tpu.memory_space<vmem>> -> memref<128x64xf32, #tpu.memory_space<vmem>>
      %dma_start3A_354 = arith.constant 0 : i32
      %dma_start3A_355 = arith.constant 0 : i32
      %dma_start3A_356 = tpu.memref_slice %arg4[%add3A_347, %dma_start3A_354, %dma_start3A_355] : memref<4096x200x64xf32, #tpu.memory_space<hbm>> -> memref<1x128x64xf32, #tpu.memory_space<hbm>>
      %dma_start3A_357 = tpu.memref_squeeze %dma_start3A_356 : memref<1x128x64xf32, #tpu.memory_space<hbm>> -> memref<128x64xf32, #tpu.memory_space<hbm>>
      %dma_start3A_358 = arith.constant 0 : i32
      %dma_start3A_359 = arith.constant 0 : i32
      %dma_start3A_360 = tpu.memref_slice %arg4[%add3A_347, %dma_start3A_358, %dma_start3A_359] : memref<4096x200x64xf32, #tpu.memory_space<hbm>> -> memref<1x128x64xf32, #tpu.memory_space<hbm>>
      %dma_start3A_361 = tpu.memref_squeeze %dma_start3A_360 : memref<1x128x64xf32, #tpu.memory_space<hbm>> -> memref<128x64xf32, #tpu.memory_space<hbm>>
      %dma_start3A_362 = arith.constant 0 : i32
      %dma_start3A_363 = arith.constant 0 : i32
      %dma_start3A_364 = tpu.memref_slice %arg6[%dma_start3A_348, %dma_start3A_349, %dma_start3A_362, %dma_start3A_363] : memref<2x4x128x64xf32, #tpu.memory_space<vmem>> -> memref<1x1x128x64xf32, #tpu.memory_space<vmem>>
      %dma_start3A_365 = tpu.memref_squeeze %dma_start3A_364 : memref<1x1x128x64xf32, #tpu.memory_space<vmem>> -> memref<128x64xf32, #tpu.memory_space<vmem>>
      tpu.enqueue_dma source(%dma_start3A_365 : memref<128x64xf32, #tpu.memory_space<vmem>>) target(%dma_start3A_361 : memref<128x64xf32, #tpu.memory_space<hbm>>) target_semaphore(%arg9 : memref<!tpu.dma_semaphore, #tpu.memory_space<semaphore_mem>>)
      %scan3A_366 = arith.constant 0 : i32
      %scan3A_367 = arith.constant 0 : i32
      %scan3A_368 = arith.constant 72 : i32
      %scan3A_369 = arith.addi %scan3A_367, %scan3A_368 : i32
      %scan3A_370 = arith.constant 4 : i32
      scf.for %scan3A_682 = %scan3A_367 to %scan3A_369 step %scan3A_370  : i32 {
        %get3A = arith.constant 0 : i32
        %get3A_683 = arith.constant 3 : i32
        %get3A_684 = arith.index_cast %get3A : i32 to index
        %get3A_685 = arith.index_cast %get3A_683 : i32 to index
        %get3A_686 = arith.index_cast %scan3A_682 : i32 to index
        %get3A_687 = arith.constant 0 : index
        %get3A_688 = tpu.vector_load %arg6[%get3A_684, %get3A_685, %get3A_686, %get3A_687] {strides = array<i32>} : memref<2x4x128x64xf32, #tpu.memory_space<vmem>>, vector<1x1x1x16xf32>,
        %get3A_689 = vector.shape_cast %get3A_688 : vector<1x1x1x16xf32> to vector<16xf32>
        %mul3A_690 = arith.constant 8.000000e+00 : f32
        %mul3A_691 = vector.broadcast %mul3A_690 : f32 to vector<16xf32>
        %mul3A_692 = arith.mulf %get3A_689, %mul3A_691 : vector<16xf32>
        %swap3A = arith.constant 0 : i32
        %swap3A_693 = arith.constant 3 : i32
        %swap3A_694 = arith.index_cast %swap3A : i32 to index
        %swap3A_695 = arith.index_cast %swap3A_693 : i32 to index
        %swap3A_696 = arith.index_cast %scan3A_682 : i32 to index
        %swap3A_697 = arith.constant 0 : index
        %swap3A_698 = tpu.vector_load %arg6[%swap3A_694, %swap3A_695, %swap3A_696, %swap3A_697] {strides = array<i32>} : memref<2x4x128x64xf32, #tpu.memory_space<vmem>>, vector<1x1x1x16xf32>,
        %swap3A_699 = vector.shape_cast %swap3A_698 : vector<1x1x1x16xf32> to vector<16xf32>
        %swap3A_700 = vector.shape_cast %mul3A_692 : vector<16xf32> to vector<1x1x1x16xf32>
        tpu.vector_store %arg6[%swap3A_694, %swap3A_695, %swap3A_696, %swap3A_697], %swap3A_700 {strides = array<i32>} : memref<2x4x128x64xf32, #tpu.memory_space<vmem>>, vector<1x1x1x16xf32>,
        %get3A_701 = arith.constant 0 : i32
        %get3A_702 = arith.constant 3 : i32
        %get3A_703 = arith.index_cast %get3A_701 : i32 to index
        %get3A_704 = arith.index_cast %get3A_702 : i32 to index
        %get3A_705 = arith.index_cast %scan3A_682 : i32 to index
        %get3A_706 = arith.constant 16 : index
        %get3A_707 = tpu.vector_load %arg6[%get3A_703, %get3A_704, %get3A_705, %get3A_706] {strides = array<i32>} : memref<2x4x128x64xf32, #tpu.memory_space<vmem>>, vector<1x1x1x16xf32>,
        %get3A_708 = vector.shape_cast %get3A_707 : vector<1x1x1x16xf32> to vector<16xf32>
        %mul3A_709 = arith.constant 8.000000e+00 : f32
        %mul3A_710 = vector.broadcast %mul3A_709 : f32 to vector<16xf32>
        %mul3A_711 = arith.mulf %get3A_708, %mul3A_710 : vector<16xf32>
        %swap3A_712 = arith.constant 0 : i32
        %swap3A_713 = arith.constant 3 : i32
        %swap3A_714 = arith.index_cast %swap3A_712 : i32 to index
        %swap3A_715 = arith.index_cast %swap3A_713 : i32 to index
        %swap3A_716 = arith.index_cast %scan3A_682 : i32 to index
        %swap3A_717 = arith.constant 16 : index
        %swap3A_718 = tpu.vector_load %arg6[%swap3A_714, %swap3A_715, %swap3A_716, %swap3A_717] {strides = array<i32>} : memref<2x4x128x64xf32, #tpu.memory_space<vmem>>, vector<1x1x1x16xf32>,
        %swap3A_719 = vector.shape_cast %swap3A_718 : vector<1x1x1x16xf32> to vector<16xf32>
        %swap3A_720 = vector.shape_cast %mul3A_711 : vector<16xf32> to vector<1x1x1x16xf32>
        tpu.vector_store %arg6[%swap3A_714, %swap3A_715, %swap3A_716, %swap3A_717], %swap3A_720 {strides = array<i32>} : memref<2x4x128x64xf32, #tpu.memory_space<vmem>>, vector<1x1x1x16xf32>,
        %get3A_721 = arith.constant 0 : i32
        %get3A_722 = arith.constant 3 : i32
        %get3A_723 = arith.index_cast %get3A_721 : i32 to index
        %get3A_724 = arith.index_cast %get3A_722 : i32 to index
        %get3A_725 = arith.index_cast %scan3A_682 : i32 to index
        %get3A_726 = arith.constant 32 : index
        %get3A_727 = tpu.vector_load %arg6[%get3A_723, %get3A_724, %get3A_725, %get3A_726] {strides = array<i32>} : memref<2x4x128x64xf32, #tpu.memory_space<vmem>>, vector<1x1x1x16xf32>,
        %get3A_728 = vector.shape_cast %get3A_727 : vector<1x1x1x16xf32> to vector<16xf32>
        %mul3A_729 = arith.constant 8.000000e+00 : f32
        %mul3A_730 = vector.broadcast %mul3A_729 : f32 to vector<16xf32>
        %mul3A_731 = arith.mulf %get3A_728, %mul3A_730 : vector<16xf32>
        %swap3A_732 = arith.constant 0 : i32
        %swap3A_733 = arith.constant 3 : i32
        %swap3A_734 = arith.index_cast %swap3A_732 : i32 to index
        %swap3A_735 = arith.index_cast %swap3A_733 : i32 to index
        %swap3A_736 = arith.index_cast %scan3A_682 : i32 to index
        %swap3A_737 = arith.constant 32 : index
        %swap3A_738 = tpu.vector_load %arg6[%swap3A_734, %swap3A_735, %swap3A_736, %swap3A_737] {strides = array<i32>} : memref<2x4x128x64xf32, #tpu.memory_space<vmem>>, vector<1x1x1x16xf32>,
        %swap3A_739 = vector.shape_cast %swap3A_738 : vector<1x1x1x16xf32> to vector<16xf32>
        %swap3A_740 = vector.shape_cast %mul3A_731 : vector<16xf32> to vector<1x1x1x16xf32>
        tpu.vector_store %arg6[%swap3A_734, %swap3A_735, %swap3A_736, %swap3A_737], %swap3A_740 {strides = array<i32>} : memref<2x4x128x64xf32, #tpu.memory_space<vmem>>, vector<1x1x1x16xf32>,
        %get3A_741 = arith.constant 0 : i32
        %get3A_742 = arith.constant 3 : i32
        %get3A_743 = arith.index_cast %get3A_741 : i32 to index
        %get3A_744 = arith.index_cast %get3A_742 : i32 to index
        %get3A_745 = arith.index_cast %scan3A_682 : i32 to index
        %get3A_746 = arith.constant 48 : index
        %get3A_747 = tpu.vector_load %arg6[%get3A_743, %get3A_744, %get3A_745, %get3A_746] {strides = array<i32>} : memref<2x4x128x64xf32, #tpu.memory_space<vmem>>, vector<1x1x1x16xf32>,
        %get3A_748 = vector.shape_cast %get3A_747 : vector<1x1x1x16xf32> to vector<16xf32>
        %mul3A_749 = arith.constant 8.000000e+00 : f32
        %mul3A_750 = vector.broadcast %mul3A_749 : f32 to vector<16xf32>
        %mul3A_751 = arith.mulf %get3A_748, %mul3A_750 : vector<16xf32>
        %swap3A_752 = arith.constant 0 : i32
        %swap3A_753 = arith.constant 3 : i32
        %swap3A_754 = arith.index_cast %swap3A_752 : i32 to index
        %swap3A_755 = arith.index_cast %swap3A_753 : i32 to index
        %swap3A_756 = arith.index_cast %scan3A_682 : i32 to index
        %swap3A_757 = arith.constant 48 : index
        %swap3A_758 = tpu.vector_load %arg6[%swap3A_754, %swap3A_755, %swap3A_756, %swap3A_757] {strides = array<i32>} : memref<2x4x128x64xf32, #tpu.memory_space<vmem>>, vector<1x1x1x16xf32>,
        %swap3A_759 = vector.shape_cast %swap3A_758 : vector<1x1x1x16xf32> to vector<16xf32>
        %swap3A_760 = vector.shape_cast %mul3A_751 : vector<16xf32> to vector<1x1x1x16xf32>
        tpu.vector_store %arg6[%swap3A_754, %swap3A_755, %swap3A_756, %swap3A_757], %swap3A_760 {strides = array<i32>} : memref<2x4x128x64xf32, #tpu.memory_space<vmem>>, vector<1x1x1x16xf32>,
        %scan3A_761 = arith.constant 1 : i32
        %scan3A_762 = arith.addi %scan3A_682, %scan3A_761 : i32
        %get3A_763 = arith.constant 0 : i32
        %get3A_764 = arith.constant 3 : i32
        %get3A_765 = arith.index_cast %get3A_763 : i32 to index
        %get3A_766 = arith.index_cast %get3A_764 : i32 to index
        %get3A_767 = arith.index_cast %scan3A_762 : i32 to index
        %get3A_768 = arith.constant 0 : index
        %get3A_769 = tpu.vector_load %arg6[%get3A_765, %get3A_766, %get3A_767, %get3A_768] {strides = array<i32>} : memref<2x4x128x64xf32, #tpu.memory_space<vmem>>, vector<1x1x1x16xf32>,
        %get3A_770 = vector.shape_cast %get3A_769 : vector<1x1x1x16xf32> to vector<16xf32>
        %mul3A_771 = arith.constant 8.000000e+00 : f32
        %mul3A_772 = vector.broadcast %mul3A_771 : f32 to vector<16xf32>
        %mul3A_773 = arith.mulf %get3A_770, %mul3A_772 : vector<16xf32>
        %swap3A_774 = arith.constant 0 : i32
        %swap3A_775 = arith.constant 3 : i32
        %swap3A_776 = arith.index_cast %swap3A_774 : i32 to index
        %swap3A_777 = arith.index_cast %swap3A_775 : i32 to index
        %swap3A_778 = arith.index_cast %scan3A_762 : i32 to index
        %swap3A_779 = arith.constant 0 : index
        %swap3A_780 = tpu.vector_load %arg6[%swap3A_776, %swap3A_777, %swap3A_778, %swap3A_779] {strides = array<i32>} : memref<2x4x128x64xf32, #tpu.memory_space<vmem>>, vector<1x1x1x16xf32>,
        %swap3A_781 = vector.shape_cast %swap3A_780 : vector<1x1x1x16xf32> to vector<16xf32>
        %swap3A_782 = vector.shape_cast %mul3A_773 : vector<16xf32> to vector<1x1x1x16xf32>
        tpu.vector_store %arg6[%swap3A_776, %swap3A_777, %swap3A_778, %swap3A_779], %swap3A_782 {strides = array<i32>} : memref<2x4x128x64xf32, #tpu.memory_space<vmem>>, vector<1x1x1x16xf32>,
        %get3A_783 = arith.constant 0 : i32
        %get3A_784 = arith.constant 3 : i32
        %get3A_785 = arith.index_cast %get3A_783 : i32 to index
        %get3A_786 = arith.index_cast %get3A_784 : i32 to index
        %get3A_787 = arith.index_cast %scan3A_762 : i32 to index
        %get3A_788 = arith.constant 16 : index
        %get3A_789 = tpu.vector_load %arg6[%get3A_785, %get3A_786, %get3A_787, %get3A_788] {strides = array<i32>} : memref<2x4x128x64xf32, #tpu.memory_space<vmem>>, vector<1x1x1x16xf32>,
        %get3A_790 = vector.shape_cast %get3A_789 : vector<1x1x1x16xf32> to vector<16xf32>
        %mul3A_791 = arith.constant 8.000000e+00 : f32
        %mul3A_792 = vector.broadcast %mul3A_791 : f32 to vector<16xf32>
        %mul3A_793 = arith.mulf %get3A_790, %mul3A_792 : vector<16xf32>
        %swap3A_794 = arith.constant 0 : i32
        %swap3A_795 = arith.constant 3 : i32
        %swap3A_796 = arith.index_cast %swap3A_794 : i32 to index
        %swap3A_797 = arith.index_cast %swap3A_795 : i32 to index
        %swap3A_798 = arith.index_cast %scan3A_762 : i32 to index
        %swap3A_799 = arith.constant 16 : index
        %swap3A_800 = tpu.vector_load %arg6[%swap3A_796, %swap3A_797, %swap3A_798, %swap3A_799] {strides = array<i32>} : memref<2x4x128x64xf32, #tpu.memory_space<vmem>>, vector<1x1x1x16xf32>,
        %swap3A_801 = vector.shape_cast %swap3A_800 : vector<1x1x1x16xf32> to vector<16xf32>
        %swap3A_802 = vector.shape_cast %mul3A_793 : vector<16xf32> to vector<1x1x1x16xf32>
        tpu.vector_store %arg6[%swap3A_796, %swap3A_797, %swap3A_798, %swap3A_799], %swap3A_802 {strides = array<i32>} : memref<2x4x128x64xf32, #tpu.memory_space<vmem>>, vector<1x1x1x16xf32>,
        %get3A_803 = arith.constant 0 : i32
        %get3A_804 = arith.constant 3 : i32
        %get3A_805 = arith.index_cast %get3A_803 : i32 to index
        %get3A_806 = arith.index_cast %get3A_804 : i32 to index
        %get3A_807 = arith.index_cast %scan3A_762 : i32 to index
        %get3A_808 = arith.constant 32 : index
        %get3A_809 = tpu.vector_load %arg6[%get3A_805, %get3A_806, %get3A_807, %get3A_808] {strides = array<i32>} : memref<2x4x128x64xf32, #tpu.memory_space<vmem>>, vector<1x1x1x16xf32>,
        %get3A_810 = vector.shape_cast %get3A_809 : vector<1x1x1x16xf32> to vector<16xf32>
        %mul3A_811 = arith.constant 8.000000e+00 : f32
        %mul3A_812 = vector.broadcast %mul3A_811 : f32 to vector<16xf32>
        %mul3A_813 = arith.mulf %get3A_810, %mul3A_812 : vector<16xf32>
        %swap3A_814 = arith.constant 0 : i32
        %swap3A_815 = arith.constant 3 : i32
        %swap3A_816 = arith.index_cast %swap3A_814 : i32 to index
        %swap3A_817 = arith.index_cast %swap3A_815 : i32 to index
        %swap3A_818 = arith.index_cast %scan3A_762 : i32 to index
        %swap3A_819 = arith.constant 32 : index
        %swap3A_820 = tpu.vector_load %arg6[%swap3A_816, %swap3A_817, %swap3A_818, %swap3A_819] {strides = array<i32>} : memref<2x4x128x64xf32, #tpu.memory_space<vmem>>, vector<1x1x1x16xf32>,
        %swap3A_821 = vector.shape_cast %swap3A_820 : vector<1x1x1x16xf32> to vector<16xf32>
        %swap3A_822 = vector.shape_cast %mul3A_813 : vector<16xf32> to vector<1x1x1x16xf32>
        tpu.vector_store %arg6[%swap3A_816, %swap3A_817, %swap3A_818, %swap3A_819], %swap3A_822 {strides = array<i32>} : memref<2x4x128x64xf32, #tpu.memory_space<vmem>>, vector<1x1x1x16xf32>,
        %get3A_823 = arith.constant 0 : i32
        %get3A_824 = arith.constant 3 : i32
        %get3A_825 = arith.index_cast %get3A_823 : i32 to index
        %get3A_826 = arith.index_cast %get3A_824 : i32 to index
        %get3A_827 = arith.index_cast %scan3A_762 : i32 to index
        %get3A_828 = arith.constant 48 : index
        %get3A_829 = tpu.vector_load %arg6[%get3A_825, %get3A_826, %get3A_827, %get3A_828] {strides = array<i32>} : memref<2x4x128x64xf32, #tpu.memory_space<vmem>>, vector<1x1x1x16xf32>,
        %get3A_830 = vector.shape_cast %get3A_829 : vector<1x1x1x16xf32> to vector<16xf32>
        %mul3A_831 = arith.constant 8.000000e+00 : f32
        %mul3A_832 = vector.broadcast %mul3A_831 : f32 to vector<16xf32>
        %mul3A_833 = arith.mulf %get3A_830, %mul3A_832 : vector<16xf32>
        %swap3A_834 = arith.constant 0 : i32
        %swap3A_835 = arith.constant 3 : i32
        %swap3A_836 = arith.index_cast %swap3A_834 : i32 to index
        %swap3A_837 = arith.index_cast %swap3A_835 : i32 to index
        %swap3A_838 = arith.index_cast %scan3A_762 : i32 to index
        %swap3A_839 = arith.constant 48 : index
        %swap3A_840 = tpu.vector_load %arg6[%swap3A_836, %swap3A_837, %swap3A_838, %swap3A_839] {strides = array<i32>} : memref<2x4x128x64xf32, #tpu.memory_space<vmem>>, vector<1x1x1x16xf32>,
        %swap3A_841 = vector.shape_cast %swap3A_840 : vector<1x1x1x16xf32> to vector<16xf32>
        %swap3A_842 = vector.shape_cast %mul3A_833 : vector<16xf32> to vector<1x1x1x16xf32>
        tpu.vector_store %arg6[%swap3A_836, %swap3A_837, %swap3A_838, %swap3A_839], %swap3A_842 {strides = array<i32>} : memref<2x4x128x64xf32, #tpu.memory_space<vmem>>, vector<1x1x1x16xf32>,
        %scan3A_843 = arith.constant 2 : i32
        %scan3A_844 = arith.addi %scan3A_682, %scan3A_843 : i32
        %get3A_845 = arith.constant 0 : i32
        %get3A_846 = arith.constant 3 : i32
        %get3A_847 = arith.index_cast %get3A_845 : i32 to index
        %get3A_848 = arith.index_cast %get3A_846 : i32 to index
        %get3A_849 = arith.index_cast %scan3A_844 : i32 to index
        %get3A_850 = arith.constant 0 : index
        %get3A_851 = tpu.vector_load %arg6[%get3A_847, %get3A_848, %get3A_849, %get3A_850] {strides = array<i32>} : memref<2x4x128x64xf32, #tpu.memory_space<vmem>>, vector<1x1x1x16xf32>,
        %get3A_852 = vector.shape_cast %get3A_851 : vector<1x1x1x16xf32> to vector<16xf32>
        %mul3A_853 = arith.constant 8.000000e+00 : f32
        %mul3A_854 = vector.broadcast %mul3A_853 : f32 to vector<16xf32>
        %mul3A_855 = arith.mulf %get3A_852, %mul3A_854 : vector<16xf32>
        %swap3A_856 = arith.constant 0 : i32
        %swap3A_857 = arith.constant 3 : i32
        %swap3A_858 = arith.index_cast %swap3A_856 : i32 to index
        %swap3A_859 = arith.index_cast %swap3A_857 : i32 to index
        %swap3A_860 = arith.index_cast %scan3A_844 : i32 to index
        %swap3A_861 = arith.constant 0 : index
        %swap3A_862 = tpu.vector_load %arg6[%swap3A_858, %swap3A_859, %swap3A_860, %swap3A_861] {strides = array<i32>} : memref<2x4x128x64xf32, #tpu.memory_space<vmem>>, vector<1x1x1x16xf32>,
        %swap3A_863 = vector.shape_cast %swap3A_862 : vector<1x1x1x16xf32> to vector<16xf32>
        %swap3A_864 = vector.shape_cast %mul3A_855 : vector<16xf32> to vector<1x1x1x16xf32>
        tpu.vector_store %arg6[%swap3A_858, %swap3A_859, %swap3A_860, %swap3A_861], %swap3A_864 {strides = array<i32>} : memref<2x4x128x64xf32, #tpu.memory_space<vmem>>, vector<1x1x1x16xf32>,
        %get3A_865 = arith.constant 0 : i32
        %get3A_866 = arith.constant 3 : i32
        %get3A_867 = arith.index_cast %get3A_865 : i32 to index
        %get3A_868 = arith.index_cast %get3A_866 : i32 to index
        %get3A_869 = arith.index_cast %scan3A_844 : i32 to index
        %get3A_870 = arith.constant 16 : index
        %get3A_871 = tpu.vector_load %arg6[%get3A_867, %get3A_868, %get3A_869, %get3A_870] {strides = array<i32>} : memref<2x4x128x64xf32, #tpu.memory_space<vmem>>, vector<1x1x1x16xf32>,
        %get3A_872 = vector.shape_cast %get3A_871 : vector<1x1x1x16xf32> to vector<16xf32>
        %mul3A_873 = arith.constant 8.000000e+00 : f32
        %mul3A_874 = vector.broadcast %mul3A_873 : f32 to vector<16xf32>
        %mul3A_875 = arith.mulf %get3A_872, %mul3A_874 : vector<16xf32>
        %swap3A_876 = arith.constant 0 : i32
        %swap3A_877 = arith.constant 3 : i32
        %swap3A_878 = arith.index_cast %swap3A_876 : i32 to index
        %swap3A_879 = arith.index_cast %swap3A_877 : i32 to index
        %swap3A_880 = arith.index_cast %scan3A_844 : i32 to index
        %swap3A_881 = arith.constant 16 : index
        %swap3A_882 = tpu.vector_load %arg6[%swap3A_878, %swap3A_879, %swap3A_880, %swap3A_881] {strides = array<i32>} : memref<2x4x128x64xf32, #tpu.memory_space<vmem>>, vector<1x1x1x16xf32>,
        %swap3A_883 = vector.shape_cast %swap3A_882 : vector<1x1x1x16xf32> to vector<16xf32>
        %swap3A_884 = vector.shape_cast %mul3A_875 : vector<16xf32> to vector<1x1x1x16xf32>
        tpu.vector_store %arg6[%swap3A_878, %swap3A_879, %swap3A_880, %swap3A_881], %swap3A_884 {strides = array<i32>} : memref<2x4x128x64xf32, #tpu.memory_space<vmem>>, vector<1x1x1x16xf32>,
        %get3A_885 = arith.constant 0 : i32
        %get3A_886 = arith.constant 3 : i32
        %get3A_887 = arith.index_cast %get3A_885 : i32 to index
        %get3A_888 = arith.index_cast %get3A_886 : i32 to index
        %get3A_889 = arith.index_cast %scan3A_844 : i32 to index
        %get3A_890 = arith.constant 32 : index
        %get3A_891 = tpu.vector_load %arg6[%get3A_887, %get3A_888, %get3A_889, %get3A_890] {strides = array<i32>} : memref<2x4x128x64xf32, #tpu.memory_space<vmem>>, vector<1x1x1x16xf32>,
        %get3A_892 = vector.shape_cast %get3A_891 : vector<1x1x1x16xf32> to vector<16xf32>
        %mul3A_893 = arith.constant 8.000000e+00 : f32
        %mul3A_894 = vector.broadcast %mul3A_893 : f32 to vector<16xf32>
        %mul3A_895 = arith.mulf %get3A_892, %mul3A_894 : vector<16xf32>
        %swap3A_896 = arith.constant 0 : i32
        %swap3A_897 = arith.constant 3 : i32
        %swap3A_898 = arith.index_cast %swap3A_896 : i32 to index
        %swap3A_899 = arith.index_cast %swap3A_897 : i32 to index
        %swap3A_900 = arith.index_cast %scan3A_844 : i32 to index
        %swap3A_901 = arith.constant 32 : index
        %swap3A_902 = tpu.vector_load %arg6[%swap3A_898, %swap3A_899, %swap3A_900, %swap3A_901] {strides = array<i32>} : memref<2x4x128x64xf32, #tpu.memory_space<vmem>>, vector<1x1x1x16xf32>,
        %swap3A_903 = vector.shape_cast %swap3A_902 : vector<1x1x1x16xf32> to vector<16xf32>
        %swap3A_904 = vector.shape_cast %mul3A_895 : vector<16xf32> to vector<1x1x1x16xf32>
        tpu.vector_store %arg6[%swap3A_898, %swap3A_899, %swap3A_900, %swap3A_901], %swap3A_904 {strides = array<i32>} : memref<2x4x128x64xf32, #tpu.memory_space<vmem>>, vector<1x1x1x16xf32>,
        %get3A_905 = arith.constant 0 : i32
        %get3A_906 = arith.constant 3 : i32
        %get3A_907 = arith.index_cast %get3A_905 : i32 to index
        %get3A_908 = arith.index_cast %get3A_906 : i32 to index
        %get3A_909 = arith.index_cast %scan3A_844 : i32 to index
        %get3A_910 = arith.constant 48 : index
        %get3A_911 = tpu.vector_load %arg6[%get3A_907, %get3A_908, %get3A_909, %get3A_910] {strides = array<i32>} : memref<2x4x128x64xf32, #tpu.memory_space<vmem>>, vector<1x1x1x16xf32>,
        %get3A_912 = vector.shape_cast %get3A_911 : vector<1x1x1x16xf32> to vector<16xf32>
        %mul3A_913 = arith.constant 8.000000e+00 : f32
        %mul3A_914 = vector.broadcast %mul3A_913 : f32 to vector<16xf32>
        %mul3A_915 = arith.mulf %get3A_912, %mul3A_914 : vector<16xf32>
        %swap3A_916 = arith.constant 0 : i32
        %swap3A_917 = arith.constant 3 : i32
        %swap3A_918 = arith.index_cast %swap3A_916 : i32 to index
        %swap3A_919 = arith.index_cast %swap3A_917 : i32 to index
        %swap3A_920 = arith.index_cast %scan3A_844 : i32 to index
        %swap3A_921 = arith.constant 48 : index
        %swap3A_922 = tpu.vector_load %arg6[%swap3A_918, %swap3A_919, %swap3A_920, %swap3A_921] {strides = array<i32>} : memref<2x4x128x64xf32, #tpu.memory_space<vmem>>, vector<1x1x1x16xf32>,
        %swap3A_923 = vector.shape_cast %swap3A_922 : vector<1x1x1x16xf32> to vector<16xf32>
        %swap3A_924 = vector.shape_cast %mul3A_915 : vector<16xf32> to vector<1x1x1x16xf32>
        tpu.vector_store %arg6[%swap3A_918, %swap3A_919, %swap3A_920, %swap3A_921], %swap3A_924 {strides = array<i32>} : memref<2x4x128x64xf32, #tpu.memory_space<vmem>>, vector<1x1x1x16xf32>,
        %scan3A_925 = arith.constant 3 : i32
        %scan3A_926 = arith.addi %scan3A_682, %scan3A_925 : i32
        %get3A_927 = arith.constant 0 : i32
        %get3A_928 = arith.constant 3 : i32
        %get3A_929 = arith.index_cast %get3A_927 : i32 to index
        %get3A_930 = arith.index_cast %get3A_928 : i32 to index
        %get3A_931 = arith.index_cast %scan3A_926 : i32 to index
        %get3A_932 = arith.constant 0 : index
        %get3A_933 = tpu.vector_load %arg6[%get3A_929, %get3A_930, %get3A_931, %get3A_932] {strides = array<i32>} : memref<2x4x128x64xf32, #tpu.memory_space<vmem>>, vector<1x1x1x16xf32>,
        %get3A_934 = vector.shape_cast %get3A_933 : vector<1x1x1x16xf32> to vector<16xf32>
        %mul3A_935 = arith.constant 8.000000e+00 : f32
        %mul3A_936 = vector.broadcast %mul3A_935 : f32 to vector<16xf32>
        %mul3A_937 = arith.mulf %get3A_934, %mul3A_936 : vector<16xf32>
        %swap3A_938 = arith.constant 0 : i32
        %swap3A_939 = arith.constant 3 : i32
        %swap3A_940 = arith.index_cast %swap3A_938 : i32 to index
        %swap3A_941 = arith.index_cast %swap3A_939 : i32 to index
        %swap3A_942 = arith.index_cast %scan3A_926 : i32 to index
        %swap3A_943 = arith.constant 0 : index
        %swap3A_944 = tpu.vector_load %arg6[%swap3A_940, %swap3A_941, %swap3A_942, %swap3A_943] {strides = array<i32>} : memref<2x4x128x64xf32, #tpu.memory_space<vmem>>, vector<1x1x1x16xf32>,
        %swap3A_945 = vector.shape_cast %swap3A_944 : vector<1x1x1x16xf32> to vector<16xf32>
        %swap3A_946 = vector.shape_cast %mul3A_937 : vector<16xf32> to vector<1x1x1x16xf32>
        tpu.vector_store %arg6[%swap3A_940, %swap3A_941, %swap3A_942, %swap3A_943], %swap3A_946 {strides = array<i32>} : memref<2x4x128x64xf32, #tpu.memory_space<vmem>>, vector<1x1x1x16xf32>,
        %get3A_947 = arith.constant 0 : i32
        %get3A_948 = arith.constant 3 : i32
        %get3A_949 = arith.index_cast %get3A_947 : i32 to index
        %get3A_950 = arith.index_cast %get3A_948 : i32 to index
        %get3A_951 = arith.index_cast %scan3A_926 : i32 to index
        %get3A_952 = arith.constant 16 : index
        %get3A_953 = tpu.vector_load %arg6[%get3A_949, %get3A_950, %get3A_951, %get3A_952] {strides = array<i32>} : memref<2x4x128x64xf32, #tpu.memory_space<vmem>>, vector<1x1x1x16xf32>,
        %get3A_954 = vector.shape_cast %get3A_953 : vector<1x1x1x16xf32> to vector<16xf32>
        %mul3A_955 = arith.constant 8.000000e+00 : f32
        %mul3A_956 = vector.broadcast %mul3A_955 : f32 to vector<16xf32>
        %mul3A_957 = arith.mulf %get3A_954, %mul3A_956 : vector<16xf32>
        %swap3A_958 = arith.constant 0 : i32
        %swap3A_959 = arith.constant 3 : i32
        %swap3A_960 = arith.index_cast %swap3A_958 : i32 to index
        %swap3A_961 = arith.index_cast %swap3A_959 : i32 to index
        %swap3A_962 = arith.index_cast %scan3A_926 : i32 to index
        %swap3A_963 = arith.constant 16 : index
        %swap3A_964 = tpu.vector_load %arg6[%swap3A_960, %swap3A_961, %swap3A_962, %swap3A_963] {strides = array<i32>} : memref<2x4x128x64xf32, #tpu.memory_space<vmem>>, vector<1x1x1x16xf32>,
        %swap3A_965 = vector.shape_cast %swap3A_964 : vector<1x1x1x16xf32> to vector<16xf32>
        %swap3A_966 = vector.shape_cast %mul3A_957 : vector<16xf32> to vector<1x1x1x16xf32>
        tpu.vector_store %arg6[%swap3A_960, %swap3A_961, %swap3A_962, %swap3A_963], %swap3A_966 {strides = array<i32>} : memref<2x4x128x64xf32, #tpu.memory_space<vmem>>, vector<1x1x1x16xf32>,
        %get3A_967 = arith.constant 0 : i32
        %get3A_968 = arith.constant 3 : i32
        %get3A_969 = arith.index_cast %get3A_967 : i32 to index
        %get3A_970 = arith.index_cast %get3A_968 : i32 to index
        %get3A_971 = arith.index_cast %scan3A_926 : i32 to index
        %get3A_972 = arith.constant 32 : index
        %get3A_973 = tpu.vector_load %arg6[%get3A_969, %get3A_970, %get3A_971, %get3A_972] {strides = array<i32>} : memref<2x4x128x64xf32, #tpu.memory_space<vmem>>, vector<1x1x1x16xf32>,
        %get3A_974 = vector.shape_cast %get3A_973 : vector<1x1x1x16xf32> to vector<16xf32>
        %mul3A_975 = arith.constant 8.000000e+00 : f32
        %mul3A_976 = vector.broadcast %mul3A_975 : f32 to vector<16xf32>
        %mul3A_977 = arith.mulf %get3A_974, %mul3A_976 : vector<16xf32>
        %swap3A_978 = arith.constant 0 : i32
        %swap3A_979 = arith.constant 3 : i32
        %swap3A_980 = arith.index_cast %swap3A_978 : i32 to index
        %swap3A_981 = arith.index_cast %swap3A_979 : i32 to index
        %swap3A_982 = arith.index_cast %scan3A_926 : i32 to index
        %swap3A_983 = arith.constant 32 : index
        %swap3A_984 = tpu.vector_load %arg6[%swap3A_980, %swap3A_981, %swap3A_982, %swap3A_983] {strides = array<i32>} : memref<2x4x128x64xf32, #tpu.memory_space<vmem>>, vector<1x1x1x16xf32>,
        %swap3A_985 = vector.shape_cast %swap3A_984 : vector<1x1x1x16xf32> to vector<16xf32>
        %swap3A_986 = vector.shape_cast %mul3A_977 : vector<16xf32> to vector<1x1x1x16xf32>
        tpu.vector_store %arg6[%swap3A_980, %swap3A_981, %swap3A_982, %swap3A_983], %swap3A_986 {strides = array<i32>} : memref<2x4x128x64xf32, #tpu.memory_space<vmem>>, vector<1x1x1x16xf32>,
        %get3A_987 = arith.constant 0 : i32
        %get3A_988 = arith.constant 3 : i32
        %get3A_989 = arith.index_cast %get3A_987 : i32 to index
        %get3A_990 = arith.index_cast %get3A_988 : i32 to index
        %get3A_991 = arith.index_cast %scan3A_926 : i32 to index
        %get3A_992 = arith.constant 48 : index
        %get3A_993 = tpu.vector_load %arg6[%get3A_989, %get3A_990, %get3A_991, %get3A_992] {strides = array<i32>} : memref<2x4x128x64xf32, #tpu.memory_space<vmem>>, vector<1x1x1x16xf32>,
        %get3A_994 = vector.shape_cast %get3A_993 : vector<1x1x1x16xf32> to vector<16xf32>
        %mul3A_995 = arith.constant 8.000000e+00 : f32
        %mul3A_996 = vector.broadcast %mul3A_995 : f32 to vector<16xf32>
        %mul3A_997 = arith.mulf %get3A_994, %mul3A_996 : vector<16xf32>
        %swap3A_998 = arith.constant 0 : i32
        %swap3A_999 = arith.constant 3 : i32
        %swap3A_1000 = arith.index_cast %swap3A_998 : i32 to index
        %swap3A_1001 = arith.index_cast %swap3A_999 : i32 to index
        %swap3A_1002 = arith.index_cast %scan3A_926 : i32 to index
        %swap3A_1003 = arith.constant 48 : index
        %swap3A_1004 = tpu.vector_load %arg6[%swap3A_1000, %swap3A_1001, %swap3A_1002, %swap3A_1003] {strides = array<i32>} : memref<2x4x128x64xf32, #tpu.memory_space<vmem>>, vector<1x1x1x16xf32>,
        %swap3A_1005 = vector.shape_cast %swap3A_1004 : vector<1x1x1x16xf32> to vector<16xf32>
        %swap3A_1006 = vector.shape_cast %mul3A_997 : vector<16xf32> to vector<1x1x1x16xf32>
        tpu.vector_store %arg6[%swap3A_1000, %swap3A_1001, %swap3A_1002, %swap3A_1003], %swap3A_1006 {strides = array<i32>} : memref<2x4x128x64xf32, #tpu.memory_space<vmem>>, vector<1x1x1x16xf32>,
      }
      %scan3A_371 = arith.constant 72 : i32
      %mul3A_372 = arith.constant 2 : i32
      %mul3A_373 = arith.muli %mul3A_140, %mul3A_372 : i32
      %add3A_374 = arith.constant 1 : i32
      %add3A_375 = arith.addi %mul3A_373, %add3A_374 : i32
      %add3A_376 = arith.addi %mul3A_2, %add3A_375 : i32
      %dma_start3A_377 = arith.constant 0 : i32
      %dma_start3A_378 = arith.constant 3 : i32
      %dma_start3A_379 = arith.constant 0 : i32
      %dma_start3A_380 = arith.constant 0 : i32
      %dma_start3A_381 = tpu.memref_slice %arg6[%dma_start3A_377, %dma_start3A_378, %dma_start3A_379, %dma_start3A_380] : memref<2x4x128x64xf32, #tpu.memory_space<vmem>> -> memref<1x1x72x64xf32, #tpu.memory_space<vmem>>
      %dma_start3A_382 = tpu.memref_squeeze %dma_start3A_381 : memref<1x1x72x64xf32, #tpu.memory_space<vmem>> -> memref<72x64xf32, #tpu.memory_space<vmem>>
      %dma_start3A_383 = arith.constant 128 : i32
      %dma_start3A_384 = arith.constant 0 : i32
      %dma_start3A_385 = tpu.memref_slice %arg4[%add3A_376, %dma_start3A_383, %dma_start3A_384] : memref<4096x200x64xf32, #tpu.memory_space<hbm>> -> memref<1x72x64xf32, #tpu.memory_space<hbm>>
      %dma_start3A_386 = tpu.memref_squeeze %dma_start3A_385 : memref<1x72x64xf32, #tpu.memory_space<hbm>> -> memref<72x64xf32, #tpu.memory_space<hbm>>
      %dma_start3A_387 = arith.constant 128 : i32
      %dma_start3A_388 = arith.constant 0 : i32
      %dma_start3A_389 = tpu.memref_slice %arg4[%add3A_376, %dma_start3A_387, %dma_start3A_388] : memref<4096x200x64xf32, #tpu.memory_space<hbm>> -> memref<1x72x64xf32, #tpu.memory_space<hbm>>
      %dma_start3A_390 = tpu.memref_squeeze %dma_start3A_389 : memref<1x72x64xf32, #tpu.memory_space<hbm>> -> memref<72x64xf32, #tpu.memory_space<hbm>>
      %dma_start3A_391 = arith.constant 0 : i32
      %dma_start3A_392 = arith.constant 0 : i32
      %dma_start3A_393 = tpu.memref_slice %arg6[%dma_start3A_377, %dma_start3A_378, %dma_start3A_391, %dma_start3A_392] : memref<2x4x128x64xf32, #tpu.memory_space<vmem>> -> memref<1x1x72x64xf32, #tpu.memory_space<vmem>>
      %dma_start3A_394 = tpu.memref_squeeze %dma_start3A_393 : memref<1x1x72x64xf32, #tpu.memory_space<vmem>> -> memref<72x64xf32, #tpu.memory_space<vmem>>
      tpu.enqueue_dma source(%dma_start3A_394 : memref<72x64xf32, #tpu.memory_space<vmem>>) target(%dma_start3A_390 : memref<72x64xf32, #tpu.memory_space<hbm>>) target_semaphore(%arg9 : memref<!tpu.dma_semaphore, #tpu.memory_space<semaphore_mem>>)
      %mul3A_395 = arith.constant 2 : i32
      %mul3A_396 = arith.muli %scan3A_138, %mul3A_395 : i32
      %add3A_397 = arith.constant 1 : i32
      %add3A_398 = arith.addi %mul3A_396, %add3A_397 : i32
      %sub3A = arith.constant 1 : i32
      %sub3A_399 = arith.subi %add3A_398, %sub3A : i32
      %mul3A_400 = arith.constant 2 : i32
      %mul3A_401 = arith.muli %sub3A_399, %mul3A_400 : i32
      %add3A_402 = arith.constant 0 : i32
      %add3A_403 = arith.addi %mul3A_401, %add3A_402 : i32
      %add3A_404 = arith.addi %mul3A_2, %add3A_403 : i32
      %dma_wait3A_405 = arith.constant 0 : i32
      %dma_wait3A_406 = arith.constant 0 : i32
      %dma_wait3A_407 = arith.constant 0 : i32
      %dma_wait3A_408 = arith.constant 0 : i32
      %dma_wait3A_409 = tpu.memref_slice %arg6[%dma_wait3A_405, %dma_wait3A_406, %dma_wait3A_407, %dma_wait3A_408] : memref<2x4x128x64xf32, #tpu.memory_space<vmem>> -> memref<1x1x128x64xf32, #tpu.memory_space<vmem>>
      %dma_wait3A_410 = tpu.memref_squeeze %dma_wait3A_409 : memref<1x1x128x64xf32, #tpu.memory_space<vmem>> -> memref<128x64xf32, #tpu.memory_space<vmem>>
      %dma_wait3A_411 = arith.constant 0 : i32
      %dma_wait3A_412 = arith.constant 0 : i32
      %dma_wait3A_413 = tpu.memref_slice %arg4[%add3A_404, %dma_wait3A_411, %dma_wait3A_412] : memref<4096x200x64xf32, #tpu.memory_space<hbm>> -> memref<1x128x64xf32, #tpu.memory_space<hbm>>
      %dma_wait3A_414 = tpu.memref_squeeze %dma_wait3A_413 : memref<1x128x64xf32, #tpu.memory_space<hbm>> -> memref<128x64xf32, #tpu.memory_space<hbm>>
      %dma_wait3A_415 = arith.constant 0 : i32
      %dma_wait3A_416 = arith.constant 0 : i32
      %dma_wait3A_417 = tpu.memref_slice %arg4[%add3A_404, %dma_wait3A_415, %dma_wait3A_416] : memref<4096x200x64xf32, #tpu.memory_space<hbm>> -> memref<1x128x64xf32, #tpu.memory_space<hbm>>
      %dma_wait3A_418 = tpu.memref_squeeze %dma_wait3A_417 : memref<1x128x64xf32, #tpu.memory_space<hbm>> -> memref<128x64xf32, #tpu.memory_space<hbm>>
      %dma_wait3A_419 = arith.constant 0 : i32
      %dma_wait3A_420 = arith.constant 0 : i32
      %dma_wait3A_421 = tpu.memref_slice %arg6[%dma_wait3A_405, %dma_wait3A_406, %dma_wait3A_419, %dma_wait3A_420] : memref<2x4x128x64xf32, #tpu.memory_space<vmem>> -> memref<1x1x128x64xf32, #tpu.memory_space<vmem>>
      %dma_wait3A_422 = tpu.memref_squeeze %dma_wait3A_421 : memref<1x1x128x64xf32, #tpu.memory_space<vmem>> -> memref<128x64xf32, #tpu.memory_space<vmem>>
      tpu.wait_dma2 semaphore(%arg9 : memref<!tpu.dma_semaphore, #tpu.memory_space<semaphore_mem>>) src(%dma_wait3A_422 : memref<128x64xf32, #tpu.memory_space<vmem>>) dst(%dma_wait3A_418 : memref<128x64xf32, #tpu.memory_space<hbm>>)
      %sub3A_423 = arith.constant 1 : i32
      %sub3A_424 = arith.subi %add3A_398, %sub3A_423 : i32
      %mul3A_425 = arith.constant 2 : i32
      %mul3A_426 = arith.muli %sub3A_424, %mul3A_425 : i32
      %add3A_427 = arith.constant 0 : i32
      %add3A_428 = arith.addi %mul3A_426, %add3A_427 : i32
      %add3A_429 = arith.addi %mul3A_2, %add3A_428 : i32
      %dma_wait3A_430 = arith.constant 0 : i32
      %dma_wait3A_431 = arith.constant 1 : i32
      %dma_wait3A_432 = arith.constant 0 : i32
      %dma_wait3A_433 = arith.constant 0 : i32
      %dma_wait3A_434 = tpu.memref_slice %arg6[%dma_wait3A_430, %dma_wait3A_431, %dma_wait3A_432, %dma_wait3A_433] : memref<2x4x128x64xf32, #tpu.memory_space<vmem>> -> memref<1x1x72x64xf32, #tpu.memory_space<vmem>>
      %dma_wait3A_435 = tpu.memref_squeeze %dma_wait3A_434 : memref<1x1x72x64xf32, #tpu.memory_space<vmem>> -> memref<72x64xf32, #tpu.memory_space<vmem>>
      %dma_wait3A_436 = arith.constant 128 : i32
      %dma_wait3A_437 = arith.constant 0 : i32
      %dma_wait3A_438 = tpu.memref_slice %arg4[%add3A_429, %dma_wait3A_436, %dma_wait3A_437] : memref<4096x200x64xf32, #tpu.memory_space<hbm>> -> memref<1x72x64xf32, #tpu.memory_space<hbm>>
      %dma_wait3A_439 = tpu.memref_squeeze %dma_wait3A_438 : memref<1x72x64xf32, #tpu.memory_space<hbm>> -> memref<72x64xf32, #tpu.memory_space<hbm>>
      %dma_wait3A_440 = arith.constant 128 : i32
      %dma_wait3A_441 = arith.constant 0 : i32
      %dma_wait3A_442 = tpu.memref_slice %arg4[%add3A_429, %dma_wait3A_440, %dma_wait3A_441] : memref<4096x200x64xf32, #tpu.memory_space<hbm>> -> memref<1x72x64xf32, #tpu.memory_space<hbm>>
      %dma_wait3A_443 = tpu.memref_squeeze %dma_wait3A_442 : memref<1x72x64xf32, #tpu.memory_space<hbm>> -> memref<72x64xf32, #tpu.memory_space<hbm>>
      %dma_wait3A_444 = arith.constant 0 : i32
      %dma_wait3A_445 = arith.constant 0 : i32
      %dma_wait3A_446 = tpu.memref_slice %arg6[%dma_wait3A_430, %dma_wait3A_431, %dma_wait3A_444, %dma_wait3A_445] : memref<2x4x128x64xf32, #tpu.memory_space<vmem>> -> memref<1x1x72x64xf32, #tpu.memory_space<vmem>>
      %dma_wait3A_447 = tpu.memref_squeeze %dma_wait3A_446 : memref<1x1x72x64xf32, #tpu.memory_space<vmem>> -> memref<72x64xf32, #tpu.memory_space<vmem>>
      tpu.wait_dma2 semaphore(%arg9 : memref<!tpu.dma_semaphore, #tpu.memory_space<semaphore_mem>>) src(%dma_wait3A_447 : memref<72x64xf32, #tpu.memory_space<vmem>>) dst(%dma_wait3A_443 : memref<72x64xf32, #tpu.memory_space<hbm>>)
      %sub3A_448 = arith.constant 1 : i32
      %sub3A_449 = arith.subi %add3A_398, %sub3A_448 : i32
      %mul3A_450 = arith.constant 2 : i32
      %mul3A_451 = arith.muli %sub3A_449, %mul3A_450 : i32
      %add3A_452 = arith.constant 1 : i32
      %add3A_453 = arith.addi %mul3A_451, %add3A_452 : i32
      %add3A_454 = arith.addi %mul3A_2, %add3A_453 : i32
      %dma_wait3A_455 = arith.constant 0 : i32
      %dma_wait3A_456 = arith.constant 2 : i32
      %dma_wait3A_457 = arith.constant 0 : i32
      %dma_wait3A_458 = arith.constant 0 : i32
      %dma_wait3A_459 = tpu.memref_slice %arg6[%dma_wait3A_455, %dma_wait3A_456, %dma_wait3A_457, %dma_wait3A_458] : memref<2x4x128x64xf32, #tpu.memory_space<vmem>> -> memref<1x1x128x64xf32, #tpu.memory_space<vmem>>
      %dma_wait3A_460 = tpu.memref_squeeze %dma_wait3A_459 : memref<1x1x128x64xf32, #tpu.memory_space<vmem>> -> memref<128x64xf32, #tpu.memory_space<vmem>>
      %dma_wait3A_461 = arith.constant 0 : i32
      %dma_wait3A_462 = arith.constant 0 : i32
      %dma_wait3A_463 = tpu.memref_slice %arg4[%add3A_454, %dma_wait3A_461, %dma_wait3A_462] : memref<4096x200x64xf32, #tpu.memory_space<hbm>> -> memref<1x128x64xf32, #tpu.memory_space<hbm>>
      %dma_wait3A_464 = tpu.memref_squeeze %dma_wait3A_463 : memref<1x128x64xf32, #tpu.memory_space<hbm>> -> memref<128x64xf32, #tpu.memory_space<hbm>>
      %dma_wait3A_465 = arith.constant 0 : i32
      %dma_wait3A_466 = arith.constant 0 : i32
      %dma_wait3A_467 = tpu.memref_slice %arg4[%add3A_454, %dma_wait3A_465, %dma_wait3A_466] : memref<4096x200x64xf32, #tpu.memory_space<hbm>> -> memref<1x128x64xf32, #tpu.memory_space<hbm>>
      %dma_wait3A_468 = tpu.memref_squeeze %dma_wait3A_467 : memref<1x128x64xf32, #tpu.memory_space<hbm>> -> memref<128x64xf32, #tpu.memory_space<hbm>>
      %dma_wait3A_469 = arith.constant 0 : i32
      %dma_wait3A_470 = arith.constant 0 : i32
      %dma_wait3A_471 = tpu.memref_slice %arg6[%dma_wait3A_455, %dma_wait3A_456, %dma_wait3A_469, %dma_wait3A_470] : memref<2x4x128x64xf32, #tpu.memory_space<vmem>> -> memref<1x1x128x64xf32, #tpu.memory_space<vmem>>
      %dma_wait3A_472 = tpu.memref_squeeze %dma_wait3A_471 : memref<1x1x128x64xf32, #tpu.memory_space<vmem>> -> memref<128x64xf32, #tpu.memory_space<vmem>>
      tpu.wait_dma2 semaphore(%arg9 : memref<!tpu.dma_semaphore, #tpu.memory_space<semaphore_mem>>) src(%dma_wait3A_472 : memref<128x64xf32, #tpu.memory_space<vmem>>) dst(%dma_wait3A_468 : memref<128x64xf32, #tpu.memory_space<hbm>>)
      %sub3A_473 = arith.constant 1 : i32
      %sub3A_474 = arith.subi %add3A_398, %sub3A_473 : i32
      %mul3A_475 = arith.constant 2 : i32
      %mul3A_476 = arith.muli %sub3A_474, %mul3A_475 : i32
      %add3A_477 = arith.constant 1 : i32
      %add3A_478 = arith.addi %mul3A_476, %add3A_477 : i32
      %add3A_479 = arith.addi %mul3A_2, %add3A_478 : i32
      %dma_wait3A_480 = arith.constant 0 : i32
      %dma_wait3A_481 = arith.constant 3 : i32
      %dma_wait3A_482 = arith.constant 0 : i32
      %dma_wait3A_483 = arith.constant 0 : i32
      %dma_wait3A_484 = tpu.memref_slice %arg6[%dma_wait3A_480, %dma_wait3A_481, %dma_wait3A_482, %dma_wait3A_483] : memref<2x4x128x64xf32, #tpu.memory_space<vmem>> -> memref<1x1x72x64xf32, #tpu.memory_space<vmem>>
      %dma_wait3A_485 = tpu.memref_squeeze %dma_wait3A_484 : memref<1x1x72x64xf32, #tpu.memory_space<vmem>> -> memref<72x64xf32, #tpu.memory_space<vmem>>
      %dma_wait3A_486 = arith.constant 128 : i32
      %dma_wait3A_487 = arith.constant 0 : i32
      %dma_wait3A_488 = tpu.memref_slice %arg4[%add3A_479, %dma_wait3A_486, %dma_wait3A_487] : memref<4096x200x64xf32, #tpu.memory_space<hbm>> -> memref<1x72x64xf32, #tpu.memory_space<hbm>>
      %dma_wait3A_489 = tpu.memref_squeeze %dma_wait3A_488 : memref<1x72x64xf32, #tpu.memory_space<hbm>> -> memref<72x64xf32, #tpu.memory_space<hbm>>
      %dma_wait3A_490 = arith.constant 128 : i32
      %dma_wait3A_491 = arith.constant 0 : i32
      %dma_wait3A_492 = tpu.memref_slice %arg4[%add3A_479, %dma_wait3A_490, %dma_wait3A_491] : memref<4096x200x64xf32, #tpu.memory_space<hbm>> -> memref<1x72x64xf32, #tpu.memory_space<hbm>>
      %dma_wait3A_493 = tpu.memref_squeeze %dma_wait3A_492 : memref<1x72x64xf32, #tpu.memory_space<hbm>> -> memref<72x64xf32, #tpu.memory_space<hbm>>
      %dma_wait3A_494 = arith.constant 0 : i32
      %dma_wait3A_495 = arith.constant 0 : i32
      %dma_wait3A_496 = tpu.memref_slice %arg6[%dma_wait3A_480, %dma_wait3A_481, %dma_wait3A_494, %dma_wait3A_495] : memref<2x4x128x64xf32, #tpu.memory_space<vmem>> -> memref<1x1x72x64xf32, #tpu.memory_space<vmem>>
      %dma_wait3A_497 = tpu.memref_squeeze %dma_wait3A_496 : memref<1x1x72x64xf32, #tpu.memory_space<vmem>> -> memref<72x64xf32, #tpu.memory_space<vmem>>
      tpu.wait_dma2 semaphore(%arg9 : memref<!tpu.dma_semaphore, #tpu.memory_space<semaphore_mem>>) src(%dma_wait3A_497 : memref<72x64xf32, #tpu.memory_space<vmem>>) dst(%dma_wait3A_493 : memref<72x64xf32, #tpu.memory_space<hbm>>)
      %le3A = arith.constant 62 : i32
      %le3A_498 = arith.cmpi sle, %add3A_398, %le3A : i32
      %convert_element_type3A_499 = arith.extui %le3A_498 : i1 to i32
      %cond3A_500 = arith.constant 0 : i32
      %cond3A_501 = arith.cmpi ne, %convert_element_type3A_499, %cond3A_500 : i32
      scf.if %cond3A_501 {
        %add3A_682 = arith.constant 1 : i32
        %add3A_683 = arith.addi %add3A_398, %add3A_682 : i32
        %mul3A_684 = arith.constant 2 : i32
        %mul3A_685 = arith.muli %add3A_683, %mul3A_684 : i32
        %add3A_686 = arith.constant 0 : i32
        %add3A_687 = arith.addi %mul3A_685, %add3A_686 : i32
        %dma_start3A_688 = arith.constant 0 : i32
        %dma_start3A_689 = arith.constant 0 : i32
        %dma_start3A_690 = arith.constant 0 : i32
        %dma_start3A_691 = arith.constant 0 : i32
        %dma_start3A_692 = tpu.memref_slice %arg6[%dma_start3A_688, %dma_start3A_689, %dma_start3A_690, %dma_start3A_691] : memref<2x4x128x64xf32, #tpu.memory_space<vmem>> -> memref<1x1x128x64xf32, #tpu.memory_space<vmem>>
        %dma_start3A_693 = tpu.memref_squeeze %dma_start3A_692 : memref<1x1x128x64xf32, #tpu.memory_space<vmem>> -> memref<128x64xf32, #tpu.memory_space<vmem>>
        %dma_start3A_694 = arith.constant 0 : i32
        %dma_start3A_695 = tpu.memref_slice %arg5[%add3A_687, %dma_start3A_694] : memref<128x200xi32, #tpu.memory_space<vmem>> -> memref<1x128xi32, #tpu.memory_space<vmem>>
        %dma_start3A_696 = tpu.memref_squeeze %dma_start3A_695 : memref<1x128xi32, #tpu.memory_space<vmem>> -> memref<128xi32, #tpu.memory_space<vmem>>
        %dma_start3A_697 = arith.constant 0 : i32
        %dma_start3A_698 = arith.constant 0 : i32
        %dma_start3A_699 = tpu.memref_slice %arg3[%dma_start3A_697, %dma_start3A_698] : memref<1000000x64xf32, #tpu.memory_space<hbm>> -> memref<1000000x64xf32, #tpu.memory_space<hbm>>
        tpu.enqueue_indirect_dma source(%dma_start3A_699 : memref<1000000x64xf32, #tpu.memory_space<hbm>>) target(%dma_start3A_693 : memref<128x64xf32, #tpu.memory_space<vmem>>) offsets(%dma_start3A_696 : memref<128xi32, #tpu.memory_space<vmem>>) semaphore(%arg7 : memref<!tpu.dma_semaphore, #tpu.memory_space<semaphore_mem>>)
        %add3A_700 = arith.constant 1 : i32
        %add3A_701 = arith.addi %add3A_398, %add3A_700 : i32
        %mul3A_702 = arith.constant 2 : i32
        %mul3A_703 = arith.muli %add3A_701, %mul3A_702 : i32
        %add3A_704 = arith.constant 0 : i32
        %add3A_705 = arith.addi %mul3A_703, %add3A_704 : i32
        %dma_start3A_706 = arith.constant 0 : i32
        %dma_start3A_707 = arith.constant 1 : i32
        %dma_start3A_708 = arith.constant 0 : i32
        %dma_start3A_709 = arith.constant 0 : i32
        %dma_start3A_710 = tpu.memref_slice %arg6[%dma_start3A_706, %dma_start3A_707, %dma_start3A_708, %dma_start3A_709] : memref<2x4x128x64xf32, #tpu.memory_space<vmem>> -> memref<1x1x72x64xf32, #tpu.memory_space<vmem>>
        %dma_start3A_711 = tpu.memref_squeeze %dma_start3A_710 : memref<1x1x72x64xf32, #tpu.memory_space<vmem>> -> memref<72x64xf32, #tpu.memory_space<vmem>>
        %dma_start3A_712 = arith.constant 128 : i32
        %dma_start3A_713 = tpu.memref_slice %arg5[%add3A_705, %dma_start3A_712] : memref<128x200xi32, #tpu.memory_space<vmem>> -> memref<1x72xi32, #tpu.memory_space<vmem>>
        %dma_start3A_714 = tpu.memref_squeeze %dma_start3A_713 : memref<1x72xi32, #tpu.memory_space<vmem>> -> memref<72xi32, #tpu.memory_space<vmem>>
        %dma_start3A_715 = arith.constant 0 : i32
        %dma_start3A_716 = arith.constant 0 : i32
        %dma_start3A_717 = tpu.memref_slice %arg3[%dma_start3A_715, %dma_start3A_716] : memref<1000000x64xf32, #tpu.memory_space<hbm>> -> memref<1000000x64xf32, #tpu.memory_space<hbm>>
        tpu.enqueue_indirect_dma source(%dma_start3A_717 : memref<1000000x64xf32, #tpu.memory_space<hbm>>) target(%dma_start3A_711 : memref<72x64xf32, #tpu.memory_space<vmem>>) offsets(%dma_start3A_714 : memref<72xi32, #tpu.memory_space<vmem>>) semaphore(%arg7 : memref<!tpu.dma_semaphore, #tpu.memory_space<semaphore_mem>>)
        %add3A_718 = arith.constant 1 : i32
        %add3A_719 = arith.addi %add3A_398, %add3A_718 : i32
        %mul3A_720 = arith.constant 2 : i32
        %mul3A_721 = arith.muli %add3A_719, %mul3A_720 : i32
        %add3A_722 = arith.constant 1 : i32
        %add3A_723 = arith.addi %mul3A_721, %add3A_722 : i32
        %dma_start3A_724 = arith.constant 0 : i32
        %dma_start3A_725 = arith.constant 2 : i32
        %dma_start3A_726 = arith.constant 0 : i32
        %dma_start3A_727 = arith.constant 0 : i32
        %dma_start3A_728 = tpu.memref_slice %arg6[%dma_start3A_724, %dma_start3A_725, %dma_start3A_726, %dma_start3A_727] : memref<2x4x128x64xf32, #tpu.memory_space<vmem>> -> memref<1x1x128x64xf32, #tpu.memory_space<vmem>>
        %dma_start3A_729 = tpu.memref_squeeze %dma_start3A_728 : memref<1x1x128x64xf32, #tpu.memory_space<vmem>> -> memref<128x64xf32, #tpu.memory_space<vmem>>
        %dma_start3A_730 = arith.constant 0 : i32
        %dma_start3A_731 = tpu.memref_slice %arg5[%add3A_723, %dma_start3A_730] : memref<128x200xi32, #tpu.memory_space<vmem>> -> memref<1x128xi32, #tpu.memory_space<vmem>>
        %dma_start3A_732 = tpu.memref_squeeze %dma_start3A_731 : memref<1x128xi32, #tpu.memory_space<vmem>> -> memref<128xi32, #tpu.memory_space<vmem>>
        %dma_start3A_733 = arith.constant 0 : i32
        %dma_start3A_734 = arith.constant 0 : i32
        %dma_start3A_735 = tpu.memref_slice %arg3[%dma_start3A_733, %dma_start3A_734] : memref<1000000x64xf32, #tpu.memory_space<hbm>> -> memref<1000000x64xf32, #tpu.memory_space<hbm>>
        tpu.enqueue_indirect_dma source(%dma_start3A_735 : memref<1000000x64xf32, #tpu.memory_space<hbm>>) target(%dma_start3A_729 : memref<128x64xf32, #tpu.memory_space<vmem>>) offsets(%dma_start3A_732 : memref<128xi32, #tpu.memory_space<vmem>>) semaphore(%arg7 : memref<!tpu.dma_semaphore, #tpu.memory_space<semaphore_mem>>)
        %add3A_736 = arith.constant 1 : i32
        %add3A_737 = arith.addi %add3A_398, %add3A_736 : i32
        %mul3A_738 = arith.constant 2 : i32
        %mul3A_739 = arith.muli %add3A_737, %mul3A_738 : i32
        %add3A_740 = arith.constant 1 : i32
        %add3A_741 = arith.addi %mul3A_739, %add3A_740 : i32
        %dma_start3A_742 = arith.constant 0 : i32
        %dma_start3A_743 = arith.constant 3 : i32
        %dma_start3A_744 = arith.constant 0 : i32
        %dma_start3A_745 = arith.constant 0 : i32
        %dma_start3A_746 = tpu.memref_slice %arg6[%dma_start3A_742, %dma_start3A_743, %dma_start3A_744, %dma_start3A_745] : memref<2x4x128x64xf32, #tpu.memory_space<vmem>> -> memref<1x1x72x64xf32, #tpu.memory_space<vmem>>
        %dma_start3A_747 = tpu.memref_squeeze %dma_start3A_746 : memref<1x1x72x64xf32, #tpu.memory_space<vmem>> -> memref<72x64xf32, #tpu.memory_space<vmem>>
        %dma_start3A_748 = arith.constant 128 : i32
        %dma_start3A_749 = tpu.memref_slice %arg5[%add3A_741, %dma_start3A_748] : memref<128x200xi32, #tpu.memory_space<vmem>> -> memref<1x72xi32, #tpu.memory_space<vmem>>
        %dma_start3A_750 = tpu.memref_squeeze %dma_start3A_749 : memref<1x72xi32, #tpu.memory_space<vmem>> -> memref<72xi32, #tpu.memory_space<vmem>>
        %dma_start3A_751 = arith.constant 0 : i32
        %dma_start3A_752 = arith.constant 0 : i32
        %dma_start3A_753 = tpu.memref_slice %arg3[%dma_start3A_751, %dma_start3A_752] : memref<1000000x64xf32, #tpu.memory_space<hbm>> -> memref<1000000x64xf32, #tpu.memory_space<hbm>>
        tpu.enqueue_indirect_dma source(%dma_start3A_753 : memref<1000000x64xf32, #tpu.memory_space<hbm>>) target(%dma_start3A_747 : memref<72x64xf32, #tpu.memory_space<vmem>>) offsets(%dma_start3A_750 : memref<72xi32, #tpu.memory_space<vmem>>) semaphore(%arg7 : memref<!tpu.dma_semaphore, #tpu.memory_space<semaphore_mem>>)
      } else {
      }
      %mul3A_502 = arith.constant 2 : i32
      %mul3A_503 = arith.muli %add3A_398, %mul3A_502 : i32
      %add3A_504 = arith.constant 0 : i32
      %add3A_505 = arith.addi %mul3A_503, %add3A_504 : i32
      %dma_wait3A_506 = arith.constant 1 : i32
      %dma_wait3A_507 = arith.constant 0 : i32
      %dma_wait3A_508 = arith.constant 0 : i32
      %dma_wait3A_509 = arith.constant 0 : i32
      %dma_wait3A_510 = tpu.memref_slice %arg6[%dma_wait3A_506, %dma_wait3A_507, %dma_wait3A_508, %dma_wait3A_509] : memref<2x4x128x64xf32, #tpu.memory_space<vmem>> -> memref<1x1x128x64xf32, #tpu.memory_space<vmem>>
      %dma_wait3A_511 = tpu.memref_squeeze %dma_wait3A_510 : memref<1x1x128x64xf32, #tpu.memory_space<vmem>> -> memref<128x64xf32, #tpu.memory_space<vmem>>
      %dma_wait3A_512 = arith.constant 0 : i32
      %dma_wait3A_513 = tpu.memref_slice %arg5[%add3A_505, %dma_wait3A_512] : memref<128x200xi32, #tpu.memory_space<vmem>> -> memref<1x128xi32, #tpu.memory_space<vmem>>
      %dma_wait3A_514 = tpu.memref_squeeze %dma_wait3A_513 : memref<1x128xi32, #tpu.memory_space<vmem>> -> memref<128xi32, #tpu.memory_space<vmem>>
      %dma_wait3A_515 = arith.constant 0 : i32
      %dma_wait3A_516 = arith.constant 0 : i32
      %dma_wait3A_517 = tpu.memref_slice %arg3[%dma_wait3A_515, %dma_wait3A_516] : memref<1000000x64xf32, #tpu.memory_space<hbm>> -> memref<1000000x64xf32, #tpu.memory_space<hbm>>
      tpu.wait_indirect_dma semaphore(%arg8 : memref<!tpu.dma_semaphore, #tpu.memory_space<semaphore_mem>>) src(%dma_wait3A_517 : memref<1000000x64xf32, #tpu.memory_space<hbm>>) dst(%dma_wait3A_511 : memref<128x64xf32, #tpu.memory_space<vmem>>)
      %mul3A_518 = arith.constant 2 : i32
      %mul3A_519 = arith.muli %add3A_398, %mul3A_518 : i32
      %add3A_520 = arith.constant 0 : i32
      %add3A_521 = arith.addi %mul3A_519, %add3A_520 : i32
      %dma_wait3A_522 = arith.constant 1 : i32
      %dma_wait3A_523 = arith.constant 1 : i32
      %dma_wait3A_524 = arith.constant 0 : i32
      %dma_wait3A_525 = arith.constant 0 : i32
      %dma_wait3A_526 = tpu.memref_slice %arg6[%dma_wait3A_522, %dma_wait3A_523, %dma_wait3A_524, %dma_wait3A_525] : memref<2x4x128x64xf32, #tpu.memory_space<vmem>> -> memref<1x1x72x64xf32, #tpu.memory_space<vmem>>
      %dma_wait3A_527 = tpu.memref_squeeze %dma_wait3A_526 : memref<1x1x72x64xf32, #tpu.memory_space<vmem>> -> memref<72x64xf32, #tpu.memory_space<vmem>>
      %dma_wait3A_528 = arith.constant 128 : i32
      %dma_wait3A_529 = tpu.memref_slice %arg5[%add3A_521, %dma_wait3A_528] : memref<128x200xi32, #tpu.memory_space<vmem>> -> memref<1x72xi32, #tpu.memory_space<vmem>>
      %dma_wait3A_530 = tpu.memref_squeeze %dma_wait3A_529 : memref<1x72xi32, #tpu.memory_space<vmem>> -> memref<72xi32, #tpu.memory_space<vmem>>
      %dma_wait3A_531 = arith.constant 0 : i32
      %dma_wait3A_532 = arith.constant 0 : i32
      %dma_wait3A_533 = tpu.memref_slice %arg3[%dma_wait3A_531, %dma_wait3A_532] : memref<1000000x64xf32, #tpu.memory_space<hbm>> -> memref<1000000x64xf32, #tpu.memory_space<hbm>>
      tpu.wait_indirect_dma semaphore(%arg8 : memref<!tpu.dma_semaphore, #tpu.memory_space<semaphore_mem>>) src(%dma_wait3A_533 : memref<1000000x64xf32, #tpu.memory_space<hbm>>) dst(%dma_wait3A_527 : memref<72x64xf32, #tpu.memory_space<vmem>>)
      %mul3A_534 = arith.constant 2 : i32
      %mul3A_535 = arith.muli %add3A_398, %mul3A_534 : i32
      %add3A_536 = arith.constant 1 : i32
      %add3A_537 = arith.addi %mul3A_535, %add3A_536 : i32
      %dma_wait3A_538 = arith.constant 1 : i32
      %dma_wait3A_539 = arith.constant 2 : i32
      %dma_wait3A_540 = arith.constant 0 : i32
      %dma_wait3A_541 = arith.constant 0 : i32
      %dma_wait3A_542 = tpu.memref_slice %arg6[%dma_wait3A_538, %dma_wait3A_539, %dma_wait3A_540, %dma_wait3A_541] : memref<2x4x128x64xf32, #tpu.memory_space<vmem>> -> memref<1x1x128x64xf32, #tpu.memory_space<vmem>>
      %dma_wait3A_543 = tpu.memref_squeeze %dma_wait3A_542 : memref<1x1x128x64xf32, #tpu.memory_space<vmem>> -> memref<128x64xf32, #tpu.memory_space<vmem>>
      %dma_wait3A_544 = arith.constant 0 : i32
      %dma_wait3A_545 = tpu.memref_slice %arg5[%add3A_537, %dma_wait3A_544] : memref<128x200xi32, #tpu.memory_space<vmem>> -> memref<1x128xi32, #tpu.memory_space<vmem>>
      %dma_wait3A_546 = tpu.memref_squeeze %dma_wait3A_545 : memref<1x128xi32, #tpu.memory_space<vmem>> -> memref<128xi32, #tpu.memory_space<vmem>>
      %dma_wait3A_547 = arith.constant 0 : i32
      %dma_wait3A_548 = arith.constant 0 : i32
      %dma_wait3A_549 = tpu.memref_slice %arg3[%dma_wait3A_547, %dma_wait3A_548] : memref<1000000x64xf32, #tpu.memory_space<hbm>> -> memref<1000000x64xf32, #tpu.memory_space<hbm>>
      tpu.wait_indirect_dma semaphore(%arg8 : memref<!tpu.dma_semaphore, #tpu.memory_space<semaphore_mem>>) src(%dma_wait3A_549 : memref<1000000x64xf32, #tpu.memory_space<hbm>>) dst(%dma_wait3A_543 : memref<128x64xf32, #tpu.memory_space<vmem>>)
      %mul3A_550 = arith.constant 2 : i32
      %mul3A_551 = arith.muli %add3A_398, %mul3A_550 : i32
      %add3A_552 = arith.constant 1 : i32
      %add3A_553 = arith.addi %mul3A_551, %add3A_552 : i32
      %dma_wait3A_554 = arith.constant 1 : i32
      %dma_wait3A_555 = arith.constant 3 : i32
      %dma_wait3A_556 = arith.constant 0 : i32
      %dma_wait3A_557 = arith.constant 0 : i32
      %dma_wait3A_558 = tpu.memref_slice %arg6[%dma_wait3A_554, %dma_wait3A_555, %dma_wait3A_556, %dma_wait3A_557] : memref<2x4x128x64xf32, #tpu.memory_space<vmem>> -> memref<1x1x72x64xf32, #tpu.memory_space<vmem>>
      %dma_wait3A_559 = tpu.memref_squeeze %dma_wait3A_558 : memref<1x1x72x64xf32, #tpu.memory_space<vmem>> -> memref<72x64xf32, #tpu.memory_space<vmem>>
      %dma_wait3A_560 = arith.constant 128 : i32
      %dma_wait3A_561 = tpu.memref_slice %arg5[%add3A_553, %dma_wait3A_560] : memref<128x200xi32, #tpu.memory_space<vmem>> -> memref<1x72xi32, #tpu.memory_space<vmem>>
      %dma_wait3A_562 = tpu.memref_squeeze %dma_wait3A_561 : memref<1x72xi32, #tpu.memory_space<vmem>> -> memref<72xi32, #tpu.memory_space<vmem>>
      %dma_wait3A_563 = arith.constant 0 : i32
      %dma_wait3A_564 = arith.constant 0 : i32
      %dma_wait3A_565 = tpu.memref_slice %arg3[%dma_wait3A_563, %dma_wait3A_564] : memref<1000000x64xf32, #tpu.memory_space<hbm>> -> memref<1000000x64xf32, #tpu.memory_space<hbm>>
      tpu.wait_indirect_dma semaphore(%arg8 : memref<!tpu.dma_semaphore, #tpu.memory_space<semaphore_mem>>) src(%dma_wait3A_565 : memref<1000000x64xf32, #tpu.memory_space<hbm>>) dst(%dma_wait3A_559 : memref<72x64xf32, #tpu.memory_space<vmem>>)
      %scan3A_566 = arith.constant 0 : i32
      %scan3A_567 = arith.constant 0 : i32
      %scan3A_568 = arith.constant 128 : i32
      %scan3A_569 = arith.addi %scan3A_567, %scan3A_568 : i32
      %scan3A_570 = arith.constant 4 : i32
      scf.for %scan3A_682 = %scan3A_567 to %scan3A_569 step %scan3A_570  : i32 {
        %get3A = arith.constant 1 : i32
        %get3A_683 = arith.constant 0 : i32
        %get3A_684 = arith.index_cast %get3A : i32 to index
        %get3A_685 = arith.index_cast %get3A_683 : i32 to index
        %get3A_686 = arith.index_cast %scan3A_682 : i32 to index
        %get3A_687 = arith.constant 0 : index
        %get3A_688 = tpu.vector_load %arg6[%get3A_684, %get3A_685, %get3A_686, %get3A_687] {strides = array<i32>} : memref<2x4x128x64xf32, #tpu.memory_space<vmem>>, vector<1x1x1x16xf32>,
        %get3A_689 = vector.shape_cast %get3A_688 : vector<1x1x1x16xf32> to vector<16xf32>
        %mul3A_690 = arith.constant 8.000000e+00 : f32
        %mul3A_691 = vector.broadcast %mul3A_690 : f32 to vector<16xf32>
        %mul3A_692 = arith.mulf %get3A_689, %mul3A_691 : vector<16xf32>
        %swap3A = arith.constant 1 : i32
        %swap3A_693 = arith.constant 0 : i32
        %swap3A_694 = arith.index_cast %swap3A : i32 to index
        %swap3A_695 = arith.index_cast %swap3A_693 : i32 to index
        %swap3A_696 = arith.index_cast %scan3A_682 : i32 to index
        %swap3A_697 = arith.constant 0 : index
        %swap3A_698 = tpu.vector_load %arg6[%swap3A_694, %swap3A_695, %swap3A_696, %swap3A_697] {strides = array<i32>} : memref<2x4x128x64xf32, #tpu.memory_space<vmem>>, vector<1x1x1x16xf32>,
        %swap3A_699 = vector.shape_cast %swap3A_698 : vector<1x1x1x16xf32> to vector<16xf32>
        %swap3A_700 = vector.shape_cast %mul3A_692 : vector<16xf32> to vector<1x1x1x16xf32>
        tpu.vector_store %arg6[%swap3A_694, %swap3A_695, %swap3A_696, %swap3A_697], %swap3A_700 {strides = array<i32>} : memref<2x4x128x64xf32, #tpu.memory_space<vmem>>, vector<1x1x1x16xf32>,
        %get3A_701 = arith.constant 1 : i32
        %get3A_702 = arith.constant 0 : i32
        %get3A_703 = arith.index_cast %get3A_701 : i32 to index
        %get3A_704 = arith.index_cast %get3A_702 : i32 to index
        %get3A_705 = arith.index_cast %scan3A_682 : i32 to index
        %get3A_706 = arith.constant 16 : index
        %get3A_707 = tpu.vector_load %arg6[%get3A_703, %get3A_704, %get3A_705, %get3A_706] {strides = array<i32>} : memref<2x4x128x64xf32, #tpu.memory_space<vmem>>, vector<1x1x1x16xf32>,
        %get3A_708 = vector.shape_cast %get3A_707 : vector<1x1x1x16xf32> to vector<16xf32>
        %mul3A_709 = arith.constant 8.000000e+00 : f32
        %mul3A_710 = vector.broadcast %mul3A_709 : f32 to vector<16xf32>
        %mul3A_711 = arith.mulf %get3A_708, %mul3A_710 : vector<16xf32>
        %swap3A_712 = arith.constant 1 : i32
        %swap3A_713 = arith.constant 0 : i32
        %swap3A_714 = arith.index_cast %swap3A_712 : i32 to index
        %swap3A_715 = arith.index_cast %swap3A_713 : i32 to index
        %swap3A_716 = arith.index_cast %scan3A_682 : i32 to index
        %swap3A_717 = arith.constant 16 : index
        %swap3A_718 = tpu.vector_load %arg6[%swap3A_714, %swap3A_715, %swap3A_716, %swap3A_717] {strides = array<i32>} : memref<2x4x128x64xf32, #tpu.memory_space<vmem>>, vector<1x1x1x16xf32>,
        %swap3A_719 = vector.shape_cast %swap3A_718 : vector<1x1x1x16xf32> to vector<16xf32>
        %swap3A_720 = vector.shape_cast %mul3A_711 : vector<16xf32> to vector<1x1x1x16xf32>
        tpu.vector_store %arg6[%swap3A_714, %swap3A_715, %swap3A_716, %swap3A_717], %swap3A_720 {strides = array<i32>} : memref<2x4x128x64xf32, #tpu.memory_space<vmem>>, vector<1x1x1x16xf32>,
        %get3A_721 = arith.constant 1 : i32
        %get3A_722 = arith.constant 0 : i32
        %get3A_723 = arith.index_cast %get3A_721 : i32 to index
        %get3A_724 = arith.index_cast %get3A_722 : i32 to index
        %get3A_725 = arith.index_cast %scan3A_682 : i32 to index
        %get3A_726 = arith.constant 32 : index
        %get3A_727 = tpu.vector_load %arg6[%get3A_723, %get3A_724, %get3A_725, %get3A_726] {strides = array<i32>} : memref<2x4x128x64xf32, #tpu.memory_space<vmem>>, vector<1x1x1x16xf32>,
        %get3A_728 = vector.shape_cast %get3A_727 : vector<1x1x1x16xf32> to vector<16xf32>
        %mul3A_729 = arith.constant 8.000000e+00 : f32
        %mul3A_730 = vector.broadcast %mul3A_729 : f32 to vector<16xf32>
        %mul3A_731 = arith.mulf %get3A_728, %mul3A_730 : vector<16xf32>
        %swap3A_732 = arith.constant 1 : i32
        %swap3A_733 = arith.constant 0 : i32
        %swap3A_734 = arith.index_cast %swap3A_732 : i32 to index
        %swap3A_735 = arith.index_cast %swap3A_733 : i32 to index
        %swap3A_736 = arith.index_cast %scan3A_682 : i32 to index
        %swap3A_737 = arith.constant 32 : index
        %swap3A_738 = tpu.vector_load %arg6[%swap3A_734, %swap3A_735, %swap3A_736, %swap3A_737] {strides = array<i32>} : memref<2x4x128x64xf32, #tpu.memory_space<vmem>>, vector<1x1x1x16xf32>,
        %swap3A_739 = vector.shape_cast %swap3A_738 : vector<1x1x1x16xf32> to vector<16xf32>
        %swap3A_740 = vector.shape_cast %mul3A_731 : vector<16xf32> to vector<1x1x1x16xf32>
        tpu.vector_store %arg6[%swap3A_734, %swap3A_735, %swap3A_736, %swap3A_737], %swap3A_740 {strides = array<i32>} : memref<2x4x128x64xf32, #tpu.memory_space<vmem>>, vector<1x1x1x16xf32>,
        %get3A_741 = arith.constant 1 : i32
        %get3A_742 = arith.constant 0 : i32
        %get3A_743 = arith.index_cast %get3A_741 : i32 to index
        %get3A_744 = arith.index_cast %get3A_742 : i32 to index
        %get3A_745 = arith.index_cast %scan3A_682 : i32 to index
        %get3A_746 = arith.constant 48 : index
        %get3A_747 = tpu.vector_load %arg6[%get3A_743, %get3A_744, %get3A_745, %get3A_746] {strides = array<i32>} : memref<2x4x128x64xf32, #tpu.memory_space<vmem>>, vector<1x1x1x16xf32>,
        %get3A_748 = vector.shape_cast %get3A_747 : vector<1x1x1x16xf32> to vector<16xf32>
        %mul3A_749 = arith.constant 8.000000e+00 : f32
        %mul3A_750 = vector.broadcast %mul3A_749 : f32 to vector<16xf32>
        %mul3A_751 = arith.mulf %get3A_748, %mul3A_750 : vector<16xf32>
        %swap3A_752 = arith.constant 1 : i32
        %swap3A_753 = arith.constant 0 : i32
        %swap3A_754 = arith.index_cast %swap3A_752 : i32 to index
        %swap3A_755 = arith.index_cast %swap3A_753 : i32 to index
        %swap3A_756 = arith.index_cast %scan3A_682 : i32 to index
        %swap3A_757 = arith.constant 48 : index
        %swap3A_758 = tpu.vector_load %arg6[%swap3A_754, %swap3A_755, %swap3A_756, %swap3A_757] {strides = array<i32>} : memref<2x4x128x64xf32, #tpu.memory_space<vmem>>, vector<1x1x1x16xf32>,
        %swap3A_759 = vector.shape_cast %swap3A_758 : vector<1x1x1x16xf32> to vector<16xf32>
        %swap3A_760 = vector.shape_cast %mul3A_751 : vector<16xf32> to vector<1x1x1x16xf32>
        tpu.vector_store %arg6[%swap3A_754, %swap3A_755, %swap3A_756, %swap3A_757], %swap3A_760 {strides = array<i32>} : memref<2x4x128x64xf32, #tpu.memory_space<vmem>>, vector<1x1x1x16xf32>,
        %scan3A_761 = arith.constant 1 : i32
        %scan3A_762 = arith.addi %scan3A_682, %scan3A_761 : i32
        %get3A_763 = arith.constant 1 : i32
        %get3A_764 = arith.constant 0 : i32
        %get3A_765 = arith.index_cast %get3A_763 : i32 to index
        %get3A_766 = arith.index_cast %get3A_764 : i32 to index
        %get3A_767 = arith.index_cast %scan3A_762 : i32 to index
        %get3A_768 = arith.constant 0 : index
        %get3A_769 = tpu.vector_load %arg6[%get3A_765, %get3A_766, %get3A_767, %get3A_768] {strides = array<i32>} : memref<2x4x128x64xf32, #tpu.memory_space<vmem>>, vector<1x1x1x16xf32>,
        %get3A_770 = vector.shape_cast %get3A_769 : vector<1x1x1x16xf32> to vector<16xf32>
        %mul3A_771 = arith.constant 8.000000e+00 : f32
        %mul3A_772 = vector.broadcast %mul3A_771 : f32 to vector<16xf32>
        %mul3A_773 = arith.mulf %get3A_770, %mul3A_772 : vector<16xf32>
        %swap3A_774 = arith.constant 1 : i32
        %swap3A_775 = arith.constant 0 : i32
        %swap3A_776 = arith.index_cast %swap3A_774 : i32 to index
        %swap3A_777 = arith.index_cast %swap3A_775 : i32 to index
        %swap3A_778 = arith.index_cast %scan3A_762 : i32 to index
        %swap3A_779 = arith.constant 0 : index
        %swap3A_780 = tpu.vector_load %arg6[%swap3A_776, %swap3A_777, %swap3A_778, %swap3A_779] {strides = array<i32>} : memref<2x4x128x64xf32, #tpu.memory_space<vmem>>, vector<1x1x1x16xf32>,
        %swap3A_781 = vector.shape_cast %swap3A_780 : vector<1x1x1x16xf32> to vector<16xf32>
        %swap3A_782 = vector.shape_cast %mul3A_773 : vector<16xf32> to vector<1x1x1x16xf32>
        tpu.vector_store %arg6[%swap3A_776, %swap3A_777, %swap3A_778, %swap3A_779], %swap3A_782 {strides = array<i32>} : memref<2x4x128x64xf32, #tpu.memory_space<vmem>>, vector<1x1x1x16xf32>,
        %get3A_783 = arith.constant 1 : i32
        %get3A_784 = arith.constant 0 : i32
        %get3A_785 = arith.index_cast %get3A_783 : i32 to index
        %get3A_786 = arith.index_cast %get3A_784 : i32 to index
        %get3A_787 = arith.index_cast %scan3A_762 : i32 to index
        %get3A_788 = arith.constant 16 : index
        %get3A_789 = tpu.vector_load %arg6[%get3A_785, %get3A_786, %get3A_787, %get3A_788] {strides = array<i32>} : memref<2x4x128x64xf32, #tpu.memory_space<vmem>>, vector<1x1x1x16xf32>,
        %get3A_790 = vector.shape_cast %get3A_789 : vector<1x1x1x16xf32> to vector<16xf32>
        %mul3A_791 = arith.constant 8.000000e+00 : f32
        %mul3A_792 = vector.broadcast %mul3A_791 : f32 to vector<16xf32>
        %mul3A_793 = arith.mulf %get3A_790, %mul3A_792 : vector<16xf32>
        %swap3A_794 = arith.constant 1 : i32
        %swap3A_795 = arith.constant 0 : i32
        %swap3A_796 = arith.index_cast %swap3A_794 : i32 to index
        %swap3A_797 = arith.index_cast %swap3A_795 : i32 to index
        %swap3A_798 = arith.index_cast %scan3A_762 : i32 to index
        %swap3A_799 = arith.constant 16 : index
        %swap3A_800 = tpu.vector_load %arg6[%swap3A_796, %swap3A_797, %swap3A_798, %swap3A_799] {strides = array<i32>} : memref<2x4x128x64xf32, #tpu.memory_space<vmem>>, vector<1x1x1x16xf32>,
        %swap3A_801 = vector.shape_cast %swap3A_800 : vector<1x1x1x16xf32> to vector<16xf32>
        %swap3A_802 = vector.shape_cast %mul3A_793 : vector<16xf32> to vector<1x1x1x16xf32>
        tpu.vector_store %arg6[%swap3A_796, %swap3A_797, %swap3A_798, %swap3A_799], %swap3A_802 {strides = array<i32>} : memref<2x4x128x64xf32, #tpu.memory_space<vmem>>, vector<1x1x1x16xf32>,
        %get3A_803 = arith.constant 1 : i32
        %get3A_804 = arith.constant 0 : i32
        %get3A_805 = arith.index_cast %get3A_803 : i32 to index
        %get3A_806 = arith.index_cast %get3A_804 : i32 to index
        %get3A_807 = arith.index_cast %scan3A_762 : i32 to index
        %get3A_808 = arith.constant 32 : index
        %get3A_809 = tpu.vector_load %arg6[%get3A_805, %get3A_806, %get3A_807, %get3A_808] {strides = array<i32>} : memref<2x4x128x64xf32, #tpu.memory_space<vmem>>, vector<1x1x1x16xf32>,
        %get3A_810 = vector.shape_cast %get3A_809 : vector<1x1x1x16xf32> to vector<16xf32>
        %mul3A_811 = arith.constant 8.000000e+00 : f32
        %mul3A_812 = vector.broadcast %mul3A_811 : f32 to vector<16xf32>
        %mul3A_813 = arith.mulf %get3A_810, %mul3A_812 : vector<16xf32>
        %swap3A_814 = arith.constant 1 : i32
        %swap3A_815 = arith.constant 0 : i32
        %swap3A_816 = arith.index_cast %swap3A_814 : i32 to index
        %swap3A_817 = arith.index_cast %swap3A_815 : i32 to index
        %swap3A_818 = arith.index_cast %scan3A_762 : i32 to index
        %swap3A_819 = arith.constant 32 : index
        %swap3A_820 = tpu.vector_load %arg6[%swap3A_816, %swap3A_817, %swap3A_818, %swap3A_819] {strides = array<i32>} : memref<2x4x128x64xf32, #tpu.memory_space<vmem>>, vector<1x1x1x16xf32>,
        %swap3A_821 = vector.shape_cast %swap3A_820 : vector<1x1x1x16xf32> to vector<16xf32>
        %swap3A_822 = vector.shape_cast %mul3A_813 : vector<16xf32> to vector<1x1x1x16xf32>
        tpu.vector_store %arg6[%swap3A_816, %swap3A_817, %swap3A_818, %swap3A_819], %swap3A_822 {strides = array<i32>} : memref<2x4x128x64xf32, #tpu.memory_space<vmem>>, vector<1x1x1x16xf32>,
        %get3A_823 = arith.constant 1 : i32
        %get3A_824 = arith.constant 0 : i32
        %get3A_825 = arith.index_cast %get3A_823 : i32 to index
        %get3A_826 = arith.index_cast %get3A_824 : i32 to index
        %get3A_827 = arith.index_cast %scan3A_762 : i32 to index
        %get3A_828 = arith.constant 48 : index
        %get3A_829 = tpu.vector_load %arg6[%get3A_825, %get3A_826, %get3A_827, %get3A_828] {strides = array<i32>} : memref<2x4x128x64xf32, #tpu.memory_space<vmem>>, vector<1x1x1x16xf32>,
        %get3A_830 = vector.shape_cast %get3A_829 : vector<1x1x1x16xf32> to vector<16xf32>
        %mul3A_831 = arith.constant 8.000000e+00 : f32
        %mul3A_832 = vector.broadcast %mul3A_831 : f32 to vector<16xf32>
        %mul3A_833 = arith.mulf %get3A_830, %mul3A_832 : vector<16xf32>
        %swap3A_834 = arith.constant 1 : i32
        %swap3A_835 = arith.constant 0 : i32
        %swap3A_836 = arith.index_cast %swap3A_834 : i32 to index
        %swap3A_837 = arith.index_cast %swap3A_835 : i32 to index
        %swap3A_838 = arith.index_cast %scan3A_762 : i32 to index
        %swap3A_839 = arith.constant 48 : index
        %swap3A_840 = tpu.vector_load %arg6[%swap3A_836, %swap3A_837, %swap3A_838, %swap3A_839] {strides = array<i32>} : memref<2x4x128x64xf32, #tpu.memory_space<vmem>>, vector<1x1x1x16xf32>,
        %swap3A_841 = vector.shape_cast %swap3A_840 : vector<1x1x1x16xf32> to vector<16xf32>
        %swap3A_842 = vector.shape_cast %mul3A_833 : vector<16xf32> to vector<1x1x1x16xf32>
        tpu.vector_store %arg6[%swap3A_836, %swap3A_837, %swap3A_838, %swap3A_839], %swap3A_842 {strides = array<i32>} : memref<2x4x128x64xf32, #tpu.memory_space<vmem>>, vector<1x1x1x16xf32>,
        %scan3A_843 = arith.constant 2 : i32
        %scan3A_844 = arith.addi %scan3A_682, %scan3A_843 : i32
        %get3A_845 = arith.constant 1 : i32
        %get3A_846 = arith.constant 0 : i32
        %get3A_847 = arith.index_cast %get3A_845 : i32 to index
        %get3A_848 = arith.index_cast %get3A_846 : i32 to index
        %get3A_849 = arith.index_cast %scan3A_844 : i32 to index
        %get3A_850 = arith.constant 0 : index
        %get3A_851 = tpu.vector_load %arg6[%get3A_847, %get3A_848, %get3A_849, %get3A_850] {strides = array<i32>} : memref<2x4x128x64xf32, #tpu.memory_space<vmem>>, vector<1x1x1x16xf32>,
        %get3A_852 = vector.shape_cast %get3A_851 : vector<1x1x1x16xf32> to vector<16xf32>
        %mul3A_853 = arith.constant 8.000000e+00 : f32
        %mul3A_854 = vector.broadcast %mul3A_853 : f32 to vector<16xf32>
        %mul3A_855 = arith.mulf %get3A_852, %mul3A_854 : vector<16xf32>
        %swap3A_856 = arith.constant 1 : i32
        %swap3A_857 = arith.constant 0 : i32
        %swap3A_858 = arith.index_cast %swap3A_856 : i32 to index
        %swap3A_859 = arith.index_cast %swap3A_857 : i32 to index
        %swap3A_860 = arith.index_cast %scan3A_844 : i32 to index
        %swap3A_861 = arith.constant 0 : index
        %swap3A_862 = tpu.vector_load %arg6[%swap3A_858, %swap3A_859, %swap3A_860, %swap3A_861] {strides = array<i32>} : memref<2x4x128x64xf32, #tpu.memory_space<vmem>>, vector<1x1x1x16xf32>,
        %swap3A_863 = vector.shape_cast %swap3A_862 : vector<1x1x1x16xf32> to vector<16xf32>
        %swap3A_864 = vector.shape_cast %mul3A_855 : vector<16xf32> to vector<1x1x1x16xf32>
        tpu.vector_store %arg6[%swap3A_858, %swap3A_859, %swap3A_860, %swap3A_861], %swap3A_864 {strides = array<i32>} : memref<2x4x128x64xf32, #tpu.memory_space<vmem>>, vector<1x1x1x16xf32>,
        %get3A_865 = arith.constant 1 : i32
        %get3A_866 = arith.constant 0 : i32
        %get3A_867 = arith.index_cast %get3A_865 : i32 to index
        %get3A_868 = arith.index_cast %get3A_866 : i32 to index
        %get3A_869 = arith.index_cast %scan3A_844 : i32 to index
        %get3A_870 = arith.constant 16 : index
        %get3A_871 = tpu.vector_load %arg6[%get3A_867, %get3A_868, %get3A_869, %get3A_870] {strides = array<i32>} : memref<2x4x128x64xf32, #tpu.memory_space<vmem>>, vector<1x1x1x16xf32>,
        %get3A_872 = vector.shape_cast %get3A_871 : vector<1x1x1x16xf32> to vector<16xf32>
        %mul3A_873 = arith.constant 8.000000e+00 : f32
        %mul3A_874 = vector.broadcast %mul3A_873 : f32 to vector<16xf32>
        %mul3A_875 = arith.mulf %get3A_872, %mul3A_874 : vector<16xf32>
        %swap3A_876 = arith.constant 1 : i32
        %swap3A_877 = arith.constant 0 : i32
        %swap3A_878 = arith.index_cast %swap3A_876 : i32 to index
        %swap3A_879 = arith.index_cast %swap3A_877 : i32 to index
        %swap3A_880 = arith.index_cast %scan3A_844 : i32 to index
        %swap3A_881 = arith.constant 16 : index
        %swap3A_882 = tpu.vector_load %arg6[%swap3A_878, %swap3A_879, %swap3A_880, %swap3A_881] {strides = array<i32>} : memref<2x4x128x64xf32, #tpu.memory_space<vmem>>, vector<1x1x1x16xf32>,
        %swap3A_883 = vector.shape_cast %swap3A_882 : vector<1x1x1x16xf32> to vector<16xf32>
        %swap3A_884 = vector.shape_cast %mul3A_875 : vector<16xf32> to vector<1x1x1x16xf32>
        tpu.vector_store %arg6[%swap3A_878, %swap3A_879, %swap3A_880, %swap3A_881], %swap3A_884 {strides = array<i32>} : memref<2x4x128x64xf32, #tpu.memory_space<vmem>>, vector<1x1x1x16xf32>,
        %get3A_885 = arith.constant 1 : i32
        %get3A_886 = arith.constant 0 : i32
        %get3A_887 = arith.index_cast %get3A_885 : i32 to index
        %get3A_888 = arith.index_cast %get3A_886 : i32 to index
        %get3A_889 = arith.index_cast %scan3A_844 : i32 to index
        %get3A_890 = arith.constant 32 : index
        %get3A_891 = tpu.vector_load %arg6[%get3A_887, %get3A_888, %get3A_889, %get3A_890] {strides = array<i32>} : memref<2x4x128x64xf32, #tpu.memory_space<vmem>>, vector<1x1x1x16xf32>,
        %get3A_892 = vector.shape_cast %get3A_891 : vector<1x1x1x16xf32> to vector<16xf32>
        %mul3A_893 = arith.constant 8.000000e+00 : f32
        %mul3A_894 = vector.broadcast %mul3A_893 : f32 to vector<16xf32>
        %mul3A_895 = arith.mulf %get3A_892, %mul3A_894 : vector<16xf32>
        %swap3A_896 = arith.constant 1 : i32
        %swap3A_897 = arith.constant 0 : i32
        %swap3A_898 = arith.index_cast %swap3A_896 : i32 to index
        %swap3A_899 = arith.index_cast %swap3A_897 : i32 to index
        %swap3A_900 = arith.index_cast %scan3A_844 : i32 to index
        %swap3A_901 = arith.constant 32 : index
        %swap3A_902 = tpu.vector_load %arg6[%swap3A_898, %swap3A_899, %swap3A_900, %swap3A_901] {strides = array<i32>} : memref<2x4x128x64xf32, #tpu.memory_space<vmem>>, vector<1x1x1x16xf32>,
        %swap3A_903 = vector.shape_cast %swap3A_902 : vector<1x1x1x16xf32> to vector<16xf32>
        %swap3A_904 = vector.shape_cast %mul3A_895 : vector<16xf32> to vector<1x1x1x16xf32>
        tpu.vector_store %arg6[%swap3A_898, %swap3A_899, %swap3A_900, %swap3A_901], %swap3A_904 {strides = array<i32>} : memref<2x4x128x64xf32, #tpu.memory_space<vmem>>, vector<1x1x1x16xf32>,
        %get3A_905 = arith.constant 1 : i32
        %get3A_906 = arith.constant 0 : i32
        %get3A_907 = arith.index_cast %get3A_905 : i32 to index
        %get3A_908 = arith.index_cast %get3A_906 : i32 to index
        %get3A_909 = arith.index_cast %scan3A_844 : i32 to index
        %get3A_910 = arith.constant 48 : index
        %get3A_911 = tpu.vector_load %arg6[%get3A_907, %get3A_908, %get3A_909, %get3A_910] {strides = array<i32>} : memref<2x4x128x64xf32, #tpu.memory_space<vmem>>, vector<1x1x1x16xf32>,
        %get3A_912 = vector.shape_cast %get3A_911 : vector<1x1x1x16xf32> to vector<16xf32>
        %mul3A_913 = arith.constant 8.000000e+00 : f32
        %mul3A_914 = vector.broadcast %mul3A_913 : f32 to vector<16xf32>
        %mul3A_915 = arith.mulf %get3A_912, %mul3A_914 : vector<16xf32>
        %swap3A_916 = arith.constant 1 : i32
        %swap3A_917 = arith.constant 0 : i32
        %swap3A_918 = arith.index_cast %swap3A_916 : i32 to index
        %swap3A_919 = arith.index_cast %swap3A_917 : i32 to index
        %swap3A_920 = arith.index_cast %scan3A_844 : i32 to index
        %swap3A_921 = arith.constant 48 : index
        %swap3A_922 = tpu.vector_load %arg6[%swap3A_918, %swap3A_919, %swap3A_920, %swap3A_921] {strides = array<i32>} : memref<2x4x128x64xf32, #tpu.memory_space<vmem>>, vector<1x1x1x16xf32>,
        %swap3A_923 = vector.shape_cast %swap3A_922 : vector<1x1x1x16xf32> to vector<16xf32>
        %swap3A_924 = vector.shape_cast %mul3A_915 : vector<16xf32> to vector<1x1x1x16xf32>
        tpu.vector_store %arg6[%swap3A_918, %swap3A_919, %swap3A_920, %swap3A_921], %swap3A_924 {strides = array<i32>} : memref<2x4x128x64xf32, #tpu.memory_space<vmem>>, vector<1x1x1x16xf32>,
        %scan3A_925 = arith.constant 3 : i32
        %scan3A_926 = arith.addi %scan3A_682, %scan3A_925 : i32
        %get3A_927 = arith.constant 1 : i32
        %get3A_928 = arith.constant 0 : i32
        %get3A_929 = arith.index_cast %get3A_927 : i32 to index
        %get3A_930 = arith.index_cast %get3A_928 : i32 to index
        %get3A_931 = arith.index_cast %scan3A_926 : i32 to index
        %get3A_932 = arith.constant 0 : index
        %get3A_933 = tpu.vector_load %arg6[%get3A_929, %get3A_930, %get3A_931, %get3A_932] {strides = array<i32>} : memref<2x4x128x64xf32, #tpu.memory_space<vmem>>, vector<1x1x1x16xf32>,
        %get3A_934 = vector.shape_cast %get3A_933 : vector<1x1x1x16xf32> to vector<16xf32>
        %mul3A_935 = arith.constant 8.000000e+00 : f32
        %mul3A_936 = vector.broadcast %mul3A_935 : f32 to vector<16xf32>
        %mul3A_937 = arith.mulf %get3A_934, %mul3A_936 : vector<16xf32>
        %swap3A_938 = arith.constant 1 : i32
        %swap3A_939 = arith.constant 0 : i32
        %swap3A_940 = arith.index_cast %swap3A_938 : i32 to index
        %swap3A_941 = arith.index_cast %swap3A_939 : i32 to index
        %swap3A_942 = arith.index_cast %scan3A_926 : i32 to index
        %swap3A_943 = arith.constant 0 : index
        %swap3A_944 = tpu.vector_load %arg6[%swap3A_940, %swap3A_941, %swap3A_942, %swap3A_943] {strides = array<i32>} : memref<2x4x128x64xf32, #tpu.memory_space<vmem>>, vector<1x1x1x16xf32>,
        %swap3A_945 = vector.shape_cast %swap3A_944 : vector<1x1x1x16xf32> to vector<16xf32>
        %swap3A_946 = vector.shape_cast %mul3A_937 : vector<16xf32> to vector<1x1x1x16xf32>
        tpu.vector_store %arg6[%swap3A_940, %swap3A_941, %swap3A_942, %swap3A_943], %swap3A_946 {strides = array<i32>} : memref<2x4x128x64xf32, #tpu.memory_space<vmem>>, vector<1x1x1x16xf32>,
        %get3A_947 = arith.constant 1 : i32
        %get3A_948 = arith.constant 0 : i32
        %get3A_949 = arith.index_cast %get3A_947 : i32 to index
        %get3A_950 = arith.index_cast %get3A_948 : i32 to index
        %get3A_951 = arith.index_cast %scan3A_926 : i32 to index
        %get3A_952 = arith.constant 16 : index
        %get3A_953 = tpu.vector_load %arg6[%get3A_949, %get3A_950, %get3A_951, %get3A_952] {strides = array<i32>} : memref<2x4x128x64xf32, #tpu.memory_space<vmem>>, vector<1x1x1x16xf32>,
        %get3A_954 = vector.shape_cast %get3A_953 : vector<1x1x1x16xf32> to vector<16xf32>
        %mul3A_955 = arith.constant 8.000000e+00 : f32
        %mul3A_956 = vector.broadcast %mul3A_955 : f32 to vector<16xf32>
        %mul3A_957 = arith.mulf %get3A_954, %mul3A_956 : vector<16xf32>
        %swap3A_958 = arith.constant 1 : i32
        %swap3A_959 = arith.constant 0 : i32
        %swap3A_960 = arith.index_cast %swap3A_958 : i32 to index
        %swap3A_961 = arith.index_cast %swap3A_959 : i32 to index
        %swap3A_962 = arith.index_cast %scan3A_926 : i32 to index
        %swap3A_963 = arith.constant 16 : index
        %swap3A_964 = tpu.vector_load %arg6[%swap3A_960, %swap3A_961, %swap3A_962, %swap3A_963] {strides = array<i32>} : memref<2x4x128x64xf32, #tpu.memory_space<vmem>>, vector<1x1x1x16xf32>,
        %swap3A_965 = vector.shape_cast %swap3A_964 : vector<1x1x1x16xf32> to vector<16xf32>
        %swap3A_966 = vector.shape_cast %mul3A_957 : vector<16xf32> to vector<1x1x1x16xf32>
        tpu.vector_store %arg6[%swap3A_960, %swap3A_961, %swap3A_962, %swap3A_963], %swap3A_966 {strides = array<i32>} : memref<2x4x128x64xf32, #tpu.memory_space<vmem>>, vector<1x1x1x16xf32>,
        %get3A_967 = arith.constant 1 : i32
        %get3A_968 = arith.constant 0 : i32
        %get3A_969 = arith.index_cast %get3A_967 : i32 to index
        %get3A_970 = arith.index_cast %get3A_968 : i32 to index
        %get3A_971 = arith.index_cast %scan3A_926 : i32 to index
        %get3A_972 = arith.constant 32 : index
        %get3A_973 = tpu.vector_load %arg6[%get3A_969, %get3A_970, %get3A_971, %get3A_972] {strides = array<i32>} : memref<2x4x128x64xf32, #tpu.memory_space<vmem>>, vector<1x1x1x16xf32>,
        %get3A_974 = vector.shape_cast %get3A_973 : vector<1x1x1x16xf32> to vector<16xf32>
        %mul3A_975 = arith.constant 8.000000e+00 : f32
        %mul3A_976 = vector.broadcast %mul3A_975 : f32 to vector<16xf32>
        %mul3A_977 = arith.mulf %get3A_974, %mul3A_976 : vector<16xf32>
        %swap3A_978 = arith.constant 1 : i32
        %swap3A_979 = arith.constant 0 : i32
        %swap3A_980 = arith.index_cast %swap3A_978 : i32 to index
        %swap3A_981 = arith.index_cast %swap3A_979 : i32 to index
        %swap3A_982 = arith.index_cast %scan3A_926 : i32 to index
        %swap3A_983 = arith.constant 32 : index
        %swap3A_984 = tpu.vector_load %arg6[%swap3A_980, %swap3A_981, %swap3A_982, %swap3A_983] {strides = array<i32>} : memref<2x4x128x64xf32, #tpu.memory_space<vmem>>, vector<1x1x1x16xf32>,
        %swap3A_985 = vector.shape_cast %swap3A_984 : vector<1x1x1x16xf32> to vector<16xf32>
        %swap3A_986 = vector.shape_cast %mul3A_977 : vector<16xf32> to vector<1x1x1x16xf32>
        tpu.vector_store %arg6[%swap3A_980, %swap3A_981, %swap3A_982, %swap3A_983], %swap3A_986 {strides = array<i32>} : memref<2x4x128x64xf32, #tpu.memory_space<vmem>>, vector<1x1x1x16xf32>,
        %get3A_987 = arith.constant 1 : i32
        %get3A_988 = arith.constant 0 : i32
        %get3A_989 = arith.index_cast %get3A_987 : i32 to index
        %get3A_990 = arith.index_cast %get3A_988 : i32 to index
        %get3A_991 = arith.index_cast %scan3A_926 : i32 to index
        %get3A_992 = arith.constant 48 : index
        %get3A_993 = tpu.vector_load %arg6[%get3A_989, %get3A_990, %get3A_991, %get3A_992] {strides = array<i32>} : memref<2x4x128x64xf32, #tpu.memory_space<vmem>>, vector<1x1x1x16xf32>,
        %get3A_994 = vector.shape_cast %get3A_993 : vector<1x1x1x16xf32> to vector<16xf32>
        %mul3A_995 = arith.constant 8.000000e+00 : f32
        %mul3A_996 = vector.broadcast %mul3A_995 : f32 to vector<16xf32>
        %mul3A_997 = arith.mulf %get3A_994, %mul3A_996 : vector<16xf32>
        %swap3A_998 = arith.constant 1 : i32
        %swap3A_999 = arith.constant 0 : i32
        %swap3A_1000 = arith.index_cast %swap3A_998 : i32 to index
        %swap3A_1001 = arith.index_cast %swap3A_999 : i32 to index
        %swap3A_1002 = arith.index_cast %scan3A_926 : i32 to index
        %swap3A_1003 = arith.constant 48 : index
        %swap3A_1004 = tpu.vector_load %arg6[%swap3A_1000, %swap3A_1001, %swap3A_1002, %swap3A_1003] {strides = array<i32>} : memref<2x4x128x64xf32, #tpu.memory_space<vmem>>, vector<1x1x1x16xf32>,
        %swap3A_1005 = vector.shape_cast %swap3A_1004 : vector<1x1x1x16xf32> to vector<16xf32>
        %swap3A_1006 = vector.shape_cast %mul3A_997 : vector<16xf32> to vector<1x1x1x16xf32>
        tpu.vector_store %arg6[%swap3A_1000, %swap3A_1001, %swap3A_1002, %swap3A_1003], %swap3A_1006 {strides = array<i32>} : memref<2x4x128x64xf32, #tpu.memory_space<vmem>>, vector<1x1x1x16xf32>,
      }
      %scan3A_571 = arith.constant 128 : i32
      %mul3A_572 = arith.constant 2 : i32
      %mul3A_573 = arith.muli %add3A_398, %mul3A_572 : i32
      %add3A_574 = arith.constant 0 : i32
      %add3A_575 = arith.addi %mul3A_573, %add3A_574 : i32
      %add3A_576 = arith.addi %mul3A_2, %add3A_575 : i32
      %dma_start3A_577 = arith.constant 1 : i32
      %dma_start3A_578 = arith.constant 0 : i32
      %dma_start3A_579 = arith.constant 0 : i32
      %dma_start3A_580 = arith.constant 0 : i32
      %dma_start3A_581 = tpu.memref_slice %arg6[%dma_start3A_577, %dma_start3A_578, %dma_start3A_579, %dma_start3A_580] : memref<2x4x128x64xf32, #tpu.memory_space<vmem>> -> memref<1x1x128x64xf32, #tpu.memory_space<vmem>>
      %dma_start3A_582 = tpu.memref_squeeze %dma_start3A_581 : memref<1x1x128x64xf32, #tpu.memory_space<vmem>> -> memref<128x64xf32, #tpu.memory_space<vmem>>
      %dma_start3A_583 = arith.constant 0 : i32
      %dma_start3A_584 = arith.constant 0 : i32
      %dma_start3A_585 = tpu.memref_slice %arg4[%add3A_576, %dma_start3A_583, %dma_start3A_584] : memref<4096x200x64xf32, #tpu.memory_space<hbm>> -> memref<1x128x64xf32, #tpu.memory_space<hbm>>
      %dma_start3A_586 = tpu.memref_squeeze %dma_start3A_585 : memref<1x128x64xf32, #tpu.memory_space<hbm>> -> memref<128x64xf32, #tpu.memory_space<hbm>>
      %dma_start3A_587 = arith.constant 0 : i32
      %dma_start3A_588 = arith.constant 0 : i32
      %dma_start3A_589 = tpu.memref_slice %arg4[%add3A_576, %dma_start3A_587, %dma_start3A_588] : memref<4096x200x64xf32, #tpu.memory_space<hbm>> -> memref<1x128x64xf32, #tpu.memory_space<hbm>>
      %dma_start3A_590 = tpu.memref_squeeze %dma_start3A_589 : memref<1x128x64xf32, #tpu.memory_space<hbm>> -> memref<128x64xf32, #tpu.memory_space<hbm>>
      %dma_start3A_591 = arith.constant 0 : i32
      %dma_start3A_592 = arith.constant 0 : i32
      %dma_start3A_593 = tpu.memref_slice %arg6[%dma_start3A_577, %dma_start3A_578, %dma_start3A_591, %dma_start3A_592] : memref<2x4x128x64xf32, #tpu.memory_space<vmem>> -> memref<1x1x128x64xf32, #tpu.memory_space<vmem>>
      %dma_start3A_594 = tpu.memref_squeeze %dma_start3A_593 : memref<1x1x128x64xf32, #tpu.memory_space<vmem>> -> memref<128x64xf32, #tpu.memory_space<vmem>>
      tpu.enqueue_dma source(%dma_start3A_594 : memref<128x64xf32, #tpu.memory_space<vmem>>) target(%dma_start3A_590 : memref<128x64xf32, #tpu.memory_space<hbm>>) target_semaphore(%arg10 : memref<!tpu.dma_semaphore, #tpu.memory_space<semaphore_mem>>)
      %scan3A_595 = arith.constant 0 : i32
      %scan3A_596 = arith.constant 0 : i32
      %scan3A_597 = arith.constant 72 : i32
      %scan3A_598 = arith.addi %scan3A_596, %scan3A_597 : i32
      %scan3A_599 = arith.constant 4 : i32
      scf.for %scan3A_682 = %scan3A_596 to %scan3A_598 step %scan3A_599  : i32 {
        %get3A = arith.constant 1 : i32
        %get3A_683 = arith.constant 1 : i32
        %get3A_684 = arith.index_cast %get3A : i32 to index
        %get3A_685 = arith.index_cast %get3A_683 : i32 to index
        %get3A_686 = arith.index_cast %scan3A_682 : i32 to index
        %get3A_687 = arith.constant 0 : index
        %get3A_688 = tpu.vector_load %arg6[%get3A_684, %get3A_685, %get3A_686, %get3A_687] {strides = array<i32>} : memref<2x4x128x64xf32, #tpu.memory_space<vmem>>, vector<1x1x1x16xf32>,
        %get3A_689 = vector.shape_cast %get3A_688 : vector<1x1x1x16xf32> to vector<16xf32>
        %mul3A_690 = arith.constant 8.000000e+00 : f32
        %mul3A_691 = vector.broadcast %mul3A_690 : f32 to vector<16xf32>
        %mul3A_692 = arith.mulf %get3A_689, %mul3A_691 : vector<16xf32>
        %swap3A = arith.constant 1 : i32
        %swap3A_693 = arith.constant 1 : i32
        %swap3A_694 = arith.index_cast %swap3A : i32 to index
        %swap3A_695 = arith.index_cast %swap3A_693 : i32 to index
        %swap3A_696 = arith.index_cast %scan3A_682 : i32 to index
        %swap3A_697 = arith.constant 0 : index
        %swap3A_698 = tpu.vector_load %arg6[%swap3A_694, %swap3A_695, %swap3A_696, %swap3A_697] {strides = array<i32>} : memref<2x4x128x64xf32, #tpu.memory_space<vmem>>, vector<1x1x1x16xf32>,
        %swap3A_699 = vector.shape_cast %swap3A_698 : vector<1x1x1x16xf32> to vector<16xf32>
        %swap3A_700 = vector.shape_cast %mul3A_692 : vector<16xf32> to vector<1x1x1x16xf32>
        tpu.vector_store %arg6[%swap3A_694, %swap3A_695, %swap3A_696, %swap3A_697], %swap3A_700 {strides = array<i32>} : memref<2x4x128x64xf32, #tpu.memory_space<vmem>>, vector<1x1x1x16xf32>,
        %get3A_701 = arith.constant 1 : i32
        %get3A_702 = arith.constant 1 : i32
        %get3A_703 = arith.index_cast %get3A_701 : i32 to index
        %get3A_704 = arith.index_cast %get3A_702 : i32 to index
        %get3A_705 = arith.index_cast %scan3A_682 : i32 to index
        %get3A_706 = arith.constant 16 : index
        %get3A_707 = tpu.vector_load %arg6[%get3A_703, %get3A_704, %get3A_705, %get3A_706] {strides = array<i32>} : memref<2x4x128x64xf32, #tpu.memory_space<vmem>>, vector<1x1x1x16xf32>,
        %get3A_708 = vector.shape_cast %get3A_707 : vector<1x1x1x16xf32> to vector<16xf32>
        %mul3A_709 = arith.constant 8.000000e+00 : f32
        %mul3A_710 = vector.broadcast %mul3A_709 : f32 to vector<16xf32>
        %mul3A_711 = arith.mulf %get3A_708, %mul3A_710 : vector<16xf32>
        %swap3A_712 = arith.constant 1 : i32
        %swap3A_713 = arith.constant 1 : i32
        %swap3A_714 = arith.index_cast %swap3A_712 : i32 to index
        %swap3A_715 = arith.index_cast %swap3A_713 : i32 to index
        %swap3A_716 = arith.index_cast %scan3A_682 : i32 to index
        %swap3A_717 = arith.constant 16 : index
        %swap3A_718 = tpu.vector_load %arg6[%swap3A_714, %swap3A_715, %swap3A_716, %swap3A_717] {strides = array<i32>} : memref<2x4x128x64xf32, #tpu.memory_space<vmem>>, vector<1x1x1x16xf32>,
        %swap3A_719 = vector.shape_cast %swap3A_718 : vector<1x1x1x16xf32> to vector<16xf32>
        %swap3A_720 = vector.shape_cast %mul3A_711 : vector<16xf32> to vector<1x1x1x16xf32>
        tpu.vector_store %arg6[%swap3A_714, %swap3A_715, %swap3A_716, %swap3A_717], %swap3A_720 {strides = array<i32>} : memref<2x4x128x64xf32, #tpu.memory_space<vmem>>, vector<1x1x1x16xf32>,
        %get3A_721 = arith.constant 1 : i32
        %get3A_722 = arith.constant 1 : i32
        %get3A_723 = arith.index_cast %get3A_721 : i32 to index
        %get3A_724 = arith.index_cast %get3A_722 : i32 to index
        %get3A_725 = arith.index_cast %scan3A_682 : i32 to index
        %get3A_726 = arith.constant 32 : index
        %get3A_727 = tpu.vector_load %arg6[%get3A_723, %get3A_724, %get3A_725, %get3A_726] {strides = array<i32>} : memref<2x4x128x64xf32, #tpu.memory_space<vmem>>, vector<1x1x1x16xf32>,
        %get3A_728 = vector.shape_cast %get3A_727 : vector<1x1x1x16xf32> to vector<16xf32>
        %mul3A_729 = arith.constant 8.000000e+00 : f32
        %mul3A_730 = vector.broadcast %mul3A_729 : f32 to vector<16xf32>
        %mul3A_731 = arith.mulf %get3A_728, %mul3A_730 : vector<16xf32>
        %swap3A_732 = arith.constant 1 : i32
        %swap3A_733 = arith.constant 1 : i32
        %swap3A_734 = arith.index_cast %swap3A_732 : i32 to index
        %swap3A_735 = arith.index_cast %swap3A_733 : i32 to index
        %swap3A_736 = arith.index_cast %scan3A_682 : i32 to index
        %swap3A_737 = arith.constant 32 : index
        %swap3A_738 = tpu.vector_load %arg6[%swap3A_734, %swap3A_735, %swap3A_736, %swap3A_737] {strides = array<i32>} : memref<2x4x128x64xf32, #tpu.memory_space<vmem>>, vector<1x1x1x16xf32>,
        %swap3A_739 = vector.shape_cast %swap3A_738 : vector<1x1x1x16xf32> to vector<16xf32>
        %swap3A_740 = vector.shape_cast %mul3A_731 : vector<16xf32> to vector<1x1x1x16xf32>
        tpu.vector_store %arg6[%swap3A_734, %swap3A_735, %swap3A_736, %swap3A_737], %swap3A_740 {strides = array<i32>} : memref<2x4x128x64xf32, #tpu.memory_space<vmem>>, vector<1x1x1x16xf32>,
        %get3A_741 = arith.constant 1 : i32
        %get3A_742 = arith.constant 1 : i32
        %get3A_743 = arith.index_cast %get3A_741 : i32 to index
        %get3A_744 = arith.index_cast %get3A_742 : i32 to index
        %get3A_745 = arith.index_cast %scan3A_682 : i32 to index
        %get3A_746 = arith.constant 48 : index
        %get3A_747 = tpu.vector_load %arg6[%get3A_743, %get3A_744, %get3A_745, %get3A_746] {strides = array<i32>} : memref<2x4x128x64xf32, #tpu.memory_space<vmem>>, vector<1x1x1x16xf32>,
        %get3A_748 = vector.shape_cast %get3A_747 : vector<1x1x1x16xf32> to vector<16xf32>
        %mul3A_749 = arith.constant 8.000000e+00 : f32
        %mul3A_750 = vector.broadcast %mul3A_749 : f32 to vector<16xf32>
        %mul3A_751 = arith.mulf %get3A_748, %mul3A_750 : vector<16xf32>
        %swap3A_752 = arith.constant 1 : i32
        %swap3A_753 = arith.constant 1 : i32
        %swap3A_754 = arith.index_cast %swap3A_752 : i32 to index
        %swap3A_755 = arith.index_cast %swap3A_753 : i32 to index
        %swap3A_756 = arith.index_cast %scan3A_682 : i32 to index
        %swap3A_757 = arith.constant 48 : index
        %swap3A_758 = tpu.vector_load %arg6[%swap3A_754, %swap3A_755, %swap3A_756, %swap3A_757] {strides = array<i32>} : memref<2x4x128x64xf32, #tpu.memory_space<vmem>>, vector<1x1x1x16xf32>,
        %swap3A_759 = vector.shape_cast %swap3A_758 : vector<1x1x1x16xf32> to vector<16xf32>
        %swap3A_760 = vector.shape_cast %mul3A_751 : vector<16xf32> to vector<1x1x1x16xf32>
        tpu.vector_store %arg6[%swap3A_754, %swap3A_755, %swap3A_756, %swap3A_757], %swap3A_760 {strides = array<i32>} : memref<2x4x128x64xf32, #tpu.memory_space<vmem>>, vector<1x1x1x16xf32>,
        %scan3A_761 = arith.constant 1 : i32
        %scan3A_762 = arith.addi %scan3A_682, %scan3A_761 : i32
        %get3A_763 = arith.constant 1 : i32
        %get3A_764 = arith.constant 1 : i32
        %get3A_765 = arith.index_cast %get3A_763 : i32 to index
        %get3A_766 = arith.index_cast %get3A_764 : i32 to index
        %get3A_767 = arith.index_cast %scan3A_762 : i32 to index
        %get3A_768 = arith.constant 0 : index
        %get3A_769 = tpu.vector_load %arg6[%get3A_765, %get3A_766, %get3A_767, %get3A_768] {strides = array<i32>} : memref<2x4x128x64xf32, #tpu.memory_space<vmem>>, vector<1x1x1x16xf32>,
        %get3A_770 = vector.shape_cast %get3A_769 : vector<1x1x1x16xf32> to vector<16xf32>
        %mul3A_771 = arith.constant 8.000000e+00 : f32
        %mul3A_772 = vector.broadcast %mul3A_771 : f32 to vector<16xf32>
        %mul3A_773 = arith.mulf %get3A_770, %mul3A_772 : vector<16xf32>
        %swap3A_774 = arith.constant 1 : i32
        %swap3A_775 = arith.constant 1 : i32
        %swap3A_776 = arith.index_cast %swap3A_774 : i32 to index
        %swap3A_777 = arith.index_cast %swap3A_775 : i32 to index
        %swap3A_778 = arith.index_cast %scan3A_762 : i32 to index
        %swap3A_779 = arith.constant 0 : index
        %swap3A_780 = tpu.vector_load %arg6[%swap3A_776, %swap3A_777, %swap3A_778, %swap3A_779] {strides = array<i32>} : memref<2x4x128x64xf32, #tpu.memory_space<vmem>>, vector<1x1x1x16xf32>,
        %swap3A_781 = vector.shape_cast %swap3A_780 : vector<1x1x1x16xf32> to vector<16xf32>
        %swap3A_782 = vector.shape_cast %mul3A_773 : vector<16xf32> to vector<1x1x1x16xf32>
        tpu.vector_store %arg6[%swap3A_776, %swap3A_777, %swap3A_778, %swap3A_779], %swap3A_782 {strides = array<i32>} : memref<2x4x128x64xf32, #tpu.memory_space<vmem>>, vector<1x1x1x16xf32>,
        %get3A_783 = arith.constant 1 : i32
        %get3A_784 = arith.constant 1 : i32
        %get3A_785 = arith.index_cast %get3A_783 : i32 to index
        %get3A_786 = arith.index_cast %get3A_784 : i32 to index
        %get3A_787 = arith.index_cast %scan3A_762 : i32 to index
        %get3A_788 = arith.constant 16 : index
        %get3A_789 = tpu.vector_load %arg6[%get3A_785, %get3A_786, %get3A_787, %get3A_788] {strides = array<i32>} : memref<2x4x128x64xf32, #tpu.memory_space<vmem>>, vector<1x1x1x16xf32>,
        %get3A_790 = vector.shape_cast %get3A_789 : vector<1x1x1x16xf32> to vector<16xf32>
        %mul3A_791 = arith.constant 8.000000e+00 : f32
        %mul3A_792 = vector.broadcast %mul3A_791 : f32 to vector<16xf32>
        %mul3A_793 = arith.mulf %get3A_790, %mul3A_792 : vector<16xf32>
        %swap3A_794 = arith.constant 1 : i32
        %swap3A_795 = arith.constant 1 : i32
        %swap3A_796 = arith.index_cast %swap3A_794 : i32 to index
        %swap3A_797 = arith.index_cast %swap3A_795 : i32 to index
        %swap3A_798 = arith.index_cast %scan3A_762 : i32 to index
        %swap3A_799 = arith.constant 16 : index
        %swap3A_800 = tpu.vector_load %arg6[%swap3A_796, %swap3A_797, %swap3A_798, %swap3A_799] {strides = array<i32>} : memref<2x4x128x64xf32, #tpu.memory_space<vmem>>, vector<1x1x1x16xf32>,
        %swap3A_801 = vector.shape_cast %swap3A_800 : vector<1x1x1x16xf32> to vector<16xf32>
        %swap3A_802 = vector.shape_cast %mul3A_793 : vector<16xf32> to vector<1x1x1x16xf32>
        tpu.vector_store %arg6[%swap3A_796, %swap3A_797, %swap3A_798, %swap3A_799], %swap3A_802 {strides = array<i32>} : memref<2x4x128x64xf32, #tpu.memory_space<vmem>>, vector<1x1x1x16xf32>,
        %get3A_803 = arith.constant 1 : i32
        %get3A_804 = arith.constant 1 : i32
        %get3A_805 = arith.index_cast %get3A_803 : i32 to index
        %get3A_806 = arith.index_cast %get3A_804 : i32 to index
        %get3A_807 = arith.index_cast %scan3A_762 : i32 to index
        %get3A_808 = arith.constant 32 : index
        %get3A_809 = tpu.vector_load %arg6[%get3A_805, %get3A_806, %get3A_807, %get3A_808] {strides = array<i32>} : memref<2x4x128x64xf32, #tpu.memory_space<vmem>>, vector<1x1x1x16xf32>,
        %get3A_810 = vector.shape_cast %get3A_809 : vector<1x1x1x16xf32> to vector<16xf32>
        %mul3A_811 = arith.constant 8.000000e+00 : f32
        %mul3A_812 = vector.broadcast %mul3A_811 : f32 to vector<16xf32>
        %mul3A_813 = arith.mulf %get3A_810, %mul3A_812 : vector<16xf32>
        %swap3A_814 = arith.constant 1 : i32
        %swap3A_815 = arith.constant 1 : i32
        %swap3A_816 = arith.index_cast %swap3A_814 : i32 to index
        %swap3A_817 = arith.index_cast %swap3A_815 : i32 to index
        %swap3A_818 = arith.index_cast %scan3A_762 : i32 to index
        %swap3A_819 = arith.constant 32 : index
        %swap3A_820 = tpu.vector_load %arg6[%swap3A_816, %swap3A_817, %swap3A_818, %swap3A_819] {strides = array<i32>} : memref<2x4x128x64xf32, #tpu.memory_space<vmem>>, vector<1x1x1x16xf32>,
        %swap3A_821 = vector.shape_cast %swap3A_820 : vector<1x1x1x16xf32> to vector<16xf32>
        %swap3A_822 = vector.shape_cast %mul3A_813 : vector<16xf32> to vector<1x1x1x16xf32>
        tpu.vector_store %arg6[%swap3A_816, %swap3A_817, %swap3A_818, %swap3A_819], %swap3A_822 {strides = array<i32>} : memref<2x4x128x64xf32, #tpu.memory_space<vmem>>, vector<1x1x1x16xf32>,
        %get3A_823 = arith.constant 1 : i32
        %get3A_824 = arith.constant 1 : i32
        %get3A_825 = arith.index_cast %get3A_823 : i32 to index
        %get3A_826 = arith.index_cast %get3A_824 : i32 to index
        %get3A_827 = arith.index_cast %scan3A_762 : i32 to index
        %get3A_828 = arith.constant 48 : index
        %get3A_829 = tpu.vector_load %arg6[%get3A_825, %get3A_826, %get3A_827, %get3A_828] {strides = array<i32>} : memref<2x4x128x64xf32, #tpu.memory_space<vmem>>, vector<1x1x1x16xf32>,
        %get3A_830 = vector.shape_cast %get3A_829 : vector<1x1x1x16xf32> to vector<16xf32>
        %mul3A_831 = arith.constant 8.000000e+00 : f32
        %mul3A_832 = vector.broadcast %mul3A_831 : f32 to vector<16xf32>
        %mul3A_833 = arith.mulf %get3A_830, %mul3A_832 : vector<16xf32>
        %swap3A_834 = arith.constant 1 : i32
        %swap3A_835 = arith.constant 1 : i32
        %swap3A_836 = arith.index_cast %swap3A_834 : i32 to index
        %swap3A_837 = arith.index_cast %swap3A_835 : i32 to index
        %swap3A_838 = arith.index_cast %scan3A_762 : i32 to index
        %swap3A_839 = arith.constant 48 : index
        %swap3A_840 = tpu.vector_load %arg6[%swap3A_836, %swap3A_837, %swap3A_838, %swap3A_839] {strides = array<i32>} : memref<2x4x128x64xf32, #tpu.memory_space<vmem>>, vector<1x1x1x16xf32>,
        %swap3A_841 = vector.shape_cast %swap3A_840 : vector<1x1x1x16xf32> to vector<16xf32>
        %swap3A_842 = vector.shape_cast %mul3A_833 : vector<16xf32> to vector<1x1x1x16xf32>
        tpu.vector_store %arg6[%swap3A_836, %swap3A_837, %swap3A_838, %swap3A_839], %swap3A_842 {strides = array<i32>} : memref<2x4x128x64xf32, #tpu.memory_space<vmem>>, vector<1x1x1x16xf32>,
        %scan3A_843 = arith.constant 2 : i32
        %scan3A_844 = arith.addi %scan3A_682, %scan3A_843 : i32
        %get3A_845 = arith.constant 1 : i32
        %get3A_846 = arith.constant 1 : i32
        %get3A_847 = arith.index_cast %get3A_845 : i32 to index
        %get3A_848 = arith.index_cast %get3A_846 : i32 to index
        %get3A_849 = arith.index_cast %scan3A_844 : i32 to index
        %get3A_850 = arith.constant 0 : index
        %get3A_851 = tpu.vector_load %arg6[%get3A_847, %get3A_848, %get3A_849, %get3A_850] {strides = array<i32>} : memref<2x4x128x64xf32, #tpu.memory_space<vmem>>, vector<1x1x1x16xf32>,
        %get3A_852 = vector.shape_cast %get3A_851 : vector<1x1x1x16xf32> to vector<16xf32>
        %mul3A_853 = arith.constant 8.000000e+00 : f32
        %mul3A_854 = vector.broadcast %mul3A_853 : f32 to vector<16xf32>
        %mul3A_855 = arith.mulf %get3A_852, %mul3A_854 : vector<16xf32>
        %swap3A_856 = arith.constant 1 : i32
        %swap3A_857 = arith.constant 1 : i32
        %swap3A_858 = arith.index_cast %swap3A_856 : i32 to index
        %swap3A_859 = arith.index_cast %swap3A_857 : i32 to index
        %swap3A_860 = arith.index_cast %scan3A_844 : i32 to index
        %swap3A_861 = arith.constant 0 : index
        %swap3A_862 = tpu.vector_load %arg6[%swap3A_858, %swap3A_859, %swap3A_860, %swap3A_861] {strides = array<i32>} : memref<2x4x128x64xf32, #tpu.memory_space<vmem>>, vector<1x1x1x16xf32>,
        %swap3A_863 = vector.shape_cast %swap3A_862 : vector<1x1x1x16xf32> to vector<16xf32>
        %swap3A_864 = vector.shape_cast %mul3A_855 : vector<16xf32> to vector<1x1x1x16xf32>
        tpu.vector_store %arg6[%swap3A_858, %swap3A_859, %swap3A_860, %swap3A_861], %swap3A_864 {strides = array<i32>} : memref<2x4x128x64xf32, #tpu.memory_space<vmem>>, vector<1x1x1x16xf32>,
        %get3A_865 = arith.constant 1 : i32
        %get3A_866 = arith.constant 1 : i32
        %get3A_867 = arith.index_cast %get3A_865 : i32 to index
        %get3A_868 = arith.index_cast %get3A_866 : i32 to index
        %get3A_869 = arith.index_cast %scan3A_844 : i32 to index
        %get3A_870 = arith.constant 16 : index
        %get3A_871 = tpu.vector_load %arg6[%get3A_867, %get3A_868, %get3A_869, %get3A_870] {strides = array<i32>} : memref<2x4x128x64xf32, #tpu.memory_space<vmem>>, vector<1x1x1x16xf32>,
        %get3A_872 = vector.shape_cast %get3A_871 : vector<1x1x1x16xf32> to vector<16xf32>
        %mul3A_873 = arith.constant 8.000000e+00 : f32
        %mul3A_874 = vector.broadcast %mul3A_873 : f32 to vector<16xf32>
        %mul3A_875 = arith.mulf %get3A_872, %mul3A_874 : vector<16xf32>
        %swap3A_876 = arith.constant 1 : i32
        %swap3A_877 = arith.constant 1 : i32
        %swap3A_878 = arith.index_cast %swap3A_876 : i32 to index
        %swap3A_879 = arith.index_cast %swap3A_877 : i32 to index
        %swap3A_880 = arith.index_cast %scan3A_844 : i32 to index
        %swap3A_881 = arith.constant 16 : index
        %swap3A_882 = tpu.vector_load %arg6[%swap3A_878, %swap3A_879, %swap3A_880, %swap3A_881] {strides = array<i32>} : memref<2x4x128x64xf32, #tpu.memory_space<vmem>>, vector<1x1x1x16xf32>,
        %swap3A_883 = vector.shape_cast %swap3A_882 : vector<1x1x1x16xf32> to vector<16xf32>
        %swap3A_884 = vector.shape_cast %mul3A_875 : vector<16xf32> to vector<1x1x1x16xf32>
        tpu.vector_store %arg6[%swap3A_878, %swap3A_879, %swap3A_880, %swap3A_881], %swap3A_884 {strides = array<i32>} : memref<2x4x128x64xf32, #tpu.memory_space<vmem>>, vector<1x1x1x16xf32>,
        %get3A_885 = arith.constant 1 : i32
        %get3A_886 = arith.constant 1 : i32
        %get3A_887 = arith.index_cast %get3A_885 : i32 to index
        %get3A_888 = arith.index_cast %get3A_886 : i32 to index
        %get3A_889 = arith.index_cast %scan3A_844 : i32 to index
        %get3A_890 = arith.constant 32 : index
        %get3A_891 = tpu.vector_load %arg6[%get3A_887, %get3A_888, %get3A_889, %get3A_890] {strides = array<i32>} : memref<2x4x128x64xf32, #tpu.memory_space<vmem>>, vector<1x1x1x16xf32>,
        %get3A_892 = vector.shape_cast %get3A_891 : vector<1x1x1x16xf32> to vector<16xf32>
        %mul3A_893 = arith.constant 8.000000e+00 : f32
        %mul3A_894 = vector.broadcast %mul3A_893 : f32 to vector<16xf32>
        %mul3A_895 = arith.mulf %get3A_892, %mul3A_894 : vector<16xf32>
        %swap3A_896 = arith.constant 1 : i32
        %swap3A_897 = arith.constant 1 : i32
        %swap3A_898 = arith.index_cast %swap3A_896 : i32 to index
        %swap3A_899 = arith.index_cast %swap3A_897 : i32 to index
        %swap3A_900 = arith.index_cast %scan3A_844 : i32 to index
        %swap3A_901 = arith.constant 32 : index
        %swap3A_902 = tpu.vector_load %arg6[%swap3A_898, %swap3A_899, %swap3A_900, %swap3A_901] {strides = array<i32>} : memref<2x4x128x64xf32, #tpu.memory_space<vmem>>, vector<1x1x1x16xf32>,
        %swap3A_903 = vector.shape_cast %swap3A_902 : vector<1x1x1x16xf32> to vector<16xf32>
        %swap3A_904 = vector.shape_cast %mul3A_895 : vector<16xf32> to vector<1x1x1x16xf32>
        tpu.vector_store %arg6[%swap3A_898, %swap3A_899, %swap3A_900, %swap3A_901], %swap3A_904 {strides = array<i32>} : memref<2x4x128x64xf32, #tpu.memory_space<vmem>>, vector<1x1x1x16xf32>,
        %get3A_905 = arith.constant 1 : i32
        %get3A_906 = arith.constant 1 : i32
        %get3A_907 = arith.index_cast %get3A_905 : i32 to index
        %get3A_908 = arith.index_cast %get3A_906 : i32 to index
        %get3A_909 = arith.index_cast %scan3A_844 : i32 to index
        %get3A_910 = arith.constant 48 : index
        %get3A_911 = tpu.vector_load %arg6[%get3A_907, %get3A_908, %get3A_909, %get3A_910] {strides = array<i32>} : memref<2x4x128x64xf32, #tpu.memory_space<vmem>>, vector<1x1x1x16xf32>,
        %get3A_912 = vector.shape_cast %get3A_911 : vector<1x1x1x16xf32> to vector<16xf32>
        %mul3A_913 = arith.constant 8.000000e+00 : f32
        %mul3A_914 = vector.broadcast %mul3A_913 : f32 to vector<16xf32>
        %mul3A_915 = arith.mulf %get3A_912, %mul3A_914 : vector<16xf32>
        %swap3A_916 = arith.constant 1 : i32
        %swap3A_917 = arith.constant 1 : i32
        %swap3A_918 = arith.index_cast %swap3A_916 : i32 to index
        %swap3A_919 = arith.index_cast %swap3A_917 : i32 to index
        %swap3A_920 = arith.index_cast %scan3A_844 : i32 to index
        %swap3A_921 = arith.constant 48 : index
        %swap3A_922 = tpu.vector_load %arg6[%swap3A_918, %swap3A_919, %swap3A_920, %swap3A_921] {strides = array<i32>} : memref<2x4x128x64xf32, #tpu.memory_space<vmem>>, vector<1x1x1x16xf32>,
        %swap3A_923 = vector.shape_cast %swap3A_922 : vector<1x1x1x16xf32> to vector<16xf32>
        %swap3A_924 = vector.shape_cast %mul3A_915 : vector<16xf32> to vector<1x1x1x16xf32>
        tpu.vector_store %arg6[%swap3A_918, %swap3A_919, %swap3A_920, %swap3A_921], %swap3A_924 {strides = array<i32>} : memref<2x4x128x64xf32, #tpu.memory_space<vmem>>, vector<1x1x1x16xf32>,
        %scan3A_925 = arith.constant 3 : i32
        %scan3A_926 = arith.addi %scan3A_682, %scan3A_925 : i32
        %get3A_927 = arith.constant 1 : i32
        %get3A_928 = arith.constant 1 : i32
        %get3A_929 = arith.index_cast %get3A_927 : i32 to index
        %get3A_930 = arith.index_cast %get3A_928 : i32 to index
        %get3A_931 = arith.index_cast %scan3A_926 : i32 to index
        %get3A_932 = arith.constant 0 : index
        %get3A_933 = tpu.vector_load %arg6[%get3A_929, %get3A_930, %get3A_931, %get3A_932] {strides = array<i32>} : memref<2x4x128x64xf32, #tpu.memory_space<vmem>>, vector<1x1x1x16xf32>,
        %get3A_934 = vector.shape_cast %get3A_933 : vector<1x1x1x16xf32> to vector<16xf32>
        %mul3A_935 = arith.constant 8.000000e+00 : f32
        %mul3A_936 = vector.broadcast %mul3A_935 : f32 to vector<16xf32>
        %mul3A_937 = arith.mulf %get3A_934, %mul3A_936 : vector<16xf32>
        %swap3A_938 = arith.constant 1 : i32
        %swap3A_939 = arith.constant 1 : i32
        %swap3A_940 = arith.index_cast %swap3A_938 : i32 to index
        %swap3A_941 = arith.index_cast %swap3A_939 : i32 to index
        %swap3A_942 = arith.index_cast %scan3A_926 : i32 to index
        %swap3A_943 = arith.constant 0 : index
        %swap3A_944 = tpu.vector_load %arg6[%swap3A_940, %swap3A_941, %swap3A_942, %swap3A_943] {strides = array<i32>} : memref<2x4x128x64xf32, #tpu.memory_space<vmem>>, vector<1x1x1x16xf32>,
        %swap3A_945 = vector.shape_cast %swap3A_944 : vector<1x1x1x16xf32> to vector<16xf32>
        %swap3A_946 = vector.shape_cast %mul3A_937 : vector<16xf32> to vector<1x1x1x16xf32>
        tpu.vector_store %arg6[%swap3A_940, %swap3A_941, %swap3A_942, %swap3A_943], %swap3A_946 {strides = array<i32>} : memref<2x4x128x64xf32, #tpu.memory_space<vmem>>, vector<1x1x1x16xf32>,
        %get3A_947 = arith.constant 1 : i32
        %get3A_948 = arith.constant 1 : i32
        %get3A_949 = arith.index_cast %get3A_947 : i32 to index
        %get3A_950 = arith.index_cast %get3A_948 : i32 to index
        %get3A_951 = arith.index_cast %scan3A_926 : i32 to index
        %get3A_952 = arith.constant 16 : index
        %get3A_953 = tpu.vector_load %arg6[%get3A_949, %get3A_950, %get3A_951, %get3A_952] {strides = array<i32>} : memref<2x4x128x64xf32, #tpu.memory_space<vmem>>, vector<1x1x1x16xf32>,
        %get3A_954 = vector.shape_cast %get3A_953 : vector<1x1x1x16xf32> to vector<16xf32>
        %mul3A_955 = arith.constant 8.000000e+00 : f32
        %mul3A_956 = vector.broadcast %mul3A_955 : f32 to vector<16xf32>
        %mul3A_957 = arith.mulf %get3A_954, %mul3A_956 : vector<16xf32>
        %swap3A_958 = arith.constant 1 : i32
        %swap3A_959 = arith.constant 1 : i32
        %swap3A_960 = arith.index_cast %swap3A_958 : i32 to index
        %swap3A_961 = arith.index_cast %swap3A_959 : i32 to index
        %swap3A_962 = arith.index_cast %scan3A_926 : i32 to index
        %swap3A_963 = arith.constant 16 : index
        %swap3A_964 = tpu.vector_load %arg6[%swap3A_960, %swap3A_961, %swap3A_962, %swap3A_963] {strides = array<i32>} : memref<2x4x128x64xf32, #tpu.memory_space<vmem>>, vector<1x1x1x16xf32>,
        %swap3A_965 = vector.shape_cast %swap3A_964 : vector<1x1x1x16xf32> to vector<16xf32>
        %swap3A_966 = vector.shape_cast %mul3A_957 : vector<16xf32> to vector<1x1x1x16xf32>
        tpu.vector_store %arg6[%swap3A_960, %swap3A_961, %swap3A_962, %swap3A_963], %swap3A_966 {strides = array<i32>} : memref<2x4x128x64xf32, #tpu.memory_space<vmem>>, vector<1x1x1x16xf32>,
        %get3A_967 = arith.constant 1 : i32
        %get3A_968 = arith.constant 1 : i32
        %get3A_969 = arith.index_cast %get3A_967 : i32 to index
        %get3A_970 = arith.index_cast %get3A_968 : i32 to index
        %get3A_971 = arith.index_cast %scan3A_926 : i32 to index
        %get3A_972 = arith.constant 32 : index
        %get3A_973 = tpu.vector_load %arg6[%get3A_969, %get3A_970, %get3A_971, %get3A_972] {strides = array<i32>} : memref<2x4x128x64xf32, #tpu.memory_space<vmem>>, vector<1x1x1x16xf32>,
        %get3A_974 = vector.shape_cast %get3A_973 : vector<1x1x1x16xf32> to vector<16xf32>
        %mul3A_975 = arith.constant 8.000000e+00 : f32
        %mul3A_976 = vector.broadcast %mul3A_975 : f32 to vector<16xf32>
        %mul3A_977 = arith.mulf %get3A_974, %mul3A_976 : vector<16xf32>
        %swap3A_978 = arith.constant 1 : i32
        %swap3A_979 = arith.constant 1 : i32
        %swap3A_980 = arith.index_cast %swap3A_978 : i32 to index
        %swap3A_981 = arith.index_cast %swap3A_979 : i32 to index
        %swap3A_982 = arith.index_cast %scan3A_926 : i32 to index
        %swap3A_983 = arith.constant 32 : index
        %swap3A_984 = tpu.vector_load %arg6[%swap3A_980, %swap3A_981, %swap3A_982, %swap3A_983] {strides = array<i32>} : memref<2x4x128x64xf32, #tpu.memory_space<vmem>>, vector<1x1x1x16xf32>,
        %swap3A_985 = vector.shape_cast %swap3A_984 : vector<1x1x1x16xf32> to vector<16xf32>
        %swap3A_986 = vector.shape_cast %mul3A_977 : vector<16xf32> to vector<1x1x1x16xf32>
        tpu.vector_store %arg6[%swap3A_980, %swap3A_981, %swap3A_982, %swap3A_983], %swap3A_986 {strides = array<i32>} : memref<2x4x128x64xf32, #tpu.memory_space<vmem>>, vector<1x1x1x16xf32>,
        %get3A_987 = arith.constant 1 : i32
        %get3A_988 = arith.constant 1 : i32
        %get3A_989 = arith.index_cast %get3A_987 : i32 to index
        %get3A_990 = arith.index_cast %get3A_988 : i32 to index
        %get3A_991 = arith.index_cast %scan3A_926 : i32 to index
        %get3A_992 = arith.constant 48 : index
        %get3A_993 = tpu.vector_load %arg6[%get3A_989, %get3A_990, %get3A_991, %get3A_992] {strides = array<i32>} : memref<2x4x128x64xf32, #tpu.memory_space<vmem>>, vector<1x1x1x16xf32>,
        %get3A_994 = vector.shape_cast %get3A_993 : vector<1x1x1x16xf32> to vector<16xf32>
        %mul3A_995 = arith.constant 8.000000e+00 : f32
        %mul3A_996 = vector.broadcast %mul3A_995 : f32 to vector<16xf32>
        %mul3A_997 = arith.mulf %get3A_994, %mul3A_996 : vector<16xf32>
        %swap3A_998 = arith.constant 1 : i32
        %swap3A_999 = arith.constant 1 : i32
        %swap3A_1000 = arith.index_cast %swap3A_998 : i32 to index
        %swap3A_1001 = arith.index_cast %swap3A_999 : i32 to index
        %swap3A_1002 = arith.index_cast %scan3A_926 : i32 to index
        %swap3A_1003 = arith.constant 48 : index
        %swap3A_1004 = tpu.vector_load %arg6[%swap3A_1000, %swap3A_1001, %swap3A_1002, %swap3A_1003] {strides = array<i32>} : memref<2x4x128x64xf32, #tpu.memory_space<vmem>>, vector<1x1x1x16xf32>,
        %swap3A_1005 = vector.shape_cast %swap3A_1004 : vector<1x1x1x16xf32> to vector<16xf32>
        %swap3A_1006 = vector.shape_cast %mul3A_997 : vector<16xf32> to vector<1x1x1x16xf32>
        tpu.vector_store %arg6[%swap3A_1000, %swap3A_1001, %swap3A_1002, %swap3A_1003], %swap3A_1006 {strides = array<i32>} : memref<2x4x128x64xf32, #tpu.memory_space<vmem>>, vector<1x1x1x16xf32>,
      }
      %scan3A_600 = arith.constant 72 : i32
      %mul3A_601 = arith.constant 2 : i32
      %mul3A_602 = arith.muli %add3A_398, %mul3A_601 : i32
      %add3A_603 = arith.constant 0 : i32
      %add3A_604 = arith.addi %mul3A_602, %add3A_603 : i32
      %add3A_605 = arith.addi %mul3A_2, %add3A_604 : i32
      %dma_start3A_606 = arith.constant 1 : i32
      %dma_start3A_607 = arith.constant 1 : i32
      %dma_start3A_608 = arith.constant 0 : i32
      %dma_start3A_609 = arith.constant 0 : i32
      %dma_start3A_610 = tpu.memref_slice %arg6[%dma_start3A_606, %dma_start3A_607, %dma_start3A_608, %dma_start3A_609] : memref<2x4x128x64xf32, #tpu.memory_space<vmem>> -> memref<1x1x72x64xf32, #tpu.memory_space<vmem>>
      %dma_start3A_611 = tpu.memref_squeeze %dma_start3A_610 : memref<1x1x72x64xf32, #tpu.memory_space<vmem>> -> memref<72x64xf32, #tpu.memory_space<vmem>>
      %dma_start3A_612 = arith.constant 128 : i32
      %dma_start3A_613 = arith.constant 0 : i32
      %dma_start3A_614 = tpu.memref_slice %arg4[%add3A_605, %dma_start3A_612, %dma_start3A_613] : memref<4096x200x64xf32, #tpu.memory_space<hbm>> -> memref<1x72x64xf32, #tpu.memory_space<hbm>>
      %dma_start3A_615 = tpu.memref_squeeze %dma_start3A_614 : memref<1x72x64xf32, #tpu.memory_space<hbm>> -> memref<72x64xf32, #tpu.memory_space<hbm>>
      %dma_start3A_616 = arith.constant 128 : i32
      %dma_start3A_617 = arith.constant 0 : i32
      %dma_start3A_618 = tpu.memref_slice %arg4[%add3A_605, %dma_start3A_616, %dma_start3A_617] : memref<4096x200x64xf32, #tpu.memory_space<hbm>> -> memref<1x72x64xf32, #tpu.memory_space<hbm>>
      %dma_start3A_619 = tpu.memref_squeeze %dma_start3A_618 : memref<1x72x64xf32, #tpu.memory_space<hbm>> -> memref<72x64xf32, #tpu.memory_space<hbm>>
      %dma_start3A_620 = arith.constant 0 : i32
      %dma_start3A_621 = arith.constant 0 : i32
      %dma_start3A_622 = tpu.memref_slice %arg6[%dma_start3A_606, %dma_start3A_607, %dma_start3A_620, %dma_start3A_621] : memref<2x4x128x64xf32, #tpu.memory_space<vmem>> -> memref<1x1x72x64xf32, #tpu.memory_space<vmem>>
      %dma_start3A_623 = tpu.memref_squeeze %dma_start3A_622 : memref<1x1x72x64xf32, #tpu.memory_space<vmem>> -> memref<72x64xf32, #tpu.memory_space<vmem>>
      tpu.enqueue_dma source(%dma_start3A_623 : memref<72x64xf32, #tpu.memory_space<vmem>>) target(%dma_start3A_619 : memref<72x64xf32, #tpu.memory_space<hbm>>) target_semaphore(%arg10 : memref<!tpu.dma_semaphore, #tpu.memory_space<semaphore_mem>>)
      %scan3A_624 = arith.constant 0 : i32
      %scan3A_625 = arith.constant 0 : i32
      %scan3A_626 = arith.constant 128 : i32
      %scan3A_627 = arith.addi %scan3A_625, %scan3A_626 : i32
      %scan3A_628 = arith.constant 4 : i32
      scf.for %scan3A_682 = %scan3A_625 to %scan3A_627 step %scan3A_628  : i32 {
        %get3A = arith.constant 1 : i32
        %get3A_683 = arith.constant 2 : i32
        %get3A_684 = arith.index_cast %get3A : i32 to index
        %get3A_685 = arith.index_cast %get3A_683 : i32 to index
        %get3A_686 = arith.index_cast %scan3A_682 : i32 to index
        %get3A_687 = arith.constant 0 : index
        %get3A_688 = tpu.vector_load %arg6[%get3A_684, %get3A_685, %get3A_686, %get3A_687] {strides = array<i32>} : memref<2x4x128x64xf32, #tpu.memory_space<vmem>>, vector<1x1x1x16xf32>,
        %get3A_689 = vector.shape_cast %get3A_688 : vector<1x1x1x16xf32> to vector<16xf32>
        %mul3A_690 = arith.constant 8.000000e+00 : f32
        %mul3A_691 = vector.broadcast %mul3A_690 : f32 to vector<16xf32>
        %mul3A_692 = arith.mulf %get3A_689, %mul3A_691 : vector<16xf32>
        %swap3A = arith.constant 1 : i32
        %swap3A_693 = arith.constant 2 : i32
        %swap3A_694 = arith.index_cast %swap3A : i32 to index
        %swap3A_695 = arith.index_cast %swap3A_693 : i32 to index
        %swap3A_696 = arith.index_cast %scan3A_682 : i32 to index
        %swap3A_697 = arith.constant 0 : index
        %swap3A_698 = tpu.vector_load %arg6[%swap3A_694, %swap3A_695, %swap3A_696, %swap3A_697] {strides = array<i32>} : memref<2x4x128x64xf32, #tpu.memory_space<vmem>>, vector<1x1x1x16xf32>,
        %swap3A_699 = vector.shape_cast %swap3A_698 : vector<1x1x1x16xf32> to vector<16xf32>
        %swap3A_700 = vector.shape_cast %mul3A_692 : vector<16xf32> to vector<1x1x1x16xf32>
        tpu.vector_store %arg6[%swap3A_694, %swap3A_695, %swap3A_696, %swap3A_697], %swap3A_700 {strides = array<i32>} : memref<2x4x128x64xf32, #tpu.memory_space<vmem>>, vector<1x1x1x16xf32>,
        %get3A_701 = arith.constant 1 : i32
        %get3A_702 = arith.constant 2 : i32
        %get3A_703 = arith.index_cast %get3A_701 : i32 to index
        %get3A_704 = arith.index_cast %get3A_702 : i32 to index
        %get3A_705 = arith.index_cast %scan3A_682 : i32 to index
        %get3A_706 = arith.constant 16 : index
        %get3A_707 = tpu.vector_load %arg6[%get3A_703, %get3A_704, %get3A_705, %get3A_706] {strides = array<i32>} : memref<2x4x128x64xf32, #tpu.memory_space<vmem>>, vector<1x1x1x16xf32>,
        %get3A_708 = vector.shape_cast %get3A_707 : vector<1x1x1x16xf32> to vector<16xf32>
        %mul3A_709 = arith.constant 8.000000e+00 : f32
        %mul3A_710 = vector.broadcast %mul3A_709 : f32 to vector<16xf32>
        %mul3A_711 = arith.mulf %get3A_708, %mul3A_710 : vector<16xf32>
        %swap3A_712 = arith.constant 1 : i32
        %swap3A_713 = arith.constant 2 : i32
        %swap3A_714 = arith.index_cast %swap3A_712 : i32 to index
        %swap3A_715 = arith.index_cast %swap3A_713 : i32 to index
        %swap3A_716 = arith.index_cast %scan3A_682 : i32 to index
        %swap3A_717 = arith.constant 16 : index
        %swap3A_718 = tpu.vector_load %arg6[%swap3A_714, %swap3A_715, %swap3A_716, %swap3A_717] {strides = array<i32>} : memref<2x4x128x64xf32, #tpu.memory_space<vmem>>, vector<1x1x1x16xf32>,
        %swap3A_719 = vector.shape_cast %swap3A_718 : vector<1x1x1x16xf32> to vector<16xf32>
        %swap3A_720 = vector.shape_cast %mul3A_711 : vector<16xf32> to vector<1x1x1x16xf32>
        tpu.vector_store %arg6[%swap3A_714, %swap3A_715, %swap3A_716, %swap3A_717], %swap3A_720 {strides = array<i32>} : memref<2x4x128x64xf32, #tpu.memory_space<vmem>>, vector<1x1x1x16xf32>,
        %get3A_721 = arith.constant 1 : i32
        %get3A_722 = arith.constant 2 : i32
        %get3A_723 = arith.index_cast %get3A_721 : i32 to index
        %get3A_724 = arith.index_cast %get3A_722 : i32 to index
        %get3A_725 = arith.index_cast %scan3A_682 : i32 to index
        %get3A_726 = arith.constant 32 : index
        %get3A_727 = tpu.vector_load %arg6[%get3A_723, %get3A_724, %get3A_725, %get3A_726] {strides = array<i32>} : memref<2x4x128x64xf32, #tpu.memory_space<vmem>>, vector<1x1x1x16xf32>,
        %get3A_728 = vector.shape_cast %get3A_727 : vector<1x1x1x16xf32> to vector<16xf32>
        %mul3A_729 = arith.constant 8.000000e+00 : f32
        %mul3A_730 = vector.broadcast %mul3A_729 : f32 to vector<16xf32>
        %mul3A_731 = arith.mulf %get3A_728, %mul3A_730 : vector<16xf32>
        %swap3A_732 = arith.constant 1 : i32
        %swap3A_733 = arith.constant 2 : i32
        %swap3A_734 = arith.index_cast %swap3A_732 : i32 to index
        %swap3A_735 = arith.index_cast %swap3A_733 : i32 to index
        %swap3A_736 = arith.index_cast %scan3A_682 : i32 to index
        %swap3A_737 = arith.constant 32 : index
        %swap3A_738 = tpu.vector_load %arg6[%swap3A_734, %swap3A_735, %swap3A_736, %swap3A_737] {strides = array<i32>} : memref<2x4x128x64xf32, #tpu.memory_space<vmem>>, vector<1x1x1x16xf32>,
        %swap3A_739 = vector.shape_cast %swap3A_738 : vector<1x1x1x16xf32> to vector<16xf32>
        %swap3A_740 = vector.shape_cast %mul3A_731 : vector<16xf32> to vector<1x1x1x16xf32>
        tpu.vector_store %arg6[%swap3A_734, %swap3A_735, %swap3A_736, %swap3A_737], %swap3A_740 {strides = array<i32>} : memref<2x4x128x64xf32, #tpu.memory_space<vmem>>, vector<1x1x1x16xf32>,
        %get3A_741 = arith.constant 1 : i32
        %get3A_742 = arith.constant 2 : i32
        %get3A_743 = arith.index_cast %get3A_741 : i32 to index
        %get3A_744 = arith.index_cast %get3A_742 : i32 to index
        %get3A_745 = arith.index_cast %scan3A_682 : i32 to index
        %get3A_746 = arith.constant 48 : index
        %get3A_747 = tpu.vector_load %arg6[%get3A_743, %get3A_744, %get3A_745, %get3A_746] {strides = array<i32>} : memref<2x4x128x64xf32, #tpu.memory_space<vmem>>, vector<1x1x1x16xf32>,
        %get3A_748 = vector.shape_cast %get3A_747 : vector<1x1x1x16xf32> to vector<16xf32>
        %mul3A_749 = arith.constant 8.000000e+00 : f32
        %mul3A_750 = vector.broadcast %mul3A_749 : f32 to vector<16xf32>
        %mul3A_751 = arith.mulf %get3A_748, %mul3A_750 : vector<16xf32>
        %swap3A_752 = arith.constant 1 : i32
        %swap3A_753 = arith.constant 2 : i32
        %swap3A_754 = arith.index_cast %swap3A_752 : i32 to index
        %swap3A_755 = arith.index_cast %swap3A_753 : i32 to index
        %swap3A_756 = arith.index_cast %scan3A_682 : i32 to index
        %swap3A_757 = arith.constant 48 : index
        %swap3A_758 = tpu.vector_load %arg6[%swap3A_754, %swap3A_755, %swap3A_756, %swap3A_757] {strides = array<i32>} : memref<2x4x128x64xf32, #tpu.memory_space<vmem>>, vector<1x1x1x16xf32>,
        %swap3A_759 = vector.shape_cast %swap3A_758 : vector<1x1x1x16xf32> to vector<16xf32>
        %swap3A_760 = vector.shape_cast %mul3A_751 : vector<16xf32> to vector<1x1x1x16xf32>
        tpu.vector_store %arg6[%swap3A_754, %swap3A_755, %swap3A_756, %swap3A_757], %swap3A_760 {strides = array<i32>} : memref<2x4x128x64xf32, #tpu.memory_space<vmem>>, vector<1x1x1x16xf32>,
        %scan3A_761 = arith.constant 1 : i32
        %scan3A_762 = arith.addi %scan3A_682, %scan3A_761 : i32
        %get3A_763 = arith.constant 1 : i32
        %get3A_764 = arith.constant 2 : i32
        %get3A_765 = arith.index_cast %get3A_763 : i32 to index
        %get3A_766 = arith.index_cast %get3A_764 : i32 to index
        %get3A_767 = arith.index_cast %scan3A_762 : i32 to index
        %get3A_768 = arith.constant 0 : index
        %get3A_769 = tpu.vector_load %arg6[%get3A_765, %get3A_766, %get3A_767, %get3A_768] {strides = array<i32>} : memref<2x4x128x64xf32, #tpu.memory_space<vmem>>, vector<1x1x1x16xf32>,
        %get3A_770 = vector.shape_cast %get3A_769 : vector<1x1x1x16xf32> to vector<16xf32>
        %mul3A_771 = arith.constant 8.000000e+00 : f32
        %mul3A_772 = vector.broadcast %mul3A_771 : f32 to vector<16xf32>
        %mul3A_773 = arith.mulf %get3A_770, %mul3A_772 : vector<16xf32>
        %swap3A_774 = arith.constant 1 : i32
        %swap3A_775 = arith.constant 2 : i32
        %swap3A_776 = arith.index_cast %swap3A_774 : i32 to index
        %swap3A_777 = arith.index_cast %swap3A_775 : i32 to index
        %swap3A_778 = arith.index_cast %scan3A_762 : i32 to index
        %swap3A_779 = arith.constant 0 : index
        %swap3A_780 = tpu.vector_load %arg6[%swap3A_776, %swap3A_777, %swap3A_778, %swap3A_779] {strides = array<i32>} : memref<2x4x128x64xf32, #tpu.memory_space<vmem>>, vector<1x1x1x16xf32>,
        %swap3A_781 = vector.shape_cast %swap3A_780 : vector<1x1x1x16xf32> to vector<16xf32>
        %swap3A_782 = vector.shape_cast %mul3A_773 : vector<16xf32> to vector<1x1x1x16xf32>
        tpu.vector_store %arg6[%swap3A_776, %swap3A_777, %swap3A_778, %swap3A_779], %swap3A_782 {strides = array<i32>} : memref<2x4x128x64xf32, #tpu.memory_space<vmem>>, vector<1x1x1x16xf32>,
        %get3A_783 = arith.constant 1 : i32
        %get3A_784 = arith.constant 2 : i32
        %get3A_785 = arith.index_cast %get3A_783 : i32 to index
        %get3A_786 = arith.index_cast %get3A_784 : i32 to index
        %get3A_787 = arith.index_cast %scan3A_762 : i32 to index
        %get3A_788 = arith.constant 16 : index
        %get3A_789 = tpu.vector_load %arg6[%get3A_785, %get3A_786, %get3A_787, %get3A_788] {strides = array<i32>} : memref<2x4x128x64xf32, #tpu.memory_space<vmem>>, vector<1x1x1x16xf32>,
        %get3A_790 = vector.shape_cast %get3A_789 : vector<1x1x1x16xf32> to vector<16xf32>
        %mul3A_791 = arith.constant 8.000000e+00 : f32
        %mul3A_792 = vector.broadcast %mul3A_791 : f32 to vector<16xf32>
        %mul3A_793 = arith.mulf %get3A_790, %mul3A_792 : vector<16xf32>
        %swap3A_794 = arith.constant 1 : i32
        %swap3A_795 = arith.constant 2 : i32
        %swap3A_796 = arith.index_cast %swap3A_794 : i32 to index
        %swap3A_797 = arith.index_cast %swap3A_795 : i32 to index
        %swap3A_798 = arith.index_cast %scan3A_762 : i32 to index
        %swap3A_799 = arith.constant 16 : index
        %swap3A_800 = tpu.vector_load %arg6[%swap3A_796, %swap3A_797, %swap3A_798, %swap3A_799] {strides = array<i32>} : memref<2x4x128x64xf32, #tpu.memory_space<vmem>>, vector<1x1x1x16xf32>,
        %swap3A_801 = vector.shape_cast %swap3A_800 : vector<1x1x1x16xf32> to vector<16xf32>
        %swap3A_802 = vector.shape_cast %mul3A_793 : vector<16xf32> to vector<1x1x1x16xf32>
        tpu.vector_store %arg6[%swap3A_796, %swap3A_797, %swap3A_798, %swap3A_799], %swap3A_802 {strides = array<i32>} : memref<2x4x128x64xf32, #tpu.memory_space<vmem>>, vector<1x1x1x16xf32>,
        %get3A_803 = arith.constant 1 : i32
        %get3A_804 = arith.constant 2 : i32
        %get3A_805 = arith.index_cast %get3A_803 : i32 to index
        %get3A_806 = arith.index_cast %get3A_804 : i32 to index
        %get3A_807 = arith.index_cast %scan3A_762 : i32 to index
        %get3A_808 = arith.constant 32 : index
        %get3A_809 = tpu.vector_load %arg6[%get3A_805, %get3A_806, %get3A_807, %get3A_808] {strides = array<i32>} : memref<2x4x128x64xf32, #tpu.memory_space<vmem>>, vector<1x1x1x16xf32>,
        %get3A_810 = vector.shape_cast %get3A_809 : vector<1x1x1x16xf32> to vector<16xf32>
        %mul3A_811 = arith.constant 8.000000e+00 : f32
        %mul3A_812 = vector.broadcast %mul3A_811 : f32 to vector<16xf32>
        %mul3A_813 = arith.mulf %get3A_810, %mul3A_812 : vector<16xf32>
        %swap3A_814 = arith.constant 1 : i32
        %swap3A_815 = arith.constant 2 : i32
        %swap3A_816 = arith.index_cast %swap3A_814 : i32 to index
        %swap3A_817 = arith.index_cast %swap3A_815 : i32 to index
        %swap3A_818 = arith.index_cast %scan3A_762 : i32 to index
        %swap3A_819 = arith.constant 32 : index
        %swap3A_820 = tpu.vector_load %arg6[%swap3A_816, %swap3A_817, %swap3A_818, %swap3A_819] {strides = array<i32>} : memref<2x4x128x64xf32, #tpu.memory_space<vmem>>, vector<1x1x1x16xf32>,
        %swap3A_821 = vector.shape_cast %swap3A_820 : vector<1x1x1x16xf32> to vector<16xf32>
        %swap3A_822 = vector.shape_cast %mul3A_813 : vector<16xf32> to vector<1x1x1x16xf32>
        tpu.vector_store %arg6[%swap3A_816, %swap3A_817, %swap3A_818, %swap3A_819], %swap3A_822 {strides = array<i32>} : memref<2x4x128x64xf32, #tpu.memory_space<vmem>>, vector<1x1x1x16xf32>,
        %get3A_823 = arith.constant 1 : i32
        %get3A_824 = arith.constant 2 : i32
        %get3A_825 = arith.index_cast %get3A_823 : i32 to index
        %get3A_826 = arith.index_cast %get3A_824 : i32 to index
        %get3A_827 = arith.index_cast %scan3A_762 : i32 to index
        %get3A_828 = arith.constant 48 : index
        %get3A_829 = tpu.vector_load %arg6[%get3A_825, %get3A_826, %get3A_827, %get3A_828] {strides = array<i32>} : memref<2x4x128x64xf32, #tpu.memory_space<vmem>>, vector<1x1x1x16xf32>,
        %get3A_830 = vector.shape_cast %get3A_829 : vector<1x1x1x16xf32> to vector<16xf32>
        %mul3A_831 = arith.constant 8.000000e+00 : f32
        %mul3A_832 = vector.broadcast %mul3A_831 : f32 to vector<16xf32>
        %mul3A_833 = arith.mulf %get3A_830, %mul3A_832 : vector<16xf32>
        %swap3A_834 = arith.constant 1 : i32
        %swap3A_835 = arith.constant 2 : i32
        %swap3A_836 = arith.index_cast %swap3A_834 : i32 to index
        %swap3A_837 = arith.index_cast %swap3A_835 : i32 to index
        %swap3A_838 = arith.index_cast %scan3A_762 : i32 to index
        %swap3A_839 = arith.constant 48 : index
        %swap3A_840 = tpu.vector_load %arg6[%swap3A_836, %swap3A_837, %swap3A_838, %swap3A_839] {strides = array<i32>} : memref<2x4x128x64xf32, #tpu.memory_space<vmem>>, vector<1x1x1x16xf32>,
        %swap3A_841 = vector.shape_cast %swap3A_840 : vector<1x1x1x16xf32> to vector<16xf32>
        %swap3A_842 = vector.shape_cast %mul3A_833 : vector<16xf32> to vector<1x1x1x16xf32>
        tpu.vector_store %arg6[%swap3A_836, %swap3A_837, %swap3A_838, %swap3A_839], %swap3A_842 {strides = array<i32>} : memref<2x4x128x64xf32, #tpu.memory_space<vmem>>, vector<1x1x1x16xf32>,
        %scan3A_843 = arith.constant 2 : i32
        %scan3A_844 = arith.addi %scan3A_682, %scan3A_843 : i32
        %get3A_845 = arith.constant 1 : i32
        %get3A_846 = arith.constant 2 : i32
        %get3A_847 = arith.index_cast %get3A_845 : i32 to index
        %get3A_848 = arith.index_cast %get3A_846 : i32 to index
        %get3A_849 = arith.index_cast %scan3A_844 : i32 to index
        %get3A_850 = arith.constant 0 : index
        %get3A_851 = tpu.vector_load %arg6[%get3A_847, %get3A_848, %get3A_849, %get3A_850] {strides = array<i32>} : memref<2x4x128x64xf32, #tpu.memory_space<vmem>>, vector<1x1x1x16xf32>,
        %get3A_852 = vector.shape_cast %get3A_851 : vector<1x1x1x16xf32> to vector<16xf32>
        %mul3A_853 = arith.constant 8.000000e+00 : f32
        %mul3A_854 = vector.broadcast %mul3A_853 : f32 to vector<16xf32>
        %mul3A_855 = arith.mulf %get3A_852, %mul3A_854 : vector<16xf32>
        %swap3A_856 = arith.constant 1 : i32
        %swap3A_857 = arith.constant 2 : i32
        %swap3A_858 = arith.index_cast %swap3A_856 : i32 to index
        %swap3A_859 = arith.index_cast %swap3A_857 : i32 to index
        %swap3A_860 = arith.index_cast %scan3A_844 : i32 to index
        %swap3A_861 = arith.constant 0 : index
        %swap3A_862 = tpu.vector_load %arg6[%swap3A_858, %swap3A_859, %swap3A_860, %swap3A_861] {strides = array<i32>} : memref<2x4x128x64xf32, #tpu.memory_space<vmem>>, vector<1x1x1x16xf32>,
        %swap3A_863 = vector.shape_cast %swap3A_862 : vector<1x1x1x16xf32> to vector<16xf32>
        %swap3A_864 = vector.shape_cast %mul3A_855 : vector<16xf32> to vector<1x1x1x16xf32>
        tpu.vector_store %arg6[%swap3A_858, %swap3A_859, %swap3A_860, %swap3A_861], %swap3A_864 {strides = array<i32>} : memref<2x4x128x64xf32, #tpu.memory_space<vmem>>, vector<1x1x1x16xf32>,
        %get3A_865 = arith.constant 1 : i32
        %get3A_866 = arith.constant 2 : i32
        %get3A_867 = arith.index_cast %get3A_865 : i32 to index
        %get3A_868 = arith.index_cast %get3A_866 : i32 to index
        %get3A_869 = arith.index_cast %scan3A_844 : i32 to index
        %get3A_870 = arith.constant 16 : index
        %get3A_871 = tpu.vector_load %arg6[%get3A_867, %get3A_868, %get3A_869, %get3A_870] {strides = array<i32>} : memref<2x4x128x64xf32, #tpu.memory_space<vmem>>, vector<1x1x1x16xf32>,
        %get3A_872 = vector.shape_cast %get3A_871 : vector<1x1x1x16xf32> to vector<16xf32>
        %mul3A_873 = arith.constant 8.000000e+00 : f32
        %mul3A_874 = vector.broadcast %mul3A_873 : f32 to vector<16xf32>
        %mul3A_875 = arith.mulf %get3A_872, %mul3A_874 : vector<16xf32>
        %swap3A_876 = arith.constant 1 : i32
        %swap3A_877 = arith.constant 2 : i32
        %swap3A_878 = arith.index_cast %swap3A_876 : i32 to index
        %swap3A_879 = arith.index_cast %swap3A_877 : i32 to index
        %swap3A_880 = arith.index_cast %scan3A_844 : i32 to index
        %swap3A_881 = arith.constant 16 : index
        %swap3A_882 = tpu.vector_load %arg6[%swap3A_878, %swap3A_879, %swap3A_880, %swap3A_881] {strides = array<i32>} : memref<2x4x128x64xf32, #tpu.memory_space<vmem>>, vector<1x1x1x16xf32>,
        %swap3A_883 = vector.shape_cast %swap3A_882 : vector<1x1x1x16xf32> to vector<16xf32>
        %swap3A_884 = vector.shape_cast %mul3A_875 : vector<16xf32> to vector<1x1x1x16xf32>
        tpu.vector_store %arg6[%swap3A_878, %swap3A_879, %swap3A_880, %swap3A_881], %swap3A_884 {strides = array<i32>} : memref<2x4x128x64xf32, #tpu.memory_space<vmem>>, vector<1x1x1x16xf32>,
        %get3A_885 = arith.constant 1 : i32
        %get3A_886 = arith.constant 2 : i32
        %get3A_887 = arith.index_cast %get3A_885 : i32 to index
        %get3A_888 = arith.index_cast %get3A_886 : i32 to index
        %get3A_889 = arith.index_cast %scan3A_844 : i32 to index
        %get3A_890 = arith.constant 32 : index
        %get3A_891 = tpu.vector_load %arg6[%get3A_887, %get3A_888, %get3A_889, %get3A_890] {strides = array<i32>} : memref<2x4x128x64xf32, #tpu.memory_space<vmem>>, vector<1x1x1x16xf32>,
        %get3A_892 = vector.shape_cast %get3A_891 : vector<1x1x1x16xf32> to vector<16xf32>
        %mul3A_893 = arith.constant 8.000000e+00 : f32
        %mul3A_894 = vector.broadcast %mul3A_893 : f32 to vector<16xf32>
        %mul3A_895 = arith.mulf %get3A_892, %mul3A_894 : vector<16xf32>
        %swap3A_896 = arith.constant 1 : i32
        %swap3A_897 = arith.constant 2 : i32
        %swap3A_898 = arith.index_cast %swap3A_896 : i32 to index
        %swap3A_899 = arith.index_cast %swap3A_897 : i32 to index
        %swap3A_900 = arith.index_cast %scan3A_844 : i32 to index
        %swap3A_901 = arith.constant 32 : index
        %swap3A_902 = tpu.vector_load %arg6[%swap3A_898, %swap3A_899, %swap3A_900, %swap3A_901] {strides = array<i32>} : memref<2x4x128x64xf32, #tpu.memory_space<vmem>>, vector<1x1x1x16xf32>,
        %swap3A_903 = vector.shape_cast %swap3A_902 : vector<1x1x1x16xf32> to vector<16xf32>
        %swap3A_904 = vector.shape_cast %mul3A_895 : vector<16xf32> to vector<1x1x1x16xf32>
        tpu.vector_store %arg6[%swap3A_898, %swap3A_899, %swap3A_900, %swap3A_901], %swap3A_904 {strides = array<i32>} : memref<2x4x128x64xf32, #tpu.memory_space<vmem>>, vector<1x1x1x16xf32>,
        %get3A_905 = arith.constant 1 : i32
        %get3A_906 = arith.constant 2 : i32
        %get3A_907 = arith.index_cast %get3A_905 : i32 to index
        %get3A_908 = arith.index_cast %get3A_906 : i32 to index
        %get3A_909 = arith.index_cast %scan3A_844 : i32 to index
        %get3A_910 = arith.constant 48 : index
        %get3A_911 = tpu.vector_load %arg6[%get3A_907, %get3A_908, %get3A_909, %get3A_910] {strides = array<i32>} : memref<2x4x128x64xf32, #tpu.memory_space<vmem>>, vector<1x1x1x16xf32>,
        %get3A_912 = vector.shape_cast %get3A_911 : vector<1x1x1x16xf32> to vector<16xf32>
        %mul3A_913 = arith.constant 8.000000e+00 : f32
        %mul3A_914 = vector.broadcast %mul3A_913 : f32 to vector<16xf32>
        %mul3A_915 = arith.mulf %get3A_912, %mul3A_914 : vector<16xf32>
        %swap3A_916 = arith.constant 1 : i32
        %swap3A_917 = arith.constant 2 : i32
        %swap3A_918 = arith.index_cast %swap3A_916 : i32 to index
        %swap3A_919 = arith.index_cast %swap3A_917 : i32 to index
        %swap3A_920 = arith.index_cast %scan3A_844 : i32 to index
        %swap3A_921 = arith.constant 48 : index
        %swap3A_922 = tpu.vector_load %arg6[%swap3A_918, %swap3A_919, %swap3A_920, %swap3A_921] {strides = array<i32>} : memref<2x4x128x64xf32, #tpu.memory_space<vmem>>, vector<1x1x1x16xf32>,
        %swap3A_923 = vector.shape_cast %swap3A_922 : vector<1x1x1x16xf32> to vector<16xf32>
        %swap3A_924 = vector.shape_cast %mul3A_915 : vector<16xf32> to vector<1x1x1x16xf32>
        tpu.vector_store %arg6[%swap3A_918, %swap3A_919, %swap3A_920, %swap3A_921], %swap3A_924 {strides = array<i32>} : memref<2x4x128x64xf32, #tpu.memory_space<vmem>>, vector<1x1x1x16xf32>,
        %scan3A_925 = arith.constant 3 : i32
        %scan3A_926 = arith.addi %scan3A_682, %scan3A_925 : i32
        %get3A_927 = arith.constant 1 : i32
        %get3A_928 = arith.constant 2 : i32
        %get3A_929 = arith.index_cast %get3A_927 : i32 to index
        %get3A_930 = arith.index_cast %get3A_928 : i32 to index
        %get3A_931 = arith.index_cast %scan3A_926 : i32 to index
        %get3A_932 = arith.constant 0 : index
        %get3A_933 = tpu.vector_load %arg6[%get3A_929, %get3A_930, %get3A_931, %get3A_932] {strides = array<i32>} : memref<2x4x128x64xf32, #tpu.memory_space<vmem>>, vector<1x1x1x16xf32>,
        %get3A_934 = vector.shape_cast %get3A_933 : vector<1x1x1x16xf32> to vector<16xf32>
        %mul3A_935 = arith.constant 8.000000e+00 : f32
        %mul3A_936 = vector.broadcast %mul3A_935 : f32 to vector<16xf32>
        %mul3A_937 = arith.mulf %get3A_934, %mul3A_936 : vector<16xf32>
        %swap3A_938 = arith.constant 1 : i32
        %swap3A_939 = arith.constant 2 : i32
        %swap3A_940 = arith.index_cast %swap3A_938 : i32 to index
        %swap3A_941 = arith.index_cast %swap3A_939 : i32 to index
        %swap3A_942 = arith.index_cast %scan3A_926 : i32 to index
        %swap3A_943 = arith.constant 0 : index
        %swap3A_944 = tpu.vector_load %arg6[%swap3A_940, %swap3A_941, %swap3A_942, %swap3A_943] {strides = array<i32>} : memref<2x4x128x64xf32, #tpu.memory_space<vmem>>, vector<1x1x1x16xf32>,
        %swap3A_945 = vector.shape_cast %swap3A_944 : vector<1x1x1x16xf32> to vector<16xf32>
        %swap3A_946 = vector.shape_cast %mul3A_937 : vector<16xf32> to vector<1x1x1x16xf32>
        tpu.vector_store %arg6[%swap3A_940, %swap3A_941, %swap3A_942, %swap3A_943], %swap3A_946 {strides = array<i32>} : memref<2x4x128x64xf32, #tpu.memory_space<vmem>>, vector<1x1x1x16xf32>,
        %get3A_947 = arith.constant 1 : i32
        %get3A_948 = arith.constant 2 : i32
        %get3A_949 = arith.index_cast %get3A_947 : i32 to index
        %get3A_950 = arith.index_cast %get3A_948 : i32 to index
        %get3A_951 = arith.index_cast %scan3A_926 : i32 to index
        %get3A_952 = arith.constant 16 : index
        %get3A_953 = tpu.vector_load %arg6[%get3A_949, %get3A_950, %get3A_951, %get3A_952] {strides = array<i32>} : memref<2x4x128x64xf32, #tpu.memory_space<vmem>>, vector<1x1x1x16xf32>,
        %get3A_954 = vector.shape_cast %get3A_953 : vector<1x1x1x16xf32> to vector<16xf32>
        %mul3A_955 = arith.constant 8.000000e+00 : f32
        %mul3A_956 = vector.broadcast %mul3A_955 : f32 to vector<16xf32>
        %mul3A_957 = arith.mulf %get3A_954, %mul3A_956 : vector<16xf32>
        %swap3A_958 = arith.constant 1 : i32
        %swap3A_959 = arith.constant 2 : i32
        %swap3A_960 = arith.index_cast %swap3A_958 : i32 to index
        %swap3A_961 = arith.index_cast %swap3A_959 : i32 to index
        %swap3A_962 = arith.index_cast %scan3A_926 : i32 to index
        %swap3A_963 = arith.constant 16 : index
        %swap3A_964 = tpu.vector_load %arg6[%swap3A_960, %swap3A_961, %swap3A_962, %swap3A_963] {strides = array<i32>} : memref<2x4x128x64xf32, #tpu.memory_space<vmem>>, vector<1x1x1x16xf32>,
        %swap3A_965 = vector.shape_cast %swap3A_964 : vector<1x1x1x16xf32> to vector<16xf32>
        %swap3A_966 = vector.shape_cast %mul3A_957 : vector<16xf32> to vector<1x1x1x16xf32>
        tpu.vector_store %arg6[%swap3A_960, %swap3A_961, %swap3A_962, %swap3A_963], %swap3A_966 {strides = array<i32>} : memref<2x4x128x64xf32, #tpu.memory_space<vmem>>, vector<1x1x1x16xf32>,
        %get3A_967 = arith.constant 1 : i32
        %get3A_968 = arith.constant 2 : i32
        %get3A_969 = arith.index_cast %get3A_967 : i32 to index
        %get3A_970 = arith.index_cast %get3A_968 : i32 to index
        %get3A_971 = arith.index_cast %scan3A_926 : i32 to index
        %get3A_972 = arith.constant 32 : index
        %get3A_973 = tpu.vector_load %arg6[%get3A_969, %get3A_970, %get3A_971, %get3A_972] {strides = array<i32>} : memref<2x4x128x64xf32, #tpu.memory_space<vmem>>, vector<1x1x1x16xf32>,
        %get3A_974 = vector.shape_cast %get3A_973 : vector<1x1x1x16xf32> to vector<16xf32>
        %mul3A_975 = arith.constant 8.000000e+00 : f32
        %mul3A_976 = vector.broadcast %mul3A_975 : f32 to vector<16xf32>
        %mul3A_977 = arith.mulf %get3A_974, %mul3A_976 : vector<16xf32>
        %swap3A_978 = arith.constant 1 : i32
        %swap3A_979 = arith.constant 2 : i32
        %swap3A_980 = arith.index_cast %swap3A_978 : i32 to index
        %swap3A_981 = arith.index_cast %swap3A_979 : i32 to index
        %swap3A_982 = arith.index_cast %scan3A_926 : i32 to index
        %swap3A_983 = arith.constant 32 : index
        %swap3A_984 = tpu.vector_load %arg6[%swap3A_980, %swap3A_981, %swap3A_982, %swap3A_983] {strides = array<i32>} : memref<2x4x128x64xf32, #tpu.memory_space<vmem>>, vector<1x1x1x16xf32>,
        %swap3A_985 = vector.shape_cast %swap3A_984 : vector<1x1x1x16xf32> to vector<16xf32>
        %swap3A_986 = vector.shape_cast %mul3A_977 : vector<16xf32> to vector<1x1x1x16xf32>
        tpu.vector_store %arg6[%swap3A_980, %swap3A_981, %swap3A_982, %swap3A_983], %swap3A_986 {strides = array<i32>} : memref<2x4x128x64xf32, #tpu.memory_space<vmem>>, vector<1x1x1x16xf32>,
        %get3A_987 = arith.constant 1 : i32
        %get3A_988 = arith.constant 2 : i32
        %get3A_989 = arith.index_cast %get3A_987 : i32 to index
        %get3A_990 = arith.index_cast %get3A_988 : i32 to index
        %get3A_991 = arith.index_cast %scan3A_926 : i32 to index
        %get3A_992 = arith.constant 48 : index
        %get3A_993 = tpu.vector_load %arg6[%get3A_989, %get3A_990, %get3A_991, %get3A_992] {strides = array<i32>} : memref<2x4x128x64xf32, #tpu.memory_space<vmem>>, vector<1x1x1x16xf32>,
        %get3A_994 = vector.shape_cast %get3A_993 : vector<1x1x1x16xf32> to vector<16xf32>
        %mul3A_995 = arith.constant 8.000000e+00 : f32
        %mul3A_996 = vector.broadcast %mul3A_995 : f32 to vector<16xf32>
        %mul3A_997 = arith.mulf %get3A_994, %mul3A_996 : vector<16xf32>
        %swap3A_998 = arith.constant 1 : i32
        %swap3A_999 = arith.constant 2 : i32
        %swap3A_1000 = arith.index_cast %swap3A_998 : i32 to index
        %swap3A_1001 = arith.index_cast %swap3A_999 : i32 to index
        %swap3A_1002 = arith.index_cast %scan3A_926 : i32 to index
        %swap3A_1003 = arith.constant 48 : index
        %swap3A_1004 = tpu.vector_load %arg6[%swap3A_1000, %swap3A_1001, %swap3A_1002, %swap3A_1003] {strides = array<i32>} : memref<2x4x128x64xf32, #tpu.memory_space<vmem>>, vector<1x1x1x16xf32>,
        %swap3A_1005 = vector.shape_cast %swap3A_1004 : vector<1x1x1x16xf32> to vector<16xf32>
        %swap3A_1006 = vector.shape_cast %mul3A_997 : vector<16xf32> to vector<1x1x1x16xf32>
        tpu.vector_store %arg6[%swap3A_1000, %swap3A_1001, %swap3A_1002, %swap3A_1003], %swap3A_1006 {strides = array<i32>} : memref<2x4x128x64xf32, #tpu.memory_space<vmem>>, vector<1x1x1x16xf32>,
      }
      %scan3A_629 = arith.constant 128 : i32
      %mul3A_630 = arith.constant 2 : i32
      %mul3A_631 = arith.muli %add3A_398, %mul3A_630 : i32
      %add3A_632 = arith.constant 1 : i32
      %add3A_633 = arith.addi %mul3A_631, %add3A_632 : i32
      %add3A_634 = arith.addi %mul3A_2, %add3A_633 : i32
      %dma_start3A_635 = arith.constant 1 : i32
      %dma_start3A_636 = arith.constant 2 : i32
      %dma_start3A_637 = arith.constant 0 : i32
      %dma_start3A_638 = arith.constant 0 : i32
      %dma_start3A_639 = tpu.memref_slice %arg6[%dma_start3A_635, %dma_start3A_636, %dma_start3A_637, %dma_start3A_638] : memref<2x4x128x64xf32, #tpu.memory_space<vmem>> -> memref<1x1x128x64xf32, #tpu.memory_space<vmem>>
      %dma_start3A_640 = tpu.memref_squeeze %dma_start3A_639 : memref<1x1x128x64xf32, #tpu.memory_space<vmem>> -> memref<128x64xf32, #tpu.memory_space<vmem>>
      %dma_start3A_641 = arith.constant 0 : i32
      %dma_start3A_642 = arith.constant 0 : i32
      %dma_start3A_643 = tpu.memref_slice %arg4[%add3A_634, %dma_start3A_641, %dma_start3A_642] : memref<4096x200x64xf32, #tpu.memory_space<hbm>> -> memref<1x128x64xf32, #tpu.memory_space<hbm>>
      %dma_start3A_644 = tpu.memref_squeeze %dma_start3A_643 : memref<1x128x64xf32, #tpu.memory_space<hbm>> -> memref<128x64xf32, #tpu.memory_space<hbm>>
      %dma_start3A_645 = arith.constant 0 : i32
      %dma_start3A_646 = arith.constant 0 : i32
      %dma_start3A_647 = tpu.memref_slice %arg4[%add3A_634, %dma_start3A_645, %dma_start3A_646] : memref<4096x200x64xf32, #tpu.memory_space<hbm>> -> memref<1x128x64xf32, #tpu.memory_space<hbm>>
      %dma_start3A_648 = tpu.memref_squeeze %dma_start3A_647 : memref<1x128x64xf32, #tpu.memory_space<hbm>> -> memref<128x64xf32, #tpu.memory_space<hbm>>
      %dma_start3A_649 = arith.constant 0 : i32
      %dma_start3A_650 = arith.constant 0 : i32
      %dma_start3A_651 = tpu.memref_slice %arg6[%dma_start3A_635, %dma_start3A_636, %dma_start3A_649, %dma_start3A_650] : memref<2x4x128x64xf32, #tpu.memory_space<vmem>> -> memref<1x1x128x64xf32, #tpu.memory_space<vmem>>
      %dma_start3A_652 = tpu.memref_squeeze %dma_start3A_651 : memref<1x1x128x64xf32, #tpu.memory_space<vmem>> -> memref<128x64xf32, #tpu.memory_space<vmem>>
      tpu.enqueue_dma source(%dma_start3A_652 : memref<128x64xf32, #tpu.memory_space<vmem>>) target(%dma_start3A_648 : memref<128x64xf32, #tpu.memory_space<hbm>>) target_semaphore(%arg10 : memref<!tpu.dma_semaphore, #tpu.memory_space<semaphore_mem>>)
      %scan3A_653 = arith.constant 0 : i32
      %scan3A_654 = arith.constant 0 : i32
      %scan3A_655 = arith.constant 72 : i32
      %scan3A_656 = arith.addi %scan3A_654, %scan3A_655 : i32
      %scan3A_657 = arith.constant 4 : i32
      scf.for %scan3A_682 = %scan3A_654 to %scan3A_656 step %scan3A_657  : i32 {
        %get3A = arith.constant 1 : i32
        %get3A_683 = arith.constant 3 : i32
        %get3A_684 = arith.index_cast %get3A : i32 to index
        %get3A_685 = arith.index_cast %get3A_683 : i32 to index
        %get3A_686 = arith.index_cast %scan3A_682 : i32 to index
        %get3A_687 = arith.constant 0 : index
        %get3A_688 = tpu.vector_load %arg6[%get3A_684, %get3A_685, %get3A_686, %get3A_687] {strides = array<i32>} : memref<2x4x128x64xf32, #tpu.memory_space<vmem>>, vector<1x1x1x16xf32>,
        %get3A_689 = vector.shape_cast %get3A_688 : vector<1x1x1x16xf32> to vector<16xf32>
        %mul3A_690 = arith.constant 8.000000e+00 : f32
        %mul3A_691 = vector.broadcast %mul3A_690 : f32 to vector<16xf32>
        %mul3A_692 = arith.mulf %get3A_689, %mul3A_691 : vector<16xf32>
        %swap3A = arith.constant 1 : i32
        %swap3A_693 = arith.constant 3 : i32
        %swap3A_694 = arith.index_cast %swap3A : i32 to index
        %swap3A_695 = arith.index_cast %swap3A_693 : i32 to index
        %swap3A_696 = arith.index_cast %scan3A_682 : i32 to index
        %swap3A_697 = arith.constant 0 : index
        %swap3A_698 = tpu.vector_load %arg6[%swap3A_694, %swap3A_695, %swap3A_696, %swap3A_697] {strides = array<i32>} : memref<2x4x128x64xf32, #tpu.memory_space<vmem>>, vector<1x1x1x16xf32>,
        %swap3A_699 = vector.shape_cast %swap3A_698 : vector<1x1x1x16xf32> to vector<16xf32>
        %swap3A_700 = vector.shape_cast %mul3A_692 : vector<16xf32> to vector<1x1x1x16xf32>
        tpu.vector_store %arg6[%swap3A_694, %swap3A_695, %swap3A_696, %swap3A_697], %swap3A_700 {strides = array<i32>} : memref<2x4x128x64xf32, #tpu.memory_space<vmem>>, vector<1x1x1x16xf32>,
        %get3A_701 = arith.constant 1 : i32
        %get3A_702 = arith.constant 3 : i32
        %get3A_703 = arith.index_cast %get3A_701 : i32 to index
        %get3A_704 = arith.index_cast %get3A_702 : i32 to index
        %get3A_705 = arith.index_cast %scan3A_682 : i32 to index
        %get3A_706 = arith.constant 16 : index
        %get3A_707 = tpu.vector_load %arg6[%get3A_703, %get3A_704, %get3A_705, %get3A_706] {strides = array<i32>} : memref<2x4x128x64xf32, #tpu.memory_space<vmem>>, vector<1x1x1x16xf32>,
        %get3A_708 = vector.shape_cast %get3A_707 : vector<1x1x1x16xf32> to vector<16xf32>
        %mul3A_709 = arith.constant 8.000000e+00 : f32
        %mul3A_710 = vector.broadcast %mul3A_709 : f32 to vector<16xf32>
        %mul3A_711 = arith.mulf %get3A_708, %mul3A_710 : vector<16xf32>
        %swap3A_712 = arith.constant 1 : i32
        %swap3A_713 = arith.constant 3 : i32
        %swap3A_714 = arith.index_cast %swap3A_712 : i32 to index
        %swap3A_715 = arith.index_cast %swap3A_713 : i32 to index
        %swap3A_716 = arith.index_cast %scan3A_682 : i32 to index
        %swap3A_717 = arith.constant 16 : index
        %swap3A_718 = tpu.vector_load %arg6[%swap3A_714, %swap3A_715, %swap3A_716, %swap3A_717] {strides = array<i32>} : memref<2x4x128x64xf32, #tpu.memory_space<vmem>>, vector<1x1x1x16xf32>,
        %swap3A_719 = vector.shape_cast %swap3A_718 : vector<1x1x1x16xf32> to vector<16xf32>
        %swap3A_720 = vector.shape_cast %mul3A_711 : vector<16xf32> to vector<1x1x1x16xf32>
        tpu.vector_store %arg6[%swap3A_714, %swap3A_715, %swap3A_716, %swap3A_717], %swap3A_720 {strides = array<i32>} : memref<2x4x128x64xf32, #tpu.memory_space<vmem>>, vector<1x1x1x16xf32>,
        %get3A_721 = arith.constant 1 : i32
        %get3A_722 = arith.constant 3 : i32
        %get3A_723 = arith.index_cast %get3A_721 : i32 to index
        %get3A_724 = arith.index_cast %get3A_722 : i32 to index
        %get3A_725 = arith.index_cast %scan3A_682 : i32 to index
        %get3A_726 = arith.constant 32 : index
        %get3A_727 = tpu.vector_load %arg6[%get3A_723, %get3A_724, %get3A_725, %get3A_726] {strides = array<i32>} : memref<2x4x128x64xf32, #tpu.memory_space<vmem>>, vector<1x1x1x16xf32>,
        %get3A_728 = vector.shape_cast %get3A_727 : vector<1x1x1x16xf32> to vector<16xf32>
        %mul3A_729 = arith.constant 8.000000e+00 : f32
        %mul3A_730 = vector.broadcast %mul3A_729 : f32 to vector<16xf32>
        %mul3A_731 = arith.mulf %get3A_728, %mul3A_730 : vector<16xf32>
        %swap3A_732 = arith.constant 1 : i32
        %swap3A_733 = arith.constant 3 : i32
        %swap3A_734 = arith.index_cast %swap3A_732 : i32 to index
        %swap3A_735 = arith.index_cast %swap3A_733 : i32 to index
        %swap3A_736 = arith.index_cast %scan3A_682 : i32 to index
        %swap3A_737 = arith.constant 32 : index
        %swap3A_738 = tpu.vector_load %arg6[%swap3A_734, %swap3A_735, %swap3A_736, %swap3A_737] {strides = array<i32>} : memref<2x4x128x64xf32, #tpu.memory_space<vmem>>, vector<1x1x1x16xf32>,
        %swap3A_739 = vector.shape_cast %swap3A_738 : vector<1x1x1x16xf32> to vector<16xf32>
        %swap3A_740 = vector.shape_cast %mul3A_731 : vector<16xf32> to vector<1x1x1x16xf32>
        tpu.vector_store %arg6[%swap3A_734, %swap3A_735, %swap3A_736, %swap3A_737], %swap3A_740 {strides = array<i32>} : memref<2x4x128x64xf32, #tpu.memory_space<vmem>>, vector<1x1x1x16xf32>,
        %get3A_741 = arith.constant 1 : i32
        %get3A_742 = arith.constant 3 : i32
        %get3A_743 = arith.index_cast %get3A_741 : i32 to index
        %get3A_744 = arith.index_cast %get3A_742 : i32 to index
        %get3A_745 = arith.index_cast %scan3A_682 : i32 to index
        %get3A_746 = arith.constant 48 : index
        %get3A_747 = tpu.vector_load %arg6[%get3A_743, %get3A_744, %get3A_745, %get3A_746] {strides = array<i32>} : memref<2x4x128x64xf32, #tpu.memory_space<vmem>>, vector<1x1x1x16xf32>,
        %get3A_748 = vector.shape_cast %get3A_747 : vector<1x1x1x16xf32> to vector<16xf32>
        %mul3A_749 = arith.constant 8.000000e+00 : f32
        %mul3A_750 = vector.broadcast %mul3A_749 : f32 to vector<16xf32>
        %mul3A_751 = arith.mulf %get3A_748, %mul3A_750 : vector<16xf32>
        %swap3A_752 = arith.constant 1 : i32
        %swap3A_753 = arith.constant 3 : i32
        %swap3A_754 = arith.index_cast %swap3A_752 : i32 to index
        %swap3A_755 = arith.index_cast %swap3A_753 : i32 to index
        %swap3A_756 = arith.index_cast %scan3A_682 : i32 to index
        %swap3A_757 = arith.constant 48 : index
        %swap3A_758 = tpu.vector_load %arg6[%swap3A_754, %swap3A_755, %swap3A_756, %swap3A_757] {strides = array<i32>} : memref<2x4x128x64xf32, #tpu.memory_space<vmem>>, vector<1x1x1x16xf32>,
        %swap3A_759 = vector.shape_cast %swap3A_758 : vector<1x1x1x16xf32> to vector<16xf32>
        %swap3A_760 = vector.shape_cast %mul3A_751 : vector<16xf32> to vector<1x1x1x16xf32>
        tpu.vector_store %arg6[%swap3A_754, %swap3A_755, %swap3A_756, %swap3A_757], %swap3A_760 {strides = array<i32>} : memref<2x4x128x64xf32, #tpu.memory_space<vmem>>, vector<1x1x1x16xf32>,
        %scan3A_761 = arith.constant 1 : i32
        %scan3A_762 = arith.addi %scan3A_682, %scan3A_761 : i32
        %get3A_763 = arith.constant 1 : i32
        %get3A_764 = arith.constant 3 : i32
        %get3A_765 = arith.index_cast %get3A_763 : i32 to index
        %get3A_766 = arith.index_cast %get3A_764 : i32 to index
        %get3A_767 = arith.index_cast %scan3A_762 : i32 to index
        %get3A_768 = arith.constant 0 : index
        %get3A_769 = tpu.vector_load %arg6[%get3A_765, %get3A_766, %get3A_767, %get3A_768] {strides = array<i32>} : memref<2x4x128x64xf32, #tpu.memory_space<vmem>>, vector<1x1x1x16xf32>,
        %get3A_770 = vector.shape_cast %get3A_769 : vector<1x1x1x16xf32> to vector<16xf32>
        %mul3A_771 = arith.constant 8.000000e+00 : f32
        %mul3A_772 = vector.broadcast %mul3A_771 : f32 to vector<16xf32>
        %mul3A_773 = arith.mulf %get3A_770, %mul3A_772 : vector<16xf32>
        %swap3A_774 = arith.constant 1 : i32
        %swap3A_775 = arith.constant 3 : i32
        %swap3A_776 = arith.index_cast %swap3A_774 : i32 to index
        %swap3A_777 = arith.index_cast %swap3A_775 : i32 to index
        %swap3A_778 = arith.index_cast %scan3A_762 : i32 to index
        %swap3A_779 = arith.constant 0 : index
        %swap3A_780 = tpu.vector_load %arg6[%swap3A_776, %swap3A_777, %swap3A_778, %swap3A_779] {strides = array<i32>} : memref<2x4x128x64xf32, #tpu.memory_space<vmem>>, vector<1x1x1x16xf32>,
        %swap3A_781 = vector.shape_cast %swap3A_780 : vector<1x1x1x16xf32> to vector<16xf32>
        %swap3A_782 = vector.shape_cast %mul3A_773 : vector<16xf32> to vector<1x1x1x16xf32>
        tpu.vector_store %arg6[%swap3A_776, %swap3A_777, %swap3A_778, %swap3A_779], %swap3A_782 {strides = array<i32>} : memref<2x4x128x64xf32, #tpu.memory_space<vmem>>, vector<1x1x1x16xf32>,
        %get3A_783 = arith.constant 1 : i32
        %get3A_784 = arith.constant 3 : i32
        %get3A_785 = arith.index_cast %get3A_783 : i32 to index
        %get3A_786 = arith.index_cast %get3A_784 : i32 to index
        %get3A_787 = arith.index_cast %scan3A_762 : i32 to index
        %get3A_788 = arith.constant 16 : index
        %get3A_789 = tpu.vector_load %arg6[%get3A_785, %get3A_786, %get3A_787, %get3A_788] {strides = array<i32>} : memref<2x4x128x64xf32, #tpu.memory_space<vmem>>, vector<1x1x1x16xf32>,
        %get3A_790 = vector.shape_cast %get3A_789 : vector<1x1x1x16xf32> to vector<16xf32>
        %mul3A_791 = arith.constant 8.000000e+00 : f32
        %mul3A_792 = vector.broadcast %mul3A_791 : f32 to vector<16xf32>
        %mul3A_793 = arith.mulf %get3A_790, %mul3A_792 : vector<16xf32>
        %swap3A_794 = arith.constant 1 : i32
        %swap3A_795 = arith.constant 3 : i32
        %swap3A_796 = arith.index_cast %swap3A_794 : i32 to index
        %swap3A_797 = arith.index_cast %swap3A_795 : i32 to index
        %swap3A_798 = arith.index_cast %scan3A_762 : i32 to index
        %swap3A_799 = arith.constant 16 : index
        %swap3A_800 = tpu.vector_load %arg6[%swap3A_796, %swap3A_797, %swap3A_798, %swap3A_799] {strides = array<i32>} : memref<2x4x128x64xf32, #tpu.memory_space<vmem>>, vector<1x1x1x16xf32>,
        %swap3A_801 = vector.shape_cast %swap3A_800 : vector<1x1x1x16xf32> to vector<16xf32>
        %swap3A_802 = vector.shape_cast %mul3A_793 : vector<16xf32> to vector<1x1x1x16xf32>
        tpu.vector_store %arg6[%swap3A_796, %swap3A_797, %swap3A_798, %swap3A_799], %swap3A_802 {strides = array<i32>} : memref<2x4x128x64xf32, #tpu.memory_space<vmem>>, vector<1x1x1x16xf32>,
        %get3A_803 = arith.constant 1 : i32
        %get3A_804 = arith.constant 3 : i32
        %get3A_805 = arith.index_cast %get3A_803 : i32 to index
        %get3A_806 = arith.index_cast %get3A_804 : i32 to index
        %get3A_807 = arith.index_cast %scan3A_762 : i32 to index
        %get3A_808 = arith.constant 32 : index
        %get3A_809 = tpu.vector_load %arg6[%get3A_805, %get3A_806, %get3A_807, %get3A_808] {strides = array<i32>} : memref<2x4x128x64xf32, #tpu.memory_space<vmem>>, vector<1x1x1x16xf32>,
        %get3A_810 = vector.shape_cast %get3A_809 : vector<1x1x1x16xf32> to vector<16xf32>
        %mul3A_811 = arith.constant 8.000000e+00 : f32
        %mul3A_812 = vector.broadcast %mul3A_811 : f32 to vector<16xf32>
        %mul3A_813 = arith.mulf %get3A_810, %mul3A_812 : vector<16xf32>
        %swap3A_814 = arith.constant 1 : i32
        %swap3A_815 = arith.constant 3 : i32
        %swap3A_816 = arith.index_cast %swap3A_814 : i32 to index
        %swap3A_817 = arith.index_cast %swap3A_815 : i32 to index
        %swap3A_818 = arith.index_cast %scan3A_762 : i32 to index
        %swap3A_819 = arith.constant 32 : index
        %swap3A_820 = tpu.vector_load %arg6[%swap3A_816, %swap3A_817, %swap3A_818, %swap3A_819] {strides = array<i32>} : memref<2x4x128x64xf32, #tpu.memory_space<vmem>>, vector<1x1x1x16xf32>,
        %swap3A_821 = vector.shape_cast %swap3A_820 : vector<1x1x1x16xf32> to vector<16xf32>
        %swap3A_822 = vector.shape_cast %mul3A_813 : vector<16xf32> to vector<1x1x1x16xf32>
        tpu.vector_store %arg6[%swap3A_816, %swap3A_817, %swap3A_818, %swap3A_819], %swap3A_822 {strides = array<i32>} : memref<2x4x128x64xf32, #tpu.memory_space<vmem>>, vector<1x1x1x16xf32>,
        %get3A_823 = arith.constant 1 : i32
        %get3A_824 = arith.constant 3 : i32
        %get3A_825 = arith.index_cast %get3A_823 : i32 to index
        %get3A_826 = arith.index_cast %get3A_824 : i32 to index
        %get3A_827 = arith.index_cast %scan3A_762 : i32 to index
        %get3A_828 = arith.constant 48 : index
        %get3A_829 = tpu.vector_load %arg6[%get3A_825, %get3A_826, %get3A_827, %get3A_828] {strides = array<i32>} : memref<2x4x128x64xf32, #tpu.memory_space<vmem>>, vector<1x1x1x16xf32>,
        %get3A_830 = vector.shape_cast %get3A_829 : vector<1x1x1x16xf32> to vector<16xf32>
        %mul3A_831 = arith.constant 8.000000e+00 : f32
        %mul3A_832 = vector.broadcast %mul3A_831 : f32 to vector<16xf32>
        %mul3A_833 = arith.mulf %get3A_830, %mul3A_832 : vector<16xf32>
        %swap3A_834 = arith.constant 1 : i32
        %swap3A_835 = arith.constant 3 : i32
        %swap3A_836 = arith.index_cast %swap3A_834 : i32 to index
        %swap3A_837 = arith.index_cast %swap3A_835 : i32 to index
        %swap3A_838 = arith.index_cast %scan3A_762 : i32 to index
        %swap3A_839 = arith.constant 48 : index
        %swap3A_840 = tpu.vector_load %arg6[%swap3A_836, %swap3A_837, %swap3A_838, %swap3A_839] {strides = array<i32>} : memref<2x4x128x64xf32, #tpu.memory_space<vmem>>, vector<1x1x1x16xf32>,
        %swap3A_841 = vector.shape_cast %swap3A_840 : vector<1x1x1x16xf32> to vector<16xf32>
        %swap3A_842 = vector.shape_cast %mul3A_833 : vector<16xf32> to vector<1x1x1x16xf32>
        tpu.vector_store %arg6[%swap3A_836, %swap3A_837, %swap3A_838, %swap3A_839], %swap3A_842 {strides = array<i32>} : memref<2x4x128x64xf32, #tpu.memory_space<vmem>>, vector<1x1x1x16xf32>,
        %scan3A_843 = arith.constant 2 : i32
        %scan3A_844 = arith.addi %scan3A_682, %scan3A_843 : i32
        %get3A_845 = arith.constant 1 : i32
        %get3A_846 = arith.constant 3 : i32
        %get3A_847 = arith.index_cast %get3A_845 : i32 to index
        %get3A_848 = arith.index_cast %get3A_846 : i32 to index
        %get3A_849 = arith.index_cast %scan3A_844 : i32 to index
        %get3A_850 = arith.constant 0 : index
        %get3A_851 = tpu.vector_load %arg6[%get3A_847, %get3A_848, %get3A_849, %get3A_850] {strides = array<i32>} : memref<2x4x128x64xf32, #tpu.memory_space<vmem>>, vector<1x1x1x16xf32>,
        %get3A_852 = vector.shape_cast %get3A_851 : vector<1x1x1x16xf32> to vector<16xf32>
        %mul3A_853 = arith.constant 8.000000e+00 : f32
        %mul3A_854 = vector.broadcast %mul3A_853 : f32 to vector<16xf32>
        %mul3A_855 = arith.mulf %get3A_852, %mul3A_854 : vector<16xf32>
        %swap3A_856 = arith.constant 1 : i32
        %swap3A_857 = arith.constant 3 : i32
        %swap3A_858 = arith.index_cast %swap3A_856 : i32 to index
        %swap3A_859 = arith.index_cast %swap3A_857 : i32 to index
        %swap3A_860 = arith.index_cast %scan3A_844 : i32 to index
        %swap3A_861 = arith.constant 0 : index
        %swap3A_862 = tpu.vector_load %arg6[%swap3A_858, %swap3A_859, %swap3A_860, %swap3A_861] {strides = array<i32>} : memref<2x4x128x64xf32, #tpu.memory_space<vmem>>, vector<1x1x1x16xf32>,
        %swap3A_863 = vector.shape_cast %swap3A_862 : vector<1x1x1x16xf32> to vector<16xf32>
        %swap3A_864 = vector.shape_cast %mul3A_855 : vector<16xf32> to vector<1x1x1x16xf32>
        tpu.vector_store %arg6[%swap3A_858, %swap3A_859, %swap3A_860, %swap3A_861], %swap3A_864 {strides = array<i32>} : memref<2x4x128x64xf32, #tpu.memory_space<vmem>>, vector<1x1x1x16xf32>,
        %get3A_865 = arith.constant 1 : i32
        %get3A_866 = arith.constant 3 : i32
        %get3A_867 = arith.index_cast %get3A_865 : i32 to index
        %get3A_868 = arith.index_cast %get3A_866 : i32 to index
        %get3A_869 = arith.index_cast %scan3A_844 : i32 to index
        %get3A_870 = arith.constant 16 : index
        %get3A_871 = tpu.vector_load %arg6[%get3A_867, %get3A_868, %get3A_869, %get3A_870] {strides = array<i32>} : memref<2x4x128x64xf32, #tpu.memory_space<vmem>>, vector<1x1x1x16xf32>,
        %get3A_872 = vector.shape_cast %get3A_871 : vector<1x1x1x16xf32> to vector<16xf32>
        %mul3A_873 = arith.constant 8.000000e+00 : f32
        %mul3A_874 = vector.broadcast %mul3A_873 : f32 to vector<16xf32>
        %mul3A_875 = arith.mulf %get3A_872, %mul3A_874 : vector<16xf32>
        %swap3A_876 = arith.constant 1 : i32
        %swap3A_877 = arith.constant 3 : i32
        %swap3A_878 = arith.index_cast %swap3A_876 : i32 to index
        %swap3A_879 = arith.index_cast %swap3A_877 : i32 to index
        %swap3A_880 = arith.index_cast %scan3A_844 : i32 to index
        %swap3A_881 = arith.constant 16 : index
        %swap3A_882 = tpu.vector_load %arg6[%swap3A_878, %swap3A_879, %swap3A_880, %swap3A_881] {strides = array<i32>} : memref<2x4x128x64xf32, #tpu.memory_space<vmem>>, vector<1x1x1x16xf32>,
        %swap3A_883 = vector.shape_cast %swap3A_882 : vector<1x1x1x16xf32> to vector<16xf32>
        %swap3A_884 = vector.shape_cast %mul3A_875 : vector<16xf32> to vector<1x1x1x16xf32>
        tpu.vector_store %arg6[%swap3A_878, %swap3A_879, %swap3A_880, %swap3A_881], %swap3A_884 {strides = array<i32>} : memref<2x4x128x64xf32, #tpu.memory_space<vmem>>, vector<1x1x1x16xf32>,
        %get3A_885 = arith.constant 1 : i32
        %get3A_886 = arith.constant 3 : i32
        %get3A_887 = arith.index_cast %get3A_885 : i32 to index
        %get3A_888 = arith.index_cast %get3A_886 : i32 to index
        %get3A_889 = arith.index_cast %scan3A_844 : i32 to index
        %get3A_890 = arith.constant 32 : index
        %get3A_891 = tpu.vector_load %arg6[%get3A_887, %get3A_888, %get3A_889, %get3A_890] {strides = array<i32>} : memref<2x4x128x64xf32, #tpu.memory_space<vmem>>, vector<1x1x1x16xf32>,
        %get3A_892 = vector.shape_cast %get3A_891 : vector<1x1x1x16xf32> to vector<16xf32>
        %mul3A_893 = arith.constant 8.000000e+00 : f32
        %mul3A_894 = vector.broadcast %mul3A_893 : f32 to vector<16xf32>
        %mul3A_895 = arith.mulf %get3A_892, %mul3A_894 : vector<16xf32>
        %swap3A_896 = arith.constant 1 : i32
        %swap3A_897 = arith.constant 3 : i32
        %swap3A_898 = arith.index_cast %swap3A_896 : i32 to index
        %swap3A_899 = arith.index_cast %swap3A_897 : i32 to index
        %swap3A_900 = arith.index_cast %scan3A_844 : i32 to index
        %swap3A_901 = arith.constant 32 : index
        %swap3A_902 = tpu.vector_load %arg6[%swap3A_898, %swap3A_899, %swap3A_900, %swap3A_901] {strides = array<i32>} : memref<2x4x128x64xf32, #tpu.memory_space<vmem>>, vector<1x1x1x16xf32>,
        %swap3A_903 = vector.shape_cast %swap3A_902 : vector<1x1x1x16xf32> to vector<16xf32>
        %swap3A_904 = vector.shape_cast %mul3A_895 : vector<16xf32> to vector<1x1x1x16xf32>
        tpu.vector_store %arg6[%swap3A_898, %swap3A_899, %swap3A_900, %swap3A_901], %swap3A_904 {strides = array<i32>} : memref<2x4x128x64xf32, #tpu.memory_space<vmem>>, vector<1x1x1x16xf32>,
        %get3A_905 = arith.constant 1 : i32
        %get3A_906 = arith.constant 3 : i32
        %get3A_907 = arith.index_cast %get3A_905 : i32 to index
        %get3A_908 = arith.index_cast %get3A_906 : i32 to index
        %get3A_909 = arith.index_cast %scan3A_844 : i32 to index
        %get3A_910 = arith.constant 48 : index
        %get3A_911 = tpu.vector_load %arg6[%get3A_907, %get3A_908, %get3A_909, %get3A_910] {strides = array<i32>} : memref<2x4x128x64xf32, #tpu.memory_space<vmem>>, vector<1x1x1x16xf32>,
        %get3A_912 = vector.shape_cast %get3A_911 : vector<1x1x1x16xf32> to vector<16xf32>
        %mul3A_913 = arith.constant 8.000000e+00 : f32
        %mul3A_914 = vector.broadcast %mul3A_913 : f32 to vector<16xf32>
        %mul3A_915 = arith.mulf %get3A_912, %mul3A_914 : vector<16xf32>
        %swap3A_916 = arith.constant 1 : i32
        %swap3A_917 = arith.constant 3 : i32
        %swap3A_918 = arith.index_cast %swap3A_916 : i32 to index
        %swap3A_919 = arith.index_cast %swap3A_917 : i32 to index
        %swap3A_920 = arith.index_cast %scan3A_844 : i32 to index
        %swap3A_921 = arith.constant 48 : index
        %swap3A_922 = tpu.vector_load %arg6[%swap3A_918, %swap3A_919, %swap3A_920, %swap3A_921] {strides = array<i32>} : memref<2x4x128x64xf32, #tpu.memory_space<vmem>>, vector<1x1x1x16xf32>,
        %swap3A_923 = vector.shape_cast %swap3A_922 : vector<1x1x1x16xf32> to vector<16xf32>
        %swap3A_924 = vector.shape_cast %mul3A_915 : vector<16xf32> to vector<1x1x1x16xf32>
        tpu.vector_store %arg6[%swap3A_918, %swap3A_919, %swap3A_920, %swap3A_921], %swap3A_924 {strides = array<i32>} : memref<2x4x128x64xf32, #tpu.memory_space<vmem>>, vector<1x1x1x16xf32>,
        %scan3A_925 = arith.constant 3 : i32
        %scan3A_926 = arith.addi %scan3A_682, %scan3A_925 : i32
        %get3A_927 = arith.constant 1 : i32
        %get3A_928 = arith.constant 3 : i32
        %get3A_929 = arith.index_cast %get3A_927 : i32 to index
        %get3A_930 = arith.index_cast %get3A_928 : i32 to index
        %get3A_931 = arith.index_cast %scan3A_926 : i32 to index
        %get3A_932 = arith.constant 0 : index
        %get3A_933 = tpu.vector_load %arg6[%get3A_929, %get3A_930, %get3A_931, %get3A_932] {strides = array<i32>} : memref<2x4x128x64xf32, #tpu.memory_space<vmem>>, vector<1x1x1x16xf32>,
        %get3A_934 = vector.shape_cast %get3A_933 : vector<1x1x1x16xf32> to vector<16xf32>
        %mul3A_935 = arith.constant 8.000000e+00 : f32
        %mul3A_936 = vector.broadcast %mul3A_935 : f32 to vector<16xf32>
        %mul3A_937 = arith.mulf %get3A_934, %mul3A_936 : vector<16xf32>
        %swap3A_938 = arith.constant 1 : i32
        %swap3A_939 = arith.constant 3 : i32
        %swap3A_940 = arith.index_cast %swap3A_938 : i32 to index
        %swap3A_941 = arith.index_cast %swap3A_939 : i32 to index
        %swap3A_942 = arith.index_cast %scan3A_926 : i32 to index
        %swap3A_943 = arith.constant 0 : index
        %swap3A_944 = tpu.vector_load %arg6[%swap3A_940, %swap3A_941, %swap3A_942, %swap3A_943] {strides = array<i32>} : memref<2x4x128x64xf32, #tpu.memory_space<vmem>>, vector<1x1x1x16xf32>,
        %swap3A_945 = vector.shape_cast %swap3A_944 : vector<1x1x1x16xf32> to vector<16xf32>
        %swap3A_946 = vector.shape_cast %mul3A_937 : vector<16xf32> to vector<1x1x1x16xf32>
        tpu.vector_store %arg6[%swap3A_940, %swap3A_941, %swap3A_942, %swap3A_943], %swap3A_946 {strides = array<i32>} : memref<2x4x128x64xf32, #tpu.memory_space<vmem>>, vector<1x1x1x16xf32>,
        %get3A_947 = arith.constant 1 : i32
        %get3A_948 = arith.constant 3 : i32
        %get3A_949 = arith.index_cast %get3A_947 : i32 to index
        %get3A_950 = arith.index_cast %get3A_948 : i32 to index
        %get3A_951 = arith.index_cast %scan3A_926 : i32 to index
        %get3A_952 = arith.constant 16 : index
        %get3A_953 = tpu.vector_load %arg6[%get3A_949, %get3A_950, %get3A_951, %get3A_952] {strides = array<i32>} : memref<2x4x128x64xf32, #tpu.memory_space<vmem>>, vector<1x1x1x16xf32>,
        %get3A_954 = vector.shape_cast %get3A_953 : vector<1x1x1x16xf32> to vector<16xf32>
        %mul3A_955 = arith.constant 8.000000e+00 : f32
        %mul3A_956 = vector.broadcast %mul3A_955 : f32 to vector<16xf32>
        %mul3A_957 = arith.mulf %get3A_954, %mul3A_956 : vector<16xf32>
        %swap3A_958 = arith.constant 1 : i32
        %swap3A_959 = arith.constant 3 : i32
        %swap3A_960 = arith.index_cast %swap3A_958 : i32 to index
        %swap3A_961 = arith.index_cast %swap3A_959 : i32 to index
        %swap3A_962 = arith.index_cast %scan3A_926 : i32 to index
        %swap3A_963 = arith.constant 16 : index
        %swap3A_964 = tpu.vector_load %arg6[%swap3A_960, %swap3A_961, %swap3A_962, %swap3A_963] {strides = array<i32>} : memref<2x4x128x64xf32, #tpu.memory_space<vmem>>, vector<1x1x1x16xf32>,
        %swap3A_965 = vector.shape_cast %swap3A_964 : vector<1x1x1x16xf32> to vector<16xf32>
        %swap3A_966 = vector.shape_cast %mul3A_957 : vector<16xf32> to vector<1x1x1x16xf32>
        tpu.vector_store %arg6[%swap3A_960, %swap3A_961, %swap3A_962, %swap3A_963], %swap3A_966 {strides = array<i32>} : memref<2x4x128x64xf32, #tpu.memory_space<vmem>>, vector<1x1x1x16xf32>,
        %get3A_967 = arith.constant 1 : i32
        %get3A_968 = arith.constant 3 : i32
        %get3A_969 = arith.index_cast %get3A_967 : i32 to index
        %get3A_970 = arith.index_cast %get3A_968 : i32 to index
        %get3A_971 = arith.index_cast %scan3A_926 : i32 to index
        %get3A_972 = arith.constant 32 : index
        %get3A_973 = tpu.vector_load %arg6[%get3A_969, %get3A_970, %get3A_971, %get3A_972] {strides = array<i32>} : memref<2x4x128x64xf32, #tpu.memory_space<vmem>>, vector<1x1x1x16xf32>,
        %get3A_974 = vector.shape_cast %get3A_973 : vector<1x1x1x16xf32> to vector<16xf32>
        %mul3A_975 = arith.constant 8.000000e+00 : f32
        %mul3A_976 = vector.broadcast %mul3A_975 : f32 to vector<16xf32>
        %mul3A_977 = arith.mulf %get3A_974, %mul3A_976 : vector<16xf32>
        %swap3A_978 = arith.constant 1 : i32
        %swap3A_979 = arith.constant 3 : i32
        %swap3A_980 = arith.index_cast %swap3A_978 : i32 to index
        %swap3A_981 = arith.index_cast %swap3A_979 : i32 to index
        %swap3A_982 = arith.index_cast %scan3A_926 : i32 to index
        %swap3A_983 = arith.constant 32 : index
        %swap3A_984 = tpu.vector_load %arg6[%swap3A_980, %swap3A_981, %swap3A_982, %swap3A_983] {strides = array<i32>} : memref<2x4x128x64xf32, #tpu.memory_space<vmem>>, vector<1x1x1x16xf32>,
        %swap3A_985 = vector.shape_cast %swap3A_984 : vector<1x1x1x16xf32> to vector<16xf32>
        %swap3A_986 = vector.shape_cast %mul3A_977 : vector<16xf32> to vector<1x1x1x16xf32>
        tpu.vector_store %arg6[%swap3A_980, %swap3A_981, %swap3A_982, %swap3A_983], %swap3A_986 {strides = array<i32>} : memref<2x4x128x64xf32, #tpu.memory_space<vmem>>, vector<1x1x1x16xf32>,
        %get3A_987 = arith.constant 1 : i32
        %get3A_988 = arith.constant 3 : i32
        %get3A_989 = arith.index_cast %get3A_987 : i32 to index
        %get3A_990 = arith.index_cast %get3A_988 : i32 to index
        %get3A_991 = arith.index_cast %scan3A_926 : i32 to index
        %get3A_992 = arith.constant 48 : index
        %get3A_993 = tpu.vector_load %arg6[%get3A_989, %get3A_990, %get3A_991, %get3A_992] {strides = array<i32>} : memref<2x4x128x64xf32, #tpu.memory_space<vmem>>, vector<1x1x1x16xf32>,
        %get3A_994 = vector.shape_cast %get3A_993 : vector<1x1x1x16xf32> to vector<16xf32>
        %mul3A_995 = arith.constant 8.000000e+00 : f32
        %mul3A_996 = vector.broadcast %mul3A_995 : f32 to vector<16xf32>
        %mul3A_997 = arith.mulf %get3A_994, %mul3A_996 : vector<16xf32>
        %swap3A_998 = arith.constant 1 : i32
        %swap3A_999 = arith.constant 3 : i32
        %swap3A_1000 = arith.index_cast %swap3A_998 : i32 to index
        %swap3A_1001 = arith.index_cast %swap3A_999 : i32 to index
        %swap3A_1002 = arith.index_cast %scan3A_926 : i32 to index
        %swap3A_1003 = arith.constant 48 : index
        %swap3A_1004 = tpu.vector_load %arg6[%swap3A_1000, %swap3A_1001, %swap3A_1002, %swap3A_1003] {strides = array<i32>} : memref<2x4x128x64xf32, #tpu.memory_space<vmem>>, vector<1x1x1x16xf32>,
        %swap3A_1005 = vector.shape_cast %swap3A_1004 : vector<1x1x1x16xf32> to vector<16xf32>
        %swap3A_1006 = vector.shape_cast %mul3A_997 : vector<16xf32> to vector<1x1x1x16xf32>
        tpu.vector_store %arg6[%swap3A_1000, %swap3A_1001, %swap3A_1002, %swap3A_1003], %swap3A_1006 {strides = array<i32>} : memref<2x4x128x64xf32, #tpu.memory_space<vmem>>, vector<1x1x1x16xf32>,
      }
      %scan3A_658 = arith.constant 72 : i32
      %mul3A_659 = arith.constant 2 : i32
      %mul3A_660 = arith.muli %add3A_398, %mul3A_659 : i32
      %add3A_661 = arith.constant 1 : i32
      %add3A_662 = arith.addi %mul3A_660, %add3A_661 : i32
      %add3A_663 = arith.addi %mul3A_2, %add3A_662 : i32
      %dma_start3A_664 = arith.constant 1 : i32
      %dma_start3A_665 = arith.constant 3 : i32
      %dma_start3A_666 = arith.constant 0 : i32
      %dma_start3A_667 = arith.constant 0 : i32
      %dma_start3A_668 = tpu.memref_slice %arg6[%dma_start3A_664, %dma_start3A_665, %dma_start3A_666, %dma_start3A_667] : memref<2x4x128x64xf32, #tpu.memory_space<vmem>> -> memref<1x1x72x64xf32, #tpu.memory_space<vmem>>
      %dma_start3A_669 = tpu.memref_squeeze %dma_start3A_668 : memref<1x1x72x64xf32, #tpu.memory_space<vmem>> -> memref<72x64xf32, #tpu.memory_space<vmem>>
      %dma_start3A_670 = arith.constant 128 : i32
      %dma_start3A_671 = arith.constant 0 : i32
      %dma_start3A_672 = tpu.memref_slice %arg4[%add3A_663, %dma_start3A_670, %dma_start3A_671] : memref<4096x200x64xf32, #tpu.memory_space<hbm>> -> memref<1x72x64xf32, #tpu.memory_space<hbm>>
      %dma_start3A_673 = tpu.memref_squeeze %dma_start3A_672 : memref<1x72x64xf32, #tpu.memory_space<hbm>> -> memref<72x64xf32, #tpu.memory_space<hbm>>
      %dma_start3A_674 = arith.constant 128 : i32
      %dma_start3A_675 = arith.constant 0 : i32
      %dma_start3A_676 = tpu.memref_slice %arg4[%add3A_663, %dma_start3A_674, %dma_start3A_675] : memref<4096x200x64xf32, #tpu.memory_space<hbm>> -> memref<1x72x64xf32, #tpu.memory_space<hbm>>
      %dma_start3A_677 = tpu.memref_squeeze %dma_start3A_676 : memref<1x72x64xf32, #tpu.memory_space<hbm>> -> memref<72x64xf32, #tpu.memory_space<hbm>>
      %dma_start3A_678 = arith.constant 0 : i32
      %dma_start3A_679 = arith.constant 0 : i32
      %dma_start3A_680 = tpu.memref_slice %arg6[%dma_start3A_664, %dma_start3A_665, %dma_start3A_678, %dma_start3A_679] : memref<2x4x128x64xf32, #tpu.memory_space<vmem>> -> memref<1x1x72x64xf32, #tpu.memory_space<vmem>>
      %dma_start3A_681 = tpu.memref_squeeze %dma_start3A_680 : memref<1x1x72x64xf32, #tpu.memory_space<vmem>> -> memref<72x64xf32, #tpu.memory_space<vmem>>
      tpu.enqueue_dma source(%dma_start3A_681 : memref<72x64xf32, #tpu.memory_space<vmem>>) target(%dma_start3A_677 : memref<72x64xf32, #tpu.memory_space<hbm>>) target_semaphore(%arg10 : memref<!tpu.dma_semaphore, #tpu.memory_space<semaphore_mem>>)
    }
    %scan3A_58 = arith.constant 32 : i32
    %add3A_59 = arith.constant 126 : i32
    %add3A_60 = arith.addi %mul3A_2, %add3A_59 : i32
    %dma_wait3A = arith.constant 1 : i32
    %dma_wait3A_61 = arith.constant 0 : i32
    %dma_wait3A_62 = arith.constant 0 : i32
    %dma_wait3A_63 = arith.constant 0 : i32
    %dma_wait3A_64 = tpu.memref_slice %arg6[%dma_wait3A, %dma_wait3A_61, %dma_wait3A_62, %dma_wait3A_63] : memref<2x4x128x64xf32, #tpu.memory_space<vmem>> -> memref<1x1x128x64xf32, #tpu.memory_space<vmem>>
    %dma_wait3A_65 = tpu.memref_squeeze %dma_wait3A_64 : memref<1x1x128x64xf32, #tpu.memory_space<vmem>> -> memref<128x64xf32, #tpu.memory_space<vmem>>
    %dma_wait3A_66 = arith.constant 0 : i32
    %dma_wait3A_67 = arith.constant 0 : i32
    %dma_wait3A_68 = tpu.memref_slice %arg4[%add3A_60, %dma_wait3A_66, %dma_wait3A_67] : memref<4096x200x64xf32, #tpu.memory_space<hbm>> -> memref<1x128x64xf32, #tpu.memory_space<hbm>>
    %dma_wait3A_69 = tpu.memref_squeeze %dma_wait3A_68 : memref<1x128x64xf32, #tpu.memory_space<hbm>> -> memref<128x64xf32, #tpu.memory_space<hbm>>
    %dma_wait3A_70 = arith.constant 0 : i32
    %dma_wait3A_71 = arith.constant 0 : i32
    %dma_wait3A_72 = tpu.memref_slice %arg4[%add3A_60, %dma_wait3A_70, %dma_wait3A_71] : memref<4096x200x64xf32, #tpu.memory_space<hbm>> -> memref<1x128x64xf32, #tpu.memory_space<hbm>>
    %dma_wait3A_73 = tpu.memref_squeeze %dma_wait3A_72 : memref<1x128x64xf32, #tpu.memory_space<hbm>> -> memref<128x64xf32, #tpu.memory_space<hbm>>
    %dma_wait3A_74 = arith.constant 0 : i32
    %dma_wait3A_75 = arith.constant 0 : i32
    %dma_wait3A_76 = tpu.memref_slice %arg6[%dma_wait3A, %dma_wait3A_61, %dma_wait3A_74, %dma_wait3A_75] : memref<2x4x128x64xf32, #tpu.memory_space<vmem>> -> memref<1x1x128x64xf32, #tpu.memory_space<vmem>>
    %dma_wait3A_77 = tpu.memref_squeeze %dma_wait3A_76 : memref<1x1x128x64xf32, #tpu.memory_space<vmem>> -> memref<128x64xf32, #tpu.memory_space<vmem>>
    tpu.wait_dma2 semaphore(%arg10 : memref<!tpu.dma_semaphore, #tpu.memory_space<semaphore_mem>>) src(%dma_wait3A_77 : memref<128x64xf32, #tpu.memory_space<vmem>>) dst(%dma_wait3A_73 : memref<128x64xf32, #tpu.memory_space<hbm>>)
    %add3A_78 = arith.constant 126 : i32
    %add3A_79 = arith.addi %mul3A_2, %add3A_78 : i32
    %dma_wait3A_80 = arith.constant 1 : i32
    %dma_wait3A_81 = arith.constant 1 : i32
    %dma_wait3A_82 = arith.constant 0 : i32
    %dma_wait3A_83 = arith.constant 0 : i32
    %dma_wait3A_84 = tpu.memref_slice %arg6[%dma_wait3A_80, %dma_wait3A_81, %dma_wait3A_82, %dma_wait3A_83] : memref<2x4x128x64xf32, #tpu.memory_space<vmem>> -> memref<1x1x72x64xf32, #tpu.memory_space<vmem>>
    %dma_wait3A_85 = tpu.memref_squeeze %dma_wait3A_84 : memref<1x1x72x64xf32, #tpu.memory_space<vmem>> -> memref<72x64xf32, #tpu.memory_space<vmem>>
    %dma_wait3A_86 = arith.constant 128 : i32
    %dma_wait3A_87 = arith.constant 0 : i32
    %dma_wait3A_88 = tpu.memref_slice %arg4[%add3A_79, %dma_wait3A_86, %dma_wait3A_87] : memref<4096x200x64xf32, #tpu.memory_space<hbm>> -> memref<1x72x64xf32, #tpu.memory_space<hbm>>
    %dma_wait3A_89 = tpu.memref_squeeze %dma_wait3A_88 : memref<1x72x64xf32, #tpu.memory_space<hbm>> -> memref<72x64xf32, #tpu.memory_space<hbm>>
    %dma_wait3A_90 = arith.constant 128 : i32
    %dma_wait3A_91 = arith.constant 0 : i32
    %dma_wait3A_92 = tpu.memref_slice %arg4[%add3A_79, %dma_wait3A_90, %dma_wait3A_91] : memref<4096x200x64xf32, #tpu.memory_space<hbm>> -> memref<1x72x64xf32, #tpu.memory_space<hbm>>
    %dma_wait3A_93 = tpu.memref_squeeze %dma_wait3A_92 : memref<1x72x64xf32, #tpu.memory_space<hbm>> -> memref<72x64xf32, #tpu.memory_space<hbm>>
    %dma_wait3A_94 = arith.constant 0 : i32
    %dma_wait3A_95 = arith.constant 0 : i32
    %dma_wait3A_96 = tpu.memref_slice %arg6[%dma_wait3A_80, %dma_wait3A_81, %dma_wait3A_94, %dma_wait3A_95] : memref<2x4x128x64xf32, #tpu.memory_space<vmem>> -> memref<1x1x72x64xf32, #tpu.memory_space<vmem>>
    %dma_wait3A_97 = tpu.memref_squeeze %dma_wait3A_96 : memref<1x1x72x64xf32, #tpu.memory_space<vmem>> -> memref<72x64xf32, #tpu.memory_space<vmem>>
    tpu.wait_dma2 semaphore(%arg10 : memref<!tpu.dma_semaphore, #tpu.memory_space<semaphore_mem>>) src(%dma_wait3A_97 : memref<72x64xf32, #tpu.memory_space<vmem>>) dst(%dma_wait3A_93 : memref<72x64xf32, #tpu.memory_space<hbm>>)
    %add3A_98 = arith.constant 127 : i32
    %add3A_99 = arith.addi %mul3A_2, %add3A_98 : i32
    %dma_wait3A_100 = arith.constant 1 : i32
    %dma_wait3A_101 = arith.constant 2 : i32
    %dma_wait3A_102 = arith.constant 0 : i32
    %dma_wait3A_103 = arith.constant 0 : i32
    %dma_wait3A_104 = tpu.memref_slice %arg6[%dma_wait3A_100, %dma_wait3A_101, %dma_wait3A_102, %dma_wait3A_103] : memref<2x4x128x64xf32, #tpu.memory_space<vmem>> -> memref<1x1x128x64xf32, #tpu.memory_space<vmem>>
    %dma_wait3A_105 = tpu.memref_squeeze %dma_wait3A_104 : memref<1x1x128x64xf32, #tpu.memory_space<vmem>> -> memref<128x64xf32, #tpu.memory_space<vmem>>
    %dma_wait3A_106 = arith.constant 0 : i32
    %dma_wait3A_107 = arith.constant 0 : i32
    %dma_wait3A_108 = tpu.memref_slice %arg4[%add3A_99, %dma_wait3A_106, %dma_wait3A_107] : memref<4096x200x64xf32, #tpu.memory_space<hbm>> -> memref<1x128x64xf32, #tpu.memory_space<hbm>>
    %dma_wait3A_109 = tpu.memref_squeeze %dma_wait3A_108 : memref<1x128x64xf32, #tpu.memory_space<hbm>> -> memref<128x64xf32, #tpu.memory_space<hbm>>
    %dma_wait3A_110 = arith.constant 0 : i32
    %dma_wait3A_111 = arith.constant 0 : i32
    %dma_wait3A_112 = tpu.memref_slice %arg4[%add3A_99, %dma_wait3A_110, %dma_wait3A_111] : memref<4096x200x64xf32, #tpu.memory_space<hbm>> -> memref<1x128x64xf32, #tpu.memory_space<hbm>>
    %dma_wait3A_113 = tpu.memref_squeeze %dma_wait3A_112 : memref<1x128x64xf32, #tpu.memory_space<hbm>> -> memref<128x64xf32, #tpu.memory_space<hbm>>
    %dma_wait3A_114 = arith.constant 0 : i32
    %dma_wait3A_115 = arith.constant 0 : i32
    %dma_wait3A_116 = tpu.memref_slice %arg6[%dma_wait3A_100, %dma_wait3A_101, %dma_wait3A_114, %dma_wait3A_115] : memref<2x4x128x64xf32, #tpu.memory_space<vmem>> -> memref<1x1x128x64xf32, #tpu.memory_space<vmem>>
    %dma_wait3A_117 = tpu.memref_squeeze %dma_wait3A_116 : memref<1x1x128x64xf32, #tpu.memory_space<vmem>> -> memref<128x64xf32, #tpu.memory_space<vmem>>
    tpu.wait_dma2 semaphore(%arg10 : memref<!tpu.dma_semaphore, #tpu.memory_space<semaphore_mem>>) src(%dma_wait3A_117 : memref<128x64xf32, #tpu.memory_space<vmem>>) dst(%dma_wait3A_113 : memref<128x64xf32, #tpu.memory_space<hbm>>)
    %add3A_118 = arith.constant 127 : i32
    %add3A_119 = arith.addi %mul3A_2, %add3A_118 : i32
    %dma_wait3A_120 = arith.constant 1 : i32
    %dma_wait3A_121 = arith.constant 3 : i32
    %dma_wait3A_122 = arith.constant 0 : i32
    %dma_wait3A_123 = arith.constant 0 : i32
    %dma_wait3A_124 = tpu.memref_slice %arg6[%dma_wait3A_120, %dma_wait3A_121, %dma_wait3A_122, %dma_wait3A_123] : memref<2x4x128x64xf32, #tpu.memory_space<vmem>> -> memref<1x1x72x64xf32, #tpu.memory_space<vmem>>
    %dma_wait3A_125 = tpu.memref_squeeze %dma_wait3A_124 : memref<1x1x72x64xf32, #tpu.memory_space<vmem>> -> memref<72x64xf32, #tpu.memory_space<vmem>>
    %dma_wait3A_126 = arith.constant 128 : i32
    %dma_wait3A_127 = arith.constant 0 : i32
    %dma_wait3A_128 = tpu.memref_slice %arg4[%add3A_119, %dma_wait3A_126, %dma_wait3A_127] : memref<4096x200x64xf32, #tpu.memory_space<hbm>> -> memref<1x72x64xf32, #tpu.memory_space<hbm>>
    %dma_wait3A_129 = tpu.memref_squeeze %dma_wait3A_128 : memref<1x72x64xf32, #tpu.memory_space<hbm>> -> memref<72x64xf32, #tpu.memory_space<hbm>>
    %dma_wait3A_130 = arith.constant 128 : i32
    %dma_wait3A_131 = arith.constant 0 : i32
    %dma_wait3A_132 = tpu.memref_slice %arg4[%add3A_119, %dma_wait3A_130, %dma_wait3A_131] : memref<4096x200x64xf32, #tpu.memory_space<hbm>> -> memref<1x72x64xf32, #tpu.memory_space<hbm>>
    %dma_wait3A_133 = tpu.memref_squeeze %dma_wait3A_132 : memref<1x72x64xf32, #tpu.memory_space<hbm>> -> memref<72x64xf32, #tpu.memory_space<hbm>>
    %dma_wait3A_134 = arith.constant 0 : i32
    %dma_wait3A_135 = arith.constant 0 : i32
    %dma_wait3A_136 = tpu.memref_slice %arg6[%dma_wait3A_120, %dma_wait3A_121, %dma_wait3A_134, %dma_wait3A_135] : memref<2x4x128x64xf32, #tpu.memory_space<vmem>> -> memref<1x1x72x64xf32, #tpu.memory_space<vmem>>
    %dma_wait3A_137 = tpu.memref_squeeze %dma_wait3A_136 : memref<1x1x72x64xf32, #tpu.memory_space<vmem>> -> memref<72x64xf32, #tpu.memory_space<vmem>>
    tpu.wait_dma2 semaphore(%arg10 : memref<!tpu.dma_semaphore, #tpu.memory_space<semaphore_mem>>) src(%dma_wait3A_137 : memref<72x64xf32, #tpu.memory_space<vmem>>) dst(%dma_wait3A_133 : memref<72x64xf32, #tpu.memory_space<hbm>>)
    return
  }
}

</mosaic_0001>

<sc_bundles>
// kernel: kernel.3.cloned.1.call-start
scs
__scs_entry_jumppad:
0x0: {  	(pc) =	sbr.rel $0x88, $3  }
0x1: {  	(tag) =	ssettag $0x0;
	lr =	simm.s32 $0x1  }
0x2: {  	[smem:$0x3F9F] =	sst lr;
	_ =	strace $0xD0000000  }
0x3: {  	_ = 	snop  }
0x4: {  	_ = 	snop  }
0x5: {  	_ = 	snop  }
0x6: {  	_ = 	snop  }
0x7: {  	_ = 	snop  }
__scs_overlays_trampoline_lowered:
0x8: {  	[smem:$0x3FAE] =	sst s0  }
0x9: {  	[smem:$0x3FAF] =	sst s1  }
0xa: {  	[smem:$0x3FB0] =	sst s2  }
0xb: {  	[smem:$0x3FB1] =	sst s3  }
0xc: {  	[smem:$0x3FB2] =	sst s4  }
0xd: {  	[smem:$0x3FB3] =	sst s5  }
0xe: {  	[smem:$0x3FB4] =	sst s6  }
0xf: {  	[smem:$0x3FB5] =	sst s7  }
0x10: {  	[smem:$0x3FB6] =	sst s8  }
0x11: {  	[smem:$0x3FB7] =	sst s9;
	s0 =	simm.s32 @!p0 $0x0  }
0x12: {  	s1 =	sld [smem:$0x3F9D];
	s0 =	simm.s32 @p0 $0x1  }
0x13: {  	[smem:$0x3FB8] =	sst s0;
	s0 =	simm.s32 @!p1 $0x0  }
0x14: {  	s2 =	sld [smem:$0x3F9C];
	s0 =	simm.s32 @p1 $0x1  }
0x15: {  	[smem:$0x3FB9] =	sst s0;
	s0 =	simm.s32 @!p2 $0x0  }
0x16: {  	s3 =	sld [smem:$0x3FDB];
	s0 =	simm.s32 @p2 $0x1  }
0x17: {  	s4 =	simm.s32 $0x1BF5;
	[smem:$0x3FBB] =	sst s0  }
0x18: {  	s0 =	sld [smem:$0x3F9E];
	_ =	swait.ge [sflag:s4], $0x0  }
0x19: {  	s7 =	sld [smem:$0x3F9F]  }
0x1a: {  	s8 =	sadd.s32 $0xFFFFE003, lr  }
0x1b: {  	s9 =	sadd.s32 $0xFFFFFEF7, lr;
	s5 =	simm.s32 $0xFFFFFFFF;
	p2 =	slt.u32 s8, $0xFFFFF086  }
0x1c: {  	p1 =	slt.u32 s9, $0xF7A;
	s5 =	simm.s32 @!p2 $0x0  }
0x1d: {  	s5 =	simm.s32 @p1 $0x1;
	p0 =	seq.s32 s7, s2  }
0x1e: {  	s7 =	smul.u32 @!p0 $0xF7A, s2;
	p2 =	seq.s32 @!p0 s5, $0x0  }
0x1f: {  	s9 =	smul.u32 $0xF7A, s1;
	s8 =	simm.s32 @!p0 $0x1BF5;
	p2 =	por !p2, p0  }
0x20: {  	[sflag:s8] =	ssyncset.s32 @!p0 $0xFFFFF086;
	s6 =	sadd.s32 @!p0 s3, s7;
	s7 =	simm.s32 @!p0 $0x108  }
0x21: {  	s3 =	sadd.s32 s3, s9;
	s6 =	sadd.s32 @!p0 $0x88, s6;
	s7 =	simm.s32 @p2 $0x1082  }
0x22: {  	[simem:s7], [sflag:s8] =	dma.local @!p0 [hbm:s6], $0xF7A  }
0x23: {  	s9 =	sor.u32 $0xD0000000, s2;
	s6 =	simm.s32 $0x108;
	_ =	swait.ge @!p0 [sflag:s8], $0x0  }
0x24: {  	s3 =	sadd.s32 $0x88, s3;
	s6 =	simm.s32 @!p1 $0x1082;
	[sflag:s4] =	ssyncset.s32 $0xFFFFF086  }
0x25: {  	[simem:s6], [sflag:s4] =	dma.local [hbm:s3], $0xF7A  }
0x26: {  	[smem:$0x3F9F] =	sst s1;
	(tag) =	ssettag s2;
	_ =	strace s9  }
0x27: {  	s1 =	sld [smem:$0x3FAF]  }
0x28: {  	s2 =	sld [smem:$0x3FB0]  }
0x29: {  	s4 =	sld [smem:$0x3FB2]  }
0x2a: {  	p0 =	seq.s32 s5, $0x0;
	s5 =	sld [smem:$0x3FB3]  }
0x2b: {  	s6 =	sld [smem:$0x3FB4]  }
0x2c: {  	s7 =	sld [smem:$0x3FB5]  }
0x2d: {  	s3 =	simm.s32 $0x108;
	s8 =	sld [smem:$0x3FB6]  }
0x2e: {  	s3 =	simm.s32 @!p0 $0x1082;
	s9 =	sld [smem:$0x3FB7]  }
0x2f: {  	lr =	sadd.s32 s0, s3;
	s0 =	sld [smem:$0x3FAE]  }
0x30: {  	s3 =	sld [smem:$0x3FB1]  }
0x31: {  	[smem:$0x3FBA] =	sst s10  }
0x32: {  	s10 =	sld [smem:$0x3FB8];
	_ =	sdelay $0x3  }
0x33: {  	p0 =	seq.s32 s10, $0x1;
	s10 =	sld [smem:$0x3FBA];
	_ =	sdelay $0x3  }
0x34: {  	[smem:$0x3FBA] =	sst s10  }
0x35: {  	s10 =	sld [smem:$0x3FB9];
	_ =	sdelay $0x3  }
0x36: {  	p1 =	seq.s32 s10, $0x1;
	s10 =	sld [smem:$0x3FBA];
	_ =	sdelay $0x3  }
0x37: {  	[smem:$0x3FBA] =	sst s10  }
0x38: {  	s10 =	sld [smem:$0x3FBB]  }
0x39: {  	_ = 	snop;
	(pc) =	sbr.ind lr, $3  }
0x3a: {  	_ = 	snop  }
0x3b: {  	_ = 	snop  }
0x3c: {  	p2 =	seq.s32 s10, $0x1;
	s10 =	sld [smem:$0x3FBA]  }
0x3d: {  	_ =	shalt  }
0x3e: {  	_ =	shalt  }
0x3f: {  	_ =	shalt  }
0x40: {  	_ =	shalt  }
0x41: {  	_ =	shalt  }
0x42: {  	_ =	shalt  }
0x43: {  	_ =	shalt  }
0x44: {  	_ =	shalt  }
0x45: {  	_ =	shalt  }
0x46: {  	_ =	shalt  }
0x47: {  	_ =	shalt  }
0x48: {  	_ =	shalt  }
0x49: {  	_ =	shalt  }
0x4a: {  	_ =	shalt  }
0x4b: {  	_ =	shalt  }
0x4c: {  	_ =	shalt  }
0x4d: {  	_ =	shalt  }
0x4e: {  	_ =	shalt  }
0x4f: {  	_ =	shalt  }
0x50: {  	_ =	shalt  }
0x51: {  	_ =	shalt  }
0x52: {  	_ =	shalt  }
0x53: {  	_ =	shalt  }
0x54: {  	_ =	shalt  }
0x55: {  	_ =	shalt  }
0x56: {  	_ =	shalt  }
0x57: {  	_ =	shalt  }
0x58: {  	_ =	shalt  }
0x59: {  	_ =	shalt  }
0x5a: {  	_ =	shalt  }
0x5b: {  	_ =	shalt  }
0x5c: {  	_ =	shalt  }
0x5d: {  	_ =	shalt  }
0x5e: {  	_ =	shalt  }
0x5f: {  	_ =	shalt  }
0x60: {  	_ =	shalt  }
0x61: {  	_ =	shalt  }
0x62: {  	_ =	shalt  }
0x63: {  	_ =	shalt  }
0x64: {  	_ =	shalt  }
0x65: {  	_ =	shalt  }
0x66: {  	_ =	shalt  }
0x67: {  	_ =	shalt  }
0x68: {  	_ =	shalt  }
0x69: {  	_ =	shalt  }
0x6a: {  	_ =	shalt  }
0x6b: {  	_ =	shalt  }
0x6c: {  	_ =	shalt  }
0x6d: {  	_ =	shalt  }
0x6e: {  	_ =	shalt  }
0x6f: {  	_ =	shalt  }
0x70: {  	_ =	shalt  }
0x71: {  	_ =	shalt  }
0x72: {  	_ =	shalt  }
0x73: {  	_ =	shalt  }
0x74: {  	_ =	shalt  }
0x75: {  	_ =	shalt  }
0x76: {  	_ =	shalt  }
0x77: {  	_ =	shalt  }
0x78: {  	_ =	shalt  }
0x79: {  	_ =	shalt  }
0x7a: {  	_ =	shalt  }
0x7b: {  	_ =	shalt  }
0x7c: {  	_ =	shalt  }
0x7d: {  	_ =	shalt  }
0x7e: {  	_ =	shalt  }
0x7f: {  	_ =	shalt  }
0x80: {  	_ =	shalt  }
0x81: {  	_ =	shalt  }
0x82: {  	_ =	shalt  }
0x83: {  	_ =	shalt  }
0x84: {  	_ =	shalt  }
0x85: {  	_ =	shalt  }
0x86: {  	_ =	shalt  }
0x87: {  	_ =	shalt  }
.Lfunc_end0:
.L_simem_size_0:
called_computation.1_lowered:
.L_overlay_start_0:
0x88: {  	s2 =	sld [smem:$0x3FD9]  }
0x89: {  	s3 =	sld [smem:$0x3FFE];
	_ =	sdelay $0x1  }
0x8a: {  	s1 =	srdreg.scid  }
0x8b: {  	s0 =	sand.u32 $0x1, s1  }
0x8c: {  	s17 =	sshll.u32 s0, $0xA;
	s2 =	sadd.s32 s3, s2  }
0x8d: {  	s2 =	sadd.s32 s2, s17  }
0x8e: {  	[smem:$0x3FC6] =	sst s2  }
0x8f: {  	_ = 	snop  }
0x90: {  	s2 =	sld [smem:$0x3FD0];
	(tm) =	ssettm $0x1  }
0x91: {  	s18 =	sld [smem:$0x3FFB];
	_ =	sdelay $0x3  }
0x92: {  	_ =	strace s18  }
0x93: {  	s3 =	sld [smem:$0x3FFC];
	_ =	sdelay $0x3  }
0x94: {  	_ =	strace s3  }
0x95: {  	s3 =	sld [smem:$0x3FFD];
	_ =	sdelay $0x3  }
0x96: {  	_ =	strace s3  }
0x97: {  	_ =	strace $0x8FFFFFFF  }
0x98: {  	s19 =	sld [smem:$0x3FDB];
	_ =	sdelay $0x1  }
0x99: {  	s4 =	simm.s32 $_scs_section_size  }
0x9a: {  	s5 =	simm.s32 $_size__tile_overlayer_lowered;
	s6 =	simm.s32 $_tile_overlayer_lowered  }
0x9b: {  	s22 =	simm.s32 $0x1BFF;
	s21 =	sshll.u32 s6, $0x1;
	s3 =	sadd.s32 s4, s19  }
0x9c: {  	s7 =	simm.s32 $0x0;
	s20 =	sshll.u32 s5, $0x1;
	s5 =	sadd.s32 s21, s3  }
0x9d: {  	[timem:s7], [sflag:s22] =	dma.local [hbm:s5], s20  }
0x9e: {  	_ =	swait.ge [sflag:s22], s20  }
0x9f: {  	s4 =	ssub.s32 $0x0, s20;
	[sflag:s22] =	ssyncset.done $0x0  }
0xa0: {  	[sflag:s22] =	ssyncadd.s32 s4;
	_ =	sdelay $0x1  }
0xa1: {  	s23 =	simm.s32 $0x1B8B  }
0xa2: {  	_ =	swait.ge [sflag:s23], $0x1  }
0xa3: {  	[sflag:s23] =	ssyncset.done $0x0  }
0xa4: {  	s25 =	simm.s32 $0x1B8E;
	s24 =	sld [smem:$0x3FFE];
	[sflag:s23] =	ssyncadd.s32 $0xFFFFFFFF  }
0xa5: {  	s26 =	simm.s32 $execute0_lowered;
	[smem:$0x3FD2] =	sst s25  }
0xa6: {  	s5 =	sshll.u32 s26, $0x1;
	_ =	strace $0x80000046;
	[dreg:$0x1] =	wrdreg $0xFFFFFFFF  }
0xa7: {  	s28 =	simm.s32 $_size_execute0_lowered;
	s3 =	sadd.s32 s3, s5;
	[dreg:$0x0] =	wrdreg $0x0  }
0xa8: {  	s5 =	sshll.u32 s28, $0x1;
	[dreg:$0x2] =	wrdreg s3  }
0xa9: {  	[dreg:$0x3] =	wrdreg s5  }
0xaa: {  	[dreg:$0x4] =	wrdreg $0xC0  }
0xab: {  	_ =	task [dreg:s7], $0x5FFFF  }
0xac: {  	[dreg:$0x1] =	wrdreg $0xFFFFFFFF  }
0xad: {  	[dreg:$0x0] =	wrdreg $0x60  }
0xae: {  	[dreg:$0x2] =	wrdreg s24  }
0xaf: {  	[dreg:$0x3] =	wrdreg s2  }
0xb0: {  	[dreg:$0x4] =	wrdreg $0x9  }
0xb1: {  	_ =	task.clear_ibuf [dreg:s7], $0x5FFFF;
	_ =	strace $0x90000046  }
0xb2: {  	s29 =	simm.s32 $0x9;
	_ =	strace $0x80000048  }
0xb3: {  	_ =	swait.ge [sflag:s29], $0x1  }
0xb4: {  	[sflag:s29] =	ssyncadd.s32 $0xFFFFFFFF  }
0xb5: {  	_ =	strace $0x90000048  }
0xb6: {  	_ =	sfence  }
0xb7: {  	s30 =	sld [smem:$0x0];
	_ =	sdelay $0x2  }
0xb8: {  	s31 =	sshll.u32 s1, $0xD;
	s1 =	sshrl.u32 s1, $0x2  }
0xb9: {  	s3 =	sand.u32 $0x4000, s31;
	s1 =	sadd.s32 s1, s30  }
0xba: {  	s0 =	sor.u32 s3, s0;
	s1 =	sshll.u32 s1, $0x11  }
0xbb: {  	s0 =	sor.u32 s1, s0  }
0xbc: {  	s0 =	sadd.s32 $0x8F2B, s0  }
0xbd: {  	[sflag:s0] =	ssyncadd.remote.s32 $0x1  }
0xbe: {  	_ =	sfence.sel $0xFFFF  }
0xbf: {  	[dreg:$0x0] =	wrdreg $0xFFFFFFFF;
	(pc) =	sbr.abs _section_cstart, $3  }
0xc0: {  	[dreg:$0x1] =	wrdreg $0xFFFFFFFF  }
0xc1: {  	_ =	task.clear_ibuf [dreg:s7], $0x2FFFF;
	_ =	strace $0x9FFFFFFF  }
0xc2: {  	(tm) =	ssettm $0x7FFFFFFF  }
0xc3: {  	_ =	shalt  }
tec
execute0_lowered:
.L_overlay_start_1:
0x0: {  	(tag) =	ssettag $0x1  }
0x1: {  	s0 =	srdreg.scid  }
0x2: {  	s1 =	rddreg [dreg:$0x0];
	s3 =	stileid.u32  }
0x3: {  	s2 =	rddreg [dreg:$0x1];
	s8 =	simm.s32 $0x5;
	s9 =	simm.s32 $0x80  }
0x4: {  	s10 =	simm.s32 $0x6400;
	s11 =	simm.s32 $0x48;
	s12 =	simm.s32 $0x8400  }
0x5: {  	s14 =	simm.s32 $0xA400;
	s15 =	simm.s32 $0x148;
	s16 =	simm.s32 $0xC400  }
0x6: {  	s17 =	simm.s32 $0xE400;
	s18 =	simm.s32 $0x10400;
	s19 =	simm.s32 $0x12400  }
0x7: {  	s20 =	simm.s32 $0x14400;
	s21 =	simm.s32 $0x1;
	s0 =	sand.u32 $0x1, s0  }
0x8: {  	s22 =	simm.s32 $0x3;
	s3 =	sshll.u32 s3, $0x8;
	s4 =	sshll.u32 s0, $0x7  }
0x9: {  	s23 =	simm.s32 $0x2;
	s24 =	simm.s32 $0x4;
	s3 =	sor.u32 s4, s3  }
0xa: {  	s0 =	ssub.s32 $0x2, s0;
	s4 =	simm.s32 $0x0;
	s5 =	smul.u32 $0x19, s3  }
0xb: {  	s25 =	simm.s32 $0x0;
	s6 =	sshrl.u32 s0, $0x1;
	[smem:$0x7FF] =	sst s4  }
0xc: {  	s0 =	ssub.s32 s0, s6;
	_ =	strace $0x80000047;
	s7 =	sadd.s32 s5, s1  }
0xd: {  	s5 =	sadd.s32 $0xF42E00, s1;
	s6 =	sadd.s32 $0xA00, s7;
	s7 =	smax.u32 s0, $0x1  }
.LBB2_1:
0xe: {  	[tilespmem:s4], [sflag:$0x5] =	stream.linear.gather [hbm4b:s6+s4], $0x6400, $0x38;
	[tilespmem:$0x16400] =	vst v63  }
0xf: {  	_ =	swait.ge [sflag:s8], $0x6400  }
0x10: {  	[sflag:s8] =	ssyncset.done $0x0  }
0x11: {  	[sflag:s8] =	ssyncadd.s32 $0xFFFF9C00  }
0x12: {  	[tilespmem:s10], [sflag:$0x1] =	stream.indirect.gather [hbm4b:s5+s9], $0x40, s4, s9, $0xb8;
	[tilespmem:$0x16400] =	vst v63  }
0x13: {  	_ = 	snop  }
0x14: {  	[tilespmem:s12], [sflag:$0x1] =	stream.indirect.gather [hbm4b:s5+s11], $0x40, s9, s11, $0xb8;
	[tilespmem:$0x16400] =	vst v63  }
0x15: {  	s0 =	simm.s32 $0xC8  }
0x16: {  	[tilespmem:s14], [sflag:$0x1] =	stream.indirect.gather [hbm4b:s5+s9], $0x40, s0, s9, $0xb8;
	[tilespmem:$0x16400] =	vst v63  }
0x17: {  	s26 =	simm.s32 $0x0  }
0x18: {  	[tilespmem:s16], [sflag:$0x1] =	stream.indirect.gather [hbm4b:s5+s11], $0x40, s15, s11, $0xb8;
	[tilespmem:$0x16400] =	vst v63  }
.LBB2_2:
0x19: {  	p0 =	seq.s32 s26, $0x0  }
0x1a: {  	s0 =	simm.s32 @!p0 $0x4  }
0x1b: {  	_ =	swait.ge @!p0 [sflag:s0], $0x2000  }
0x1c: {  	[sflag:s0] =	ssyncset.done @!p0 $0x0  }
0x1d: {  	[sflag:s0] =	ssyncadd.s32 @!p0 $0xFFFFE000  }
0x1e: {  	_ =	swait.ge @!p0 [sflag:s0], $0x1200  }
0x1f: {  	[sflag:s0] =	ssyncset.done @!p0 $0x0  }
0x20: {  	[sflag:s0] =	ssyncadd.s32 @!p0 $0xFFFFEE00  }
0x21: {  	_ =	swait.ge @!p0 [sflag:s0], $0x2000  }
0x22: {  	s1 =	sshll.u32 s26, $0x1;
	[sflag:s0] =	ssyncset.done @!p0 $0x0  }
0x23: {  	s30 =	sor.u32 $0x1, s1;
	[sflag:s0] =	ssyncadd.s32 @!p0 $0xFFFFE000  }
0x24: {  	s1 =	smul.u32 $0x640, s30;
	_ =	swait.ge @!p0 [sflag:s0], $0x1200  }
0x25: {  	[sflag:s0] =	ssyncset.done @!p0 $0x0  }
0x26: {  	s28 =	sshllo.u32 s30, $0x1;
	s1 =	sshra.s32 s1, $0x2;
	[sflag:s0] =	ssyncadd.s32 @!p0 $0xFFFFEE00  }
0x27: {  	[tilespmem:s17], [sflag:$0x2] =	stream.indirect.gather [hbm4b:s5+s9], $0x40, s1, s9, $0xb8;
	[tilespmem:$0x16400] =	vst v63  }
0x28: {  	s13 =	smul.u32 $0x320, s28;
	s0 =	sadd.s32 $0x80, s1  }
0x29: {  	[tilespmem:s18], [sflag:$0x2] =	stream.indirect.gather [hbm4b:s5+s11], $0x40, s0, s11, $0xb8;
	[tilespmem:$0x16400] =	vst v63  }
0x2a: {  	s13 =	sshra.s32 s13, $0x2  }
0x2b: {  	[tilespmem:s19], [sflag:$0x2] =	stream.indirect.gather [hbm4b:s5+s9], $0x40, s13, s9, $0xb8;
	[tilespmem:$0x16400] =	vst v63  }
0x2c: {  	s0 =	sadd.s32 $0x80, s13  }
0x2d: {  	[tilespmem:s20], [sflag:$0x2] =	stream.indirect.gather [hbm4b:s5+s11], $0x40, s0, s11, $0xb8;
	[tilespmem:$0x16400] =	vst v63  }
0x2e: {  	_ =	swait.ge [sflag:s21], $0x2000  }
0x2f: {  	[sflag:s21] =	ssyncset.done $0x0  }
0x30: {  	[sflag:s21] =	ssyncadd.s32 $0xFFFFE000  }
0x31: {  	_ =	swait.ge [sflag:s21], $0x1200  }
0x32: {  	[sflag:s21] =	ssyncset.done $0x0  }
0x33: {  	[sflag:s21] =	ssyncadd.s32 $0xFFFFEE00  }
0x34: {  	_ =	swait.ge [sflag:s21], $0x2000  }
0x35: {  	[sflag:s21] =	ssyncset.done $0x0  }
0x36: {  	[sflag:s21] =	ssyncadd.s32 $0xFFFFE000  }
0x37: {  	_ =	swait.ge [sflag:s21], $0x1200  }
0x38: {  	[sflag:s21] =	ssyncset.done $0x0  }
0x39: {  	s31 =	simm.s32 $0x6480;
	[sflag:s21] =	ssyncadd.s32 $0xFFFFEE00  }
0x3a: {  	v0 =	vld [tilespmem:s31+$0xFFFFFF80]  }
0x3b: {  	v1 =	vld [tilespmem:s31+$0xFFFFFF90]  }
0x3c: {  	v2 =	vld [tilespmem:s31+$0xFFFFFFA0]  }
0x3d: {  	v3 =	vld [tilespmem:s31+$0xFFFFFFB0]  }
0x3e: {  	v4 =	vld [tilespmem:s31+$0xFFFFFFC0]  }
0x3f: {  	v5 =	vld [tilespmem:s31+$0xFFFFFFD0];
	v0 =	vmul.f32 $8.000000000e+00, v0  }
0x40: {  	v6 =	vld [tilespmem:s31+$0xFFFFFFE0];
	v1 =	vmul.f32 $8.000000000e+00, v1  }
0x41: {  	[tilespmem:s31+$0xFFFFFF80] =	vst v0;
	v0 =	vmul.f32 $8.000000000e+00, v2;
	v2 =	vld [tilespmem:s31+$0x0]  }
0x42: {  	[tilespmem:s31+$0xFFFFFF90] =	vst v1;
	v1 =	vmul.f32 $8.000000000e+00, v3;
	v3 =	vld [tilespmem:s31+$0x10]  }
0x43: {  	[tilespmem:s31+$0xFFFFFFA0] =	vst v0;
	v0 =	vmul.f32 $8.000000000e+00, v4;
	v4 =	vld [tilespmem:s31+$0x20]  }
0x44: {  	v7 =	vld [tilespmem:s31+$0x30];
	v5 =	vmul.f32 $8.000000000e+00, v5;
	[tilespmem:s31+$0xFFFFFFB0] =	vst v1  }
0x45: {  	v1 =	vld [tilespmem:s31+$0x40];
	[tilespmem:s31+$0xFFFFFFC0] =	vst v0;
	v0 =	vmul.f32 $8.000000000e+00, v6  }
0x46: {  	[tilespmem:s31+$0xFFFFFFD0] =	vst v5;
	v5 =	vmul.f32 $8.000000000e+00, v2;
	v2 =	vld [tilespmem:s31+$0x50]  }
0x47: {  	v6 =	vmul.f32 $8.000000000e+00, v3;
	v3 =	vld [tilespmem:s31+$0x60];
	[tilespmem:s31+$0xFFFFFFE0] =	vst v0  }
0x48: {  	[tilespmem:s31+$0x0] =	vst v5;
	v5 =	vmul.f32 $8.000000000e+00, v4;
	v4 =	vld [tilespmem:s31+$0x70]  }
0x49: {  	s29 =	sshll.u32 s30, $0x1;
	s1 =	simm.s32 $0x6580;
	s0 =	simm.s32 $0x0;
	v0 =	vld [tilespmem:s31+$0xFFFFFFF0];
	[tilespmem:s31+$0x10] =	vst v6;
	v6 =	vmul.f32 $8.000000000e+00, v7  }
.LBB2_3:
0x4a: {  	v7 =	vld [tilespmem:s1+$0xFFFFFF80];
	[tilespmem:s31+$0x20] =	vst v5;
	v1 =	vmul.f32 $8.000000000e+00, v1  }
0x4b: {  	v5 =	vld [tilespmem:s1+$0xFFFFFF90];
	[tilespmem:s31+$0x30] =	vst v6;
	v2 =	vmul.f32 $8.000000000e+00, v2  }
0x4c: {  	v6 =	vld [tilespmem:s1+$0xFFFFFFA0];
	[tilespmem:s31+$0x40] =	vst v1;
	v1 =	vmul.f32 $8.000000000e+00, v3  }
0x4d: {  	v3 =	vld [tilespmem:s1+$0xFFFFFFB0];
	[tilespmem:s31+$0x50] =	vst v2;
	v2 =	vmul.f32 $8.000000000e+00, v4  }
0x4e: {  	v4 =	vld [tilespmem:s1+$0xFFFFFFC0];
	v0 =	vmul.f32 $8.000000000e+00, v0;
	[tilespmem:s31+$0x60] =	vst v1  }
0x4f: {  	v1 =	vmul.f32 $8.000000000e+00, v7;
	v7 =	vld [tilespmem:s1+$0xFFFFFFD0];
	[tilespmem:s31+$0x70] =	vst v2  }
0x50: {  	v2 =	vmul.f32 $8.000000000e+00, v5;
	v5 =	vld [tilespmem:s1+$0xFFFFFFE0];
	[tilespmem:s31+$0xFFFFFFF0] =	vst v0;
	s31 =	smov.u32 s1  }
0x51: {  	[tilespmem:s1+$0xFFFFFF80] =	vst v1;
	v0 =	vmul.f32 $8.000000000e+00, v6;
	v6 =	vld [tilespmem:s1+$0x0]  }
0x52: {  	[tilespmem:s1+$0xFFFFFF90] =	vst v2;
	v1 =	vmul.f32 $8.000000000e+00, v3;
	v3 =	vld [tilespmem:s1+$0x10]  }
0x53: {  	s0 =	sadd.s32 $0x4, s0;
	[tilespmem:s1+$0xFFFFFFA0] =	vst v0;
	v0 =	vmul.f32 $8.000000000e+00, v4;
	v4 =	vld [tilespmem:s1+$0x20]  }
0x54: {  	p0 =	slt.u32 s0, $0x7C;
	[tilespmem:s1+$0xFFFFFFB0] =	vst v1;
	v2 =	vmul.f32 $8.000000000e+00, v7;
	v7 =	vld [tilespmem:s1+$0x30]  }
.Ltmp0:
0x55: {  	[tilespmem:s1+$0xFFFFFFC0] =	vst v0;
	v0 =	vmul.f32 $8.000000000e+00, v5;
	v1 =	vld [tilespmem:s1+$0x40];
	(pc) =	sbr.rel @p0 .LBB2_3-.Ltmp0, $4  }
0x56: {  	[tilespmem:s1+$0xFFFFFFD0] =	vst v2;
	v5 =	vmul.f32 $8.000000000e+00, v6;
	v2 =	vld [tilespmem:s1+$0x50]  }
0x57: {  	[tilespmem:s1+$0xFFFFFFE0] =	vst v0;
	v6 =	vmul.f32 $8.000000000e+00, v3;
	v3 =	vld [tilespmem:s1+$0x60]  }
0x58: {  	[tilespmem:s1+$0x0] =	vst v5;
	v5 =	vmul.f32 $8.000000000e+00, v4;
	v4 =	vld [tilespmem:s1+$0x70]  }
0x59: {  	s1 =	sadd.s32 $0x100, s1;
	v0 =	vld [tilespmem:s31+$0xFFFFFFF0];
	[tilespmem:s31+$0x10] =	vst v6;
	v6 =	vmul.f32 $8.000000000e+00, v7  }
0x5a: {  	[tilespmem:s31+$0x20] =	vst v5;
	v1 =	vmul.f32 $8.000000000e+00, v1  }
0x5b: {  	s0 =	sshll.u32 s26, $0x2;
	[tilespmem:s31+$0x30] =	vst v6;
	v2 =	vmul.f32 $8.000000000e+00, v2  }
0x5c: {  	s0 =	sor.u32 s3, s0;
	[tilespmem:s31+$0x40] =	vst v1;
	v1 =	vmul.f32 $8.000000000e+00, v3  }
0x5d: {  	s0 =	smul.u32 $0x3200, s0;
	[tilespmem:s31+$0x50] =	vst v2;
	v2 =	vmul.f32 $8.000000000e+00, v4  }
0x5e: {  	v0 =	vmul.f32 $8.000000000e+00, v0;
	[tilespmem:s31+$0x60] =	vst v1  }
0x5f: {  	s0 =	sshrl.u32 s0, $0x3;
	[tilespmem:s31+$0x70] =	vst v2  }
0x60: {  	s1 =	simm.s32 $0x84F0;
	[tilespmem:s31+$0xFFFFFFF0] =	vst v0;
	s31 =	sadd.s32 s2, s0  }
0x61: {  	[hbm4b:s31+s4] =	stream.linear.scatter [tilespmem:s10], [sflag:$0x3], $0x2000, $0x38;
	[tilespmem:$0x16400] =	vst v63  }
0x62: {  	v0 =	vld [tilespmem:s1+$0xFFFFFF10]  }
0x63: {  	v1 =	vld [tilespmem:s1+$0xFFFFFF20]  }
0x64: {  	v2 =	vld [tilespmem:s1+$0xFFFFFF30]  }
0x65: {  	v3 =	vld [tilespmem:s1+$0xFFFFFF40]  }
0x66: {  	v4 =	vld [tilespmem:s1+$0xFFFFFF50]  }
0x67: {  	v5 =	vld [tilespmem:s1+$0xFFFFFF60];
	v0 =	vmul.f32 $8.000000000e+00, v0  }
0x68: {  	v6 =	vld [tilespmem:s1+$0xFFFFFF70];
	v1 =	vmul.f32 $8.000000000e+00, v1  }
0x69: {  	[tilespmem:s1+$0xFFFFFF10] =	vst v0;
	v0 =	vmul.f32 $8.000000000e+00, v2;
	v2 =	vld [tilespmem:s1+$0xFFFFFF80]  }
0x6a: {  	[tilespmem:s1+$0xFFFFFF20] =	vst v1;
	v1 =	vmul.f32 $8.000000000e+00, v3;
	v3 =	vld [tilespmem:s1+$0xFFFFFF90]  }
0x6b: {  	[tilespmem:s1+$0xFFFFFF30] =	vst v0;
	v0 =	vmul.f32 $8.000000000e+00, v4;
	v4 =	vld [tilespmem:s1+$0xFFFFFFA0]  }
0x6c: {  	v7 =	vld [tilespmem:s1+$0xFFFFFFB0];
	[tilespmem:s1+$0xFFFFFF40] =	vst v1;
	v1 =	vmul.f32 $8.000000000e+00, v5  }
0x6d: {  	v5 =	vmul.f32 $8.000000000e+00, v6;
	[tilespmem:s1+$0xFFFFFF50] =	vst v0;
	v0 =	vld [tilespmem:s1+$0xFFFFFFC0]  }
0x6e: {  	[tilespmem:s1+$0xFFFFFF60] =	vst v1;
	v1 =	vld [tilespmem:s1+$0xFFFFFFD0];
	v6 =	vmul.f32 $8.000000000e+00, v2  }
0x6f: {  	[tilespmem:s1+$0xFFFFFF70] =	vst v5;
	v8 =	vmul.f32 $8.000000000e+00, v3;
	v2 =	vld [tilespmem:s1+$0xFFFFFFE0]  }
0x70: {  	v3 =	vld [tilespmem:s1+$0x0];
	[tilespmem:s1+$0xFFFFFF80] =	vst v6;
	v5 =	vmul.f32 $8.000000000e+00, v4  }
0x71: {  	s13 =	simm.s32 $0x85F0;
	s0 =	simm.s32 $0x0;
	[tilespmem:s1+$0xFFFFFF90] =	vst v8;
	v6 =	vmul.f32 $8.000000000e+00, v7;
	v4 =	vld [tilespmem:s1+$0xFFFFFFF0]  }
.LBB2_5:
0x72: {  	v7 =	vld [tilespmem:s13+$0xFFFFFF10];
	[tilespmem:s1+$0xFFFFFFA0] =	vst v5;
	v0 =	vmul.f32 $8.000000000e+00, v0  }
0x73: {  	v5 =	vld [tilespmem:s13+$0xFFFFFF20];
	[tilespmem:s1+$0xFFFFFFB0] =	vst v6;
	v1 =	vmul.f32 $8.000000000e+00, v1  }
0x74: {  	v6 =	vld [tilespmem:s13+$0xFFFFFF30];
	[tilespmem:s1+$0xFFFFFFC0] =	vst v0;
	v0 =	vmul.f32 $8.000000000e+00, v2  }
0x75: {  	v2 =	vld [tilespmem:s13+$0xFFFFFF40];
	[tilespmem:s1+$0xFFFFFFD0] =	vst v1;
	v1 =	vmul.f32 $8.000000000e+00, v3  }
0x76: {  	v3 =	vld [tilespmem:s13+$0xFFFFFF50];
	[tilespmem:s1+$0xFFFFFFE0] =	vst v0;
	v0 =	vmul.f32 $8.000000000e+00, v4  }
0x77: {  	v4 =	vmul.f32 $8.000000000e+00, v7;
	v7 =	vld [tilespmem:s13+$0xFFFFFF60];
	[tilespmem:s1+$0x0] =	vst v1  }
0x78: {  	v1 =	vmul.f32 $8.000000000e+00, v5;
	v5 =	vld [tilespmem:s13+$0xFFFFFF70];
	[tilespmem:s1+$0xFFFFFFF0] =	vst v0;
	s1 =	smov.u32 s13  }
0x79: {  	[tilespmem:s13+$0xFFFFFF10] =	vst v4;
	v0 =	vmul.f32 $8.000000000e+00, v6;
	v4 =	vld [tilespmem:s13+$0xFFFFFF80]  }
0x7a: {  	[tilespmem:s13+$0xFFFFFF20] =	vst v1;
	v1 =	vmul.f32 $8.000000000e+00, v2;
	v2 =	vld [tilespmem:s13+$0xFFFFFF90]  }
0x7b: {  	s0 =	sadd.s32 $0x4, s0;
	[tilespmem:s13+$0xFFFFFF30] =	vst v0;
	v0 =	vmul.f32 $8.000000000e+00, v3;
	v3 =	vld [tilespmem:s13+$0xFFFFFFA0]  }
0x7c: {  	p0 =	slt.u32 s0, $0x44;
	[tilespmem:s13+$0xFFFFFF40] =	vst v1;
	v1 =	vmul.f32 $8.000000000e+00, v7;
	v6 =	vld [tilespmem:s13+$0xFFFFFFB0]  }
.Ltmp1:
0x7d: {  	[tilespmem:s13+$0xFFFFFF50] =	vst v0;
	v5 =	vmul.f32 $8.000000000e+00, v5;
	v0 =	vld [tilespmem:s13+$0xFFFFFFC0];
	(pc) =	sbr.rel @p0 .LBB2_5-.Ltmp1, $4  }
0x7e: {  	[tilespmem:s13+$0xFFFFFF60] =	vst v1;
	v4 =	vmul.f32 $8.000000000e+00, v4;
	v1 =	vld [tilespmem:s13+$0xFFFFFFD0]  }
0x7f: {  	[tilespmem:s13+$0xFFFFFF70] =	vst v5;
	v7 =	vmul.f32 $8.000000000e+00, v2;
	v2 =	vld [tilespmem:s13+$0xFFFFFFE0]  }
0x80: {  	[tilespmem:s13+$0xFFFFFF80] =	vst v4;
	v5 =	vmul.f32 $8.000000000e+00, v3;
	v3 =	vld [tilespmem:s13+$0x0]  }
0x81: {  	s13 =	sadd.s32 $0x100, s13;
	[tilespmem:s1+$0xFFFFFF90] =	vst v7;
	v6 =	vmul.f32 $8.000000000e+00, v6;
	v4 =	vld [tilespmem:s1+$0xFFFFFFF0]  }
0x82: {  	[tilespmem:s1+$0xFFFFFFA0] =	vst v5;
	v0 =	vmul.f32 $8.000000000e+00, v0  }
0x83: {  	[tilespmem:s1+$0xFFFFFFB0] =	vst v6;
	v1 =	vmul.f32 $8.000000000e+00, v1  }
0x84: {  	[tilespmem:s1+$0xFFFFFFC0] =	vst v0;
	v0 =	vmul.f32 $8.000000000e+00, v2  }
0x85: {  	[tilespmem:s1+$0xFFFFFFD0] =	vst v1;
	v1 =	vmul.f32 $8.000000000e+00, v3  }
0x86: {  	[tilespmem:s1+$0xFFFFFFE0] =	vst v0;
	v0 =	vmul.f32 $8.000000000e+00, v4  }
0x87: {  	[tilespmem:s1+$0x0] =	vst v1  }
0x88: {  	s0 =	sadd.s32 $0x400, s31;
	[tilespmem:s1+$0xFFFFFFF0] =	vst v0;
	s1 =	simm.s32 $0xA400  }
0x89: {  	[hbm4b:s0+s4] =	stream.linear.scatter [tilespmem:s12], [sflag:$0x3], $0x1200, $0x38;
	[tilespmem:$0x16400] =	vst v63  }
0x8a: {  	v1 =	vld [tilespmem:s1+$0xA0]  }
0x8b: {  	v2 =	vld [tilespmem:s1+$0x40]  }
0x8c: {  	v3 =	vld [tilespmem:s1+$0xE0]  }
0x8d: {  	v4 =	vld [tilespmem:s1+$0xD0]  }
0x8e: {  	v5 =	vld [tilespmem:s1+$0x20]  }
0x8f: {  	v0 =	vld [tilespmem:s1+$0x90]  }
0x90: {  	v8 =	vld [tilespmem:s1+$0xC0]  }
0x91: {  	v7 =	vld [tilespmem:s1+$0x10]  }
0x92: {  	v9 =	vld [tilespmem:s1+$0x0];
	v1 =	vmul.f32 $8.000000000e+00, v1  }
0x93: {  	v11 =	vld [tilespmem:s1+$0x50];
	v4 =	vmul.f32 $8.000000000e+00, v4  }
0x94: {  	v10 =	vld [tilespmem:s1+$0xB0];
	v12 =	vmul.f32 $8.000000000e+00, v5;
	[tilespmem:s1+$0xA0] =	vst v1  }
0x95: {  	v6 =	vld [tilespmem:s1+$0xF0];
	v13 =	vmul.f32 $8.000000000e+00, v8;
	[tilespmem:s1+$0xD0] =	vst v4  }
0x96: {  	v1 =	vmul.f32 $8.000000000e+00, v2;
	v2 =	vmul.f32 $8.000000000e+00, v3;
	v3 =	vld [tilespmem:s1+$0x80];
	[tilespmem:s1+$0x20] =	vst v12  }
0x97: {  	v4 =	vld [tilespmem:s1+$0x70];
	[tilespmem:s1+$0xC0] =	vst v13  }
0x98: {  	v8 =	vmul.f32 $8.000000000e+00, v9;
	v5 =	vld [tilespmem:s1+$0x60];
	v9 =	vmul.f32 $8.000000000e+00, v11;
	[tilespmem:s1+$0x40] =	vst v1  }
0x99: {  	s13 =	simm.s32 $0xA500;
	s0 =	simm.s32 $0x0;
	[tilespmem:s1+$0xE0] =	vst v2;
	v1 =	vmul.f32 $8.000000000e+00, v7;
	v7 =	vld [tilespmem:s1+$0x30];
	v2 =	vmul.f32 $8.000000000e+00, v10  }
.LBB2_7:
0x9a: {  	v10 =	vld [tilespmem:s13+$0xA0];
	s0 =	sadd.s32 $0x4, s0;
	[tilespmem:s1+$0x0] =	vst v8;
	v0 =	vmul.f32 $8.000000000e+00, v0;
	v6 =	vmul.f32 $8.000000000e+00, v6  }
0x9b: {  	v8 =	vld [tilespmem:s13+$0x40];
	p0 =	slt.u32 s0, $0x7C;
	[tilespmem:s1+$0x50] =	vst v9;
	v3 =	vmul.f32 $8.000000000e+00, v3  }
0x9c: {  	v9 =	vld [tilespmem:s13+$0xE0];
	v4 =	vmul.f32 $8.000000000e+00, v4;
	[tilespmem:s1+$0xF0] =	vst v6  }
0x9d: {  	v11 =	vld [tilespmem:s13+$0x20];
	v5 =	vmul.f32 $8.000000000e+00, v5;
	[tilespmem:s1+$0x80] =	vst v3  }
0x9e: {  	v3 =	vld [tilespmem:s13+$0xD0];
	v6 =	vmul.f32 $8.000000000e+00, v7;
	[tilespmem:s1+$0x90] =	vst v0  }
0x9f: {  	v0 =	vld [tilespmem:s13+$0x90];
	v7 =	vmul.f32 $8.000000000e+00, v10;
	[tilespmem:s1+$0x10] =	vst v1  }
0xa0: {  	v1 =	vld [tilespmem:s13+$0x10];
	[tilespmem:s1+$0x30] =	vst v6  }
0xa1: {  	v10 =	vld [tilespmem:s13+$0xC0];
	v9 =	vmul.f32 $8.000000000e+00, v9;
	[tilespmem:s1+$0xB0] =	vst v2  }
0xa2: {  	v2 =	vld [tilespmem:s13+$0x0];
	[tilespmem:s1+$0x70] =	vst v4  }
0xa3: {  	v12 =	vld [tilespmem:s13+$0xB0];
	v3 =	vmul.f32 $8.000000000e+00, v3;
	[tilespmem:s1+$0x60] =	vst v5;
	s1 =	smov.u32 s13  }
0xa4: {  	v13 =	vld [tilespmem:s13+$0x50];
	[tilespmem:s13+$0xA0] =	vst v7  }
.Ltmp2:
0xa5: {  	v4 =	vmul.f32 $8.000000000e+00, v8;
	[tilespmem:s13+$0xD0] =	vst v3;
	v6 =	vld [tilespmem:s13+$0xF0];
	(pc) =	sbr.rel @p0 .LBB2_7-.Ltmp2, $4  }
0xa6: {  	v3 =	vld [tilespmem:s13+$0x80];
	v7 =	vmul.f32 $8.000000000e+00, v10;
	[tilespmem:s13+$0xE0] =	vst v9  }
0xa7: {  	v9 =	vmul.f32 $8.000000000e+00, v11;
	[tilespmem:s13+$0x40] =	vst v4;
	v4 =	vld [tilespmem:s13+$0x70]  }
0xa8: {  	v1 =	vmul.f32 $8.000000000e+00, v1;
	v8 =	vmul.f32 $8.000000000e+00, v2;
	v5 =	vld [tilespmem:s13+$0x60];
	[tilespmem:s13+$0xC0] =	vst v7  }
0xa9: {  	v2 =	vmul.f32 $8.000000000e+00, v12;
	s13 =	sadd.s32 $0x100, s13;
	[tilespmem:s1+$0x20] =	vst v9;
	v7 =	vld [tilespmem:s1+$0x30];
	v9 =	vmul.f32 $8.000000000e+00, v13  }
0xaa: {  	[tilespmem:s1+$0x0] =	vst v8  }
0xab: {  	[tilespmem:s1+$0x10] =	vst v1  }
0xac: {  	v6 =	vmul.f32 $8.000000000e+00, v6;
	[tilespmem:s1+$0x50] =	vst v9  }
0xad: {  	v0 =	vmul.f32 $8.000000000e+00, v0;
	[tilespmem:s1+$0xB0] =	vst v2  }
0xae: {  	v3 =	vmul.f32 $8.000000000e+00, v3;
	[tilespmem:s1+$0xF0] =	vst v6  }
0xaf: {  	[tilespmem:s1+$0x90] =	vst v0;
	v0 =	vmul.f32 $8.000000000e+00, v4  }
0xb0: {  	[tilespmem:s1+$0x80] =	vst v3;
	v1 =	vmul.f32 $8.000000000e+00, v5  }
0xb1: {  	v3 =	vmul.f32 $8.000000000e+00, v7;
	[tilespmem:s1+$0x70] =	vst v0  }
0xb2: {  	[tilespmem:s1+$0x60] =	vst v1  }
0xb3: {  	s0 =	sadd.s32 $0x640, s31;
	[tilespmem:s1+$0x30] =	vst v3;
	s1 =	simm.s32 $0xC400  }
0xb4: {  	[hbm4b:s0+s4] =	stream.linear.scatter [tilespmem:s14], [sflag:$0x3], $0x2000, $0x38;
	[tilespmem:$0x16400] =	vst v63  }
0xb5: {  	v1 =	vld [tilespmem:s1+$0xA0]  }
0xb6: {  	v2 =	vld [tilespmem:s1+$0x40]  }
0xb7: {  	v3 =	vld [tilespmem:s1+$0xE0]  }
0xb8: {  	v4 =	vld [tilespmem:s1+$0xD0]  }
0xb9: {  	v5 =	vld [tilespmem:s1+$0x20]  }
0xba: {  	v0 =	vld [tilespmem:s1+$0x90]  }
0xbb: {  	v8 =	vld [tilespmem:s1+$0xC0]  }
0xbc: {  	v7 =	vld [tilespmem:s1+$0x10]  }
0xbd: {  	v9 =	vld [tilespmem:s1+$0x0];
	v1 =	vmul.f32 $8.000000000e+00, v1  }
0xbe: {  	v11 =	vld [tilespmem:s1+$0x50];
	v4 =	vmul.f32 $8.000000000e+00, v4  }
0xbf: {  	v10 =	vld [tilespmem:s1+$0xB0];
	v12 =	vmul.f32 $8.000000000e+00, v5;
	[tilespmem:s1+$0xA0] =	vst v1  }
0xc0: {  	v6 =	vld [tilespmem:s1+$0xF0];
	v13 =	vmul.f32 $8.000000000e+00, v8;
	[tilespmem:s1+$0xD0] =	vst v4  }
0xc1: {  	v1 =	vmul.f32 $8.000000000e+00, v2;
	v2 =	vmul.f32 $8.000000000e+00, v3;
	v3 =	vld [tilespmem:s1+$0x80];
	[tilespmem:s1+$0x20] =	vst v12  }
0xc2: {  	v4 =	vld [tilespmem:s1+$0x70];
	[tilespmem:s1+$0xC0] =	vst v13  }
0xc3: {  	v8 =	vmul.f32 $8.000000000e+00, v9;
	v5 =	vld [tilespmem:s1+$0x60];
	v9 =	vmul.f32 $8.000000000e+00, v11;
	[tilespmem:s1+$0x40] =	vst v1  }
0xc4: {  	s13 =	simm.s32 $0xC500;
	s0 =	simm.s32 $0x0;
	[tilespmem:s1+$0xE0] =	vst v2;
	v1 =	vmul.f32 $8.000000000e+00, v7;
	v7 =	vld [tilespmem:s1+$0x30];
	v2 =	vmul.f32 $8.000000000e+00, v10  }
.LBB2_9:
0xc5: {  	v10 =	vld [tilespmem:s13+$0xA0];
	s0 =	sadd.s32 $0x4, s0;
	[tilespmem:s1+$0x0] =	vst v8;
	v0 =	vmul.f32 $8.000000000e+00, v0;
	v6 =	vmul.f32 $8.000000000e+00, v6  }
0xc6: {  	v8 =	vld [tilespmem:s13+$0x40];
	p0 =	slt.u32 s0, $0x44;
	[tilespmem:s1+$0x50] =	vst v9;
	v3 =	vmul.f32 $8.000000000e+00, v3  }
0xc7: {  	v9 =	vld [tilespmem:s13+$0xE0];
	v4 =	vmul.f32 $8.000000000e+00, v4;
	[tilespmem:s1+$0xF0] =	vst v6  }
0xc8: {  	v11 =	vld [tilespmem:s13+$0x20];
	v5 =	vmul.f32 $8.000000000e+00, v5;
	[tilespmem:s1+$0x80] =	vst v3  }
0xc9: {  	v3 =	vld [tilespmem:s13+$0xD0];
	v6 =	vmul.f32 $8.000000000e+00, v7;
	[tilespmem:s1+$0x90] =	vst v0  }
0xca: {  	v0 =	vld [tilespmem:s13+$0x90];
	v7 =	vmul.f32 $8.000000000e+00, v10;
	[tilespmem:s1+$0x10] =	vst v1  }
0xcb: {  	v1 =	vld [tilespmem:s13+$0x10];
	[tilespmem:s1+$0x30] =	vst v6  }
0xcc: {  	v10 =	vld [tilespmem:s13+$0xC0];
	v9 =	vmul.f32 $8.000000000e+00, v9;
	[tilespmem:s1+$0xB0] =	vst v2  }
0xcd: {  	v2 =	vld [tilespmem:s13+$0x0];
	[tilespmem:s1+$0x70] =	vst v4  }
0xce: {  	v12 =	vld [tilespmem:s13+$0xB0];
	v3 =	vmul.f32 $8.000000000e+00, v3;
	[tilespmem:s1+$0x60] =	vst v5;
	s1 =	smov.u32 s13  }
0xcf: {  	v13 =	vld [tilespmem:s13+$0x50];
	[tilespmem:s13+$0xA0] =	vst v7  }
.Ltmp3:
0xd0: {  	v4 =	vmul.f32 $8.000000000e+00, v8;
	[tilespmem:s13+$0xD0] =	vst v3;
	v6 =	vld [tilespmem:s13+$0xF0];
	(pc) =	sbr.rel @p0 .LBB2_9-.Ltmp3, $4  }
0xd1: {  	v3 =	vld [tilespmem:s13+$0x80];
	v7 =	vmul.f32 $8.000000000e+00, v10;
	[tilespmem:s13+$0xE0] =	vst v9  }
0xd2: {  	v9 =	vmul.f32 $8.000000000e+00, v11;
	[tilespmem:s13+$0x40] =	vst v4;
	v4 =	vld [tilespmem:s13+$0x70]  }
0xd3: {  	v1 =	vmul.f32 $8.000000000e+00, v1;
	v8 =	vmul.f32 $8.000000000e+00, v2;
	v5 =	vld [tilespmem:s13+$0x60];
	[tilespmem:s13+$0xC0] =	vst v7  }
0xd4: {  	v2 =	vmul.f32 $8.000000000e+00, v12;
	s13 =	sadd.s32 $0x100, s13;
	[tilespmem:s1+$0x20] =	vst v9;
	v7 =	vld [tilespmem:s1+$0x30];
	v9 =	vmul.f32 $8.000000000e+00, v13  }
0xd5: {  	[tilespmem:s1+$0x0] =	vst v8  }
0xd6: {  	[tilespmem:s1+$0x10] =	vst v1  }
0xd7: {  	v6 =	vmul.f32 $8.000000000e+00, v6;
	[tilespmem:s1+$0x50] =	vst v9  }
0xd8: {  	v0 =	vmul.f32 $8.000000000e+00, v0;
	[tilespmem:s1+$0xB0] =	vst v2  }
0xd9: {  	v3 =	vmul.f32 $8.000000000e+00, v3;
	[tilespmem:s1+$0xF0] =	vst v6  }
0xda: {  	[tilespmem:s1+$0x90] =	vst v0;
	v0 =	vmul.f32 $8.000000000e+00, v4  }
0xdb: {  	[tilespmem:s1+$0x80] =	vst v3;
	v1 =	vmul.f32 $8.000000000e+00, v5  }
0xdc: {  	v3 =	vmul.f32 $8.000000000e+00, v7;
	[tilespmem:s1+$0x70] =	vst v0  }
0xdd: {  	[tilespmem:s1+$0x60] =	vst v1  }
0xde: {  	s0 =	sadd.s32 $0xA40, s31;
	[tilespmem:s1+$0x30] =	vst v3  }
0xdf: {  	[hbm4b:s0+s4] =	stream.linear.scatter [tilespmem:s16], [sflag:$0x3], $0x1200, $0x38;
	[tilespmem:$0x16400] =	vst v63  }
0xe0: {  	_ =	swait.ge [sflag:s22], $0x2000  }
0xe1: {  	[sflag:s22] =	ssyncset.done $0x0  }
0xe2: {  	[sflag:s22] =	ssyncadd.s32 $0xFFFFE000  }
0xe3: {  	_ =	swait.ge [sflag:s22], $0x1200  }
0xe4: {  	[sflag:s22] =	ssyncset.done $0x0  }
0xe5: {  	[sflag:s22] =	ssyncadd.s32 $0xFFFFEE00  }
0xe6: {  	_ =	swait.ge [sflag:s22], $0x2000  }
0xe7: {  	p0 =	sgt.u32 s30, $0x3E;
	[sflag:s22] =	ssyncset.done $0x0  }
0xe8: {  	s0 =	smul.u32 @!p0 $0xC80, s26;
	[sflag:s22] =	ssyncadd.s32 $0xFFFFE000  }
0xe9: {  	_ =	swait.ge [sflag:s22], $0x1200  }
0xea: {  	s13 =	simm.s32 @!p0 $0x80;
	s0 =	sshra.s32 @!p0 s0, $0x2;
	[sflag:s22] =	ssyncset.done $0x0  }
0xeb: {  	s30 =	simm.s32 @!p0 $0x6400;
	s1 =	sadd.s32 @!p0 $0x320, s0;
	[sflag:s22] =	ssyncadd.s32 $0xFFFFEE00  }
0xec: {  	[tilespmem:s30], [sflag:$0x1] =	stream.indirect.gather @!p0 [hbm4b:s5+s13], $0x40, s1, s13, $0xb8;
	[tilespmem:$0x16400] =	vst v63  }
0xed: {  	s31 =	simm.s32 @!p0 $0x8400;
	s1 =	sadd.s32 @!p0 $0x3A0, s0;
	s30 =	simm.s32 @!p0 $0x48  }
0xee: {  	[tilespmem:s31], [sflag:$0x1] =	stream.indirect.gather @!p0 [hbm4b:s5+s30], $0x40, s1, s30, $0xb8;
	[tilespmem:$0x16400] =	vst v63  }
0xef: {  	s1 =	sadd.s32 @!p0 $0x3E8, s0;
	s31 =	simm.s32 @!p0 $0xA400  }
0xf0: {  	[tilespmem:s31], [sflag:$0x1] =	stream.indirect.gather @!p0 [hbm4b:s5+s13], $0x40, s1, s13, $0xb8;
	[tilespmem:$0x16400] =	vst v63  }
0xf1: {  	s0 =	sadd.s32 @!p0 $0x468, s0;
	s1 =	simm.s32 @!p0 $0xC400  }
0xf2: {  	[tilespmem:s1], [sflag:$0x1] =	stream.indirect.gather @!p0 [hbm4b:s5+s30], $0x40, s0, s30, $0xb8;
	[tilespmem:$0x16400] =	vst v63  }
0xf3: {  	_ =	swait.ge [sflag:s23], $0x2000  }
0xf4: {  	[sflag:s23] =	ssyncset.done $0x0  }
0xf5: {  	[sflag:s23] =	ssyncadd.s32 $0xFFFFE000  }
0xf6: {  	_ =	swait.ge [sflag:s23], $0x1200  }
0xf7: {  	[sflag:s23] =	ssyncset.done $0x0  }
0xf8: {  	[sflag:s23] =	ssyncadd.s32 $0xFFFFEE00  }
0xf9: {  	_ =	swait.ge [sflag:s23], $0x2000  }
0xfa: {  	[sflag:s23] =	ssyncset.done $0x0  }
0xfb: {  	[sflag:s23] =	ssyncadd.s32 $0xFFFFE000  }
0xfc: {  	_ =	swait.ge [sflag:s23], $0x1200  }
0xfd: {  	[sflag:s23] =	ssyncset.done $0x0  }
0xfe: {  	s30 =	simm.s32 $0xE400;
	[sflag:s23] =	ssyncadd.s32 $0xFFFFEE00  }
0xff: {  	v1 =	vld [tilespmem:s30+$0xA0]  }
0x100: {  	v2 =	vld [tilespmem:s30+$0x40]  }
0x101: {  	v3 =	vld [tilespmem:s30+$0xE0]  }
0x102: {  	v4 =	vld [tilespmem:s30+$0xD0]  }
0x103: {  	v5 =	vld [tilespmem:s30+$0x20]  }
0x104: {  	v0 =	vld [tilespmem:s30+$0x90]  }
0x105: {  	v8 =	vld [tilespmem:s30+$0xC0]  }
0x106: {  	v7 =	vld [tilespmem:s30+$0x10]  }
0x107: {  	v9 =	vld [tilespmem:s30+$0x0];
	v1 =	vmul.f32 $8.000000000e+00, v1  }
0x108: {  	v11 =	vld [tilespmem:s30+$0x50];
	v4 =	vmul.f32 $8.000000000e+00, v4  }
0x109: {  	v10 =	vld [tilespmem:s30+$0xB0];
	v12 =	vmul.f32 $8.000000000e+00, v5;
	[tilespmem:s30+$0xA0] =	vst v1  }
0x10a: {  	v6 =	vld [tilespmem:s30+$0xF0];
	v13 =	vmul.f32 $8.000000000e+00, v8;
	[tilespmem:s30+$0xD0] =	vst v4  }
0x10b: {  	v1 =	vmul.f32 $8.000000000e+00, v2;
	v2 =	vmul.f32 $8.000000000e+00, v3;
	v3 =	vld [tilespmem:s30+$0x80];
	[tilespmem:s30+$0x20] =	vst v12  }
0x10c: {  	v4 =	vld [tilespmem:s30+$0x70];
	[tilespmem:s30+$0xC0] =	vst v13  }
0x10d: {  	v8 =	vmul.f32 $8.000000000e+00, v9;
	v5 =	vld [tilespmem:s30+$0x60];
	v9 =	vmul.f32 $8.000000000e+00, v11;
	[tilespmem:s30+$0x40] =	vst v1  }
0x10e: {  	s0 =	simm.s32 $0x0;
	s1 =	simm.s32 $0xE500;
	[tilespmem:s30+$0xE0] =	vst v2;
	v1 =	vmul.f32 $8.000000000e+00, v7;
	v7 =	vld [tilespmem:s30+$0x30];
	v2 =	vmul.f32 $8.000000000e+00, v10  }
.LBB2_11:
0x10f: {  	v10 =	vld [tilespmem:s1+$0xA0];
	s0 =	sadd.s32 $0x4, s0;
	[tilespmem:s30+$0x0] =	vst v8;
	v0 =	vmul.f32 $8.000000000e+00, v0;
	v6 =	vmul.f32 $8.000000000e+00, v6  }
0x110: {  	v8 =	vld [tilespmem:s1+$0x40];
	p0 =	slt.u32 s0, $0x7C;
	[tilespmem:s30+$0x50] =	vst v9;
	v3 =	vmul.f32 $8.000000000e+00, v3  }
0x111: {  	v9 =	vld [tilespmem:s1+$0xE0];
	v4 =	vmul.f32 $8.000000000e+00, v4;
	[tilespmem:s30+$0xF0] =	vst v6  }
0x112: {  	v11 =	vld [tilespmem:s1+$0x20];
	v5 =	vmul.f32 $8.000000000e+00, v5;
	[tilespmem:s30+$0x80] =	vst v3  }
0x113: {  	v3 =	vld [tilespmem:s1+$0xD0];
	v6 =	vmul.f32 $8.000000000e+00, v7;
	[tilespmem:s30+$0x90] =	vst v0  }
0x114: {  	v0 =	vld [tilespmem:s1+$0x90];
	v7 =	vmul.f32 $8.000000000e+00, v10;
	[tilespmem:s30+$0x10] =	vst v1  }
0x115: {  	v1 =	vld [tilespmem:s1+$0x10];
	[tilespmem:s30+$0x30] =	vst v6  }
0x116: {  	v10 =	vld [tilespmem:s1+$0xC0];
	v9 =	vmul.f32 $8.000000000e+00, v9;
	[tilespmem:s30+$0xB0] =	vst v2  }
0x117: {  	v2 =	vld [tilespmem:s1+$0x0];
	[tilespmem:s30+$0x70] =	vst v4  }
0x118: {  	v12 =	vld [tilespmem:s1+$0xB0];
	v3 =	vmul.f32 $8.000000000e+00, v3;
	[tilespmem:s30+$0x60] =	vst v5;
	s30 =	smov.u32 s1  }
0x119: {  	v13 =	vld [tilespmem:s1+$0x50];
	[tilespmem:s1+$0xA0] =	vst v7  }
.Ltmp4:
0x11a: {  	v4 =	vmul.f32 $8.000000000e+00, v8;
	[tilespmem:s1+$0xD0] =	vst v3;
	v6 =	vld [tilespmem:s1+$0xF0];
	(pc) =	sbr.rel @p0 .LBB2_11-.Ltmp4, $4  }
0x11b: {  	v3 =	vld [tilespmem:s1+$0x80];
	v7 =	vmul.f32 $8.000000000e+00, v10;
	[tilespmem:s1+$0xE0] =	vst v9  }
0x11c: {  	v9 =	vmul.f32 $8.000000000e+00, v11;
	[tilespmem:s1+$0x40] =	vst v4;
	v4 =	vld [tilespmem:s1+$0x70]  }
0x11d: {  	v1 =	vmul.f32 $8.000000000e+00, v1;
	v8 =	vmul.f32 $8.000000000e+00, v2;
	v5 =	vld [tilespmem:s1+$0x60];
	[tilespmem:s1+$0xC0] =	vst v7  }
0x11e: {  	v2 =	vmul.f32 $8.000000000e+00, v12;
	s1 =	sadd.s32 $0x100, s1;
	[tilespmem:s30+$0x20] =	vst v9;
	v7 =	vld [tilespmem:s30+$0x30];
	v9 =	vmul.f32 $8.000000000e+00, v13  }
0x11f: {  	[tilespmem:s30+$0x0] =	vst v8  }
0x120: {  	[tilespmem:s30+$0x10] =	vst v1  }
0x121: {  	v6 =	vmul.f32 $8.000000000e+00, v6;
	[tilespmem:s30+$0x50] =	vst v9  }
0x122: {  	v0 =	vmul.f32 $8.000000000e+00, v0;
	[tilespmem:s30+$0xB0] =	vst v2  }
0x123: {  	v3 =	vmul.f32 $8.000000000e+00, v3;
	[tilespmem:s30+$0xF0] =	vst v6  }
0x124: {  	s0 =	sor.u32 s3, s29;
	[tilespmem:s30+$0x90] =	vst v0;
	v0 =	vmul.f32 $8.000000000e+00, v4  }
0x125: {  	s0 =	smul.u32 $0x3200, s0;
	[tilespmem:s30+$0x80] =	vst v3;
	v1 =	vmul.f32 $8.000000000e+00, v5  }
0x126: {  	v3 =	vmul.f32 $8.000000000e+00, v7;
	[tilespmem:s30+$0x70] =	vst v0  }
0x127: {  	s0 =	sshrl.u32 s0, $0x3;
	[tilespmem:s30+$0x60] =	vst v1  }
0x128: {  	s1 =	simm.s32 $0x10400;
	s29 =	sadd.s32 s2, s0;
	[tilespmem:s30+$0x30] =	vst v3  }
0x129: {  	[hbm4b:s29+s4] =	stream.linear.scatter [tilespmem:s17], [sflag:$0x4], $0x2000, $0x38;
	[tilespmem:$0x16400] =	vst v63  }
0x12a: {  	v1 =	vld [tilespmem:s1+$0xA0]  }
0x12b: {  	v2 =	vld [tilespmem:s1+$0x40]  }
0x12c: {  	v3 =	vld [tilespmem:s1+$0xE0]  }
0x12d: {  	v4 =	vld [tilespmem:s1+$0xD0]  }
0x12e: {  	v5 =	vld [tilespmem:s1+$0x20]  }
0x12f: {  	v0 =	vld [tilespmem:s1+$0x90]  }
0x130: {  	v8 =	vld [tilespmem:s1+$0xC0]  }
0x131: {  	v7 =	vld [tilespmem:s1+$0x10]  }
0x132: {  	v9 =	vld [tilespmem:s1+$0x0];
	v1 =	vmul.f32 $8.000000000e+00, v1  }
0x133: {  	v11 =	vld [tilespmem:s1+$0x50];
	v4 =	vmul.f32 $8.000000000e+00, v4  }
0x134: {  	v10 =	vld [tilespmem:s1+$0xB0];
	v12 =	vmul.f32 $8.000000000e+00, v5;
	[tilespmem:s1+$0xA0] =	vst v1  }
0x135: {  	v6 =	vld [tilespmem:s1+$0xF0];
	v13 =	vmul.f32 $8.000000000e+00, v8;
	[tilespmem:s1+$0xD0] =	vst v4  }
0x136: {  	v1 =	vmul.f32 $8.000000000e+00, v2;
	v2 =	vmul.f32 $8.000000000e+00, v3;
	v3 =	vld [tilespmem:s1+$0x80];
	[tilespmem:s1+$0x20] =	vst v12  }
0x137: {  	v4 =	vld [tilespmem:s1+$0x70];
	[tilespmem:s1+$0xC0] =	vst v13  }
0x138: {  	v8 =	vmul.f32 $8.000000000e+00, v9;
	v5 =	vld [tilespmem:s1+$0x60];
	v9 =	vmul.f32 $8.000000000e+00, v11;
	[tilespmem:s1+$0x40] =	vst v1  }
0x139: {  	s13 =	simm.s32 $0x10500;
	s0 =	simm.s32 $0x0;
	[tilespmem:s1+$0xE0] =	vst v2;
	v1 =	vmul.f32 $8.000000000e+00, v7;
	v7 =	vld [tilespmem:s1+$0x30];
	v2 =	vmul.f32 $8.000000000e+00, v10  }
.LBB2_13:
0x13a: {  	v10 =	vld [tilespmem:s13+$0xA0];
	s0 =	sadd.s32 $0x4, s0;
	[tilespmem:s1+$0x0] =	vst v8;
	v0 =	vmul.f32 $8.000000000e+00, v0;
	v6 =	vmul.f32 $8.000000000e+00, v6  }
0x13b: {  	v8 =	vld [tilespmem:s13+$0x40];
	p0 =	slt.u32 s0, $0x44;
	[tilespmem:s1+$0x50] =	vst v9;
	v3 =	vmul.f32 $8.000000000e+00, v3  }
0x13c: {  	v9 =	vld [tilespmem:s13+$0xE0];
	v4 =	vmul.f32 $8.000000000e+00, v4;
	[tilespmem:s1+$0xF0] =	vst v6  }
0x13d: {  	v11 =	vld [tilespmem:s13+$0x20];
	v5 =	vmul.f32 $8.000000000e+00, v5;
	[tilespmem:s1+$0x80] =	vst v3  }
0x13e: {  	v3 =	vld [tilespmem:s13+$0xD0];
	v6 =	vmul.f32 $8.000000000e+00, v7;
	[tilespmem:s1+$0x90] =	vst v0  }
0x13f: {  	v0 =	vld [tilespmem:s13+$0x90];
	v7 =	vmul.f32 $8.000000000e+00, v10;
	[tilespmem:s1+$0x10] =	vst v1  }
0x140: {  	v1 =	vld [tilespmem:s13+$0x10];
	[tilespmem:s1+$0x30] =	vst v6  }
0x141: {  	v10 =	vld [tilespmem:s13+$0xC0];
	v9 =	vmul.f32 $8.000000000e+00, v9;
	[tilespmem:s1+$0xB0] =	vst v2  }
0x142: {  	v2 =	vld [tilespmem:s13+$0x0];
	[tilespmem:s1+$0x70] =	vst v4  }
0x143: {  	v12 =	vld [tilespmem:s13+$0xB0];
	v3 =	vmul.f32 $8.000000000e+00, v3;
	[tilespmem:s1+$0x60] =	vst v5;
	s1 =	smov.u32 s13  }
0x144: {  	v13 =	vld [tilespmem:s13+$0x50];
	[tilespmem:s13+$0xA0] =	vst v7  }
.Ltmp5:
0x145: {  	v4 =	vmul.f32 $8.000000000e+00, v8;
	[tilespmem:s13+$0xD0] =	vst v3;
	v6 =	vld [tilespmem:s13+$0xF0];
	(pc) =	sbr.rel @p0 .LBB2_13-.Ltmp5, $4  }
0x146: {  	v3 =	vld [tilespmem:s13+$0x80];
	v7 =	vmul.f32 $8.000000000e+00, v10;
	[tilespmem:s13+$0xE0] =	vst v9  }
0x147: {  	v9 =	vmul.f32 $8.000000000e+00, v11;
	[tilespmem:s13+$0x40] =	vst v4;
	v4 =	vld [tilespmem:s13+$0x70]  }
0x148: {  	v1 =	vmul.f32 $8.000000000e+00, v1;
	v8 =	vmul.f32 $8.000000000e+00, v2;
	v5 =	vld [tilespmem:s13+$0x60];
	[tilespmem:s13+$0xC0] =	vst v7  }
0x149: {  	v2 =	vmul.f32 $8.000000000e+00, v12;
	s13 =	sadd.s32 $0x100, s13;
	[tilespmem:s1+$0x20] =	vst v9;
	v7 =	vld [tilespmem:s1+$0x30];
	v9 =	vmul.f32 $8.000000000e+00, v13  }
0x14a: {  	[tilespmem:s1+$0x0] =	vst v8  }
0x14b: {  	[tilespmem:s1+$0x10] =	vst v1  }
0x14c: {  	v6 =	vmul.f32 $8.000000000e+00, v6;
	[tilespmem:s1+$0x50] =	vst v9  }
0x14d: {  	v0 =	vmul.f32 $8.000000000e+00, v0;
	[tilespmem:s1+$0xB0] =	vst v2  }
0x14e: {  	v3 =	vmul.f32 $8.000000000e+00, v3;
	[tilespmem:s1+$0xF0] =	vst v6  }
0x14f: {  	[tilespmem:s1+$0x90] =	vst v0;
	v0 =	vmul.f32 $8.000000000e+00, v4  }
0x150: {  	[tilespmem:s1+$0x80] =	vst v3;
	v1 =	vmul.f32 $8.000000000e+00, v5  }
0x151: {  	v3 =	vmul.f32 $8.000000000e+00, v7;
	[tilespmem:s1+$0x70] =	vst v0  }
0x152: {  	[tilespmem:s1+$0x60] =	vst v1  }
0x153: {  	s0 =	sadd.s32 $0x400, s29;
	s29 =	simm.s32 $0x12400;
	[tilespmem:s1+$0x30] =	vst v3  }
0x154: {  	[hbm4b:s0+s4] =	stream.linear.scatter [tilespmem:s18], [sflag:$0x4], $0x1200, $0x38;
	[tilespmem:$0x16400] =	vst v63  }
0x155: {  	v1 =	vld [tilespmem:s29+$0xA0]  }
0x156: {  	v2 =	vld [tilespmem:s29+$0x40]  }
0x157: {  	v3 =	vld [tilespmem:s29+$0xE0]  }
0x158: {  	v4 =	vld [tilespmem:s29+$0xD0]  }
0x159: {  	v5 =	vld [tilespmem:s29+$0x20]  }
0x15a: {  	v0 =	vld [tilespmem:s29+$0x90]  }
0x15b: {  	v8 =	vld [tilespmem:s29+$0xC0]  }
0x15c: {  	v7 =	vld [tilespmem:s29+$0x10]  }
0x15d: {  	v9 =	vld [tilespmem:s29+$0x0];
	v1 =	vmul.f32 $8.000000000e+00, v1  }
0x15e: {  	v11 =	vld [tilespmem:s29+$0x50];
	v4 =	vmul.f32 $8.000000000e+00, v4  }
0x15f: {  	v10 =	vld [tilespmem:s29+$0xB0];
	v12 =	vmul.f32 $8.000000000e+00, v5;
	[tilespmem:s29+$0xA0] =	vst v1  }
0x160: {  	v6 =	vld [tilespmem:s29+$0xF0];
	v13 =	vmul.f32 $8.000000000e+00, v8;
	[tilespmem:s29+$0xD0] =	vst v4  }
0x161: {  	v1 =	vmul.f32 $8.000000000e+00, v2;
	v2 =	vmul.f32 $8.000000000e+00, v3;
	v3 =	vld [tilespmem:s29+$0x80];
	[tilespmem:s29+$0x20] =	vst v12  }
0x162: {  	v4 =	vld [tilespmem:s29+$0x70];
	[tilespmem:s29+$0xC0] =	vst v13  }
0x163: {  	v8 =	vmul.f32 $8.000000000e+00, v9;
	v5 =	vld [tilespmem:s29+$0x60];
	v9 =	vmul.f32 $8.000000000e+00, v11;
	[tilespmem:s29+$0x40] =	vst v1  }
0x164: {  	s1 =	simm.s32 $0x12500;
	s0 =	simm.s32 $0x0;
	[tilespmem:s29+$0xE0] =	vst v2;
	v1 =	vmul.f32 $8.000000000e+00, v7;
	v7 =	vld [tilespmem:s29+$0x30];
	v2 =	vmul.f32 $8.000000000e+00, v10  }
.LBB2_15:
0x165: {  	v10 =	vld [tilespmem:s1+$0xA0];
	s0 =	sadd.s32 $0x4, s0;
	[tilespmem:s29+$0x0] =	vst v8;
	v0 =	vmul.f32 $8.000000000e+00, v0;
	v6 =	vmul.f32 $8.000000000e+00, v6  }
0x166: {  	v8 =	vld [tilespmem:s1+$0x40];
	p0 =	slt.u32 s0, $0x7C;
	[tilespmem:s29+$0x50] =	vst v9;
	v3 =	vmul.f32 $8.000000000e+00, v3  }
0x167: {  	v9 =	vld [tilespmem:s1+$0xE0];
	v4 =	vmul.f32 $8.000000000e+00, v4;
	[tilespmem:s29+$0xF0] =	vst v6  }
0x168: {  	v11 =	vld [tilespmem:s1+$0x20];
	v5 =	vmul.f32 $8.000000000e+00, v5;
	[tilespmem:s29+$0x80] =	vst v3  }
0x169: {  	v3 =	vld [tilespmem:s1+$0xD0];
	v6 =	vmul.f32 $8.000000000e+00, v7;
	[tilespmem:s29+$0x90] =	vst v0  }
0x16a: {  	v0 =	vld [tilespmem:s1+$0x90];
	v7 =	vmul.f32 $8.000000000e+00, v10;
	[tilespmem:s29+$0x10] =	vst v1  }
0x16b: {  	v1 =	vld [tilespmem:s1+$0x10];
	[tilespmem:s29+$0x30] =	vst v6  }
0x16c: {  	v10 =	vld [tilespmem:s1+$0xC0];
	v9 =	vmul.f32 $8.000000000e+00, v9;
	[tilespmem:s29+$0xB0] =	vst v2  }
0x16d: {  	v2 =	vld [tilespmem:s1+$0x0];
	[tilespmem:s29+$0x70] =	vst v4  }
0x16e: {  	v12 =	vld [tilespmem:s1+$0xB0];
	v3 =	vmul.f32 $8.000000000e+00, v3;
	[tilespmem:s29+$0x60] =	vst v5;
	s29 =	smov.u32 s1  }
0x16f: {  	v13 =	vld [tilespmem:s1+$0x50];
	[tilespmem:s1+$0xA0] =	vst v7  }
.Ltmp6:
0x170: {  	v4 =	vmul.f32 $8.000000000e+00, v8;
	[tilespmem:s1+$0xD0] =	vst v3;
	v6 =	vld [tilespmem:s1+$0xF0];
	(pc) =	sbr.rel @p0 .LBB2_15-.Ltmp6, $4  }
0x171: {  	v3 =	vld [tilespmem:s1+$0x80];
	v7 =	vmul.f32 $8.000000000e+00, v10;
	[tilespmem:s1+$0xE0] =	vst v9  }
0x172: {  	v9 =	vmul.f32 $8.000000000e+00, v11;
	[tilespmem:s1+$0x40] =	vst v4;
	v4 =	vld [tilespmem:s1+$0x70]  }
0x173: {  	v1 =	vmul.f32 $8.000000000e+00, v1;
	v8 =	vmul.f32 $8.000000000e+00, v2;
	v5 =	vld [tilespmem:s1+$0x60];
	[tilespmem:s1+$0xC0] =	vst v7  }
0x174: {  	v2 =	vmul.f32 $8.000000000e+00, v12;
	s1 =	sadd.s32 $0x100, s1;
	[tilespmem:s29+$0x20] =	vst v9;
	v7 =	vld [tilespmem:s29+$0x30];
	v9 =	vmul.f32 $8.000000000e+00, v13  }
0x175: {  	[tilespmem:s29+$0x0] =	vst v8  }
0x176: {  	[tilespmem:s29+$0x10] =	vst v1  }
0x177: {  	v6 =	vmul.f32 $8.000000000e+00, v6;
	[tilespmem:s29+$0x50] =	vst v9  }
0x178: {  	v0 =	vmul.f32 $8.000000000e+00, v0;
	[tilespmem:s29+$0xB0] =	vst v2  }
0x179: {  	v3 =	vmul.f32 $8.000000000e+00, v3;
	[tilespmem:s29+$0xF0] =	vst v6  }
0x17a: {  	s0 =	sor.u32 s3, s28;
	[tilespmem:s29+$0x90] =	vst v0;
	v0 =	vmul.f32 $8.000000000e+00, v4  }
0x17b: {  	s0 =	smul.u32 $0x3200, s0;
	[tilespmem:s29+$0x80] =	vst v3;
	v1 =	vmul.f32 $8.000000000e+00, v5  }
0x17c: {  	v3 =	vmul.f32 $8.000000000e+00, v7;
	[tilespmem:s29+$0x70] =	vst v0  }
0x17d: {  	s0 =	sshrl.u32 s0, $0x3;
	[tilespmem:s29+$0x60] =	vst v1  }
0x17e: {  	s1 =	simm.s32 $0x14400;
	s28 =	sadd.s32 s2, s0;
	[tilespmem:s29+$0x30] =	vst v3  }
0x17f: {  	[hbm4b:s28+s4] =	stream.linear.scatter [tilespmem:s19], [sflag:$0x4], $0x2000, $0x38;
	[tilespmem:$0x16400] =	vst v63  }
0x180: {  	v1 =	vld [tilespmem:s1+$0xA0]  }
0x181: {  	v2 =	vld [tilespmem:s1+$0x40]  }
0x182: {  	v3 =	vld [tilespmem:s1+$0xE0]  }
0x183: {  	v4 =	vld [tilespmem:s1+$0xD0]  }
0x184: {  	v5 =	vld [tilespmem:s1+$0x20]  }
0x185: {  	v0 =	vld [tilespmem:s1+$0x90]  }
0x186: {  	v8 =	vld [tilespmem:s1+$0xC0]  }
0x187: {  	v7 =	vld [tilespmem:s1+$0x10]  }
0x188: {  	v9 =	vld [tilespmem:s1+$0x0];
	v1 =	vmul.f32 $8.000000000e+00, v1  }
0x189: {  	v11 =	vld [tilespmem:s1+$0x50];
	v4 =	vmul.f32 $8.000000000e+00, v4  }
0x18a: {  	v10 =	vld [tilespmem:s1+$0xB0];
	v12 =	vmul.f32 $8.000000000e+00, v5;
	[tilespmem:s1+$0xA0] =	vst v1  }
0x18b: {  	v6 =	vld [tilespmem:s1+$0xF0];
	v13 =	vmul.f32 $8.000000000e+00, v8;
	[tilespmem:s1+$0xD0] =	vst v4  }
0x18c: {  	v1 =	vmul.f32 $8.000000000e+00, v2;
	v2 =	vmul.f32 $8.000000000e+00, v3;
	v3 =	vld [tilespmem:s1+$0x80];
	[tilespmem:s1+$0x20] =	vst v12  }
0x18d: {  	v4 =	vld [tilespmem:s1+$0x70];
	[tilespmem:s1+$0xC0] =	vst v13  }
0x18e: {  	v8 =	vmul.f32 $8.000000000e+00, v9;
	v5 =	vld [tilespmem:s1+$0x60];
	v9 =	vmul.f32 $8.000000000e+00, v11;
	[tilespmem:s1+$0x40] =	vst v1  }
0x18f: {  	s13 =	simm.s32 $0x14500;
	s0 =	simm.s32 $0x0;
	[tilespmem:s1+$0xE0] =	vst v2;
	v1 =	vmul.f32 $8.000000000e+00, v7;
	v7 =	vld [tilespmem:s1+$0x30];
	v2 =	vmul.f32 $8.000000000e+00, v10  }
.LBB2_17:
0x190: {  	v10 =	vld [tilespmem:s13+$0xA0];
	s0 =	sadd.s32 $0x4, s0;
	[tilespmem:s1+$0x0] =	vst v8;
	v0 =	vmul.f32 $8.000000000e+00, v0;
	v6 =	vmul.f32 $8.000000000e+00, v6  }
0x191: {  	v8 =	vld [tilespmem:s13+$0x40];
	p0 =	slt.u32 s0, $0x44;
	[tilespmem:s1+$0x50] =	vst v9;
	v3 =	vmul.f32 $8.000000000e+00, v3  }
0x192: {  	v9 =	vld [tilespmem:s13+$0xE0];
	v4 =	vmul.f32 $8.000000000e+00, v4;
	[tilespmem:s1+$0xF0] =	vst v6  }
0x193: {  	v11 =	vld [tilespmem:s13+$0x20];
	v5 =	vmul.f32 $8.000000000e+00, v5;
	[tilespmem:s1+$0x80] =	vst v3  }
0x194: {  	v3 =	vld [tilespmem:s13+$0xD0];
	v6 =	vmul.f32 $8.000000000e+00, v7;
	[tilespmem:s1+$0x90] =	vst v0  }
0x195: {  	v0 =	vld [tilespmem:s13+$0x90];
	v7 =	vmul.f32 $8.000000000e+00, v10;
	[tilespmem:s1+$0x10] =	vst v1  }
0x196: {  	v1 =	vld [tilespmem:s13+$0x10];
	[tilespmem:s1+$0x30] =	vst v6  }
0x197: {  	v10 =	vld [tilespmem:s13+$0xC0];
	v9 =	vmul.f32 $8.000000000e+00, v9;
	[tilespmem:s1+$0xB0] =	vst v2  }
0x198: {  	v2 =	vld [tilespmem:s13+$0x0];
	[tilespmem:s1+$0x70] =	vst v4  }
0x199: {  	v12 =	vld [tilespmem:s13+$0xB0];
	v3 =	vmul.f32 $8.000000000e+00, v3;
	[tilespmem:s1+$0x60] =	vst v5;
	s1 =	smov.u32 s13  }
0x19a: {  	v13 =	vld [tilespmem:s13+$0x50];
	[tilespmem:s13+$0xA0] =	vst v7  }
.Ltmp7:
0x19b: {  	v4 =	vmul.f32 $8.000000000e+00, v8;
	[tilespmem:s13+$0xD0] =	vst v3;
	v6 =	vld [tilespmem:s13+$0xF0];
	(pc) =	sbr.rel @p0 .LBB2_17-.Ltmp7, $4  }
0x19c: {  	v3 =	vld [tilespmem:s13+$0x80];
	v7 =	vmul.f32 $8.000000000e+00, v10;
	[tilespmem:s13+$0xE0] =	vst v9  }
0x19d: {  	v9 =	vmul.f32 $8.000000000e+00, v11;
	[tilespmem:s13+$0x40] =	vst v4;
	v4 =	vld [tilespmem:s13+$0x70]  }
0x19e: {  	v1 =	vmul.f32 $8.000000000e+00, v1;
	v8 =	vmul.f32 $8.000000000e+00, v2;
	v5 =	vld [tilespmem:s13+$0x60];
	[tilespmem:s13+$0xC0] =	vst v7  }
0x19f: {  	v2 =	vmul.f32 $8.000000000e+00, v12;
	s13 =	sadd.s32 $0x100, s13;
	[tilespmem:s1+$0x20] =	vst v9;
	v7 =	vld [tilespmem:s1+$0x30];
	v9 =	vmul.f32 $8.000000000e+00, v13  }
0x1a0: {  	[tilespmem:s1+$0x0] =	vst v8  }
0x1a1: {  	[tilespmem:s1+$0x10] =	vst v1  }
0x1a2: {  	v6 =	vmul.f32 $8.000000000e+00, v6;
	[tilespmem:s1+$0x50] =	vst v9  }
0x1a3: {  	v0 =	vmul.f32 $8.000000000e+00, v0;
	[tilespmem:s1+$0xB0] =	vst v2  }
0x1a4: {  	s26 =	sadd.s32 $0x1, s26;
	v3 =	vmul.f32 $8.000000000e+00, v3;
	[tilespmem:s1+$0xF0] =	vst v6  }
0x1a5: {  	p0 =	sne.s32 s26, $0x20;
	[tilespmem:s1+$0x90] =	vst v0;
	v62 =	vmul.f32 $8.000000000e+00, v4  }
.Ltmp8:
0x1a6: {  	[tilespmem:s1+$0x80] =	vst v3;
	v63 =	vmul.f32 $8.000000000e+00, v5;
	(pc) =	sbr.rel @p0 .LBB2_2-.Ltmp8, $4  }
0x1a7: {  	v61 =	vmul.f32 $8.000000000e+00, v7;
	[tilespmem:s1+$0x70] =	vst v62  }
0x1a8: {  	[tilespmem:s1+$0x60] =	vst v63  }
0x1a9: {  	s0 =	sadd.s32 $0x400, s28;
	[tilespmem:s1+$0x30] =	vst v61  }
0x1aa: {  	[hbm4b:s0+s4] =	stream.linear.scatter [tilespmem:s20], [sflag:$0x4], $0x1200, $0x38;
	[tilespmem:$0x16400] =	vst v63  }
0x1ab: {  	_ =	swait.ge [sflag:s24], $0x2000  }
0x1ac: {  	[sflag:s24] =	ssyncset.done $0x0  }
0x1ad: {  	[sflag:s24] =	ssyncadd.s32 $0xFFFFE000  }
0x1ae: {  	_ =	swait.ge [sflag:s24], $0x1200  }
0x1af: {  	[sflag:s24] =	ssyncset.done $0x0  }
0x1b0: {  	s25 =	sadd.s32 $0x1, s25;
	[sflag:s24] =	ssyncadd.s32 $0xFFFFEE00  }
0x1b1: {  	p0 =	sne.s32 s25, s7;
	_ =	swait.ge [sflag:s24], $0x2000  }
.Ltmp9:
0x1b2: {  	[sflag:s24] =	ssyncset.done $0x0;
	(pc) =	sbr.rel @p0 .LBB2_1-.Ltmp9, $4  }
0x1b3: {  	[sflag:s24] =	ssyncadd.s32 $0xFFFFE000  }
0x1b4: {  	_ =	swait.ge [sflag:s24], $0x1200  }
0x1b5: {  	[sflag:s24] =	ssyncset.done $0x0  }
0x1b6: {  	[sflag:s24] =	ssyncadd.s32 $0xFFFFEE00  }
0x1b7: {  	_ =	sfence.sel $0x180000  }
0x1b8: {  	[bflag:$0x0] =	sbarrier.arrive $0xFFFF  }
0x1b9: {  	_ =	strace $0x90000047  }
0x1ba: {  	s0 =	stileid.u32;
	[bflag:$0x2] =	sbarrier.arrive $0xFFFF  }
0x1bb: {  	p0 =	sne.s32 s0, $0x0;
	s0 =	rddreg [dreg:$0x2]  }
0x1bc: {  	s0 =	sadd.s32 @!p0 $0x100000, s0  }
0x1bd: {  	[sflag:s0] =	ssyncadd.tile.s32 @!p0 $0x1;
	_ =	shalt  }
.Lfunc_end2:
_tile_overlayer_lowered:
.L_overlay_start_2:
0x1be: {  	(tag) =	ssettag $0x2  }
0x1bf: {  	s0 =	rddreg [dreg:$0x0];
	s2 =	stileid.u32  }
0x1c0: {  	s1 =	rddreg [dreg:$0x1];
	p0 =	sne.s32 s2, $0x0  }
0x1c1: {  	s3 =	rddreg [dreg:$0x2];
	[bflag:$0x3] =	sbarrier.arrive $0xFFFF;
	s2 =	simm.s32 @!p0 $0x1C05  }
0x1c2: {  	[timem:s3], [sflag:s2] =	dma.local @!p0 [hbm:s0], s1  }
0x1c3: {  	s0 =	simm.s32 @!p0 $0x5  }
0x1c4: {  	_ =	swait.ge @!p0 [sflag:s0], s1  }
0x1c5: {  	s1 =	ssub.s32 @!p0 $0x0, s1;
	[sflag:s0] =	ssyncset.done @!p0 $0x0  }
0x1c6: {  	[sflag:s0] =	ssyncadd.s32 @!p0 s1  }
0x1c7: {  	[bflag:$0x3] =	sbarrier.arrive $0xFFFF  }
0x1c8: {  	_ =	shalt  }

// kernel: sparse-core-data-format-call.cloned.1.call-start
scs
called_computation_lowered:
.L_overlay_start_0:
0x0: {  	s2 =	sld [smem:$0x3FD9]  }
0x1: {  	s3 =	sld [smem:$0x3FFE];
	_ =	sdelay $0x1  }
0x2: {  	s1 =	srdreg.scid  }
0x3: {  	s0 =	sand.u32 $0x1, s1  }
0x4: {  	s18 =	sshll.u32 s0, $0xA;
	s2 =	sadd.s32 s3, s2  }
0x5: {  	s2 =	sadd.s32 s2, s18  }
0x6: {  	[smem:$0x3FC6] =	sst s2  }
0x7: {  	_ = 	snop  }
0x8: {  	s2 =	sld [smem:$0x3FD0];
	(tm) =	ssettm $0x1  }
0x9: {  	s19 =	sld [smem:$0x3FFB];
	_ =	sdelay $0x3  }
0xa: {  	_ =	strace s19  }
0xb: {  	s3 =	sld [smem:$0x3FFC];
	_ =	sdelay $0x3  }
0xc: {  	_ =	strace s3  }
0xd: {  	s3 =	sld [smem:$0x3FFD];
	_ =	sdelay $0x3  }
0xe: {  	_ =	strace s3  }
0xf: {  	_ =	strace $0x8FFFFFFF  }
0x10: {  	s20 =	sld [smem:$0x3FDB];
	_ =	sdelay $0x1  }
0x11: {  	s4 =	simm.s32 $_scs_section_size  }
0x12: {  	s5 =	simm.s32 $_size__tile_overlayer_lowered;
	s6 =	simm.s32 $_tile_overlayer_lowered  }
0x13: {  	s23 =	simm.s32 $0x1BFF;
	s22 =	sshll.u32 s6, $0x1;
	s3 =	sadd.s32 s4, s20  }
0x14: {  	s7 =	simm.s32 $0x0;
	s21 =	sshll.u32 s5, $0x1;
	s5 =	sadd.s32 s22, s3  }
0x15: {  	[timem:s7], [sflag:s23] =	dma.local [hbm:s5], s21  }
0x16: {  	_ =	swait.ge [sflag:s23], s21  }
0x17: {  	s4 =	ssub.s32 $0x0, s21;
	[sflag:s23] =	ssyncset.done $0x0  }
0x18: {  	[sflag:s23] =	ssyncadd.s32 s4;
	_ =	sdelay $0x1  }
0x19: {  	s24 =	simm.s32 $0x1B8B  }
0x1a: {  	_ =	swait.ge [sflag:s24], $0x1  }
0x1b: {  	[sflag:s24] =	ssyncset.done $0x0  }
0x1c: {  	s26 =	simm.s32 $0x1B8E;
	s25 =	sld [smem:$0x3FFE];
	[sflag:s24] =	ssyncadd.s32 $0xFFFFFFFF  }
0x1d: {  	s27 =	simm.s32 $execute0_lowered;
	[smem:$0x3FD2] =	sst s26  }
0x1e: {  	s5 =	sshll.u32 s27, $0x1;
	_ =	strace $0x80000049;
	[dreg:$0x1] =	wrdreg $0xFFFFFFFF  }
0x1f: {  	s28 =	simm.s32 $_size_execute0_lowered;
	s3 =	sadd.s32 s3, s5;
	[dreg:$0x0] =	wrdreg $0x0  }
0x20: {  	s5 =	sshll.u32 s28, $0x1;
	[dreg:$0x2] =	wrdreg s3  }
0x21: {  	[dreg:$0x3] =	wrdreg s5  }
0x22: {  	[dreg:$0x4] =	wrdreg $0xC0  }
0x23: {  	_ =	task [dreg:s7], $0x5FFFF  }
0x24: {  	[dreg:$0x1] =	wrdreg $0xFFFFFFFF  }
0x25: {  	[dreg:$0x0] =	wrdreg $0x60  }
0x26: {  	[dreg:$0x2] =	wrdreg s25  }
0x27: {  	[dreg:$0x3] =	wrdreg s2  }
0x28: {  	[dreg:$0x4] =	wrdreg $0x9  }
0x29: {  	_ =	task.clear_ibuf [dreg:s7], $0x5FFFF;
	_ =	strace $0x90000049  }
0x2a: {  	s29 =	simm.s32 $0x9;
	_ =	strace $0x8000004B  }
0x2b: {  	_ =	swait.ge [sflag:s29], $0x1  }
0x2c: {  	[sflag:s29] =	ssyncadd.s32 $0xFFFFFFFF  }
0x2d: {  	_ =	strace $0x9000004B  }
0x2e: {  	_ =	sfence  }
0x2f: {  	s30 =	sld [smem:$0x0];
	_ =	sdelay $0x2  }
0x30: {  	s31 =	sshll.u32 s1, $0xD;
	s1 =	sshrl.u32 s1, $0x2  }
0x31: {  	s3 =	sand.u32 $0x4000, s31;
	s1 =	sadd.s32 s1, s30  }
0x32: {  	s0 =	sor.u32 s3, s0;
	s1 =	sshll.u32 s1, $0x11  }
0x33: {  	s0 =	sor.u32 s1, s0  }
0x34: {  	s0 =	sadd.s32 $0x8F2B, s0  }
0x35: {  	[sflag:s0] =	ssyncadd.remote.s32 $0x1  }
0x36: {  	_ =	sfence.sel $0xFFFF  }
0x37: {  	[dreg:$0x0] =	wrdreg $0xFFFFFFFF;
	(pc) =	sbr.abs _section_cstart, $3  }
0x38: {  	[dreg:$0x1] =	wrdreg $0xFFFFFFFF  }
0x39: {  	_ =	task.clear_ibuf [dreg:s7], $0x2FFFF;
	_ =	strace $0x9FFFFFFF  }
0x3a: {  	(tm) =	ssettm $0x7FFFFFFF  }
0x3b: {  	_ =	shalt  }
tec
execute0_lowered:
.L_overlay_start_1:
0x0: {  	(tag) =	ssettag $0x1  }
0x1: {  	s0 =	srdreg.scid  }
0x2: {  	s1 =	sshll.u32 s0, $0x4  }
0x3: {  	s0 =	stileid.u32;
	s1 =	sand.u32 $0x10, s1  }
0x4: {  	s1 =	sor.u32 s0, s1  }
0x5: {  	s6 =	rddreg [dreg:$0x0];
	s4 =	simm.s32 $0x1;
	s2 =	sshll.u32 s1, $0x7  }
0x6: {  	s7 =	simm.s32 $0x2;
	s12 =	simm.s32 $0x0;
	s1 =	ssub.s32 $0x1000, s2  }
0x7: {  	s8 =	simm.s32 $0x8000;
	s13 =	simm.s32 $0x0;
	s3 =	sand.u32 $0xF80, s1  }
0x8: {  	s9 =	simm.s32 $0x0;
	s5 =	sshrl.u32 s1, $0xC;
	p0 =	sne.s32 s3, $0x0  }
.Ltmp0:
0x9: {  	s1 =	rddreg [dreg:$0x2];
	s4 =	simm.s32 @!p0 $0x0;
	(pc) =	sbr.rel .LBB1_1-.Ltmp0, $4  }
0xa: {  	s11 =	simm.s32 $0x0;
	s3 =	rddreg [dreg:$0x1];
	s5 =	sadd.s32 s4, s5  }
0xb: {  	_ =	strace $0x8000004A;
	s4 =	simm.s32 $0x1;
	s5 =	smul.u32 $0xC8, s5  }
0xc: {  	s6 =	sadd.s32 $0xA00, s6;
	s10 =	smov.u32 s2;
	[sflag:s4] =	ssyncpa.u1 $0x0  }
0xd: {  	p0 =	por $0x0, $0x0;
	[sflag:s7] =	ssyncpa.u1 $0x0;
	s7 =	sor.u32 $0x1, s5  }
.LBB1_4:
0xe: {  	s16 =	sshll.u32 s13, $0x3;
	s17 =	sand.u32 $0x78, s13  }
0xf: {  	s30 =	sand.u32 $0x7E00, s13;
	s12 =	sshll.u32 s12, $0xF;
	s16 =	sand.u32 $0xC00, s16  }
0x10: {  	[tilespmem:s15+$0x810 ss:$0x81] =	vst.msk $0xffff, v2;
	s31 =	sand.u32 $0x7, s13;
	s16 =	sor.u32 s17, s16;
	s17 =	sadd.s32 s3, s30  }
0x11: {  	[tilespmem:s15+$0x1020 ss:$0x81] =	vst.msk $0xffff, v0;
	s13 =	sshll.u32 s31, $0x12;
	s12 =	sadd.s32 s12, s17;
	s16 =	sshrl.u32 s16, $0x3  }
0x12: {  	[tilespmem:s15+$0x0 ss:$0x81] =	vst.msk $0xffff, v1;
	s13 =	sor.u32 $0x400, s13;
	s12 =	sadd.s32 s16, s12  }
0x13: {  	[hbm4b:s12+s13] =	stream.strided.scatter [tilespmem:s14], [sflag:$0x2], $0x2000, s8, s13, $0x20;
	[tilespmem:$0x8080] =	vst v63  }
.LBB1_5:
0x14: {  	s14 =	sadd.s32 $0x1, s9  }
0x15: {  	s12 =	sadd.s32 $0x1000, s10;
	s16 =	smov.u32 s10;
	p2 =	sgt.s32 s14, $0xC7  }
0x16: {  	s16 =	smov.u32 @p2 s12  }
0x17: {  	s14 =	simm.s32 @p2 $0x0;
	p2 =	sgt.s32 s16, $0xFFF  }
0x18: {  	s16 =	smov.u32 @p2 s2;
	p2 =	sne.s32 s11, s7  }
.Ltmp1:
0x19: {  	p1 =	slt.u32 s11, $0x2;
	(pc) =	sbr.rel @!p2 .LBB1_6-.Ltmp1, $4  }
0x1a: {  	s15 =	simm.s32 @!p1 $0x2  }
0x1b: {  	s13 =	smov.u32 s10;
	p0 =	por !p0, !p0;
	_ =	swait.ge @!p1 [sflag:s15], $0x2000  }
0x1c: {  	s12 =	smov.u32 s9;
	[sflag:s15] =	ssyncset.done @!p1 $0x0;
	s9 =	smov.u32 s14  }
0x1d: {  	s11 =	sadd.s32 $0x1, s11;
	[sflag:s15] =	ssyncadd.s32 @!p1 $0xFFFFE000;
	s10 =	smov.u32 s16  }
.LBB1_1:
0x1e: {  	p1 =	sge.u32 s11, s5  }
0x1f: {  	s14 =	sand.u32 @!p1 $0x1FFFFFF, s9  }
0x20: {  	s15 =	smulhi.u32 @!p1 $0x147AE15, s14;
	_ =	sdelay $0x1  }
0x21: {  	s15 =	smul.u32 @!p1 $0xC8, s15  }
0x22: {  	s16 =	sxor.u32 @!p1 $0xFFFFFFFF, s11;
	s17 =	smul.u32 @!p1 $0xC80, s10  }
0x23: {  	s31 =	sadd.s32 $0xFFFFFFFF, s11;
	s16 =	sshll.u32 @!p1 s16, $0xD;
	s14 =	ssub.s32 @!p1 s14, s15  }
0x24: {  	s15 =	sand.u32 @!p1 $0x2000, s16;
	s16 =	sadd.s32 @!p1 s6, s17;
	s14 =	sshll.u32 @!p1 s14, $0x4  }
0x25: {  	s17 =	simm.s32 @!p1 $0x6400;
	s14 =	sadd.s32 @!p1 s14, s16;
	s16 =	simm.s32 @!p1 $0x40  }
0x26: {  	[tilespmem:s15], [sflag:$0x1] =	stream.strided.gather @!p1 [hbm4b:s14+s16], $0x2000, s17, s16, $0x38;
	[tilespmem:$0x8080] =	vst v63  }
0x27: {  	p1 =	sge.u32 s31, s5  }
.Ltmp2:
0x28: {  	_ = 	snop;
	(pc) =	sbr.rel @p1 .LBB1_5-.Ltmp2, $1  }
0x29: {  	_ =	sdelay $0x3  }
0x2a: {  	s14 =	simm.s32 $0x1  }
0x2b: {  	_ =	swait.ge [sflag:s4], $0x2000;
	s14 =	simm.s32 @!p0 $0x0  }
0x2c: {  	[sflag:s4] =	ssyncset.done $0x0;
	s15 =	sshll.u32 s14, $0xD  }
0x2d: {  	[sflag:s4] =	ssyncadd.s32 $0xFFFFE000;
	s18 =	sor.u32 $0x20, s15  }
0x2e: {  	s14 =	smul.u32 $0x8100, s14;
	v3 =	vld [tilespmem:s18+$0x10]  }
0x2f: {  	s30 =	sand.u32 $0x1, s11;
	v2 =	vld [tilespmem:s18+$0xFFFFFFF0]  }
0x30: {  	s15 =	smul.u32 $0x8100, s30;
	s14 =	sshrl.u32 s14, $0x2;
	v0 =	vld [tilespmem:s18+$0x0]  }
0x31: {  	v1 =	vld [tilespmem:s18+$0xFFFFFFE0];
	s16 =	sor.u32 $0x4000, s14  }
0x32: {  	s31 =	sshrl.u32 s15, $0x2;
	s15 =	sadd.s32 $0x0, s16  }
0x33: {  	s17 =	simm.s32 $0x4;
	s18 =	sadd.s32 $0x40, s18;
	s14 =	sor.u32 $0x4000, s31;
	[tilespmem:s15+$0x1830 ss:$0x81] =	vst.msk $0xffff, v3  }
.LBB1_3:
0x34: {  	v3 =	vld [tilespmem:s18+$0x10];
	p1 =	sne.s32 s17, $0x1FC;
	[tilespmem:s15+$0x810 ss:$0x81] =	vst.msk $0xffff, v2;
	s19 =	smov.u32 s17;
	s17 =	sadd.s32 $0x4, s17  }
.Ltmp3:
0x35: {  	v2 =	vld [tilespmem:s18+$0xFFFFFFF0];
	[tilespmem:s15+$0x1020 ss:$0x81] =	vst.msk $0xffff, v0;
	(pc) =	sbr.rel @p1 .LBB1_3-.Ltmp3, $4  }
0x36: {  	v0 =	vld [tilespmem:s18+$0x0];
	[tilespmem:s15+$0x0 ss:$0x81] =	vst.msk $0xffff, v1  }
0x37: {  	s15 =	sshra.s32 s19, $0x2;
	v1 =	vld [tilespmem:s18+$0xFFFFFFE0]  }
0x38: {  	s15 =	sadd.s32 s15, s16  }
0x39: {  	s18 =	sadd.s32 $0x40, s18;
	[tilespmem:s15+$0x1830 ss:$0x81] =	vst.msk $0xffff, v3  }
.Ltmp4:
0x3a: {  	_ = 	snop;
	(pc) =	sbr.rel .LBB1_4-.Ltmp4, $1  }
0x3b: {  	_ =	sdelay $0x3  }
.LBB1_6:
0x3c: {  	_ =	sfence.sel $0x180000  }
0x3d: {  	s2 =	simm.s32 $0x1;
	[bflag:$0x0] =	sbarrier.arrive $0xFFFF  }
0x3e: {  	s31 =	simm.s32 $0x2;
	[sflag:s2] =	ssyncpa.u1 $0x1  }
0x3f: {  	[sflag:s31] =	ssyncpa.u1 $0x1  }
0x40: {  	p0 =	sne.s32 s0, $0x0;
	_ =	strace $0x9000004A  }
0x41: {  	s0 =	sadd.s32 @!p0 $0x100000, s1;
	[bflag:$0x2] =	sbarrier.arrive $0xFFFF  }
0x42: {  	[sflag:s0] =	ssyncadd.tile.s32 @!p0 $0x1;
	_ =	shalt  }
.Lfunc_end1:
_tile_overlayer_lowered:
.L_overlay_start_2:
0x43: {  	(tag) =	ssettag $0x2  }
0x44: {  	s0 =	rddreg [dreg:$0x0];
	s2 =	stileid.u32  }
0x45: {  	s1 =	rddreg [dreg:$0x1];
	p0 =	sne.s32 s2, $0x0  }
0x46: {  	s3 =	rddreg [dreg:$0x2];
	[bflag:$0x3] =	sbarrier.arrive $0xFFFF;
	s2 =	simm.s32 @!p0 $0x1C01  }
0x47: {  	[timem:s3], [sflag:s2] =	dma.local @!p0 [hbm:s0], s1  }
0x48: {  	s0 =	simm.s32 @!p0 $0x1  }
0x49: {  	_ =	swait.ge @!p0 [sflag:s0], s1  }
0x4a: {  	s1 =	ssub.s32 @!p0 $0x0, s1;
	[sflag:s0] =	ssyncset.done @!p0 $0x0  }
0x4b: {  	[sflag:s0] =	ssyncadd.s32 @!p0 s1  }
0x4c: {  	[bflag:$0x3] =	sbarrier.arrive $0xFFFF  }
0x4d: {  	_ =	shalt  }

</sc_bundles>
